<compile_context>
chip_gen: v7x
topology: tpu7x:2x2x1
jax: 0.10.2.dev20260603
libtpu: 0.0.44.dev20260713+nightly
codegen_flags: <defaults>
</compile_context>

<pallas_src>
import functools

import jax
import jax.numpy as jnp
from jax import lax
from jax.experimental import pallas as pl
from jax.experimental.pallas import tpu as pltpu
from jax.experimental.pallas import tpu_sc as plsc

N = 10000
E = 320000
F_IN = 128
F_OUT = 256
PERIODS = 12
HID = 128
OUT_DIM = 1

NCORES = 2
NTILES = 16
EBLK = 80
BPT = 250
E_PAD = NTILES * BPT * EBLK
FC = 64
NHALF = F_IN // FC
CHUNKS = PERIODS * NHALF
C_PER_CORE = CHUNKS // NCORES
N_PAD = 10240
ROWS = N_PAD // NTILES
ZROWS = 128
DEGW = 16


def _sc_body(src_hbm, dst_hbm, xf_hbm, zeros_hbm, ones_hbm, zcol_hbm,
             agg_out, deg_out,
             sidx, didx, rows_a, rows_b, zbuf, ones, accum, dacc,
             gsem_a, gsem_b):
    c = lax.axis_index("c")
    s = lax.axis_index("s")
    row0 = s * ROWS
    bufs = (rows_a, rows_b)
    gsems = (gsem_a, gsem_b)

    pltpu.sync_copy(zeros_hbm, zbuf)
    pltpu.sync_copy(ones_hbm, ones)
    pltpu.sync_copy(src_hbm.at[s], sidx)
    pltpu.sync_copy(dst_hbm.at[s], didx)
    for z in range(ROWS // ZROWS):
        pltpu.sync_copy(zbuf, accum.at[pl.ds(row0 + z * ZROWS, ZROWS)])

    @pl.when(c == 0)
    def _():
        pltpu.sync_copy(zcol_hbm, dacc.at[pl.ds(row0, ROWS)])

    plsc.subcore_barrier()

    for ci in range(C_PER_CORE):
        q = c * C_PER_CORE + ci
        xq_hbm = xf_hbm.at[pl.ds(q * N, N)]

        pltpu.make_async_copy(xq_hbm.at[sidx.at[0]], bufs[0], gsems[0]).start()

        def pair(k, carry, first=(ci == 0)):
            j0 = 2 * k
            for b in range(2):
                j = j0 + b
                pltpu.make_async_copy(
                    xq_hbm.at[sidx.at[j]], bufs[b], gsems[b]).wait()

                @pl.when(j + 1 < BPT)
                def _():
                    pltpu.make_async_copy(
                        xq_hbm.at[sidx.at[j + 1]],
                        bufs[1 - b], gsems[1 - b]).start()

                pltpu.sync_copy(bufs[b], accum.at[didx.at[j]], add=True)
                if first:
                    @pl.when(c == 0)
                    def _():
                        pltpu.sync_copy(ones, dacc.at[didx.at[j]], add=True)
            return carry

        lax.fori_loop(0, BPT // 2, pair, 0)

        plsc.subcore_barrier()
        pltpu.sync_copy(accum.at[pl.ds(row0, ROWS)],
                        agg_out.at[q, pl.ds(row0, ROWS)])
        if ci == 0:
            @pl.when(c == 0)
            def _():
                pltpu.sync_copy(dacc.at[pl.ds(row0, ROWS)],
                                deg_out.at[pl.ds(row0, ROWS)])
        if ci < C_PER_CORE - 1:
            for z in range(ROWS // ZROWS):
                pltpu.sync_copy(zbuf, accum.at[pl.ds(row0 + z * ZROWS, ZROWS)])
            plsc.subcore_barrier()


@functools.cache
def _get_sc_segsum():
    mesh = plsc.VectorSubcoreMesh(core_axis_name="c", subcore_axis_name="s")
    return pl.kernel(
        _sc_body,
        mesh=mesh,
        out_type=[
            jax.ShapeDtypeStruct((CHUNKS, N_PAD, FC), jnp.float32),
            jax.ShapeDtypeStruct((N_PAD, DEGW), jnp.float32),
        ],
        scratch_types=[
            pltpu.VMEM((BPT, EBLK), jnp.int32),
            pltpu.VMEM((BPT, EBLK), jnp.int32),
            pltpu.VMEM((EBLK, FC), jnp.float32),
            pltpu.VMEM((EBLK, FC), jnp.float32),
            pltpu.VMEM((ZROWS, FC), jnp.float32),
            pltpu.VMEM((EBLK, DEGW), jnp.float32),
            pltpu.VMEM_SHARED((N_PAD, FC), jnp.float32),
            pltpu.VMEM_SHARED((N_PAD, DEGW), jnp.float32),
            pltpu.SemaphoreType.DMA,
            pltpu.SemaphoreType.DMA,
        ],
        compiler_params=pltpu.CompilerParams(use_tc_tiling_on_sc=False),
    )



def _fold_body(wzl, wzr, wzlin, bzl, bzlin, whl, whr, whlin, bhl, bhlin, attn,
               wcat, bcat, probs):
    mz = wzlin[:F_OUT, :]
    mh = whlin[:F_OUT, :]
    az = jnp.dot(wzl[...], mz, preferred_element_type=jnp.float32)
    bz = jnp.dot(wzr[...], mz, preferred_element_type=jnp.float32)
    ah = jnp.dot(whl[...], mh, preferred_element_type=jnp.float32)
    bh = jnp.dot(whr[...], mh, preferred_element_type=jnp.float32)
    wcat[...] = jnp.concatenate(
        [jnp.concatenate([az, ah], axis=1),
         jnp.concatenate([bz, bh], axis=1)], axis=0)
    cz = jnp.dot(bzl[...], mz, preferred_element_type=jnp.float32) + bzlin[...]
    ch = jnp.dot(bhl[...], mh, preferred_element_type=jnp.float32) + bhlin[...]
    bcat[...] = jnp.concatenate([cz, ch], axis=1)
    a = attn[...]
    e = jnp.exp(a - jnp.max(a))
    probs[...] = e / jnp.sum(e)


_fold = pl.pallas_call(
    _fold_body,
    out_shape=[
        jax.ShapeDtypeStruct((2 * F_IN, 2 * F_OUT), jnp.float32),
        jax.ShapeDtypeStruct((1, 2 * F_OUT), jnp.float32),
        jax.ShapeDtypeStruct((1, PERIODS), jnp.float32),
    ],
)


NB = 10
BN = N // NB


def _main_body(agg, xt, deg, wcat, bcat, probs, w1, b1, w2, b2,
               out, hacc):
    t = pl.program_id(1)
    d = jnp.maximum(deg[:, :1], 1.0)
    mean = jnp.concatenate([agg[0, i] for i in range(NHALF)], axis=1) / d
    xcat = jnp.concatenate([xt[0, i] for i in range(NHALF)], axis=1)
    cat = jnp.concatenate([mean, xcat], axis=1)
    u = jnp.dot(cat, wcat[...], preferred_element_type=jnp.float32) + bcat[...]
    z = jax.nn.sigmoid(u[:, :F_OUT])
    ht = jnp.tanh(u[:, F_OUT:])
    contrib = probs[0, t] * (1.0 - z) * ht

    @pl.when(t == 0)
    def _():
        hacc[...] = contrib

    @pl.when(t > 0)
    def _():
        hacc[...] = hacc[...] + contrib

    @pl.when(t == PERIODS - 1)
    def _():
        h = jnp.maximum(hacc[...], 0.0)
        h1 = jnp.maximum(
            jnp.dot(h, w1[...], preferred_element_type=jnp.float32) + b1[...],
            0.0)
        out[...] = jnp.dot(h1, w2[...], preferred_element_type=jnp.float32) \
            + b2[...]


_main = pl.pallas_call(
    _main_body,
    grid=(NB, PERIODS),
    in_specs=[
        pl.BlockSpec((1, NHALF, BN, FC), lambda nb, t: (t, 0, nb, 0)),
        pl.BlockSpec((1, NHALF, BN, FC), lambda nb, t: (t, 0, nb, 0)),
        pl.BlockSpec((BN, DEGW), lambda nb, t: (nb, 0)),
        pl.BlockSpec((2 * F_IN, 2 * F_OUT), lambda nb, t: (0, 0)),
        pl.BlockSpec((1, 2 * F_OUT), lambda nb, t: (0, 0)),
        pl.BlockSpec(memory_space=pltpu.SMEM),
        pl.BlockSpec((F_OUT, HID), lambda nb, t: (0, 0)),
        pl.BlockSpec((1, HID), lambda nb, t: (0, 0)),
        pl.BlockSpec((HID, OUT_DIM), lambda nb, t: (0, 0)),
        pl.BlockSpec((1, OUT_DIM), lambda nb, t: (0, 0)),
    ],
    out_specs=[
        pl.BlockSpec((BN, OUT_DIM), lambda nb, t: (nb, 0)),
        pl.BlockSpec((BN, F_OUT), lambda nb, t: (nb, 0)),
    ],
    out_shape=[
        jax.ShapeDtypeStruct((N, OUT_DIM), jnp.float32),
        jax.ShapeDtypeStruct((N, F_OUT), jnp.float32),
    ],
)


def kernel(x, edge_index, edge_attr, params):
    p = params
    xq = (x.transpose(2, 1, 0)
          .reshape(PERIODS, NHALF, FC, N)
          .transpose(0, 1, 3, 2))
    xf = xq.reshape(CHUNKS * N, FC)
    src3 = edge_index[0].reshape(NTILES, BPT, EBLK)
    dst3 = edge_index[1].reshape(NTILES, BPT, EBLK)
    zeros_in = jnp.zeros((ZROWS, FC), jnp.float32)
    ones_in = jnp.ones((EBLK, DEGW), jnp.float32)
    zcol = jnp.zeros((ROWS, DEGW), jnp.float32)

    agg, deg = _get_sc_segsum()(src3, dst3, xf, zeros_in, ones_in, zcol)
    agg4 = agg.reshape(PERIODS, NHALF, N_PAD, FC)

    wcat, bcat, probs = _fold(
        p['Wz_l'], p['Wz_r'], p['Wz_lin'],
        p['bz_l'].reshape(1, F_OUT), p['bz_lin'].reshape(1, F_OUT),
        p['Wh_l'], p['Wh_r'], p['Wh_lin'],
        p['bh_l'].reshape(1, F_OUT), p['bh_lin'].reshape(1, F_OUT),
        p['attn'].reshape(1, PERIODS))

    out, hacc = _main(agg4, xq, deg, wcat, bcat, probs,
                      p['W1'], p['b1'].reshape(1, HID),
                      p['W2'], p['b2'].reshape(1, OUT_DIM))
    return (out, hacc)

# --- scband reference (transcript-rebuilt; emitter-appended) ---
"""Pipeline reference for scband-graph-sagetemporal-gcn-67242007986537 (READ-ONLY COPY).

The authoritative reference and input builder live on the scoring server;
editing this copy changes nothing except your own understanding.
"""

import jax, jax.numpy as jnp
import numpy as np

N = 10000
E = 320000
F_IN = 128
F_OUT = 256
PERIODS = 12
HID = 128
OUT_DIM = 1


def _glorot(k, shape):
    lim = float(np.sqrt(6.0 / (shape[0] + shape[1])))
    return jax.random.uniform(k, shape, minval=-lim, maxval=lim, dtype=jnp.float32)


def setup_inputs(seed: int = 0):
    key = jax.random.key(seed)
    ks = jax.random.split(key, 30)
    x = jax.random.normal(ks[0], (N, F_IN, PERIODS), dtype=jnp.float32)
    edge_index = jax.random.randint(ks[1], (2, E), 0, N, dtype=jnp.int32)
    edge_attr = jax.random.uniform(ks[2], (E,), dtype=jnp.float32)
    params = {}
    i = 3
    for g in ('z', 'r', 'h'):
        params['W%s_l' % g] = _glorot(ks[i], (F_IN, F_OUT)); i += 1
        params['b%s_l' % g] = jnp.zeros((F_OUT,), jnp.float32)
        params['W%s_r' % g] = _glorot(ks[i], (F_IN, F_OUT)); i += 1
        params['W%s_lin' % g] = _glorot(ks[i], (2 * F_OUT, F_OUT)); i += 1
        params['b%s_lin' % g] = jnp.zeros((F_OUT,), jnp.float32)
    params['attn'] = jax.random.uniform(ks[i], (PERIODS,), dtype=jnp.float32); i += 1
    params['W1'] = _glorot(ks[i], (F_OUT, HID)); i += 1
    params['b1'] = jnp.zeros((HID,), jnp.float32)
    params['W2'] = _glorot(ks[i], (HID, OUT_DIM)); i += 1
    params['b2'] = jnp.zeros((OUT_DIM,), jnp.float32)
    return {"x": x, "edge_index": edge_index, "edge_attr": edge_attr, "params": params}


def _sage(xp, edge_index, Wl, bl, Wr):
    # PyG-style SAGEConv with mean aggregation: lin_l(mean_neigh) + lin_r(x)
    src = edge_index[0]
    dst = edge_index[1]
    msg = jnp.take(xp, src, axis=0)
    agg = jax.ops.segment_sum(msg, dst, num_segments=N)
    deg = jax.ops.segment_sum(jnp.ones((E,), jnp.float32), dst, num_segments=N)
    mean = agg / jnp.clip(deg, 1.0, None)[:, None]
    return mean @ Wl + bl + xp @ Wr


def _tgcn_cell(xp, edge_index, p):
    # TGCN GRU-style cell with graphsage base block; H starts at zeros (H=None)
    H = jnp.zeros((N, F_OUT), jnp.float32)
    Z = jax.nn.sigmoid(jnp.concatenate([_sage(xp, edge_index, p['Wz_l'], p['bz_l'], p['Wz_r']), H], axis=1) @ p['Wz_lin'] + p['bz_lin'])
    R = jax.nn.sigmoid(jnp.concatenate([_sage(xp, edge_index, p['Wr_l'], p['br_l'], p['Wr_r']), H], axis=1) @ p['Wr_lin'] + p['br_lin'])
    Ht = jnp.tanh(jnp.concatenate([_sage(xp, edge_index, p['Wh_l'], p['bh_l'], p['Wh_r']), H * R], axis=1) @ p['Wh_lin'] + p['bh_lin'])
    return Z * H + (1.0 - Z) * Ht


def reference(x, edge_index, edge_attr, params):
    # GraphSAGE temporal attention accumulation (edge_attr is accepted but unused,
    # matching the original forward where edge_weight is never consumed)
    probs = jax.nn.softmax(params['attn'], axis=0)
    H_accum = jnp.zeros((N, F_OUT), jnp.float32)
    for t in range(PERIODS):
        H_accum = H_accum + probs[t] * _tgcn_cell(x[:, :, t], edge_index, params)
    h = jax.nn.relu(H_accum)
    h = jax.nn.relu(h @ params['W1'] + params['b1'])
    out = h @ params['W2'] + params['b2']
    return (out, H_accum)

if __name__ == "__main__":
    import jax
    _d = setup_inputs()
    print(jax.jit(kernel)(*tuple(_d.values())))

</pallas_src>

<mosaic_0001>
#map = affine_map<(d0, d1) -> (0, 0, 0)>
#map1 = affine_map<(d0, d1) -> (0, 0)>
module attributes {stable_mosaic.version = 14 : i64} {
  func.func @_sc_body(%arg0: i32, %arg1: i32, %arg2: memref<16x250x80xi32, #tpu.memory_space<hbm>>, %arg3: memref<16x250x80xi32, #tpu.memory_space<hbm>>, %arg4: memref<240000x64xf32, #tpu.memory_space<hbm>>, %arg5: memref<128x64xf32, #tpu.memory_space<hbm>>, %arg6: memref<80x16xf32, #tpu.memory_space<hbm>>, %arg7: memref<640x16xf32, #tpu.memory_space<hbm>>, %arg8: memref<24x10240x64xf32, #tpu.memory_space<hbm>>, %arg9: memref<10240x16xf32, #tpu.memory_space<hbm>>, %arg10: memref<250x80xi32, #tpu.memory_space<vmem>>, %arg11: memref<250x80xi32, #tpu.memory_space<vmem>>, %arg12: memref<80x64xf32, #tpu.memory_space<vmem>>, %arg13: memref<80x64xf32, #tpu.memory_space<vmem>>, %arg14: memref<128x64xf32, #tpu.memory_space<vmem>>, %arg15: memref<80x16xf32, #tpu.memory_space<vmem>>, %arg16: memref<10240x64xf32, #tpu.memory_space<vmem_shared>>, %arg17: memref<10240x16xf32, #tpu.memory_space<vmem_shared>>, %arg18: memref<!tpu.dma_semaphore, #tpu.memory_space<semaphore_mem>>, %arg19: memref<!tpu.dma_semaphore, #tpu.memory_space<semaphore_mem>>) attributes {dimension_semantics = [#tpu.dimension_semantics<core_parallel>, #tpu.dimension_semantics<subcore_parallel>], iteration_bounds = array<i64: 2, 16>, scalar_prefetch = 0 : i64, scratch_operands = 10 : i64, tpu.core_type = #tpu.core_type<sc_vector_subcore>, window_params = [{transform_indices = #map}, {transform_indices = #map}, {transform_indices = #map1}, {transform_indices = #map1}, {transform_indices = #map1}, {transform_indices = #map1}, {transform_indices = #map}, {transform_indices = #map1}]} {
    %mul3A = arith.constant 640 : i32
    %mul3A_0 = arith.muli %arg1, %mul3A : i32
    "tpu.region"() ({
      %run_scoped3A = tpu.sem_alloc : memref<!tpu.dma_semaphore, #tpu.memory_space<semaphore_mem>>
      tpu.enqueue_dma source(%arg5 : memref<128x64xf32, #tpu.memory_space<hbm>>) target(%arg14 : memref<128x64xf32, #tpu.memory_space<vmem>>) target_semaphore(%run_scoped3A : memref<!tpu.dma_semaphore, #tpu.memory_space<semaphore_mem>>)
      tpu.wait_dma2 semaphore(%run_scoped3A : memref<!tpu.dma_semaphore, #tpu.memory_space<semaphore_mem>>) src(%arg5 : memref<128x64xf32, #tpu.memory_space<hbm>>) dst(%arg14 : memref<128x64xf32, #tpu.memory_space<vmem>>)
      tpu.yield
    }) : () -> ()
    "tpu.region"() ({
      %run_scoped3A = tpu.sem_alloc : memref<!tpu.dma_semaphore, #tpu.memory_space<semaphore_mem>>
      tpu.enqueue_dma source(%arg6 : memref<80x16xf32, #tpu.memory_space<hbm>>) target(%arg15 : memref<80x16xf32, #tpu.memory_space<vmem>>) target_semaphore(%run_scoped3A : memref<!tpu.dma_semaphore, #tpu.memory_space<semaphore_mem>>)
      tpu.wait_dma2 semaphore(%run_scoped3A : memref<!tpu.dma_semaphore, #tpu.memory_space<semaphore_mem>>) src(%arg6 : memref<80x16xf32, #tpu.memory_space<hbm>>) dst(%arg15 : memref<80x16xf32, #tpu.memory_space<vmem>>)
      tpu.yield
    }) : () -> ()
    "tpu.region"() ({
      %run_scoped3A = tpu.sem_alloc : memref<!tpu.dma_semaphore, #tpu.memory_space<semaphore_mem>>
      %dma_start3A_400 = arith.constant 0 : i32
      %dma_start3A_401 = arith.constant 0 : i32
      %dma_start3A_402 = tpu.memref_slice %arg2[%arg1, %dma_start3A_400, %dma_start3A_401] : memref<16x250x80xi32, #tpu.memory_space<hbm>> -> memref<1x250x80xi32, #tpu.memory_space<hbm>>
      %dma_start3A_403 = tpu.memref_squeeze %dma_start3A_402 : memref<1x250x80xi32, #tpu.memory_space<hbm>> -> memref<250x80xi32, #tpu.memory_space<hbm>>
      %dma_start3A_404 = arith.constant 0 : i32
      %dma_start3A_405 = arith.constant 0 : i32
      %dma_start3A_406 = tpu.memref_slice %arg2[%arg1, %dma_start3A_404, %dma_start3A_405] : memref<16x250x80xi32, #tpu.memory_space<hbm>> -> memref<1x250x80xi32, #tpu.memory_space<hbm>>
      %dma_start3A_407 = tpu.memref_squeeze %dma_start3A_406 : memref<1x250x80xi32, #tpu.memory_space<hbm>> -> memref<250x80xi32, #tpu.memory_space<hbm>>
      tpu.enqueue_dma source(%dma_start3A_407 : memref<250x80xi32, #tpu.memory_space<hbm>>) target(%arg10 : memref<250x80xi32, #tpu.memory_space<vmem>>) target_semaphore(%run_scoped3A : memref<!tpu.dma_semaphore, #tpu.memory_space<semaphore_mem>>)
      %dma_wait3A = arith.constant 0 : i32
      %dma_wait3A_408 = arith.constant 0 : i32
      %dma_wait3A_409 = tpu.memref_slice %arg2[%arg1, %dma_wait3A, %dma_wait3A_408] : memref<16x250x80xi32, #tpu.memory_space<hbm>> -> memref<1x250x80xi32, #tpu.memory_space<hbm>>
      %dma_wait3A_410 = tpu.memref_squeeze %dma_wait3A_409 : memref<1x250x80xi32, #tpu.memory_space<hbm>> -> memref<250x80xi32, #tpu.memory_space<hbm>>
      %dma_wait3A_411 = arith.constant 0 : i32
      %dma_wait3A_412 = arith.constant 0 : i32
      %dma_wait3A_413 = tpu.memref_slice %arg2[%arg1, %dma_wait3A_411, %dma_wait3A_412] : memref<16x250x80xi32, #tpu.memory_space<hbm>> -> memref<1x250x80xi32, #tpu.memory_space<hbm>>
      %dma_wait3A_414 = tpu.memref_squeeze %dma_wait3A_413 : memref<1x250x80xi32, #tpu.memory_space<hbm>> -> memref<250x80xi32, #tpu.memory_space<hbm>>
      tpu.wait_dma2 semaphore(%run_scoped3A : memref<!tpu.dma_semaphore, #tpu.memory_space<semaphore_mem>>) src(%dma_wait3A_414 : memref<250x80xi32, #tpu.memory_space<hbm>>) dst(%arg10 : memref<250x80xi32, #tpu.memory_space<vmem>>)
      tpu.yield
    }) : () -> ()
    "tpu.region"() ({
      %run_scoped3A = tpu.sem_alloc : memref<!tpu.dma_semaphore, #tpu.memory_space<semaphore_mem>>
      %dma_start3A_400 = arith.constant 0 : i32
      %dma_start3A_401 = arith.constant 0 : i32
      %dma_start3A_402 = tpu.memref_slice %arg3[%arg1, %dma_start3A_400, %dma_start3A_401] : memref<16x250x80xi32, #tpu.memory_space<hbm>> -> memref<1x250x80xi32, #tpu.memory_space<hbm>>
      %dma_start3A_403 = tpu.memref_squeeze %dma_start3A_402 : memref<1x250x80xi32, #tpu.memory_space<hbm>> -> memref<250x80xi32, #tpu.memory_space<hbm>>
      %dma_start3A_404 = arith.constant 0 : i32
      %dma_start3A_405 = arith.constant 0 : i32
      %dma_start3A_406 = tpu.memref_slice %arg3[%arg1, %dma_start3A_404, %dma_start3A_405] : memref<16x250x80xi32, #tpu.memory_space<hbm>> -> memref<1x250x80xi32, #tpu.memory_space<hbm>>
      %dma_start3A_407 = tpu.memref_squeeze %dma_start3A_406 : memref<1x250x80xi32, #tpu.memory_space<hbm>> -> memref<250x80xi32, #tpu.memory_space<hbm>>
      tpu.enqueue_dma source(%dma_start3A_407 : memref<250x80xi32, #tpu.memory_space<hbm>>) target(%arg11 : memref<250x80xi32, #tpu.memory_space<vmem>>) target_semaphore(%run_scoped3A : memref<!tpu.dma_semaphore, #tpu.memory_space<semaphore_mem>>)
      %dma_wait3A = arith.constant 0 : i32
      %dma_wait3A_408 = arith.constant 0 : i32
      %dma_wait3A_409 = tpu.memref_slice %arg3[%arg1, %dma_wait3A, %dma_wait3A_408] : memref<16x250x80xi32, #tpu.memory_space<hbm>> -> memref<1x250x80xi32, #tpu.memory_space<hbm>>
      %dma_wait3A_410 = tpu.memref_squeeze %dma_wait3A_409 : memref<1x250x80xi32, #tpu.memory_space<hbm>> -> memref<250x80xi32, #tpu.memory_space<hbm>>
      %dma_wait3A_411 = arith.constant 0 : i32
      %dma_wait3A_412 = arith.constant 0 : i32
      %dma_wait3A_413 = tpu.memref_slice %arg3[%arg1, %dma_wait3A_411, %dma_wait3A_412] : memref<16x250x80xi32, #tpu.memory_space<hbm>> -> memref<1x250x80xi32, #tpu.memory_space<hbm>>
      %dma_wait3A_414 = tpu.memref_squeeze %dma_wait3A_413 : memref<1x250x80xi32, #tpu.memory_space<hbm>> -> memref<250x80xi32, #tpu.memory_space<hbm>>
      tpu.wait_dma2 semaphore(%run_scoped3A : memref<!tpu.dma_semaphore, #tpu.memory_space<semaphore_mem>>) src(%dma_wait3A_414 : memref<250x80xi32, #tpu.memory_space<hbm>>) dst(%arg11 : memref<250x80xi32, #tpu.memory_space<vmem>>)
      tpu.yield
    }) : () -> ()
    %add3A = arith.constant 0 : i32
    %add3A_1 = arith.addi %mul3A_0, %add3A : i32
    "tpu.region"() ({
      %run_scoped3A = tpu.sem_alloc : memref<!tpu.dma_semaphore, #tpu.memory_space<semaphore_mem>>
      %dma_start3A_400 = arith.constant 0 : i32
      %dma_start3A_401 = tpu.memref_slice %arg16[%add3A_1, %dma_start3A_400] : memref<10240x64xf32, #tpu.memory_space<vmem_shared>> -> memref<128x64xf32, #tpu.memory_space<vmem_shared>>
      %dma_start3A_402 = arith.constant 0 : i32
      %dma_start3A_403 = tpu.memref_slice %arg16[%add3A_1, %dma_start3A_402] : memref<10240x64xf32, #tpu.memory_space<vmem_shared>> -> memref<128x64xf32, #tpu.memory_space<vmem_shared>>
      tpu.enqueue_dma source(%arg14 : memref<128x64xf32, #tpu.memory_space<vmem>>) target(%dma_start3A_403 : memref<128x64xf32, #tpu.memory_space<vmem_shared>>) target_semaphore(%run_scoped3A : memref<!tpu.dma_semaphore, #tpu.memory_space<semaphore_mem>>)
      %dma_wait3A = arith.constant 0 : i32
      %dma_wait3A_404 = tpu.memref_slice %arg16[%add3A_1, %dma_wait3A] : memref<10240x64xf32, #tpu.memory_space<vmem_shared>> -> memref<128x64xf32, #tpu.memory_space<vmem_shared>>
      %dma_wait3A_405 = arith.constant 0 : i32
      %dma_wait3A_406 = tpu.memref_slice %arg16[%add3A_1, %dma_wait3A_405] : memref<10240x64xf32, #tpu.memory_space<vmem_shared>> -> memref<128x64xf32, #tpu.memory_space<vmem_shared>>
      tpu.wait_dma2 semaphore(%run_scoped3A : memref<!tpu.dma_semaphore, #tpu.memory_space<semaphore_mem>>) src(%arg14 : memref<128x64xf32, #tpu.memory_space<vmem>>) dst(%dma_wait3A_406 : memref<128x64xf32, #tpu.memory_space<vmem_shared>>)
      tpu.yield
    }) : () -> ()
    %add3A_2 = arith.constant 128 : i32
    %add3A_3 = arith.addi %mul3A_0, %add3A_2 : i32
    "tpu.region"() ({
      %run_scoped3A = tpu.sem_alloc : memref<!tpu.dma_semaphore, #tpu.memory_space<semaphore_mem>>
      %dma_start3A_400 = arith.constant 0 : i32
      %dma_start3A_401 = tpu.memref_slice %arg16[%add3A_3, %dma_start3A_400] : memref<10240x64xf32, #tpu.memory_space<vmem_shared>> -> memref<128x64xf32, #tpu.memory_space<vmem_shared>>
      %dma_start3A_402 = arith.constant 0 : i32
      %dma_start3A_403 = tpu.memref_slice %arg16[%add3A_3, %dma_start3A_402] : memref<10240x64xf32, #tpu.memory_space<vmem_shared>> -> memref<128x64xf32, #tpu.memory_space<vmem_shared>>
      tpu.enqueue_dma source(%arg14 : memref<128x64xf32, #tpu.memory_space<vmem>>) target(%dma_start3A_403 : memref<128x64xf32, #tpu.memory_space<vmem_shared>>) target_semaphore(%run_scoped3A : memref<!tpu.dma_semaphore, #tpu.memory_space<semaphore_mem>>)
      %dma_wait3A = arith.constant 0 : i32
      %dma_wait3A_404 = tpu.memref_slice %arg16[%add3A_3, %dma_wait3A] : memref<10240x64xf32, #tpu.memory_space<vmem_shared>> -> memref<128x64xf32, #tpu.memory_space<vmem_shared>>
      %dma_wait3A_405 = arith.constant 0 : i32
      %dma_wait3A_406 = tpu.memref_slice %arg16[%add3A_3, %dma_wait3A_405] : memref<10240x64xf32, #tpu.memory_space<vmem_shared>> -> memref<128x64xf32, #tpu.memory_space<vmem_shared>>
      tpu.wait_dma2 semaphore(%run_scoped3A : memref<!tpu.dma_semaphore, #tpu.memory_space<semaphore_mem>>) src(%arg14 : memref<128x64xf32, #tpu.memory_space<vmem>>) dst(%dma_wait3A_406 : memref<128x64xf32, #tpu.memory_space<vmem_shared>>)
      tpu.yield
    }) : () -> ()
    %add3A_4 = arith.constant 256 : i32
    %add3A_5 = arith.addi %mul3A_0, %add3A_4 : i32
    "tpu.region"() ({
      %run_scoped3A = tpu.sem_alloc : memref<!tpu.dma_semaphore, #tpu.memory_space<semaphore_mem>>
      %dma_start3A_400 = arith.constant 0 : i32
      %dma_start3A_401 = tpu.memref_slice %arg16[%add3A_5, %dma_start3A_400] : memref<10240x64xf32, #tpu.memory_space<vmem_shared>> -> memref<128x64xf32, #tpu.memory_space<vmem_shared>>
      %dma_start3A_402 = arith.constant 0 : i32
      %dma_start3A_403 = tpu.memref_slice %arg16[%add3A_5, %dma_start3A_402] : memref<10240x64xf32, #tpu.memory_space<vmem_shared>> -> memref<128x64xf32, #tpu.memory_space<vmem_shared>>
      tpu.enqueue_dma source(%arg14 : memref<128x64xf32, #tpu.memory_space<vmem>>) target(%dma_start3A_403 : memref<128x64xf32, #tpu.memory_space<vmem_shared>>) target_semaphore(%run_scoped3A : memref<!tpu.dma_semaphore, #tpu.memory_space<semaphore_mem>>)
      %dma_wait3A = arith.constant 0 : i32
      %dma_wait3A_404 = tpu.memref_slice %arg16[%add3A_5, %dma_wait3A] : memref<10240x64xf32, #tpu.memory_space<vmem_shared>> -> memref<128x64xf32, #tpu.memory_space<vmem_shared>>
      %dma_wait3A_405 = arith.constant 0 : i32
      %dma_wait3A_406 = tpu.memref_slice %arg16[%add3A_5, %dma_wait3A_405] : memref<10240x64xf32, #tpu.memory_space<vmem_shared>> -> memref<128x64xf32, #tpu.memory_space<vmem_shared>>
      tpu.wait_dma2 semaphore(%run_scoped3A : memref<!tpu.dma_semaphore, #tpu.memory_space<semaphore_mem>>) src(%arg14 : memref<128x64xf32, #tpu.memory_space<vmem>>) dst(%dma_wait3A_406 : memref<128x64xf32, #tpu.memory_space<vmem_shared>>)
      tpu.yield
    }) : () -> ()
    %add3A_6 = arith.constant 384 : i32
    %add3A_7 = arith.addi %mul3A_0, %add3A_6 : i32
    "tpu.region"() ({
      %run_scoped3A = tpu.sem_alloc : memref<!tpu.dma_semaphore, #tpu.memory_space<semaphore_mem>>
      %dma_start3A_400 = arith.constant 0 : i32
      %dma_start3A_401 = tpu.memref_slice %arg16[%add3A_7, %dma_start3A_400] : memref<10240x64xf32, #tpu.memory_space<vmem_shared>> -> memref<128x64xf32, #tpu.memory_space<vmem_shared>>
      %dma_start3A_402 = arith.constant 0 : i32
      %dma_start3A_403 = tpu.memref_slice %arg16[%add3A_7, %dma_start3A_402] : memref<10240x64xf32, #tpu.memory_space<vmem_shared>> -> memref<128x64xf32, #tpu.memory_space<vmem_shared>>
      tpu.enqueue_dma source(%arg14 : memref<128x64xf32, #tpu.memory_space<vmem>>) target(%dma_start3A_403 : memref<128x64xf32, #tpu.memory_space<vmem_shared>>) target_semaphore(%run_scoped3A : memref<!tpu.dma_semaphore, #tpu.memory_space<semaphore_mem>>)
      %dma_wait3A = arith.constant 0 : i32
      %dma_wait3A_404 = tpu.memref_slice %arg16[%add3A_7, %dma_wait3A] : memref<10240x64xf32, #tpu.memory_space<vmem_shared>> -> memref<128x64xf32, #tpu.memory_space<vmem_shared>>
      %dma_wait3A_405 = arith.constant 0 : i32
      %dma_wait3A_406 = tpu.memref_slice %arg16[%add3A_7, %dma_wait3A_405] : memref<10240x64xf32, #tpu.memory_space<vmem_shared>> -> memref<128x64xf32, #tpu.memory_space<vmem_shared>>
      tpu.wait_dma2 semaphore(%run_scoped3A : memref<!tpu.dma_semaphore, #tpu.memory_space<semaphore_mem>>) src(%arg14 : memref<128x64xf32, #tpu.memory_space<vmem>>) dst(%dma_wait3A_406 : memref<128x64xf32, #tpu.memory_space<vmem_shared>>)
      tpu.yield
    }) : () -> ()
    %add3A_8 = arith.constant 512 : i32
    %add3A_9 = arith.addi %mul3A_0, %add3A_8 : i32
    "tpu.region"() ({
      %run_scoped3A = tpu.sem_alloc : memref<!tpu.dma_semaphore, #tpu.memory_space<semaphore_mem>>
      %dma_start3A_400 = arith.constant 0 : i32
      %dma_start3A_401 = tpu.memref_slice %arg16[%add3A_9, %dma_start3A_400] : memref<10240x64xf32, #tpu.memory_space<vmem_shared>> -> memref<128x64xf32, #tpu.memory_space<vmem_shared>>
      %dma_start3A_402 = arith.constant 0 : i32
      %dma_start3A_403 = tpu.memref_slice %arg16[%add3A_9, %dma_start3A_402] : memref<10240x64xf32, #tpu.memory_space<vmem_shared>> -> memref<128x64xf32, #tpu.memory_space<vmem_shared>>
      tpu.enqueue_dma source(%arg14 : memref<128x64xf32, #tpu.memory_space<vmem>>) target(%dma_start3A_403 : memref<128x64xf32, #tpu.memory_space<vmem_shared>>) target_semaphore(%run_scoped3A : memref<!tpu.dma_semaphore, #tpu.memory_space<semaphore_mem>>)
      %dma_wait3A = arith.constant 0 : i32
      %dma_wait3A_404 = tpu.memref_slice %arg16[%add3A_9, %dma_wait3A] : memref<10240x64xf32, #tpu.memory_space<vmem_shared>> -> memref<128x64xf32, #tpu.memory_space<vmem_shared>>
      %dma_wait3A_405 = arith.constant 0 : i32
      %dma_wait3A_406 = tpu.memref_slice %arg16[%add3A_9, %dma_wait3A_405] : memref<10240x64xf32, #tpu.memory_space<vmem_shared>> -> memref<128x64xf32, #tpu.memory_space<vmem_shared>>
      tpu.wait_dma2 semaphore(%run_scoped3A : memref<!tpu.dma_semaphore, #tpu.memory_space<semaphore_mem>>) src(%arg14 : memref<128x64xf32, #tpu.memory_space<vmem>>) dst(%dma_wait3A_406 : memref<128x64xf32, #tpu.memory_space<vmem_shared>>)
      tpu.yield
    }) : () -> ()
    %eq3A = arith.constant 0 : i32
    %eq3A_10 = arith.cmpi eq, %arg0, %eq3A : i32
    %convert_element_type3A = arith.extui %eq3A_10 : i1 to i32
    %cond3A = arith.constant 0 : i32
    %cond3A_11 = arith.cmpi ne, %convert_element_type3A, %cond3A : i32
    scf.if %cond3A_11 {
      "tpu.region"() ({
        %run_scoped3A = tpu.sem_alloc : memref<!tpu.dma_semaphore, #tpu.memory_space<semaphore_mem>>
        %dma_start3A_400 = arith.constant 0 : i32
        %dma_start3A_401 = tpu.memref_slice %arg17[%mul3A_0, %dma_start3A_400] : memref<10240x16xf32, #tpu.memory_space<vmem_shared>> -> memref<640x16xf32, #tpu.memory_space<vmem_shared>>
        tpu.enqueue_dma source(%arg7 : memref<640x16xf32, #tpu.memory_space<hbm>>) target(%dma_start3A_401 : memref<640x16xf32, #tpu.memory_space<vmem_shared>>) target_semaphore(%run_scoped3A : memref<!tpu.dma_semaphore, #tpu.memory_space<semaphore_mem>>)
        %dma_wait3A = arith.constant 0 : i32
        %dma_wait3A_402 = tpu.memref_slice %arg17[%mul3A_0, %dma_wait3A] : memref<10240x16xf32, #tpu.memory_space<vmem_shared>> -> memref<640x16xf32, #tpu.memory_space<vmem_shared>>
        tpu.wait_dma2 semaphore(%run_scoped3A : memref<!tpu.dma_semaphore, #tpu.memory_space<semaphore_mem>>) src(%arg7 : memref<640x16xf32, #tpu.memory_space<hbm>>) dst(%dma_wait3A_402 : memref<640x16xf32, #tpu.memory_space<vmem_shared>>)
        tpu.yield
      }) : () -> ()
    } else {
    }
    %barrier3A = arith.constant 0 : index
    tpu.barrier barrier_id(%barrier3A)
    %mul3A_12 = arith.constant 12 : i32
    %mul3A_13 = arith.muli %arg0, %mul3A_12 : i32
    %add3A_14 = arith.constant 0 : i32
    %add3A_15 = arith.addi %mul3A_13, %add3A_14 : i32
    %mul3A_16 = arith.constant 10000 : i32
    %mul3A_17 = arith.muli %add3A_15, %mul3A_16 : i32
    %dma_start3A = arith.constant 0 : i32
    %dma_start3A_18 = arith.constant 0 : i32
    %dma_start3A_19 = tpu.memref_slice %arg10[%dma_start3A, %dma_start3A_18] : memref<250x80xi32, #tpu.memory_space<vmem>> -> memref<1x80xi32, #tpu.memory_space<vmem>>
    %dma_start3A_20 = tpu.memref_squeeze %dma_start3A_19 : memref<1x80xi32, #tpu.memory_space<vmem>> -> memref<80xi32, #tpu.memory_space<vmem>>
    %dma_start3A_21 = arith.constant 0 : i32
    %dma_start3A_22 = tpu.memref_slice %arg4[%mul3A_17, %dma_start3A_21] : memref<240000x64xf32, #tpu.memory_space<hbm>> -> memref<10000x64xf32, #tpu.memory_space<hbm>>
    %dma_start3A_23 = arith.constant 0 : i32
    %dma_start3A_24 = arith.constant 0 : i32
    %dma_start3A_25 = tpu.memref_slice %dma_start3A_22[%dma_start3A_23, %dma_start3A_24] : memref<10000x64xf32, #tpu.memory_space<hbm>> -> memref<10000x64xf32, #tpu.memory_space<hbm>>
    tpu.enqueue_indirect_dma source(%dma_start3A_25 : memref<10000x64xf32, #tpu.memory_space<hbm>>) target(%arg12 : memref<80x64xf32, #tpu.memory_space<vmem>>) offsets(%dma_start3A_20 : memref<80xi32, #tpu.memory_space<vmem>>) semaphore(%arg18 : memref<!tpu.dma_semaphore, #tpu.memory_space<semaphore_mem>>)
    %scan3A = arith.constant 0 : i32
    %scan3A_26 = arith.constant 0 : i32
    %scan3A_27 = arith.constant 125 : i32
    %scan3A_28 = arith.addi %scan3A_26, %scan3A_27 : i32
    %scan3A_29 = arith.constant 1 : i32
    scf.for %scan3A_400 = %scan3A_26 to %scan3A_28 step %scan3A_29  : i32 {
      %mul3A_401 = arith.constant 2 : i32
      %mul3A_402 = arith.muli %mul3A_401, %scan3A_400 : i32
      %add3A_403 = arith.constant 0 : i32
      %add3A_404 = arith.addi %mul3A_402, %add3A_403 : i32
      %dma_wait3A = arith.constant 0 : i32
      %dma_wait3A_405 = tpu.memref_slice %arg10[%add3A_404, %dma_wait3A] : memref<250x80xi32, #tpu.memory_space<vmem>> -> memref<1x80xi32, #tpu.memory_space<vmem>>
      %dma_wait3A_406 = tpu.memref_squeeze %dma_wait3A_405 : memref<1x80xi32, #tpu.memory_space<vmem>> -> memref<80xi32, #tpu.memory_space<vmem>>
      %dma_wait3A_407 = arith.constant 0 : i32
      %dma_wait3A_408 = tpu.memref_slice %arg4[%mul3A_17, %dma_wait3A_407] : memref<240000x64xf32, #tpu.memory_space<hbm>> -> memref<10000x64xf32, #tpu.memory_space<hbm>>
      %dma_wait3A_409 = arith.constant 0 : i32
      %dma_wait3A_410 = arith.constant 0 : i32
      %dma_wait3A_411 = tpu.memref_slice %dma_wait3A_408[%dma_wait3A_409, %dma_wait3A_410] : memref<10000x64xf32, #tpu.memory_space<hbm>> -> memref<10000x64xf32, #tpu.memory_space<hbm>>
      tpu.wait_indirect_dma semaphore(%arg18 : memref<!tpu.dma_semaphore, #tpu.memory_space<semaphore_mem>>) src(%dma_wait3A_411 : memref<10000x64xf32, #tpu.memory_space<hbm>>) dst(%arg12 : memref<80x64xf32, #tpu.memory_space<vmem>>)
      %add3A_412 = arith.constant 1 : i32
      %add3A_413 = arith.addi %add3A_404, %add3A_412 : i32
      %lt3A = arith.constant 250 : i32
      %lt3A_414 = arith.cmpi slt, %add3A_413, %lt3A : i32
      %convert_element_type3A_415 = arith.extui %lt3A_414 : i1 to i32
      %cond3A_416 = arith.constant 0 : i32
      %cond3A_417 = arith.cmpi ne, %convert_element_type3A_415, %cond3A_416 : i32
      scf.if %cond3A_417 {
        %add3A_445 = arith.constant 1 : i32
        %add3A_446 = arith.addi %add3A_404, %add3A_445 : i32
        %dma_start3A_447 = arith.constant 0 : i32
        %dma_start3A_448 = tpu.memref_slice %arg10[%add3A_446, %dma_start3A_447] : memref<250x80xi32, #tpu.memory_space<vmem>> -> memref<1x80xi32, #tpu.memory_space<vmem>>
        %dma_start3A_449 = tpu.memref_squeeze %dma_start3A_448 : memref<1x80xi32, #tpu.memory_space<vmem>> -> memref<80xi32, #tpu.memory_space<vmem>>
        %dma_start3A_450 = arith.constant 0 : i32
        %dma_start3A_451 = tpu.memref_slice %arg4[%mul3A_17, %dma_start3A_450] : memref<240000x64xf32, #tpu.memory_space<hbm>> -> memref<10000x64xf32, #tpu.memory_space<hbm>>
        %dma_start3A_452 = arith.constant 0 : i32
        %dma_start3A_453 = arith.constant 0 : i32
        %dma_start3A_454 = tpu.memref_slice %dma_start3A_451[%dma_start3A_452, %dma_start3A_453] : memref<10000x64xf32, #tpu.memory_space<hbm>> -> memref<10000x64xf32, #tpu.memory_space<hbm>>
        tpu.enqueue_indirect_dma source(%dma_start3A_454 : memref<10000x64xf32, #tpu.memory_space<hbm>>) target(%arg13 : memref<80x64xf32, #tpu.memory_space<vmem>>) offsets(%dma_start3A_449 : memref<80xi32, #tpu.memory_space<vmem>>) semaphore(%arg19 : memref<!tpu.dma_semaphore, #tpu.memory_space<semaphore_mem>>)
      } else {
      }
      "tpu.region"() ({
        %run_scoped3A = tpu.sem_alloc : memref<!tpu.dma_semaphore, #tpu.memory_space<semaphore_mem>>
        %dma_start3A_445 = arith.constant 0 : i32
        %dma_start3A_446 = tpu.memref_slice %arg11[%add3A_404, %dma_start3A_445] : memref<250x80xi32, #tpu.memory_space<vmem>> -> memref<1x80xi32, #tpu.memory_space<vmem>>
        %dma_start3A_447 = tpu.memref_squeeze %dma_start3A_446 : memref<1x80xi32, #tpu.memory_space<vmem>> -> memref<80xi32, #tpu.memory_space<vmem>>
        %dma_start3A_448 = arith.constant 0 : i32
        %dma_start3A_449 = arith.constant 0 : i32
        %dma_start3A_450 = tpu.memref_slice %arg16[%dma_start3A_448, %dma_start3A_449] : memref<10240x64xf32, #tpu.memory_space<vmem_shared>> -> memref<10240x64xf32, #tpu.memory_space<vmem_shared>>
        tpu.enqueue_indirect_dma source(%arg12 : memref<80x64xf32, #tpu.memory_space<vmem>>) target(%dma_start3A_450 : memref<10240x64xf32, #tpu.memory_space<vmem_shared>>) offsets(%dma_start3A_447 : memref<80xi32, #tpu.memory_space<vmem>>) semaphore(%run_scoped3A : memref<!tpu.dma_semaphore, #tpu.memory_space<semaphore_mem>>) {add = true}
        %dma_wait3A_451 = arith.constant 0 : i32
        %dma_wait3A_452 = tpu.memref_slice %arg11[%add3A_404, %dma_wait3A_451] : memref<250x80xi32, #tpu.memory_space<vmem>> -> memref<1x80xi32, #tpu.memory_space<vmem>>
        %dma_wait3A_453 = tpu.memref_squeeze %dma_wait3A_452 : memref<1x80xi32, #tpu.memory_space<vmem>> -> memref<80xi32, #tpu.memory_space<vmem>>
        %dma_wait3A_454 = arith.constant 0 : i32
        %dma_wait3A_455 = arith.constant 0 : i32
        %dma_wait3A_456 = tpu.memref_slice %arg16[%dma_wait3A_454, %dma_wait3A_455] : memref<10240x64xf32, #tpu.memory_space<vmem_shared>> -> memref<10240x64xf32, #tpu.memory_space<vmem_shared>>
        tpu.wait_indirect_dma semaphore(%run_scoped3A : memref<!tpu.dma_semaphore, #tpu.memory_space<semaphore_mem>>) src(%arg12 : memref<80x64xf32, #tpu.memory_space<vmem>>) dst(%dma_wait3A_456 : memref<10240x64xf32, #tpu.memory_space<vmem_shared>>)
        tpu.yield
      }) : () -> ()
      %eq3A_418 = arith.constant 0 : i32
      %eq3A_419 = arith.cmpi eq, %arg0, %eq3A_418 : i32
      %convert_element_type3A_420 = arith.extui %eq3A_419 : i1 to i32
      %cond3A_421 = arith.constant 0 : i32
      %cond3A_422 = arith.cmpi ne, %convert_element_type3A_420, %cond3A_421 : i32
      scf.if %cond3A_422 {
        "tpu.region"() ({
          %run_scoped3A = tpu.sem_alloc : memref<!tpu.dma_semaphore, #tpu.memory_space<semaphore_mem>>
          %dma_start3A_445 = arith.constant 0 : i32
          %dma_start3A_446 = tpu.memref_slice %arg11[%add3A_404, %dma_start3A_445] : memref<250x80xi32, #tpu.memory_space<vmem>> -> memref<1x80xi32, #tpu.memory_space<vmem>>
          %dma_start3A_447 = tpu.memref_squeeze %dma_start3A_446 : memref<1x80xi32, #tpu.memory_space<vmem>> -> memref<80xi32, #tpu.memory_space<vmem>>
          %dma_start3A_448 = arith.constant 0 : i32
          %dma_start3A_449 = arith.constant 0 : i32
          %dma_start3A_450 = tpu.memref_slice %arg17[%dma_start3A_448, %dma_start3A_449] : memref<10240x16xf32, #tpu.memory_space<vmem_shared>> -> memref<10240x16xf32, #tpu.memory_space<vmem_shared>>
          tpu.enqueue_indirect_dma source(%arg15 : memref<80x16xf32, #tpu.memory_space<vmem>>) target(%dma_start3A_450 : memref<10240x16xf32, #tpu.memory_space<vmem_shared>>) offsets(%dma_start3A_447 : memref<80xi32, #tpu.memory_space<vmem>>) semaphore(%run_scoped3A : memref<!tpu.dma_semaphore, #tpu.memory_space<semaphore_mem>>) {add = true}
          %dma_wait3A_451 = arith.constant 0 : i32
          %dma_wait3A_452 = tpu.memref_slice %arg11[%add3A_404, %dma_wait3A_451] : memref<250x80xi32, #tpu.memory_space<vmem>> -> memref<1x80xi32, #tpu.memory_space<vmem>>
          %dma_wait3A_453 = tpu.memref_squeeze %dma_wait3A_452 : memref<1x80xi32, #tpu.memory_space<vmem>> -> memref<80xi32, #tpu.memory_space<vmem>>
          %dma_wait3A_454 = arith.constant 0 : i32
          %dma_wait3A_455 = arith.constant 0 : i32
          %dma_wait3A_456 = tpu.memref_slice %arg17[%dma_wait3A_454, %dma_wait3A_455] : memref<10240x16xf32, #tpu.memory_space<vmem_shared>> -> memref<10240x16xf32, #tpu.memory_space<vmem_shared>>
          tpu.wait_indirect_dma semaphore(%run_scoped3A : memref<!tpu.dma_semaphore, #tpu.memory_space<semaphore_mem>>) src(%arg15 : memref<80x16xf32, #tpu.memory_space<vmem>>) dst(%dma_wait3A_456 : memref<10240x16xf32, #tpu.memory_space<vmem_shared>>)
          tpu.yield
        }) : () -> ()
      } else {
      }
      %add3A_423 = arith.constant 1 : i32
      %add3A_424 = arith.addi %mul3A_402, %add3A_423 : i32
      %dma_wait3A_425 = arith.constant 0 : i32
      %dma_wait3A_426 = tpu.memref_slice %arg10[%add3A_424, %dma_wait3A_425] : memref<250x80xi32, #tpu.memory_space<vmem>> -> memref<1x80xi32, #tpu.memory_space<vmem>>
      %dma_wait3A_427 = tpu.memref_squeeze %dma_wait3A_426 : memref<1x80xi32, #tpu.memory_space<vmem>> -> memref<80xi32, #tpu.memory_space<vmem>>
      %dma_wait3A_428 = arith.constant 0 : i32
      %dma_wait3A_429 = tpu.memref_slice %arg4[%mul3A_17, %dma_wait3A_428] : memref<240000x64xf32, #tpu.memory_space<hbm>> -> memref<10000x64xf32, #tpu.memory_space<hbm>>
      %dma_wait3A_430 = arith.constant 0 : i32
      %dma_wait3A_431 = arith.constant 0 : i32
      %dma_wait3A_432 = tpu.memref_slice %dma_wait3A_429[%dma_wait3A_430, %dma_wait3A_431] : memref<10000x64xf32, #tpu.memory_space<hbm>> -> memref<10000x64xf32, #tpu.memory_space<hbm>>
      tpu.wait_indirect_dma semaphore(%arg19 : memref<!tpu.dma_semaphore, #tpu.memory_space<semaphore_mem>>) src(%dma_wait3A_432 : memref<10000x64xf32, #tpu.memory_space<hbm>>) dst(%arg13 : memref<80x64xf32, #tpu.memory_space<vmem>>)
      %add3A_433 = arith.constant 1 : i32
      %add3A_434 = arith.addi %add3A_424, %add3A_433 : i32
      %lt3A_435 = arith.constant 250 : i32
      %lt3A_436 = arith.cmpi slt, %add3A_434, %lt3A_435 : i32
      %convert_element_type3A_437 = arith.extui %lt3A_436 : i1 to i32
      %cond3A_438 = arith.constant 0 : i32
      %cond3A_439 = arith.cmpi ne, %convert_element_type3A_437, %cond3A_438 : i32
      scf.if %cond3A_439 {
        %add3A_445 = arith.constant 1 : i32
        %add3A_446 = arith.addi %add3A_424, %add3A_445 : i32
        %dma_start3A_447 = arith.constant 0 : i32
        %dma_start3A_448 = tpu.memref_slice %arg10[%add3A_446, %dma_start3A_447] : memref<250x80xi32, #tpu.memory_space<vmem>> -> memref<1x80xi32, #tpu.memory_space<vmem>>
        %dma_start3A_449 = tpu.memref_squeeze %dma_start3A_448 : memref<1x80xi32, #tpu.memory_space<vmem>> -> memref<80xi32, #tpu.memory_space<vmem>>
        %dma_start3A_450 = arith.constant 0 : i32
        %dma_start3A_451 = tpu.memref_slice %arg4[%mul3A_17, %dma_start3A_450] : memref<240000x64xf32, #tpu.memory_space<hbm>> -> memref<10000x64xf32, #tpu.memory_space<hbm>>
        %dma_start3A_452 = arith.constant 0 : i32
        %dma_start3A_453 = arith.constant 0 : i32
        %dma_start3A_454 = tpu.memref_slice %dma_start3A_451[%dma_start3A_452, %dma_start3A_453] : memref<10000x64xf32, #tpu.memory_space<hbm>> -> memref<10000x64xf32, #tpu.memory_space<hbm>>
        tpu.enqueue_indirect_dma source(%dma_start3A_454 : memref<10000x64xf32, #tpu.memory_space<hbm>>) target(%arg12 : memref<80x64xf32, #tpu.memory_space<vmem>>) offsets(%dma_start3A_449 : memref<80xi32, #tpu.memory_space<vmem>>) semaphore(%arg18 : memref<!tpu.dma_semaphore, #tpu.memory_space<semaphore_mem>>)
      } else {
      }
      "tpu.region"() ({
        %run_scoped3A = tpu.sem_alloc : memref<!tpu.dma_semaphore, #tpu.memory_space<semaphore_mem>>
        %dma_start3A_445 = arith.constant 0 : i32
        %dma_start3A_446 = tpu.memref_slice %arg11[%add3A_424, %dma_start3A_445] : memref<250x80xi32, #tpu.memory_space<vmem>> -> memref<1x80xi32, #tpu.memory_space<vmem>>
        %dma_start3A_447 = tpu.memref_squeeze %dma_start3A_446 : memref<1x80xi32, #tpu.memory_space<vmem>> -> memref<80xi32, #tpu.memory_space<vmem>>
        %dma_start3A_448 = arith.constant 0 : i32
        %dma_start3A_449 = arith.constant 0 : i32
        %dma_start3A_450 = tpu.memref_slice %arg16[%dma_start3A_448, %dma_start3A_449] : memref<10240x64xf32, #tpu.memory_space<vmem_shared>> -> memref<10240x64xf32, #tpu.memory_space<vmem_shared>>
        tpu.enqueue_indirect_dma source(%arg13 : memref<80x64xf32, #tpu.memory_space<vmem>>) target(%dma_start3A_450 : memref<10240x64xf32, #tpu.memory_space<vmem_shared>>) offsets(%dma_start3A_447 : memref<80xi32, #tpu.memory_space<vmem>>) semaphore(%run_scoped3A : memref<!tpu.dma_semaphore, #tpu.memory_space<semaphore_mem>>) {add = true}
        %dma_wait3A_451 = arith.constant 0 : i32
        %dma_wait3A_452 = tpu.memref_slice %arg11[%add3A_424, %dma_wait3A_451] : memref<250x80xi32, #tpu.memory_space<vmem>> -> memref<1x80xi32, #tpu.memory_space<vmem>>
        %dma_wait3A_453 = tpu.memref_squeeze %dma_wait3A_452 : memref<1x80xi32, #tpu.memory_space<vmem>> -> memref<80xi32, #tpu.memory_space<vmem>>
        %dma_wait3A_454 = arith.constant 0 : i32
        %dma_wait3A_455 = arith.constant 0 : i32
        %dma_wait3A_456 = tpu.memref_slice %arg16[%dma_wait3A_454, %dma_wait3A_455] : memref<10240x64xf32, #tpu.memory_space<vmem_shared>> -> memref<10240x64xf32, #tpu.memory_space<vmem_shared>>
        tpu.wait_indirect_dma semaphore(%run_scoped3A : memref<!tpu.dma_semaphore, #tpu.memory_space<semaphore_mem>>) src(%arg13 : memref<80x64xf32, #tpu.memory_space<vmem>>) dst(%dma_wait3A_456 : memref<10240x64xf32, #tpu.memory_space<vmem_shared>>)
        tpu.yield
      }) : () -> ()
      %eq3A_440 = arith.constant 0 : i32
      %eq3A_441 = arith.cmpi eq, %arg0, %eq3A_440 : i32
      %convert_element_type3A_442 = arith.extui %eq3A_441 : i1 to i32
      %cond3A_443 = arith.constant 0 : i32
      %cond3A_444 = arith.cmpi ne, %convert_element_type3A_442, %cond3A_443 : i32
      scf.if %cond3A_444 {
        "tpu.region"() ({
          %run_scoped3A = tpu.sem_alloc : memref<!tpu.dma_semaphore, #tpu.memory_space<semaphore_mem>>
          %dma_start3A_445 = arith.constant 0 : i32
          %dma_start3A_446 = tpu.memref_slice %arg11[%add3A_424, %dma_start3A_445] : memref<250x80xi32, #tpu.memory_space<vmem>> -> memref<1x80xi32, #tpu.memory_space<vmem>>
          %dma_start3A_447 = tpu.memref_squeeze %dma_start3A_446 : memref<1x80xi32, #tpu.memory_space<vmem>> -> memref<80xi32, #tpu.memory_space<vmem>>
          %dma_start3A_448 = arith.constant 0 : i32
          %dma_start3A_449 = arith.constant 0 : i32
          %dma_start3A_450 = tpu.memref_slice %arg17[%dma_start3A_448, %dma_start3A_449] : memref<10240x16xf32, #tpu.memory_space<vmem_shared>> -> memref<10240x16xf32, #tpu.memory_space<vmem_shared>>
          tpu.enqueue_indirect_dma source(%arg15 : memref<80x16xf32, #tpu.memory_space<vmem>>) target(%dma_start3A_450 : memref<10240x16xf32, #tpu.memory_space<vmem_shared>>) offsets(%dma_start3A_447 : memref<80xi32, #tpu.memory_space<vmem>>) semaphore(%run_scoped3A : memref<!tpu.dma_semaphore, #tpu.memory_space<semaphore_mem>>) {add = true}
          %dma_wait3A_451 = arith.constant 0 : i32
          %dma_wait3A_452 = tpu.memref_slice %arg11[%add3A_424, %dma_wait3A_451] : memref<250x80xi32, #tpu.memory_space<vmem>> -> memref<1x80xi32, #tpu.memory_space<vmem>>
          %dma_wait3A_453 = tpu.memref_squeeze %dma_wait3A_452 : memref<1x80xi32, #tpu.memory_space<vmem>> -> memref<80xi32, #tpu.memory_space<vmem>>
          %dma_wait3A_454 = arith.constant 0 : i32
          %dma_wait3A_455 = arith.constant 0 : i32
          %dma_wait3A_456 = tpu.memref_slice %arg17[%dma_wait3A_454, %dma_wait3A_455] : memref<10240x16xf32, #tpu.memory_space<vmem_shared>> -> memref<10240x16xf32, #tpu.memory_space<vmem_shared>>
          tpu.wait_indirect_dma semaphore(%run_scoped3A : memref<!tpu.dma_semaphore, #tpu.memory_space<semaphore_mem>>) src(%arg15 : memref<80x16xf32, #tpu.memory_space<vmem>>) dst(%dma_wait3A_456 : memref<10240x16xf32, #tpu.memory_space<vmem_shared>>)
          tpu.yield
        }) : () -> ()
      } else {
      }
    }
    %scan3A_30 = arith.constant 125 : i32
    %barrier3A_31 = arith.constant 0 : index
    tpu.barrier barrier_id(%barrier3A_31)
    "tpu.region"() ({
      %run_scoped3A = tpu.sem_alloc : memref<!tpu.dma_semaphore, #tpu.memory_space<semaphore_mem>>
      %dma_start3A_400 = arith.constant 0 : i32
      %dma_start3A_401 = tpu.memref_slice %arg8[%add3A_15, %mul3A_0, %dma_start3A_400] : memref<24x10240x64xf32, #tpu.memory_space<hbm>> -> memref<1x640x64xf32, #tpu.memory_space<hbm>>
      %dma_start3A_402 = tpu.memref_squeeze %dma_start3A_401 : memref<1x640x64xf32, #tpu.memory_space<hbm>> -> memref<640x64xf32, #tpu.memory_space<hbm>>
      %dma_start3A_403 = arith.constant 0 : i32
      %dma_start3A_404 = tpu.memref_slice %arg16[%mul3A_0, %dma_start3A_403] : memref<10240x64xf32, #tpu.memory_space<vmem_shared>> -> memref<640x64xf32, #tpu.memory_space<vmem_shared>>
      tpu.enqueue_dma source(%dma_start3A_404 : memref<640x64xf32, #tpu.memory_space<vmem_shared>>) target(%dma_start3A_402 : memref<640x64xf32, #tpu.memory_space<hbm>>) target_semaphore(%run_scoped3A : memref<!tpu.dma_semaphore, #tpu.memory_space<semaphore_mem>>)
      %dma_wait3A = arith.constant 0 : i32
      %dma_wait3A_405 = tpu.memref_slice %arg8[%add3A_15, %mul3A_0, %dma_wait3A] : memref<24x10240x64xf32, #tpu.memory_space<hbm>> -> memref<1x640x64xf32, #tpu.memory_space<hbm>>
      %dma_wait3A_406 = tpu.memref_squeeze %dma_wait3A_405 : memref<1x640x64xf32, #tpu.memory_space<hbm>> -> memref<640x64xf32, #tpu.memory_space<hbm>>
      %dma_wait3A_407 = arith.constant 0 : i32
      %dma_wait3A_408 = tpu.memref_slice %arg16[%mul3A_0, %dma_wait3A_407] : memref<10240x64xf32, #tpu.memory_space<vmem_shared>> -> memref<640x64xf32, #tpu.memory_space<vmem_shared>>
      tpu.wait_dma2 semaphore(%run_scoped3A : memref<!tpu.dma_semaphore, #tpu.memory_space<semaphore_mem>>) src(%dma_wait3A_408 : memref<640x64xf32, #tpu.memory_space<vmem_shared>>) dst(%dma_wait3A_406 : memref<640x64xf32, #tpu.memory_space<hbm>>)
      tpu.yield
    }) : () -> ()
    %eq3A_32 = arith.constant 0 : i32
    %eq3A_33 = arith.cmpi eq, %arg0, %eq3A_32 : i32
    %convert_element_type3A_34 = arith.extui %eq3A_33 : i1 to i32
    %cond3A_35 = arith.constant 0 : i32
    %cond3A_36 = arith.cmpi ne, %convert_element_type3A_34, %cond3A_35 : i32
    scf.if %cond3A_36 {
      "tpu.region"() ({
        %run_scoped3A = tpu.sem_alloc : memref<!tpu.dma_semaphore, #tpu.memory_space<semaphore_mem>>
        %dma_start3A_400 = arith.constant 0 : i32
        %dma_start3A_401 = tpu.memref_slice %arg9[%mul3A_0, %dma_start3A_400] : memref<10240x16xf32, #tpu.memory_space<hbm>> -> memref<640x16xf32, #tpu.memory_space<hbm>>
        %dma_start3A_402 = arith.constant 0 : i32
        %dma_start3A_403 = tpu.memref_slice %arg17[%mul3A_0, %dma_start3A_402] : memref<10240x16xf32, #tpu.memory_space<vmem_shared>> -> memref<640x16xf32, #tpu.memory_space<vmem_shared>>
        tpu.enqueue_dma source(%dma_start3A_403 : memref<640x16xf32, #tpu.memory_space<vmem_shared>>) target(%dma_start3A_401 : memref<640x16xf32, #tpu.memory_space<hbm>>) target_semaphore(%run_scoped3A : memref<!tpu.dma_semaphore, #tpu.memory_space<semaphore_mem>>)
        %dma_wait3A = arith.constant 0 : i32
        %dma_wait3A_404 = tpu.memref_slice %arg9[%mul3A_0, %dma_wait3A] : memref<10240x16xf32, #tpu.memory_space<hbm>> -> memref<640x16xf32, #tpu.memory_space<hbm>>
        %dma_wait3A_405 = arith.constant 0 : i32
        %dma_wait3A_406 = tpu.memref_slice %arg17[%mul3A_0, %dma_wait3A_405] : memref<10240x16xf32, #tpu.memory_space<vmem_shared>> -> memref<640x16xf32, #tpu.memory_space<vmem_shared>>
        tpu.wait_dma2 semaphore(%run_scoped3A : memref<!tpu.dma_semaphore, #tpu.memory_space<semaphore_mem>>) src(%dma_wait3A_406 : memref<640x16xf32, #tpu.memory_space<vmem_shared>>) dst(%dma_wait3A_404 : memref<640x16xf32, #tpu.memory_space<hbm>>)
        tpu.yield
      }) : () -> ()
    } else {
    }
    %add3A_37 = arith.constant 0 : i32
    %add3A_38 = arith.addi %mul3A_0, %add3A_37 : i32
    "tpu.region"() ({
      %run_scoped3A = tpu.sem_alloc : memref<!tpu.dma_semaphore, #tpu.memory_space<semaphore_mem>>
      %dma_start3A_400 = arith.constant 0 : i32
      %dma_start3A_401 = tpu.memref_slice %arg16[%add3A_38, %dma_start3A_400] : memref<10240x64xf32, #tpu.memory_space<vmem_shared>> -> memref<128x64xf32, #tpu.memory_space<vmem_shared>>
      %dma_start3A_402 = arith.constant 0 : i32
      %dma_start3A_403 = tpu.memref_slice %arg16[%add3A_38, %dma_start3A_402] : memref<10240x64xf32, #tpu.memory_space<vmem_shared>> -> memref<128x64xf32, #tpu.memory_space<vmem_shared>>
      tpu.enqueue_dma source(%arg14 : memref<128x64xf32, #tpu.memory_space<vmem>>) target(%dma_start3A_403 : memref<128x64xf32, #tpu.memory_space<vmem_shared>>) target_semaphore(%run_scoped3A : memref<!tpu.dma_semaphore, #tpu.memory_space<semaphore_mem>>)
      %dma_wait3A = arith.constant 0 : i32
      %dma_wait3A_404 = tpu.memref_slice %arg16[%add3A_38, %dma_wait3A] : memref<10240x64xf32, #tpu.memory_space<vmem_shared>> -> memref<128x64xf32, #tpu.memory_space<vmem_shared>>
      %dma_wait3A_405 = arith.constant 0 : i32
      %dma_wait3A_406 = tpu.memref_slice %arg16[%add3A_38, %dma_wait3A_405] : memref<10240x64xf32, #tpu.memory_space<vmem_shared>> -> memref<128x64xf32, #tpu.memory_space<vmem_shared>>
      tpu.wait_dma2 semaphore(%run_scoped3A : memref<!tpu.dma_semaphore, #tpu.memory_space<semaphore_mem>>) src(%arg14 : memref<128x64xf32, #tpu.memory_space<vmem>>) dst(%dma_wait3A_406 : memref<128x64xf32, #tpu.memory_space<vmem_shared>>)
      tpu.yield
    }) : () -> ()
    %add3A_39 = arith.constant 128 : i32
    %add3A_40 = arith.addi %mul3A_0, %add3A_39 : i32
    "tpu.region"() ({
      %run_scoped3A = tpu.sem_alloc : memref<!tpu.dma_semaphore, #tpu.memory_space<semaphore_mem>>
      %dma_start3A_400 = arith.constant 0 : i32
      %dma_start3A_401 = tpu.memref_slice %arg16[%add3A_40, %dma_start3A_400] : memref<10240x64xf32, #tpu.memory_space<vmem_shared>> -> memref<128x64xf32, #tpu.memory_space<vmem_shared>>
      %dma_start3A_402 = arith.constant 0 : i32
      %dma_start3A_403 = tpu.memref_slice %arg16[%add3A_40, %dma_start3A_402] : memref<10240x64xf32, #tpu.memory_space<vmem_shared>> -> memref<128x64xf32, #tpu.memory_space<vmem_shared>>
      tpu.enqueue_dma source(%arg14 : memref<128x64xf32, #tpu.memory_space<vmem>>) target(%dma_start3A_403 : memref<128x64xf32, #tpu.memory_space<vmem_shared>>) target_semaphore(%run_scoped3A : memref<!tpu.dma_semaphore, #tpu.memory_space<semaphore_mem>>)
      %dma_wait3A = arith.constant 0 : i32
      %dma_wait3A_404 = tpu.memref_slice %arg16[%add3A_40, %dma_wait3A] : memref<10240x64xf32, #tpu.memory_space<vmem_shared>> -> memref<128x64xf32, #tpu.memory_space<vmem_shared>>
      %dma_wait3A_405 = arith.constant 0 : i32
      %dma_wait3A_406 = tpu.memref_slice %arg16[%add3A_40, %dma_wait3A_405] : memref<10240x64xf32, #tpu.memory_space<vmem_shared>> -> memref<128x64xf32, #tpu.memory_space<vmem_shared>>
      tpu.wait_dma2 semaphore(%run_scoped3A : memref<!tpu.dma_semaphore, #tpu.memory_space<semaphore_mem>>) src(%arg14 : memref<128x64xf32, #tpu.memory_space<vmem>>) dst(%dma_wait3A_406 : memref<128x64xf32, #tpu.memory_space<vmem_shared>>)
      tpu.yield
    }) : () -> ()
    %add3A_41 = arith.constant 256 : i32
    %add3A_42 = arith.addi %mul3A_0, %add3A_41 : i32
    "tpu.region"() ({
      %run_scoped3A = tpu.sem_alloc : memref<!tpu.dma_semaphore, #tpu.memory_space<semaphore_mem>>
      %dma_start3A_400 = arith.constant 0 : i32
      %dma_start3A_401 = tpu.memref_slice %arg16[%add3A_42, %dma_start3A_400] : memref<10240x64xf32, #tpu.memory_space<vmem_shared>> -> memref<128x64xf32, #tpu.memory_space<vmem_shared>>
      %dma_start3A_402 = arith.constant 0 : i32
      %dma_start3A_403 = tpu.memref_slice %arg16[%add3A_42, %dma_start3A_402] : memref<10240x64xf32, #tpu.memory_space<vmem_shared>> -> memref<128x64xf32, #tpu.memory_space<vmem_shared>>
      tpu.enqueue_dma source(%arg14 : memref<128x64xf32, #tpu.memory_space<vmem>>) target(%dma_start3A_403 : memref<128x64xf32, #tpu.memory_space<vmem_shared>>) target_semaphore(%run_scoped3A : memref<!tpu.dma_semaphore, #tpu.memory_space<semaphore_mem>>)
      %dma_wait3A = arith.constant 0 : i32
      %dma_wait3A_404 = tpu.memref_slice %arg16[%add3A_42, %dma_wait3A] : memref<10240x64xf32, #tpu.memory_space<vmem_shared>> -> memref<128x64xf32, #tpu.memory_space<vmem_shared>>
      %dma_wait3A_405 = arith.constant 0 : i32
      %dma_wait3A_406 = tpu.memref_slice %arg16[%add3A_42, %dma_wait3A_405] : memref<10240x64xf32, #tpu.memory_space<vmem_shared>> -> memref<128x64xf32, #tpu.memory_space<vmem_shared>>
      tpu.wait_dma2 semaphore(%run_scoped3A : memref<!tpu.dma_semaphore, #tpu.memory_space<semaphore_mem>>) src(%arg14 : memref<128x64xf32, #tpu.memory_space<vmem>>) dst(%dma_wait3A_406 : memref<128x64xf32, #tpu.memory_space<vmem_shared>>)
      tpu.yield
    }) : () -> ()
    %add3A_43 = arith.constant 384 : i32
    %add3A_44 = arith.addi %mul3A_0, %add3A_43 : i32
    "tpu.region"() ({
      %run_scoped3A = tpu.sem_alloc : memref<!tpu.dma_semaphore, #tpu.memory_space<semaphore_mem>>
      %dma_start3A_400 = arith.constant 0 : i32
      %dma_start3A_401 = tpu.memref_slice %arg16[%add3A_44, %dma_start3A_400] : memref<10240x64xf32, #tpu.memory_space<vmem_shared>> -> memref<128x64xf32, #tpu.memory_space<vmem_shared>>
      %dma_start3A_402 = arith.constant 0 : i32
      %dma_start3A_403 = tpu.memref_slice %arg16[%add3A_44, %dma_start3A_402] : memref<10240x64xf32, #tpu.memory_space<vmem_shared>> -> memref<128x64xf32, #tpu.memory_space<vmem_shared>>
      tpu.enqueue_dma source(%arg14 : memref<128x64xf32, #tpu.memory_space<vmem>>) target(%dma_start3A_403 : memref<128x64xf32, #tpu.memory_space<vmem_shared>>) target_semaphore(%run_scoped3A : memref<!tpu.dma_semaphore, #tpu.memory_space<semaphore_mem>>)
      %dma_wait3A = arith.constant 0 : i32
      %dma_wait3A_404 = tpu.memref_slice %arg16[%add3A_44, %dma_wait3A] : memref<10240x64xf32, #tpu.memory_space<vmem_shared>> -> memref<128x64xf32, #tpu.memory_space<vmem_shared>>
      %dma_wait3A_405 = arith.constant 0 : i32
      %dma_wait3A_406 = tpu.memref_slice %arg16[%add3A_44, %dma_wait3A_405] : memref<10240x64xf32, #tpu.memory_space<vmem_shared>> -> memref<128x64xf32, #tpu.memory_space<vmem_shared>>
      tpu.wait_dma2 semaphore(%run_scoped3A : memref<!tpu.dma_semaphore, #tpu.memory_space<semaphore_mem>>) src(%arg14 : memref<128x64xf32, #tpu.memory_space<vmem>>) dst(%dma_wait3A_406 : memref<128x64xf32, #tpu.memory_space<vmem_shared>>)
      tpu.yield
    }) : () -> ()
    %add3A_45 = arith.constant 512 : i32
    %add3A_46 = arith.addi %mul3A_0, %add3A_45 : i32
    "tpu.region"() ({
      %run_scoped3A = tpu.sem_alloc : memref<!tpu.dma_semaphore, #tpu.memory_space<semaphore_mem>>
      %dma_start3A_400 = arith.constant 0 : i32
      %dma_start3A_401 = tpu.memref_slice %arg16[%add3A_46, %dma_start3A_400] : memref<10240x64xf32, #tpu.memory_space<vmem_shared>> -> memref<128x64xf32, #tpu.memory_space<vmem_shared>>
      %dma_start3A_402 = arith.constant 0 : i32
      %dma_start3A_403 = tpu.memref_slice %arg16[%add3A_46, %dma_start3A_402] : memref<10240x64xf32, #tpu.memory_space<vmem_shared>> -> memref<128x64xf32, #tpu.memory_space<vmem_shared>>
      tpu.enqueue_dma source(%arg14 : memref<128x64xf32, #tpu.memory_space<vmem>>) target(%dma_start3A_403 : memref<128x64xf32, #tpu.memory_space<vmem_shared>>) target_semaphore(%run_scoped3A : memref<!tpu.dma_semaphore, #tpu.memory_space<semaphore_mem>>)
      %dma_wait3A = arith.constant 0 : i32
      %dma_wait3A_404 = tpu.memref_slice %arg16[%add3A_46, %dma_wait3A] : memref<10240x64xf32, #tpu.memory_space<vmem_shared>> -> memref<128x64xf32, #tpu.memory_space<vmem_shared>>
      %dma_wait3A_405 = arith.constant 0 : i32
      %dma_wait3A_406 = tpu.memref_slice %arg16[%add3A_46, %dma_wait3A_405] : memref<10240x64xf32, #tpu.memory_space<vmem_shared>> -> memref<128x64xf32, #tpu.memory_space<vmem_shared>>
      tpu.wait_dma2 semaphore(%run_scoped3A : memref<!tpu.dma_semaphore, #tpu.memory_space<semaphore_mem>>) src(%arg14 : memref<128x64xf32, #tpu.memory_space<vmem>>) dst(%dma_wait3A_406 : memref<128x64xf32, #tpu.memory_space<vmem_shared>>)
      tpu.yield
    }) : () -> ()
    %barrier3A_47 = arith.constant 0 : index
    tpu.barrier barrier_id(%barrier3A_47)
    %mul3A_48 = arith.constant 12 : i32
    %mul3A_49 = arith.muli %arg0, %mul3A_48 : i32
    %add3A_50 = arith.constant 1 : i32
    %add3A_51 = arith.addi %mul3A_49, %add3A_50 : i32
    %mul3A_52 = arith.constant 10000 : i32
    %mul3A_53 = arith.muli %add3A_51, %mul3A_52 : i32
    %dma_start3A_54 = arith.constant 0 : i32
    %dma_start3A_55 = arith.constant 0 : i32
    %dma_start3A_56 = tpu.memref_slice %arg10[%dma_start3A_54, %dma_start3A_55] : memref<250x80xi32, #tpu.memory_space<vmem>> -> memref<1x80xi32, #tpu.memory_space<vmem>>
    %dma_start3A_57 = tpu.memref_squeeze %dma_start3A_56 : memref<1x80xi32, #tpu.memory_space<vmem>> -> memref<80xi32, #tpu.memory_space<vmem>>
    %dma_start3A_58 = arith.constant 0 : i32
    %dma_start3A_59 = tpu.memref_slice %arg4[%mul3A_53, %dma_start3A_58] : memref<240000x64xf32, #tpu.memory_space<hbm>> -> memref<10000x64xf32, #tpu.memory_space<hbm>>
    %dma_start3A_60 = arith.constant 0 : i32
    %dma_start3A_61 = arith.constant 0 : i32
    %dma_start3A_62 = tpu.memref_slice %dma_start3A_59[%dma_start3A_60, %dma_start3A_61] : memref<10000x64xf32, #tpu.memory_space<hbm>> -> memref<10000x64xf32, #tpu.memory_space<hbm>>
    tpu.enqueue_indirect_dma source(%dma_start3A_62 : memref<10000x64xf32, #tpu.memory_space<hbm>>) target(%arg12 : memref<80x64xf32, #tpu.memory_space<vmem>>) offsets(%dma_start3A_57 : memref<80xi32, #tpu.memory_space<vmem>>) semaphore(%arg18 : memref<!tpu.dma_semaphore, #tpu.memory_space<semaphore_mem>>)
    %scan3A_63 = arith.constant 0 : i32
    %scan3A_64 = arith.constant 0 : i32
    %scan3A_65 = arith.constant 125 : i32
    %scan3A_66 = arith.addi %scan3A_64, %scan3A_65 : i32
    %scan3A_67 = arith.constant 1 : i32
    scf.for %scan3A_400 = %scan3A_64 to %scan3A_66 step %scan3A_67  : i32 {
      %mul3A_401 = arith.constant 2 : i32
      %mul3A_402 = arith.muli %mul3A_401, %scan3A_400 : i32
      %add3A_403 = arith.constant 0 : i32
      %add3A_404 = arith.addi %mul3A_402, %add3A_403 : i32
      %dma_wait3A = arith.constant 0 : i32
      %dma_wait3A_405 = tpu.memref_slice %arg10[%add3A_404, %dma_wait3A] : memref<250x80xi32, #tpu.memory_space<vmem>> -> memref<1x80xi32, #tpu.memory_space<vmem>>
      %dma_wait3A_406 = tpu.memref_squeeze %dma_wait3A_405 : memref<1x80xi32, #tpu.memory_space<vmem>> -> memref<80xi32, #tpu.memory_space<vmem>>
      %dma_wait3A_407 = arith.constant 0 : i32
      %dma_wait3A_408 = tpu.memref_slice %arg4[%mul3A_53, %dma_wait3A_407] : memref<240000x64xf32, #tpu.memory_space<hbm>> -> memref<10000x64xf32, #tpu.memory_space<hbm>>
      %dma_wait3A_409 = arith.constant 0 : i32
      %dma_wait3A_410 = arith.constant 0 : i32
      %dma_wait3A_411 = tpu.memref_slice %dma_wait3A_408[%dma_wait3A_409, %dma_wait3A_410] : memref<10000x64xf32, #tpu.memory_space<hbm>> -> memref<10000x64xf32, #tpu.memory_space<hbm>>
      tpu.wait_indirect_dma semaphore(%arg18 : memref<!tpu.dma_semaphore, #tpu.memory_space<semaphore_mem>>) src(%dma_wait3A_411 : memref<10000x64xf32, #tpu.memory_space<hbm>>) dst(%arg12 : memref<80x64xf32, #tpu.memory_space<vmem>>)
      %add3A_412 = arith.constant 1 : i32
      %add3A_413 = arith.addi %add3A_404, %add3A_412 : i32
      %lt3A = arith.constant 250 : i32
      %lt3A_414 = arith.cmpi slt, %add3A_413, %lt3A : i32
      %convert_element_type3A_415 = arith.extui %lt3A_414 : i1 to i32
      %cond3A_416 = arith.constant 0 : i32
      %cond3A_417 = arith.cmpi ne, %convert_element_type3A_415, %cond3A_416 : i32
      scf.if %cond3A_417 {
        %add3A_435 = arith.constant 1 : i32
        %add3A_436 = arith.addi %add3A_404, %add3A_435 : i32
        %dma_start3A_437 = arith.constant 0 : i32
        %dma_start3A_438 = tpu.memref_slice %arg10[%add3A_436, %dma_start3A_437] : memref<250x80xi32, #tpu.memory_space<vmem>> -> memref<1x80xi32, #tpu.memory_space<vmem>>
        %dma_start3A_439 = tpu.memref_squeeze %dma_start3A_438 : memref<1x80xi32, #tpu.memory_space<vmem>> -> memref<80xi32, #tpu.memory_space<vmem>>
        %dma_start3A_440 = arith.constant 0 : i32
        %dma_start3A_441 = tpu.memref_slice %arg4[%mul3A_53, %dma_start3A_440] : memref<240000x64xf32, #tpu.memory_space<hbm>> -> memref<10000x64xf32, #tpu.memory_space<hbm>>
        %dma_start3A_442 = arith.constant 0 : i32
        %dma_start3A_443 = arith.constant 0 : i32
        %dma_start3A_444 = tpu.memref_slice %dma_start3A_441[%dma_start3A_442, %dma_start3A_443] : memref<10000x64xf32, #tpu.memory_space<hbm>> -> memref<10000x64xf32, #tpu.memory_space<hbm>>
        tpu.enqueue_indirect_dma source(%dma_start3A_444 : memref<10000x64xf32, #tpu.memory_space<hbm>>) target(%arg13 : memref<80x64xf32, #tpu.memory_space<vmem>>) offsets(%dma_start3A_439 : memref<80xi32, #tpu.memory_space<vmem>>) semaphore(%arg19 : memref<!tpu.dma_semaphore, #tpu.memory_space<semaphore_mem>>)
      } else {
      }
      "tpu.region"() ({
        %run_scoped3A = tpu.sem_alloc : memref<!tpu.dma_semaphore, #tpu.memory_space<semaphore_mem>>
        %dma_start3A_435 = arith.constant 0 : i32
        %dma_start3A_436 = tpu.memref_slice %arg11[%add3A_404, %dma_start3A_435] : memref<250x80xi32, #tpu.memory_space<vmem>> -> memref<1x80xi32, #tpu.memory_space<vmem>>
        %dma_start3A_437 = tpu.memref_squeeze %dma_start3A_436 : memref<1x80xi32, #tpu.memory_space<vmem>> -> memref<80xi32, #tpu.memory_space<vmem>>
        %dma_start3A_438 = arith.constant 0 : i32
        %dma_start3A_439 = arith.constant 0 : i32
        %dma_start3A_440 = tpu.memref_slice %arg16[%dma_start3A_438, %dma_start3A_439] : memref<10240x64xf32, #tpu.memory_space<vmem_shared>> -> memref<10240x64xf32, #tpu.memory_space<vmem_shared>>
        tpu.enqueue_indirect_dma source(%arg12 : memref<80x64xf32, #tpu.memory_space<vmem>>) target(%dma_start3A_440 : memref<10240x64xf32, #tpu.memory_space<vmem_shared>>) offsets(%dma_start3A_437 : memref<80xi32, #tpu.memory_space<vmem>>) semaphore(%run_scoped3A : memref<!tpu.dma_semaphore, #tpu.memory_space<semaphore_mem>>) {add = true}
        %dma_wait3A_441 = arith.constant 0 : i32
        %dma_wait3A_442 = tpu.memref_slice %arg11[%add3A_404, %dma_wait3A_441] : memref<250x80xi32, #tpu.memory_space<vmem>> -> memref<1x80xi32, #tpu.memory_space<vmem>>
        %dma_wait3A_443 = tpu.memref_squeeze %dma_wait3A_442 : memref<1x80xi32, #tpu.memory_space<vmem>> -> memref<80xi32, #tpu.memory_space<vmem>>
        %dma_wait3A_444 = arith.constant 0 : i32
        %dma_wait3A_445 = arith.constant 0 : i32
        %dma_wait3A_446 = tpu.memref_slice %arg16[%dma_wait3A_444, %dma_wait3A_445] : memref<10240x64xf32, #tpu.memory_space<vmem_shared>> -> memref<10240x64xf32, #tpu.memory_space<vmem_shared>>
        tpu.wait_indirect_dma semaphore(%run_scoped3A : memref<!tpu.dma_semaphore, #tpu.memory_space<semaphore_mem>>) src(%arg12 : memref<80x64xf32, #tpu.memory_space<vmem>>) dst(%dma_wait3A_446 : memref<10240x64xf32, #tpu.memory_space<vmem_shared>>)
        tpu.yield
      }) : () -> ()
      %add3A_418 = arith.constant 1 : i32
      %add3A_419 = arith.addi %mul3A_402, %add3A_418 : i32
      %dma_wait3A_420 = arith.constant 0 : i32
      %dma_wait3A_421 = tpu.memref_slice %arg10[%add3A_419, %dma_wait3A_420] : memref<250x80xi32, #tpu.memory_space<vmem>> -> memref<1x80xi32, #tpu.memory_space<vmem>>
      %dma_wait3A_422 = tpu.memref_squeeze %dma_wait3A_421 : memref<1x80xi32, #tpu.memory_space<vmem>> -> memref<80xi32, #tpu.memory_space<vmem>>
      %dma_wait3A_423 = arith.constant 0 : i32
      %dma_wait3A_424 = tpu.memref_slice %arg4[%mul3A_53, %dma_wait3A_423] : memref<240000x64xf32, #tpu.memory_space<hbm>> -> memref<10000x64xf32, #tpu.memory_space<hbm>>
      %dma_wait3A_425 = arith.constant 0 : i32
      %dma_wait3A_426 = arith.constant 0 : i32
      %dma_wait3A_427 = tpu.memref_slice %dma_wait3A_424[%dma_wait3A_425, %dma_wait3A_426] : memref<10000x64xf32, #tpu.memory_space<hbm>> -> memref<10000x64xf32, #tpu.memory_space<hbm>>
      tpu.wait_indirect_dma semaphore(%arg19 : memref<!tpu.dma_semaphore, #tpu.memory_space<semaphore_mem>>) src(%dma_wait3A_427 : memref<10000x64xf32, #tpu.memory_space<hbm>>) dst(%arg13 : memref<80x64xf32, #tpu.memory_space<vmem>>)
      %add3A_428 = arith.constant 1 : i32
      %add3A_429 = arith.addi %add3A_419, %add3A_428 : i32
      %lt3A_430 = arith.constant 250 : i32
      %lt3A_431 = arith.cmpi slt, %add3A_429, %lt3A_430 : i32
      %convert_element_type3A_432 = arith.extui %lt3A_431 : i1 to i32
      %cond3A_433 = arith.constant 0 : i32
      %cond3A_434 = arith.cmpi ne, %convert_element_type3A_432, %cond3A_433 : i32
      scf.if %cond3A_434 {
        %add3A_435 = arith.constant 1 : i32
        %add3A_436 = arith.addi %add3A_419, %add3A_435 : i32
        %dma_start3A_437 = arith.constant 0 : i32
        %dma_start3A_438 = tpu.memref_slice %arg10[%add3A_436, %dma_start3A_437] : memref<250x80xi32, #tpu.memory_space<vmem>> -> memref<1x80xi32, #tpu.memory_space<vmem>>
        %dma_start3A_439 = tpu.memref_squeeze %dma_start3A_438 : memref<1x80xi32, #tpu.memory_space<vmem>> -> memref<80xi32, #tpu.memory_space<vmem>>
        %dma_start3A_440 = arith.constant 0 : i32
        %dma_start3A_441 = tpu.memref_slice %arg4[%mul3A_53, %dma_start3A_440] : memref<240000x64xf32, #tpu.memory_space<hbm>> -> memref<10000x64xf32, #tpu.memory_space<hbm>>
        %dma_start3A_442 = arith.constant 0 : i32
        %dma_start3A_443 = arith.constant 0 : i32
        %dma_start3A_444 = tpu.memref_slice %dma_start3A_441[%dma_start3A_442, %dma_start3A_443] : memref<10000x64xf32, #tpu.memory_space<hbm>> -> memref<10000x64xf32, #tpu.memory_space<hbm>>
        tpu.enqueue_indirect_dma source(%dma_start3A_444 : memref<10000x64xf32, #tpu.memory_space<hbm>>) target(%arg12 : memref<80x64xf32, #tpu.memory_space<vmem>>) offsets(%dma_start3A_439 : memref<80xi32, #tpu.memory_space<vmem>>) semaphore(%arg18 : memref<!tpu.dma_semaphore, #tpu.memory_space<semaphore_mem>>)
      } else {
      }
      "tpu.region"() ({
        %run_scoped3A = tpu.sem_alloc : memref<!tpu.dma_semaphore, #tpu.memory_space<semaphore_mem>>
        %dma_start3A_435 = arith.constant 0 : i32
        %dma_start3A_436 = tpu.memref_slice %arg11[%add3A_419, %dma_start3A_435] : memref<250x80xi32, #tpu.memory_space<vmem>> -> memref<1x80xi32, #tpu.memory_space<vmem>>
        %dma_start3A_437 = tpu.memref_squeeze %dma_start3A_436 : memref<1x80xi32, #tpu.memory_space<vmem>> -> memref<80xi32, #tpu.memory_space<vmem>>
        %dma_start3A_438 = arith.constant 0 : i32
        %dma_start3A_439 = arith.constant 0 : i32
        %dma_start3A_440 = tpu.memref_slice %arg16[%dma_start3A_438, %dma_start3A_439] : memref<10240x64xf32, #tpu.memory_space<vmem_shared>> -> memref<10240x64xf32, #tpu.memory_space<vmem_shared>>
        tpu.enqueue_indirect_dma source(%arg13 : memref<80x64xf32, #tpu.memory_space<vmem>>) target(%dma_start3A_440 : memref<10240x64xf32, #tpu.memory_space<vmem_shared>>) offsets(%dma_start3A_437 : memref<80xi32, #tpu.memory_space<vmem>>) semaphore(%run_scoped3A : memref<!tpu.dma_semaphore, #tpu.memory_space<semaphore_mem>>) {add = true}
        %dma_wait3A_441 = arith.constant 0 : i32
        %dma_wait3A_442 = tpu.memref_slice %arg11[%add3A_419, %dma_wait3A_441] : memref<250x80xi32, #tpu.memory_space<vmem>> -> memref<1x80xi32, #tpu.memory_space<vmem>>
        %dma_wait3A_443 = tpu.memref_squeeze %dma_wait3A_442 : memref<1x80xi32, #tpu.memory_space<vmem>> -> memref<80xi32, #tpu.memory_space<vmem>>
        %dma_wait3A_444 = arith.constant 0 : i32
        %dma_wait3A_445 = arith.constant 0 : i32
        %dma_wait3A_446 = tpu.memref_slice %arg16[%dma_wait3A_444, %dma_wait3A_445] : memref<10240x64xf32, #tpu.memory_space<vmem_shared>> -> memref<10240x64xf32, #tpu.memory_space<vmem_shared>>
        tpu.wait_indirect_dma semaphore(%run_scoped3A : memref<!tpu.dma_semaphore, #tpu.memory_space<semaphore_mem>>) src(%arg13 : memref<80x64xf32, #tpu.memory_space<vmem>>) dst(%dma_wait3A_446 : memref<10240x64xf32, #tpu.memory_space<vmem_shared>>)
        tpu.yield
      }) : () -> ()
    }
    %scan3A_68 = arith.constant 125 : i32
    %barrier3A_69 = arith.constant 0 : index
    tpu.barrier barrier_id(%barrier3A_69)
    "tpu.region"() ({
      %run_scoped3A = tpu.sem_alloc : memref<!tpu.dma_semaphore, #tpu.memory_space<semaphore_mem>>
      %dma_start3A_400 = arith.constant 0 : i32
      %dma_start3A_401 = tpu.memref_slice %arg8[%add3A_51, %mul3A_0, %dma_start3A_400] : memref<24x10240x64xf32, #tpu.memory_space<hbm>> -> memref<1x640x64xf32, #tpu.memory_space<hbm>>
      %dma_start3A_402 = tpu.memref_squeeze %dma_start3A_401 : memref<1x640x64xf32, #tpu.memory_space<hbm>> -> memref<640x64xf32, #tpu.memory_space<hbm>>
      %dma_start3A_403 = arith.constant 0 : i32
      %dma_start3A_404 = tpu.memref_slice %arg16[%mul3A_0, %dma_start3A_403] : memref<10240x64xf32, #tpu.memory_space<vmem_shared>> -> memref<640x64xf32, #tpu.memory_space<vmem_shared>>
      tpu.enqueue_dma source(%dma_start3A_404 : memref<640x64xf32, #tpu.memory_space<vmem_shared>>) target(%dma_start3A_402 : memref<640x64xf32, #tpu.memory_space<hbm>>) target_semaphore(%run_scoped3A : memref<!tpu.dma_semaphore, #tpu.memory_space<semaphore_mem>>)
      %dma_wait3A = arith.constant 0 : i32
      %dma_wait3A_405 = tpu.memref_slice %arg8[%add3A_51, %mul3A_0, %dma_wait3A] : memref<24x10240x64xf32, #tpu.memory_space<hbm>> -> memref<1x640x64xf32, #tpu.memory_space<hbm>>
      %dma_wait3A_406 = tpu.memref_squeeze %dma_wait3A_405 : memref<1x640x64xf32, #tpu.memory_space<hbm>> -> memref<640x64xf32, #tpu.memory_space<hbm>>
      %dma_wait3A_407 = arith.constant 0 : i32
      %dma_wait3A_408 = tpu.memref_slice %arg16[%mul3A_0, %dma_wait3A_407] : memref<10240x64xf32, #tpu.memory_space<vmem_shared>> -> memref<640x64xf32, #tpu.memory_space<vmem_shared>>
      tpu.wait_dma2 semaphore(%run_scoped3A : memref<!tpu.dma_semaphore, #tpu.memory_space<semaphore_mem>>) src(%dma_wait3A_408 : memref<640x64xf32, #tpu.memory_space<vmem_shared>>) dst(%dma_wait3A_406 : memref<640x64xf32, #tpu.memory_space<hbm>>)
      tpu.yield
    }) : () -> ()
    %add3A_70 = arith.constant 0 : i32
    %add3A_71 = arith.addi %mul3A_0, %add3A_70 : i32
    "tpu.region"() ({
      %run_scoped3A = tpu.sem_alloc : memref<!tpu.dma_semaphore, #tpu.memory_space<semaphore_mem>>
      %dma_start3A_400 = arith.constant 0 : i32
      %dma_start3A_401 = tpu.memref_slice %arg16[%add3A_71, %dma_start3A_400] : memref<10240x64xf32, #tpu.memory_space<vmem_shared>> -> memref<128x64xf32, #tpu.memory_space<vmem_shared>>
      %dma_start3A_402 = arith.constant 0 : i32
      %dma_start3A_403 = tpu.memref_slice %arg16[%add3A_71, %dma_start3A_402] : memref<10240x64xf32, #tpu.memory_space<vmem_shared>> -> memref<128x64xf32, #tpu.memory_space<vmem_shared>>
      tpu.enqueue_dma source(%arg14 : memref<128x64xf32, #tpu.memory_space<vmem>>) target(%dma_start3A_403 : memref<128x64xf32, #tpu.memory_space<vmem_shared>>) target_semaphore(%run_scoped3A : memref<!tpu.dma_semaphore, #tpu.memory_space<semaphore_mem>>)
      %dma_wait3A = arith.constant 0 : i32
      %dma_wait3A_404 = tpu.memref_slice %arg16[%add3A_71, %dma_wait3A] : memref<10240x64xf32, #tpu.memory_space<vmem_shared>> -> memref<128x64xf32, #tpu.memory_space<vmem_shared>>
      %dma_wait3A_405 = arith.constant 0 : i32
      %dma_wait3A_406 = tpu.memref_slice %arg16[%add3A_71, %dma_wait3A_405] : memref<10240x64xf32, #tpu.memory_space<vmem_shared>> -> memref<128x64xf32, #tpu.memory_space<vmem_shared>>
      tpu.wait_dma2 semaphore(%run_scoped3A : memref<!tpu.dma_semaphore, #tpu.memory_space<semaphore_mem>>) src(%arg14 : memref<128x64xf32, #tpu.memory_space<vmem>>) dst(%dma_wait3A_406 : memref<128x64xf32, #tpu.memory_space<vmem_shared>>)
      tpu.yield
    }) : () -> ()
    %add3A_72 = arith.constant 128 : i32
    %add3A_73 = arith.addi %mul3A_0, %add3A_72 : i32
    "tpu.region"() ({
      %run_scoped3A = tpu.sem_alloc : memref<!tpu.dma_semaphore, #tpu.memory_space<semaphore_mem>>
      %dma_start3A_400 = arith.constant 0 : i32
      %dma_start3A_401 = tpu.memref_slice %arg16[%add3A_73, %dma_start3A_400] : memref<10240x64xf32, #tpu.memory_space<vmem_shared>> -> memref<128x64xf32, #tpu.memory_space<vmem_shared>>
      %dma_start3A_402 = arith.constant 0 : i32
      %dma_start3A_403 = tpu.memref_slice %arg16[%add3A_73, %dma_start3A_402] : memref<10240x64xf32, #tpu.memory_space<vmem_shared>> -> memref<128x64xf32, #tpu.memory_space<vmem_shared>>
      tpu.enqueue_dma source(%arg14 : memref<128x64xf32, #tpu.memory_space<vmem>>) target(%dma_start3A_403 : memref<128x64xf32, #tpu.memory_space<vmem_shared>>) target_semaphore(%run_scoped3A : memref<!tpu.dma_semaphore, #tpu.memory_space<semaphore_mem>>)
      %dma_wait3A = arith.constant 0 : i32
      %dma_wait3A_404 = tpu.memref_slice %arg16[%add3A_73, %dma_wait3A] : memref<10240x64xf32, #tpu.memory_space<vmem_shared>> -> memref<128x64xf32, #tpu.memory_space<vmem_shared>>
      %dma_wait3A_405 = arith.constant 0 : i32
      %dma_wait3A_406 = tpu.memref_slice %arg16[%add3A_73, %dma_wait3A_405] : memref<10240x64xf32, #tpu.memory_space<vmem_shared>> -> memref<128x64xf32, #tpu.memory_space<vmem_shared>>
      tpu.wait_dma2 semaphore(%run_scoped3A : memref<!tpu.dma_semaphore, #tpu.memory_space<semaphore_mem>>) src(%arg14 : memref<128x64xf32, #tpu.memory_space<vmem>>) dst(%dma_wait3A_406 : memref<128x64xf32, #tpu.memory_space<vmem_shared>>)
      tpu.yield
    }) : () -> ()
    %add3A_74 = arith.constant 256 : i32
    %add3A_75 = arith.addi %mul3A_0, %add3A_74 : i32
    "tpu.region"() ({
      %run_scoped3A = tpu.sem_alloc : memref<!tpu.dma_semaphore, #tpu.memory_space<semaphore_mem>>
      %dma_start3A_400 = arith.constant 0 : i32
      %dma_start3A_401 = tpu.memref_slice %arg16[%add3A_75, %dma_start3A_400] : memref<10240x64xf32, #tpu.memory_space<vmem_shared>> -> memref<128x64xf32, #tpu.memory_space<vmem_shared>>
      %dma_start3A_402 = arith.constant 0 : i32
      %dma_start3A_403 = tpu.memref_slice %arg16[%add3A_75, %dma_start3A_402] : memref<10240x64xf32, #tpu.memory_space<vmem_shared>> -> memref<128x64xf32, #tpu.memory_space<vmem_shared>>
      tpu.enqueue_dma source(%arg14 : memref<128x64xf32, #tpu.memory_space<vmem>>) target(%dma_start3A_403 : memref<128x64xf32, #tpu.memory_space<vmem_shared>>) target_semaphore(%run_scoped3A : memref<!tpu.dma_semaphore, #tpu.memory_space<semaphore_mem>>)
      %dma_wait3A = arith.constant 0 : i32
      %dma_wait3A_404 = tpu.memref_slice %arg16[%add3A_75, %dma_wait3A] : memref<10240x64xf32, #tpu.memory_space<vmem_shared>> -> memref<128x64xf32, #tpu.memory_space<vmem_shared>>
      %dma_wait3A_405 = arith.constant 0 : i32
      %dma_wait3A_406 = tpu.memref_slice %arg16[%add3A_75, %dma_wait3A_405] : memref<10240x64xf32, #tpu.memory_space<vmem_shared>> -> memref<128x64xf32, #tpu.memory_space<vmem_shared>>
      tpu.wait_dma2 semaphore(%run_scoped3A : memref<!tpu.dma_semaphore, #tpu.memory_space<semaphore_mem>>) src(%arg14 : memref<128x64xf32, #tpu.memory_space<vmem>>) dst(%dma_wait3A_406 : memref<128x64xf32, #tpu.memory_space<vmem_shared>>)
      tpu.yield
    }) : () -> ()
    %add3A_76 = arith.constant 384 : i32
    %add3A_77 = arith.addi %mul3A_0, %add3A_76 : i32
    "tpu.region"() ({
      %run_scoped3A = tpu.sem_alloc : memref<!tpu.dma_semaphore, #tpu.memory_space<semaphore_mem>>
      %dma_start3A_400 = arith.constant 0 : i32
      %dma_start3A_401 = tpu.memref_slice %arg16[%add3A_77, %dma_start3A_400] : memref<10240x64xf32, #tpu.memory_space<vmem_shared>> -> memref<128x64xf32, #tpu.memory_space<vmem_shared>>
      %dma_start3A_402 = arith.constant 0 : i32
      %dma_start3A_403 = tpu.memref_slice %arg16[%add3A_77, %dma_start3A_402] : memref<10240x64xf32, #tpu.memory_space<vmem_shared>> -> memref<128x64xf32, #tpu.memory_space<vmem_shared>>
      tpu.enqueue_dma source(%arg14 : memref<128x64xf32, #tpu.memory_space<vmem>>) target(%dma_start3A_403 : memref<128x64xf32, #tpu.memory_space<vmem_shared>>) target_semaphore(%run_scoped3A : memref<!tpu.dma_semaphore, #tpu.memory_space<semaphore_mem>>)
      %dma_wait3A = arith.constant 0 : i32
      %dma_wait3A_404 = tpu.memref_slice %arg16[%add3A_77, %dma_wait3A] : memref<10240x64xf32, #tpu.memory_space<vmem_shared>> -> memref<128x64xf32, #tpu.memory_space<vmem_shared>>
      %dma_wait3A_405 = arith.constant 0 : i32
      %dma_wait3A_406 = tpu.memref_slice %arg16[%add3A_77, %dma_wait3A_405] : memref<10240x64xf32, #tpu.memory_space<vmem_shared>> -> memref<128x64xf32, #tpu.memory_space<vmem_shared>>
      tpu.wait_dma2 semaphore(%run_scoped3A : memref<!tpu.dma_semaphore, #tpu.memory_space<semaphore_mem>>) src(%arg14 : memref<128x64xf32, #tpu.memory_space<vmem>>) dst(%dma_wait3A_406 : memref<128x64xf32, #tpu.memory_space<vmem_shared>>)
      tpu.yield
    }) : () -> ()
    %add3A_78 = arith.constant 512 : i32
    %add3A_79 = arith.addi %mul3A_0, %add3A_78 : i32
    "tpu.region"() ({
      %run_scoped3A = tpu.sem_alloc : memref<!tpu.dma_semaphore, #tpu.memory_space<semaphore_mem>>
      %dma_start3A_400 = arith.constant 0 : i32
      %dma_start3A_401 = tpu.memref_slice %arg16[%add3A_79, %dma_start3A_400] : memref<10240x64xf32, #tpu.memory_space<vmem_shared>> -> memref<128x64xf32, #tpu.memory_space<vmem_shared>>
      %dma_start3A_402 = arith.constant 0 : i32
      %dma_start3A_403 = tpu.memref_slice %arg16[%add3A_79, %dma_start3A_402] : memref<10240x64xf32, #tpu.memory_space<vmem_shared>> -> memref<128x64xf32, #tpu.memory_space<vmem_shared>>
      tpu.enqueue_dma source(%arg14 : memref<128x64xf32, #tpu.memory_space<vmem>>) target(%dma_start3A_403 : memref<128x64xf32, #tpu.memory_space<vmem_shared>>) target_semaphore(%run_scoped3A : memref<!tpu.dma_semaphore, #tpu.memory_space<semaphore_mem>>)
      %dma_wait3A = arith.constant 0 : i32
      %dma_wait3A_404 = tpu.memref_slice %arg16[%add3A_79, %dma_wait3A] : memref<10240x64xf32, #tpu.memory_space<vmem_shared>> -> memref<128x64xf32, #tpu.memory_space<vmem_shared>>
      %dma_wait3A_405 = arith.constant 0 : i32
      %dma_wait3A_406 = tpu.memref_slice %arg16[%add3A_79, %dma_wait3A_405] : memref<10240x64xf32, #tpu.memory_space<vmem_shared>> -> memref<128x64xf32, #tpu.memory_space<vmem_shared>>
      tpu.wait_dma2 semaphore(%run_scoped3A : memref<!tpu.dma_semaphore, #tpu.memory_space<semaphore_mem>>) src(%arg14 : memref<128x64xf32, #tpu.memory_space<vmem>>) dst(%dma_wait3A_406 : memref<128x64xf32, #tpu.memory_space<vmem_shared>>)
      tpu.yield
    }) : () -> ()
    %barrier3A_80 = arith.constant 0 : index
    tpu.barrier barrier_id(%barrier3A_80)
    %mul3A_81 = arith.constant 12 : i32
    %mul3A_82 = arith.muli %arg0, %mul3A_81 : i32
    %add3A_83 = arith.constant 2 : i32
    %add3A_84 = arith.addi %mul3A_82, %add3A_83 : i32
    %mul3A_85 = arith.constant 10000 : i32
    %mul3A_86 = arith.muli %add3A_84, %mul3A_85 : i32
    %dma_start3A_87 = arith.constant 0 : i32
    %dma_start3A_88 = arith.constant 0 : i32
    %dma_start3A_89 = tpu.memref_slice %arg10[%dma_start3A_87, %dma_start3A_88] : memref<250x80xi32, #tpu.memory_space<vmem>> -> memref<1x80xi32, #tpu.memory_space<vmem>>
    %dma_start3A_90 = tpu.memref_squeeze %dma_start3A_89 : memref<1x80xi32, #tpu.memory_space<vmem>> -> memref<80xi32, #tpu.memory_space<vmem>>
    %dma_start3A_91 = arith.constant 0 : i32
    %dma_start3A_92 = tpu.memref_slice %arg4[%mul3A_86, %dma_start3A_91] : memref<240000x64xf32, #tpu.memory_space<hbm>> -> memref<10000x64xf32, #tpu.memory_space<hbm>>
    %dma_start3A_93 = arith.constant 0 : i32
    %dma_start3A_94 = arith.constant 0 : i32
    %dma_start3A_95 = tpu.memref_slice %dma_start3A_92[%dma_start3A_93, %dma_start3A_94] : memref<10000x64xf32, #tpu.memory_space<hbm>> -> memref<10000x64xf32, #tpu.memory_space<hbm>>
    tpu.enqueue_indirect_dma source(%dma_start3A_95 : memref<10000x64xf32, #tpu.memory_space<hbm>>) target(%arg12 : memref<80x64xf32, #tpu.memory_space<vmem>>) offsets(%dma_start3A_90 : memref<80xi32, #tpu.memory_space<vmem>>) semaphore(%arg18 : memref<!tpu.dma_semaphore, #tpu.memory_space<semaphore_mem>>)
    %scan3A_96 = arith.constant 0 : i32
    %scan3A_97 = arith.constant 0 : i32
    %scan3A_98 = arith.constant 125 : i32
    %scan3A_99 = arith.addi %scan3A_97, %scan3A_98 : i32
    %scan3A_100 = arith.constant 1 : i32
    scf.for %scan3A_400 = %scan3A_97 to %scan3A_99 step %scan3A_100  : i32 {
      %mul3A_401 = arith.constant 2 : i32
      %mul3A_402 = arith.muli %mul3A_401, %scan3A_400 : i32
      %add3A_403 = arith.constant 0 : i32
      %add3A_404 = arith.addi %mul3A_402, %add3A_403 : i32
      %dma_wait3A = arith.constant 0 : i32
      %dma_wait3A_405 = tpu.memref_slice %arg10[%add3A_404, %dma_wait3A] : memref<250x80xi32, #tpu.memory_space<vmem>> -> memref<1x80xi32, #tpu.memory_space<vmem>>
      %dma_wait3A_406 = tpu.memref_squeeze %dma_wait3A_405 : memref<1x80xi32, #tpu.memory_space<vmem>> -> memref<80xi32, #tpu.memory_space<vmem>>
      %dma_wait3A_407 = arith.constant 0 : i32
      %dma_wait3A_408 = tpu.memref_slice %arg4[%mul3A_86, %dma_wait3A_407] : memref<240000x64xf32, #tpu.memory_space<hbm>> -> memref<10000x64xf32, #tpu.memory_space<hbm>>
      %dma_wait3A_409 = arith.constant 0 : i32
      %dma_wait3A_410 = arith.constant 0 : i32
      %dma_wait3A_411 = tpu.memref_slice %dma_wait3A_408[%dma_wait3A_409, %dma_wait3A_410] : memref<10000x64xf32, #tpu.memory_space<hbm>> -> memref<10000x64xf32, #tpu.memory_space<hbm>>
      tpu.wait_indirect_dma semaphore(%arg18 : memref<!tpu.dma_semaphore, #tpu.memory_space<semaphore_mem>>) src(%dma_wait3A_411 : memref<10000x64xf32, #tpu.memory_space<hbm>>) dst(%arg12 : memref<80x64xf32, #tpu.memory_space<vmem>>)
      %add3A_412 = arith.constant 1 : i32
      %add3A_413 = arith.addi %add3A_404, %add3A_412 : i32
      %lt3A = arith.constant 250 : i32
      %lt3A_414 = arith.cmpi slt, %add3A_413, %lt3A : i32
      %convert_element_type3A_415 = arith.extui %lt3A_414 : i1 to i32
      %cond3A_416 = arith.constant 0 : i32
      %cond3A_417 = arith.cmpi ne, %convert_element_type3A_415, %cond3A_416 : i32
      scf.if %cond3A_417 {
        %add3A_435 = arith.constant 1 : i32
        %add3A_436 = arith.addi %add3A_404, %add3A_435 : i32
        %dma_start3A_437 = arith.constant 0 : i32
        %dma_start3A_438 = tpu.memref_slice %arg10[%add3A_436, %dma_start3A_437] : memref<250x80xi32, #tpu.memory_space<vmem>> -> memref<1x80xi32, #tpu.memory_space<vmem>>
        %dma_start3A_439 = tpu.memref_squeeze %dma_start3A_438 : memref<1x80xi32, #tpu.memory_space<vmem>> -> memref<80xi32, #tpu.memory_space<vmem>>
        %dma_start3A_440 = arith.constant 0 : i32
        %dma_start3A_441 = tpu.memref_slice %arg4[%mul3A_86, %dma_start3A_440] : memref<240000x64xf32, #tpu.memory_space<hbm>> -> memref<10000x64xf32, #tpu.memory_space<hbm>>
        %dma_start3A_442 = arith.constant 0 : i32
        %dma_start3A_443 = arith.constant 0 : i32
        %dma_start3A_444 = tpu.memref_slice %dma_start3A_441[%dma_start3A_442, %dma_start3A_443] : memref<10000x64xf32, #tpu.memory_space<hbm>> -> memref<10000x64xf32, #tpu.memory_space<hbm>>
        tpu.enqueue_indirect_dma source(%dma_start3A_444 : memref<10000x64xf32, #tpu.memory_space<hbm>>) target(%arg13 : memref<80x64xf32, #tpu.memory_space<vmem>>) offsets(%dma_start3A_439 : memref<80xi32, #tpu.memory_space<vmem>>) semaphore(%arg19 : memref<!tpu.dma_semaphore, #tpu.memory_space<semaphore_mem>>)
      } else {
      }
      "tpu.region"() ({
        %run_scoped3A = tpu.sem_alloc : memref<!tpu.dma_semaphore, #tpu.memory_space<semaphore_mem>>
        %dma_start3A_435 = arith.constant 0 : i32
        %dma_start3A_436 = tpu.memref_slice %arg11[%add3A_404, %dma_start3A_435] : memref<250x80xi32, #tpu.memory_space<vmem>> -> memref<1x80xi32, #tpu.memory_space<vmem>>
        %dma_start3A_437 = tpu.memref_squeeze %dma_start3A_436 : memref<1x80xi32, #tpu.memory_space<vmem>> -> memref<80xi32, #tpu.memory_space<vmem>>
        %dma_start3A_438 = arith.constant 0 : i32
        %dma_start3A_439 = arith.constant 0 : i32
        %dma_start3A_440 = tpu.memref_slice %arg16[%dma_start3A_438, %dma_start3A_439] : memref<10240x64xf32, #tpu.memory_space<vmem_shared>> -> memref<10240x64xf32, #tpu.memory_space<vmem_shared>>
        tpu.enqueue_indirect_dma source(%arg12 : memref<80x64xf32, #tpu.memory_space<vmem>>) target(%dma_start3A_440 : memref<10240x64xf32, #tpu.memory_space<vmem_shared>>) offsets(%dma_start3A_437 : memref<80xi32, #tpu.memory_space<vmem>>) semaphore(%run_scoped3A : memref<!tpu.dma_semaphore, #tpu.memory_space<semaphore_mem>>) {add = true}
        %dma_wait3A_441 = arith.constant 0 : i32
        %dma_wait3A_442 = tpu.memref_slice %arg11[%add3A_404, %dma_wait3A_441] : memref<250x80xi32, #tpu.memory_space<vmem>> -> memref<1x80xi32, #tpu.memory_space<vmem>>
        %dma_wait3A_443 = tpu.memref_squeeze %dma_wait3A_442 : memref<1x80xi32, #tpu.memory_space<vmem>> -> memref<80xi32, #tpu.memory_space<vmem>>
        %dma_wait3A_444 = arith.constant 0 : i32
        %dma_wait3A_445 = arith.constant 0 : i32
        %dma_wait3A_446 = tpu.memref_slice %arg16[%dma_wait3A_444, %dma_wait3A_445] : memref<10240x64xf32, #tpu.memory_space<vmem_shared>> -> memref<10240x64xf32, #tpu.memory_space<vmem_shared>>
        tpu.wait_indirect_dma semaphore(%run_scoped3A : memref<!tpu.dma_semaphore, #tpu.memory_space<semaphore_mem>>) src(%arg12 : memref<80x64xf32, #tpu.memory_space<vmem>>) dst(%dma_wait3A_446 : memref<10240x64xf32, #tpu.memory_space<vmem_shared>>)
        tpu.yield
      }) : () -> ()
      %add3A_418 = arith.constant 1 : i32
      %add3A_419 = arith.addi %mul3A_402, %add3A_418 : i32
      %dma_wait3A_420 = arith.constant 0 : i32
      %dma_wait3A_421 = tpu.memref_slice %arg10[%add3A_419, %dma_wait3A_420] : memref<250x80xi32, #tpu.memory_space<vmem>> -> memref<1x80xi32, #tpu.memory_space<vmem>>
      %dma_wait3A_422 = tpu.memref_squeeze %dma_wait3A_421 : memref<1x80xi32, #tpu.memory_space<vmem>> -> memref<80xi32, #tpu.memory_space<vmem>>
      %dma_wait3A_423 = arith.constant 0 : i32
      %dma_wait3A_424 = tpu.memref_slice %arg4[%mul3A_86, %dma_wait3A_423] : memref<240000x64xf32, #tpu.memory_space<hbm>> -> memref<10000x64xf32, #tpu.memory_space<hbm>>
      %dma_wait3A_425 = arith.constant 0 : i32
      %dma_wait3A_426 = arith.constant 0 : i32
      %dma_wait3A_427 = tpu.memref_slice %dma_wait3A_424[%dma_wait3A_425, %dma_wait3A_426] : memref<10000x64xf32, #tpu.memory_space<hbm>> -> memref<10000x64xf32, #tpu.memory_space<hbm>>
      tpu.wait_indirect_dma semaphore(%arg19 : memref<!tpu.dma_semaphore, #tpu.memory_space<semaphore_mem>>) src(%dma_wait3A_427 : memref<10000x64xf32, #tpu.memory_space<hbm>>) dst(%arg13 : memref<80x64xf32, #tpu.memory_space<vmem>>)
      %add3A_428 = arith.constant 1 : i32
      %add3A_429 = arith.addi %add3A_419, %add3A_428 : i32
      %lt3A_430 = arith.constant 250 : i32
      %lt3A_431 = arith.cmpi slt, %add3A_429, %lt3A_430 : i32
      %convert_element_type3A_432 = arith.extui %lt3A_431 : i1 to i32
      %cond3A_433 = arith.constant 0 : i32
      %cond3A_434 = arith.cmpi ne, %convert_element_type3A_432, %cond3A_433 : i32
      scf.if %cond3A_434 {
        %add3A_435 = arith.constant 1 : i32
        %add3A_436 = arith.addi %add3A_419, %add3A_435 : i32
        %dma_start3A_437 = arith.constant 0 : i32
        %dma_start3A_438 = tpu.memref_slice %arg10[%add3A_436, %dma_start3A_437] : memref<250x80xi32, #tpu.memory_space<vmem>> -> memref<1x80xi32, #tpu.memory_space<vmem>>
        %dma_start3A_439 = tpu.memref_squeeze %dma_start3A_438 : memref<1x80xi32, #tpu.memory_space<vmem>> -> memref<80xi32, #tpu.memory_space<vmem>>
        %dma_start3A_440 = arith.constant 0 : i32
        %dma_start3A_441 = tpu.memref_slice %arg4[%mul3A_86, %dma_start3A_440] : memref<240000x64xf32, #tpu.memory_space<hbm>> -> memref<10000x64xf32, #tpu.memory_space<hbm>>
        %dma_start3A_442 = arith.constant 0 : i32
        %dma_start3A_443 = arith.constant 0 : i32
        %dma_start3A_444 = tpu.memref_slice %dma_start3A_441[%dma_start3A_442, %dma_start3A_443] : memref<10000x64xf32, #tpu.memory_space<hbm>> -> memref<10000x64xf32, #tpu.memory_space<hbm>>
        tpu.enqueue_indirect_dma source(%dma_start3A_444 : memref<10000x64xf32, #tpu.memory_space<hbm>>) target(%arg12 : memref<80x64xf32, #tpu.memory_space<vmem>>) offsets(%dma_start3A_439 : memref<80xi32, #tpu.memory_space<vmem>>) semaphore(%arg18 : memref<!tpu.dma_semaphore, #tpu.memory_space<semaphore_mem>>)
      } else {
      }
      "tpu.region"() ({
        %run_scoped3A = tpu.sem_alloc : memref<!tpu.dma_semaphore, #tpu.memory_space<semaphore_mem>>
        %dma_start3A_435 = arith.constant 0 : i32
        %dma_start3A_436 = tpu.memref_slice %arg11[%add3A_419, %dma_start3A_435] : memref<250x80xi32, #tpu.memory_space<vmem>> -> memref<1x80xi32, #tpu.memory_space<vmem>>
        %dma_start3A_437 = tpu.memref_squeeze %dma_start3A_436 : memref<1x80xi32, #tpu.memory_space<vmem>> -> memref<80xi32, #tpu.memory_space<vmem>>
        %dma_start3A_438 = arith.constant 0 : i32
        %dma_start3A_439 = arith.constant 0 : i32
        %dma_start3A_440 = tpu.memref_slice %arg16[%dma_start3A_438, %dma_start3A_439] : memref<10240x64xf32, #tpu.memory_space<vmem_shared>> -> memref<10240x64xf32, #tpu.memory_space<vmem_shared>>
        tpu.enqueue_indirect_dma source(%arg13 : memref<80x64xf32, #tpu.memory_space<vmem>>) target(%dma_start3A_440 : memref<10240x64xf32, #tpu.memory_space<vmem_shared>>) offsets(%dma_start3A_437 : memref<80xi32, #tpu.memory_space<vmem>>) semaphore(%run_scoped3A : memref<!tpu.dma_semaphore, #tpu.memory_space<semaphore_mem>>) {add = true}
        %dma_wait3A_441 = arith.constant 0 : i32
        %dma_wait3A_442 = tpu.memref_slice %arg11[%add3A_419, %dma_wait3A_441] : memref<250x80xi32, #tpu.memory_space<vmem>> -> memref<1x80xi32, #tpu.memory_space<vmem>>
        %dma_wait3A_443 = tpu.memref_squeeze %dma_wait3A_442 : memref<1x80xi32, #tpu.memory_space<vmem>> -> memref<80xi32, #tpu.memory_space<vmem>>
        %dma_wait3A_444 = arith.constant 0 : i32
        %dma_wait3A_445 = arith.constant 0 : i32
        %dma_wait3A_446 = tpu.memref_slice %arg16[%dma_wait3A_444, %dma_wait3A_445] : memref<10240x64xf32, #tpu.memory_space<vmem_shared>> -> memref<10240x64xf32, #tpu.memory_space<vmem_shared>>
        tpu.wait_indirect_dma semaphore(%run_scoped3A : memref<!tpu.dma_semaphore, #tpu.memory_space<semaphore_mem>>) src(%arg13 : memref<80x64xf32, #tpu.memory_space<vmem>>) dst(%dma_wait3A_446 : memref<10240x64xf32, #tpu.memory_space<vmem_shared>>)
        tpu.yield
      }) : () -> ()
    }
    %scan3A_101 = arith.constant 125 : i32
    %barrier3A_102 = arith.constant 0 : index
    tpu.barrier barrier_id(%barrier3A_102)
    "tpu.region"() ({
      %run_scoped3A = tpu.sem_alloc : memref<!tpu.dma_semaphore, #tpu.memory_space<semaphore_mem>>
      %dma_start3A_400 = arith.constant 0 : i32
      %dma_start3A_401 = tpu.memref_slice %arg8[%add3A_84, %mul3A_0, %dma_start3A_400] : memref<24x10240x64xf32, #tpu.memory_space<hbm>> -> memref<1x640x64xf32, #tpu.memory_space<hbm>>
      %dma_start3A_402 = tpu.memref_squeeze %dma_start3A_401 : memref<1x640x64xf32, #tpu.memory_space<hbm>> -> memref<640x64xf32, #tpu.memory_space<hbm>>
      %dma_start3A_403 = arith.constant 0 : i32
      %dma_start3A_404 = tpu.memref_slice %arg16[%mul3A_0, %dma_start3A_403] : memref<10240x64xf32, #tpu.memory_space<vmem_shared>> -> memref<640x64xf32, #tpu.memory_space<vmem_shared>>
      tpu.enqueue_dma source(%dma_start3A_404 : memref<640x64xf32, #tpu.memory_space<vmem_shared>>) target(%dma_start3A_402 : memref<640x64xf32, #tpu.memory_space<hbm>>) target_semaphore(%run_scoped3A : memref<!tpu.dma_semaphore, #tpu.memory_space<semaphore_mem>>)
      %dma_wait3A = arith.constant 0 : i32
      %dma_wait3A_405 = tpu.memref_slice %arg8[%add3A_84, %mul3A_0, %dma_wait3A] : memref<24x10240x64xf32, #tpu.memory_space<hbm>> -> memref<1x640x64xf32, #tpu.memory_space<hbm>>
      %dma_wait3A_406 = tpu.memref_squeeze %dma_wait3A_405 : memref<1x640x64xf32, #tpu.memory_space<hbm>> -> memref<640x64xf32, #tpu.memory_space<hbm>>
      %dma_wait3A_407 = arith.constant 0 : i32
      %dma_wait3A_408 = tpu.memref_slice %arg16[%mul3A_0, %dma_wait3A_407] : memref<10240x64xf32, #tpu.memory_space<vmem_shared>> -> memref<640x64xf32, #tpu.memory_space<vmem_shared>>
      tpu.wait_dma2 semaphore(%run_scoped3A : memref<!tpu.dma_semaphore, #tpu.memory_space<semaphore_mem>>) src(%dma_wait3A_408 : memref<640x64xf32, #tpu.memory_space<vmem_shared>>) dst(%dma_wait3A_406 : memref<640x64xf32, #tpu.memory_space<hbm>>)
      tpu.yield
    }) : () -> ()
    %add3A_103 = arith.constant 0 : i32
    %add3A_104 = arith.addi %mul3A_0, %add3A_103 : i32
    "tpu.region"() ({
      %run_scoped3A = tpu.sem_alloc : memref<!tpu.dma_semaphore, #tpu.memory_space<semaphore_mem>>
      %dma_start3A_400 = arith.constant 0 : i32
      %dma_start3A_401 = tpu.memref_slice %arg16[%add3A_104, %dma_start3A_400] : memref<10240x64xf32, #tpu.memory_space<vmem_shared>> -> memref<128x64xf32, #tpu.memory_space<vmem_shared>>
      %dma_start3A_402 = arith.constant 0 : i32
      %dma_start3A_403 = tpu.memref_slice %arg16[%add3A_104, %dma_start3A_402] : memref<10240x64xf32, #tpu.memory_space<vmem_shared>> -> memref<128x64xf32, #tpu.memory_space<vmem_shared>>
      tpu.enqueue_dma source(%arg14 : memref<128x64xf32, #tpu.memory_space<vmem>>) target(%dma_start3A_403 : memref<128x64xf32, #tpu.memory_space<vmem_shared>>) target_semaphore(%run_scoped3A : memref<!tpu.dma_semaphore, #tpu.memory_space<semaphore_mem>>)
      %dma_wait3A = arith.constant 0 : i32
      %dma_wait3A_404 = tpu.memref_slice %arg16[%add3A_104, %dma_wait3A] : memref<10240x64xf32, #tpu.memory_space<vmem_shared>> -> memref<128x64xf32, #tpu.memory_space<vmem_shared>>
      %dma_wait3A_405 = arith.constant 0 : i32
      %dma_wait3A_406 = tpu.memref_slice %arg16[%add3A_104, %dma_wait3A_405] : memref<10240x64xf32, #tpu.memory_space<vmem_shared>> -> memref<128x64xf32, #tpu.memory_space<vmem_shared>>
      tpu.wait_dma2 semaphore(%run_scoped3A : memref<!tpu.dma_semaphore, #tpu.memory_space<semaphore_mem>>) src(%arg14 : memref<128x64xf32, #tpu.memory_space<vmem>>) dst(%dma_wait3A_406 : memref<128x64xf32, #tpu.memory_space<vmem_shared>>)
      tpu.yield
    }) : () -> ()
    %add3A_105 = arith.constant 128 : i32
    %add3A_106 = arith.addi %mul3A_0, %add3A_105 : i32
    "tpu.region"() ({
      %run_scoped3A = tpu.sem_alloc : memref<!tpu.dma_semaphore, #tpu.memory_space<semaphore_mem>>
      %dma_start3A_400 = arith.constant 0 : i32
      %dma_start3A_401 = tpu.memref_slice %arg16[%add3A_106, %dma_start3A_400] : memref<10240x64xf32, #tpu.memory_space<vmem_shared>> -> memref<128x64xf32, #tpu.memory_space<vmem_shared>>
      %dma_start3A_402 = arith.constant 0 : i32
      %dma_start3A_403 = tpu.memref_slice %arg16[%add3A_106, %dma_start3A_402] : memref<10240x64xf32, #tpu.memory_space<vmem_shared>> -> memref<128x64xf32, #tpu.memory_space<vmem_shared>>
      tpu.enqueue_dma source(%arg14 : memref<128x64xf32, #tpu.memory_space<vmem>>) target(%dma_start3A_403 : memref<128x64xf32, #tpu.memory_space<vmem_shared>>) target_semaphore(%run_scoped3A : memref<!tpu.dma_semaphore, #tpu.memory_space<semaphore_mem>>)
      %dma_wait3A = arith.constant 0 : i32
      %dma_wait3A_404 = tpu.memref_slice %arg16[%add3A_106, %dma_wait3A] : memref<10240x64xf32, #tpu.memory_space<vmem_shared>> -> memref<128x64xf32, #tpu.memory_space<vmem_shared>>
      %dma_wait3A_405 = arith.constant 0 : i32
      %dma_wait3A_406 = tpu.memref_slice %arg16[%add3A_106, %dma_wait3A_405] : memref<10240x64xf32, #tpu.memory_space<vmem_shared>> -> memref<128x64xf32, #tpu.memory_space<vmem_shared>>
      tpu.wait_dma2 semaphore(%run_scoped3A : memref<!tpu.dma_semaphore, #tpu.memory_space<semaphore_mem>>) src(%arg14 : memref<128x64xf32, #tpu.memory_space<vmem>>) dst(%dma_wait3A_406 : memref<128x64xf32, #tpu.memory_space<vmem_shared>>)
      tpu.yield
    }) : () -> ()
    %add3A_107 = arith.constant 256 : i32
    %add3A_108 = arith.addi %mul3A_0, %add3A_107 : i32
    "tpu.region"() ({
      %run_scoped3A = tpu.sem_alloc : memref<!tpu.dma_semaphore, #tpu.memory_space<semaphore_mem>>
      %dma_start3A_400 = arith.constant 0 : i32
      %dma_start3A_401 = tpu.memref_slice %arg16[%add3A_108, %dma_start3A_400] : memref<10240x64xf32, #tpu.memory_space<vmem_shared>> -> memref<128x64xf32, #tpu.memory_space<vmem_shared>>
      %dma_start3A_402 = arith.constant 0 : i32
      %dma_start3A_403 = tpu.memref_slice %arg16[%add3A_108, %dma_start3A_402] : memref<10240x64xf32, #tpu.memory_space<vmem_shared>> -> memref<128x64xf32, #tpu.memory_space<vmem_shared>>
      tpu.enqueue_dma source(%arg14 : memref<128x64xf32, #tpu.memory_space<vmem>>) target(%dma_start3A_403 : memref<128x64xf32, #tpu.memory_space<vmem_shared>>) target_semaphore(%run_scoped3A : memref<!tpu.dma_semaphore, #tpu.memory_space<semaphore_mem>>)
      %dma_wait3A = arith.constant 0 : i32
      %dma_wait3A_404 = tpu.memref_slice %arg16[%add3A_108, %dma_wait3A] : memref<10240x64xf32, #tpu.memory_space<vmem_shared>> -> memref<128x64xf32, #tpu.memory_space<vmem_shared>>
      %dma_wait3A_405 = arith.constant 0 : i32
      %dma_wait3A_406 = tpu.memref_slice %arg16[%add3A_108, %dma_wait3A_405] : memref<10240x64xf32, #tpu.memory_space<vmem_shared>> -> memref<128x64xf32, #tpu.memory_space<vmem_shared>>
      tpu.wait_dma2 semaphore(%run_scoped3A : memref<!tpu.dma_semaphore, #tpu.memory_space<semaphore_mem>>) src(%arg14 : memref<128x64xf32, #tpu.memory_space<vmem>>) dst(%dma_wait3A_406 : memref<128x64xf32, #tpu.memory_space<vmem_shared>>)
      tpu.yield
    }) : () -> ()
    %add3A_109 = arith.constant 384 : i32
    %add3A_110 = arith.addi %mul3A_0, %add3A_109 : i32
    "tpu.region"() ({
      %run_scoped3A = tpu.sem_alloc : memref<!tpu.dma_semaphore, #tpu.memory_space<semaphore_mem>>
      %dma_start3A_400 = arith.constant 0 : i32
      %dma_start3A_401 = tpu.memref_slice %arg16[%add3A_110, %dma_start3A_400] : memref<10240x64xf32, #tpu.memory_space<vmem_shared>> -> memref<128x64xf32, #tpu.memory_space<vmem_shared>>
      %dma_start3A_402 = arith.constant 0 : i32
      %dma_start3A_403 = tpu.memref_slice %arg16[%add3A_110, %dma_start3A_402] : memref<10240x64xf32, #tpu.memory_space<vmem_shared>> -> memref<128x64xf32, #tpu.memory_space<vmem_shared>>
      tpu.enqueue_dma source(%arg14 : memref<128x64xf32, #tpu.memory_space<vmem>>) target(%dma_start3A_403 : memref<128x64xf32, #tpu.memory_space<vmem_shared>>) target_semaphore(%run_scoped3A : memref<!tpu.dma_semaphore, #tpu.memory_space<semaphore_mem>>)
      %dma_wait3A = arith.constant 0 : i32
      %dma_wait3A_404 = tpu.memref_slice %arg16[%add3A_110, %dma_wait3A] : memref<10240x64xf32, #tpu.memory_space<vmem_shared>> -> memref<128x64xf32, #tpu.memory_space<vmem_shared>>
      %dma_wait3A_405 = arith.constant 0 : i32
      %dma_wait3A_406 = tpu.memref_slice %arg16[%add3A_110, %dma_wait3A_405] : memref<10240x64xf32, #tpu.memory_space<vmem_shared>> -> memref<128x64xf32, #tpu.memory_space<vmem_shared>>
      tpu.wait_dma2 semaphore(%run_scoped3A : memref<!tpu.dma_semaphore, #tpu.memory_space<semaphore_mem>>) src(%arg14 : memref<128x64xf32, #tpu.memory_space<vmem>>) dst(%dma_wait3A_406 : memref<128x64xf32, #tpu.memory_space<vmem_shared>>)
      tpu.yield
    }) : () -> ()
    %add3A_111 = arith.constant 512 : i32
    %add3A_112 = arith.addi %mul3A_0, %add3A_111 : i32
    "tpu.region"() ({
      %run_scoped3A = tpu.sem_alloc : memref<!tpu.dma_semaphore, #tpu.memory_space<semaphore_mem>>
      %dma_start3A_400 = arith.constant 0 : i32
      %dma_start3A_401 = tpu.memref_slice %arg16[%add3A_112, %dma_start3A_400] : memref<10240x64xf32, #tpu.memory_space<vmem_shared>> -> memref<128x64xf32, #tpu.memory_space<vmem_shared>>
      %dma_start3A_402 = arith.constant 0 : i32
      %dma_start3A_403 = tpu.memref_slice %arg16[%add3A_112, %dma_start3A_402] : memref<10240x64xf32, #tpu.memory_space<vmem_shared>> -> memref<128x64xf32, #tpu.memory_space<vmem_shared>>
      tpu.enqueue_dma source(%arg14 : memref<128x64xf32, #tpu.memory_space<vmem>>) target(%dma_start3A_403 : memref<128x64xf32, #tpu.memory_space<vmem_shared>>) target_semaphore(%run_scoped3A : memref<!tpu.dma_semaphore, #tpu.memory_space<semaphore_mem>>)
      %dma_wait3A = arith.constant 0 : i32
      %dma_wait3A_404 = tpu.memref_slice %arg16[%add3A_112, %dma_wait3A] : memref<10240x64xf32, #tpu.memory_space<vmem_shared>> -> memref<128x64xf32, #tpu.memory_space<vmem_shared>>
      %dma_wait3A_405 = arith.constant 0 : i32
      %dma_wait3A_406 = tpu.memref_slice %arg16[%add3A_112, %dma_wait3A_405] : memref<10240x64xf32, #tpu.memory_space<vmem_shared>> -> memref<128x64xf32, #tpu.memory_space<vmem_shared>>
      tpu.wait_dma2 semaphore(%run_scoped3A : memref<!tpu.dma_semaphore, #tpu.memory_space<semaphore_mem>>) src(%arg14 : memref<128x64xf32, #tpu.memory_space<vmem>>) dst(%dma_wait3A_406 : memref<128x64xf32, #tpu.memory_space<vmem_shared>>)
      tpu.yield
    }) : () -> ()
    %barrier3A_113 = arith.constant 0 : index
    tpu.barrier barrier_id(%barrier3A_113)
    %mul3A_114 = arith.constant 12 : i32
    %mul3A_115 = arith.muli %arg0, %mul3A_114 : i32
    %add3A_116 = arith.constant 3 : i32
    %add3A_117 = arith.addi %mul3A_115, %add3A_116 : i32
    %mul3A_118 = arith.constant 10000 : i32
    %mul3A_119 = arith.muli %add3A_117, %mul3A_118 : i32
    %dma_start3A_120 = arith.constant 0 : i32
    %dma_start3A_121 = arith.constant 0 : i32
    %dma_start3A_122 = tpu.memref_slice %arg10[%dma_start3A_120, %dma_start3A_121] : memref<250x80xi32, #tpu.memory_space<vmem>> -> memref<1x80xi32, #tpu.memory_space<vmem>>
    %dma_start3A_123 = tpu.memref_squeeze %dma_start3A_122 : memref<1x80xi32, #tpu.memory_space<vmem>> -> memref<80xi32, #tpu.memory_space<vmem>>
    %dma_start3A_124 = arith.constant 0 : i32
    %dma_start3A_125 = tpu.memref_slice %arg4[%mul3A_119, %dma_start3A_124] : memref<240000x64xf32, #tpu.memory_space<hbm>> -> memref<10000x64xf32, #tpu.memory_space<hbm>>
    %dma_start3A_126 = arith.constant 0 : i32
    %dma_start3A_127 = arith.constant 0 : i32
    %dma_start3A_128 = tpu.memref_slice %dma_start3A_125[%dma_start3A_126, %dma_start3A_127] : memref<10000x64xf32, #tpu.memory_space<hbm>> -> memref<10000x64xf32, #tpu.memory_space<hbm>>
    tpu.enqueue_indirect_dma source(%dma_start3A_128 : memref<10000x64xf32, #tpu.memory_space<hbm>>) target(%arg12 : memref<80x64xf32, #tpu.memory_space<vmem>>) offsets(%dma_start3A_123 : memref<80xi32, #tpu.memory_space<vmem>>) semaphore(%arg18 : memref<!tpu.dma_semaphore, #tpu.memory_space<semaphore_mem>>)
    %scan3A_129 = arith.constant 0 : i32
    %scan3A_130 = arith.constant 0 : i32
    %scan3A_131 = arith.constant 125 : i32
    %scan3A_132 = arith.addi %scan3A_130, %scan3A_131 : i32
    %scan3A_133 = arith.constant 1 : i32
    scf.for %scan3A_400 = %scan3A_130 to %scan3A_132 step %scan3A_133  : i32 {
      %mul3A_401 = arith.constant 2 : i32
      %mul3A_402 = arith.muli %mul3A_401, %scan3A_400 : i32
      %add3A_403 = arith.constant 0 : i32
      %add3A_404 = arith.addi %mul3A_402, %add3A_403 : i32
      %dma_wait3A = arith.constant 0 : i32
      %dma_wait3A_405 = tpu.memref_slice %arg10[%add3A_404, %dma_wait3A] : memref<250x80xi32, #tpu.memory_space<vmem>> -> memref<1x80xi32, #tpu.memory_space<vmem>>
      %dma_wait3A_406 = tpu.memref_squeeze %dma_wait3A_405 : memref<1x80xi32, #tpu.memory_space<vmem>> -> memref<80xi32, #tpu.memory_space<vmem>>
      %dma_wait3A_407 = arith.constant 0 : i32
      %dma_wait3A_408 = tpu.memref_slice %arg4[%mul3A_119, %dma_wait3A_407] : memref<240000x64xf32, #tpu.memory_space<hbm>> -> memref<10000x64xf32, #tpu.memory_space<hbm>>
      %dma_wait3A_409 = arith.constant 0 : i32
      %dma_wait3A_410 = arith.constant 0 : i32
      %dma_wait3A_411 = tpu.memref_slice %dma_wait3A_408[%dma_wait3A_409, %dma_wait3A_410] : memref<10000x64xf32, #tpu.memory_space<hbm>> -> memref<10000x64xf32, #tpu.memory_space<hbm>>
      tpu.wait_indirect_dma semaphore(%arg18 : memref<!tpu.dma_semaphore, #tpu.memory_space<semaphore_mem>>) src(%dma_wait3A_411 : memref<10000x64xf32, #tpu.memory_space<hbm>>) dst(%arg12 : memref<80x64xf32, #tpu.memory_space<vmem>>)
      %add3A_412 = arith.constant 1 : i32
      %add3A_413 = arith.addi %add3A_404, %add3A_412 : i32
      %lt3A = arith.constant 250 : i32
      %lt3A_414 = arith.cmpi slt, %add3A_413, %lt3A : i32
      %convert_element_type3A_415 = arith.extui %lt3A_414 : i1 to i32
      %cond3A_416 = arith.constant 0 : i32
      %cond3A_417 = arith.cmpi ne, %convert_element_type3A_415, %cond3A_416 : i32
      scf.if %cond3A_417 {
        %add3A_435 = arith.constant 1 : i32
        %add3A_436 = arith.addi %add3A_404, %add3A_435 : i32
        %dma_start3A_437 = arith.constant 0 : i32
        %dma_start3A_438 = tpu.memref_slice %arg10[%add3A_436, %dma_start3A_437] : memref<250x80xi32, #tpu.memory_space<vmem>> -> memref<1x80xi32, #tpu.memory_space<vmem>>
        %dma_start3A_439 = tpu.memref_squeeze %dma_start3A_438 : memref<1x80xi32, #tpu.memory_space<vmem>> -> memref<80xi32, #tpu.memory_space<vmem>>
        %dma_start3A_440 = arith.constant 0 : i32
        %dma_start3A_441 = tpu.memref_slice %arg4[%mul3A_119, %dma_start3A_440] : memref<240000x64xf32, #tpu.memory_space<hbm>> -> memref<10000x64xf32, #tpu.memory_space<hbm>>
        %dma_start3A_442 = arith.constant 0 : i32
        %dma_start3A_443 = arith.constant 0 : i32
        %dma_start3A_444 = tpu.memref_slice %dma_start3A_441[%dma_start3A_442, %dma_start3A_443] : memref<10000x64xf32, #tpu.memory_space<hbm>> -> memref<10000x64xf32, #tpu.memory_space<hbm>>
        tpu.enqueue_indirect_dma source(%dma_start3A_444 : memref<10000x64xf32, #tpu.memory_space<hbm>>) target(%arg13 : memref<80x64xf32, #tpu.memory_space<vmem>>) offsets(%dma_start3A_439 : memref<80xi32, #tpu.memory_space<vmem>>) semaphore(%arg19 : memref<!tpu.dma_semaphore, #tpu.memory_space<semaphore_mem>>)
      } else {
      }
      "tpu.region"() ({
        %run_scoped3A = tpu.sem_alloc : memref<!tpu.dma_semaphore, #tpu.memory_space<semaphore_mem>>
        %dma_start3A_435 = arith.constant 0 : i32
        %dma_start3A_436 = tpu.memref_slice %arg11[%add3A_404, %dma_start3A_435] : memref<250x80xi32, #tpu.memory_space<vmem>> -> memref<1x80xi32, #tpu.memory_space<vmem>>
        %dma_start3A_437 = tpu.memref_squeeze %dma_start3A_436 : memref<1x80xi32, #tpu.memory_space<vmem>> -> memref<80xi32, #tpu.memory_space<vmem>>
        %dma_start3A_438 = arith.constant 0 : i32
        %dma_start3A_439 = arith.constant 0 : i32
        %dma_start3A_440 = tpu.memref_slice %arg16[%dma_start3A_438, %dma_start3A_439] : memref<10240x64xf32, #tpu.memory_space<vmem_shared>> -> memref<10240x64xf32, #tpu.memory_space<vmem_shared>>
        tpu.enqueue_indirect_dma source(%arg12 : memref<80x64xf32, #tpu.memory_space<vmem>>) target(%dma_start3A_440 : memref<10240x64xf32, #tpu.memory_space<vmem_shared>>) offsets(%dma_start3A_437 : memref<80xi32, #tpu.memory_space<vmem>>) semaphore(%run_scoped3A : memref<!tpu.dma_semaphore, #tpu.memory_space<semaphore_mem>>) {add = true}
        %dma_wait3A_441 = arith.constant 0 : i32
        %dma_wait3A_442 = tpu.memref_slice %arg11[%add3A_404, %dma_wait3A_441] : memref<250x80xi32, #tpu.memory_space<vmem>> -> memref<1x80xi32, #tpu.memory_space<vmem>>
        %dma_wait3A_443 = tpu.memref_squeeze %dma_wait3A_442 : memref<1x80xi32, #tpu.memory_space<vmem>> -> memref<80xi32, #tpu.memory_space<vmem>>
        %dma_wait3A_444 = arith.constant 0 : i32
        %dma_wait3A_445 = arith.constant 0 : i32
        %dma_wait3A_446 = tpu.memref_slice %arg16[%dma_wait3A_444, %dma_wait3A_445] : memref<10240x64xf32, #tpu.memory_space<vmem_shared>> -> memref<10240x64xf32, #tpu.memory_space<vmem_shared>>
        tpu.wait_indirect_dma semaphore(%run_scoped3A : memref<!tpu.dma_semaphore, #tpu.memory_space<semaphore_mem>>) src(%arg12 : memref<80x64xf32, #tpu.memory_space<vmem>>) dst(%dma_wait3A_446 : memref<10240x64xf32, #tpu.memory_space<vmem_shared>>)
        tpu.yield
      }) : () -> ()
      %add3A_418 = arith.constant 1 : i32
      %add3A_419 = arith.addi %mul3A_402, %add3A_418 : i32
      %dma_wait3A_420 = arith.constant 0 : i32
      %dma_wait3A_421 = tpu.memref_slice %arg10[%add3A_419, %dma_wait3A_420] : memref<250x80xi32, #tpu.memory_space<vmem>> -> memref<1x80xi32, #tpu.memory_space<vmem>>
      %dma_wait3A_422 = tpu.memref_squeeze %dma_wait3A_421 : memref<1x80xi32, #tpu.memory_space<vmem>> -> memref<80xi32, #tpu.memory_space<vmem>>
      %dma_wait3A_423 = arith.constant 0 : i32
      %dma_wait3A_424 = tpu.memref_slice %arg4[%mul3A_119, %dma_wait3A_423] : memref<240000x64xf32, #tpu.memory_space<hbm>> -> memref<10000x64xf32, #tpu.memory_space<hbm>>
      %dma_wait3A_425 = arith.constant 0 : i32
      %dma_wait3A_426 = arith.constant 0 : i32
      %dma_wait3A_427 = tpu.memref_slice %dma_wait3A_424[%dma_wait3A_425, %dma_wait3A_426] : memref<10000x64xf32, #tpu.memory_space<hbm>> -> memref<10000x64xf32, #tpu.memory_space<hbm>>
      tpu.wait_indirect_dma semaphore(%arg19 : memref<!tpu.dma_semaphore, #tpu.memory_space<semaphore_mem>>) src(%dma_wait3A_427 : memref<10000x64xf32, #tpu.memory_space<hbm>>) dst(%arg13 : memref<80x64xf32, #tpu.memory_space<vmem>>)
      %add3A_428 = arith.constant 1 : i32
      %add3A_429 = arith.addi %add3A_419, %add3A_428 : i32
      %lt3A_430 = arith.constant 250 : i32
      %lt3A_431 = arith.cmpi slt, %add3A_429, %lt3A_430 : i32
      %convert_element_type3A_432 = arith.extui %lt3A_431 : i1 to i32
      %cond3A_433 = arith.constant 0 : i32
      %cond3A_434 = arith.cmpi ne, %convert_element_type3A_432, %cond3A_433 : i32
      scf.if %cond3A_434 {
        %add3A_435 = arith.constant 1 : i32
        %add3A_436 = arith.addi %add3A_419, %add3A_435 : i32
        %dma_start3A_437 = arith.constant 0 : i32
        %dma_start3A_438 = tpu.memref_slice %arg10[%add3A_436, %dma_start3A_437] : memref<250x80xi32, #tpu.memory_space<vmem>> -> memref<1x80xi32, #tpu.memory_space<vmem>>
        %dma_start3A_439 = tpu.memref_squeeze %dma_start3A_438 : memref<1x80xi32, #tpu.memory_space<vmem>> -> memref<80xi32, #tpu.memory_space<vmem>>
        %dma_start3A_440 = arith.constant 0 : i32
        %dma_start3A_441 = tpu.memref_slice %arg4[%mul3A_119, %dma_start3A_440] : memref<240000x64xf32, #tpu.memory_space<hbm>> -> memref<10000x64xf32, #tpu.memory_space<hbm>>
        %dma_start3A_442 = arith.constant 0 : i32
        %dma_start3A_443 = arith.constant 0 : i32
        %dma_start3A_444 = tpu.memref_slice %dma_start3A_441[%dma_start3A_442, %dma_start3A_443] : memref<10000x64xf32, #tpu.memory_space<hbm>> -> memref<10000x64xf32, #tpu.memory_space<hbm>>
        tpu.enqueue_indirect_dma source(%dma_start3A_444 : memref<10000x64xf32, #tpu.memory_space<hbm>>) target(%arg12 : memref<80x64xf32, #tpu.memory_space<vmem>>) offsets(%dma_start3A_439 : memref<80xi32, #tpu.memory_space<vmem>>) semaphore(%arg18 : memref<!tpu.dma_semaphore, #tpu.memory_space<semaphore_mem>>)
      } else {
      }
      "tpu.region"() ({
        %run_scoped3A = tpu.sem_alloc : memref<!tpu.dma_semaphore, #tpu.memory_space<semaphore_mem>>
        %dma_start3A_435 = arith.constant 0 : i32
        %dma_start3A_436 = tpu.memref_slice %arg11[%add3A_419, %dma_start3A_435] : memref<250x80xi32, #tpu.memory_space<vmem>> -> memref<1x80xi32, #tpu.memory_space<vmem>>
        %dma_start3A_437 = tpu.memref_squeeze %dma_start3A_436 : memref<1x80xi32, #tpu.memory_space<vmem>> -> memref<80xi32, #tpu.memory_space<vmem>>
        %dma_start3A_438 = arith.constant 0 : i32
        %dma_start3A_439 = arith.constant 0 : i32
        %dma_start3A_440 = tpu.memref_slice %arg16[%dma_start3A_438, %dma_start3A_439] : memref<10240x64xf32, #tpu.memory_space<vmem_shared>> -> memref<10240x64xf32, #tpu.memory_space<vmem_shared>>
        tpu.enqueue_indirect_dma source(%arg13 : memref<80x64xf32, #tpu.memory_space<vmem>>) target(%dma_start3A_440 : memref<10240x64xf32, #tpu.memory_space<vmem_shared>>) offsets(%dma_start3A_437 : memref<80xi32, #tpu.memory_space<vmem>>) semaphore(%run_scoped3A : memref<!tpu.dma_semaphore, #tpu.memory_space<semaphore_mem>>) {add = true}
        %dma_wait3A_441 = arith.constant 0 : i32
        %dma_wait3A_442 = tpu.memref_slice %arg11[%add3A_419, %dma_wait3A_441] : memref<250x80xi32, #tpu.memory_space<vmem>> -> memref<1x80xi32, #tpu.memory_space<vmem>>
        %dma_wait3A_443 = tpu.memref_squeeze %dma_wait3A_442 : memref<1x80xi32, #tpu.memory_space<vmem>> -> memref<80xi32, #tpu.memory_space<vmem>>
        %dma_wait3A_444 = arith.constant 0 : i32
        %dma_wait3A_445 = arith.constant 0 : i32
        %dma_wait3A_446 = tpu.memref_slice %arg16[%dma_wait3A_444, %dma_wait3A_445] : memref<10240x64xf32, #tpu.memory_space<vmem_shared>> -> memref<10240x64xf32, #tpu.memory_space<vmem_shared>>
        tpu.wait_indirect_dma semaphore(%run_scoped3A : memref<!tpu.dma_semaphore, #tpu.memory_space<semaphore_mem>>) src(%arg13 : memref<80x64xf32, #tpu.memory_space<vmem>>) dst(%dma_wait3A_446 : memref<10240x64xf32, #tpu.memory_space<vmem_shared>>)
        tpu.yield
      }) : () -> ()
    }
    %scan3A_134 = arith.constant 125 : i32
    %barrier3A_135 = arith.constant 0 : index
    tpu.barrier barrier_id(%barrier3A_135)
    "tpu.region"() ({
      %run_scoped3A = tpu.sem_alloc : memref<!tpu.dma_semaphore, #tpu.memory_space<semaphore_mem>>
      %dma_start3A_400 = arith.constant 0 : i32
      %dma_start3A_401 = tpu.memref_slice %arg8[%add3A_117, %mul3A_0, %dma_start3A_400] : memref<24x10240x64xf32, #tpu.memory_space<hbm>> -> memref<1x640x64xf32, #tpu.memory_space<hbm>>
      %dma_start3A_402 = tpu.memref_squeeze %dma_start3A_401 : memref<1x640x64xf32, #tpu.memory_space<hbm>> -> memref<640x64xf32, #tpu.memory_space<hbm>>
      %dma_start3A_403 = arith.constant 0 : i32
      %dma_start3A_404 = tpu.memref_slice %arg16[%mul3A_0, %dma_start3A_403] : memref<10240x64xf32, #tpu.memory_space<vmem_shared>> -> memref<640x64xf32, #tpu.memory_space<vmem_shared>>
      tpu.enqueue_dma source(%dma_start3A_404 : memref<640x64xf32, #tpu.memory_space<vmem_shared>>) target(%dma_start3A_402 : memref<640x64xf32, #tpu.memory_space<hbm>>) target_semaphore(%run_scoped3A : memref<!tpu.dma_semaphore, #tpu.memory_space<semaphore_mem>>)
      %dma_wait3A = arith.constant 0 : i32
      %dma_wait3A_405 = tpu.memref_slice %arg8[%add3A_117, %mul3A_0, %dma_wait3A] : memref<24x10240x64xf32, #tpu.memory_space<hbm>> -> memref<1x640x64xf32, #tpu.memory_space<hbm>>
      %dma_wait3A_406 = tpu.memref_squeeze %dma_wait3A_405 : memref<1x640x64xf32, #tpu.memory_space<hbm>> -> memref<640x64xf32, #tpu.memory_space<hbm>>
      %dma_wait3A_407 = arith.constant 0 : i32
      %dma_wait3A_408 = tpu.memref_slice %arg16[%mul3A_0, %dma_wait3A_407] : memref<10240x64xf32, #tpu.memory_space<vmem_shared>> -> memref<640x64xf32, #tpu.memory_space<vmem_shared>>
      tpu.wait_dma2 semaphore(%run_scoped3A : memref<!tpu.dma_semaphore, #tpu.memory_space<semaphore_mem>>) src(%dma_wait3A_408 : memref<640x64xf32, #tpu.memory_space<vmem_shared>>) dst(%dma_wait3A_406 : memref<640x64xf32, #tpu.memory_space<hbm>>)
      tpu.yield
    }) : () -> ()
    %add3A_136 = arith.constant 0 : i32
    %add3A_137 = arith.addi %mul3A_0, %add3A_136 : i32
    "tpu.region"() ({
      %run_scoped3A = tpu.sem_alloc : memref<!tpu.dma_semaphore, #tpu.memory_space<semaphore_mem>>
      %dma_start3A_400 = arith.constant 0 : i32
      %dma_start3A_401 = tpu.memref_slice %arg16[%add3A_137, %dma_start3A_400] : memref<10240x64xf32, #tpu.memory_space<vmem_shared>> -> memref<128x64xf32, #tpu.memory_space<vmem_shared>>
      %dma_start3A_402 = arith.constant 0 : i32
      %dma_start3A_403 = tpu.memref_slice %arg16[%add3A_137, %dma_start3A_402] : memref<10240x64xf32, #tpu.memory_space<vmem_shared>> -> memref<128x64xf32, #tpu.memory_space<vmem_shared>>
      tpu.enqueue_dma source(%arg14 : memref<128x64xf32, #tpu.memory_space<vmem>>) target(%dma_start3A_403 : memref<128x64xf32, #tpu.memory_space<vmem_shared>>) target_semaphore(%run_scoped3A : memref<!tpu.dma_semaphore, #tpu.memory_space<semaphore_mem>>)
      %dma_wait3A = arith.constant 0 : i32
      %dma_wait3A_404 = tpu.memref_slice %arg16[%add3A_137, %dma_wait3A] : memref<10240x64xf32, #tpu.memory_space<vmem_shared>> -> memref<128x64xf32, #tpu.memory_space<vmem_shared>>
      %dma_wait3A_405 = arith.constant 0 : i32
      %dma_wait3A_406 = tpu.memref_slice %arg16[%add3A_137, %dma_wait3A_405] : memref<10240x64xf32, #tpu.memory_space<vmem_shared>> -> memref<128x64xf32, #tpu.memory_space<vmem_shared>>
      tpu.wait_dma2 semaphore(%run_scoped3A : memref<!tpu.dma_semaphore, #tpu.memory_space<semaphore_mem>>) src(%arg14 : memref<128x64xf32, #tpu.memory_space<vmem>>) dst(%dma_wait3A_406 : memref<128x64xf32, #tpu.memory_space<vmem_shared>>)
      tpu.yield
    }) : () -> ()
    %add3A_138 = arith.constant 128 : i32
    %add3A_139 = arith.addi %mul3A_0, %add3A_138 : i32
    "tpu.region"() ({
      %run_scoped3A = tpu.sem_alloc : memref<!tpu.dma_semaphore, #tpu.memory_space<semaphore_mem>>
      %dma_start3A_400 = arith.constant 0 : i32
      %dma_start3A_401 = tpu.memref_slice %arg16[%add3A_139, %dma_start3A_400] : memref<10240x64xf32, #tpu.memory_space<vmem_shared>> -> memref<128x64xf32, #tpu.memory_space<vmem_shared>>
      %dma_start3A_402 = arith.constant 0 : i32
      %dma_start3A_403 = tpu.memref_slice %arg16[%add3A_139, %dma_start3A_402] : memref<10240x64xf32, #tpu.memory_space<vmem_shared>> -> memref<128x64xf32, #tpu.memory_space<vmem_shared>>
      tpu.enqueue_dma source(%arg14 : memref<128x64xf32, #tpu.memory_space<vmem>>) target(%dma_start3A_403 : memref<128x64xf32, #tpu.memory_space<vmem_shared>>) target_semaphore(%run_scoped3A : memref<!tpu.dma_semaphore, #tpu.memory_space<semaphore_mem>>)
      %dma_wait3A = arith.constant 0 : i32
      %dma_wait3A_404 = tpu.memref_slice %arg16[%add3A_139, %dma_wait3A] : memref<10240x64xf32, #tpu.memory_space<vmem_shared>> -> memref<128x64xf32, #tpu.memory_space<vmem_shared>>
      %dma_wait3A_405 = arith.constant 0 : i32
      %dma_wait3A_406 = tpu.memref_slice %arg16[%add3A_139, %dma_wait3A_405] : memref<10240x64xf32, #tpu.memory_space<vmem_shared>> -> memref<128x64xf32, #tpu.memory_space<vmem_shared>>
      tpu.wait_dma2 semaphore(%run_scoped3A : memref<!tpu.dma_semaphore, #tpu.memory_space<semaphore_mem>>) src(%arg14 : memref<128x64xf32, #tpu.memory_space<vmem>>) dst(%dma_wait3A_406 : memref<128x64xf32, #tpu.memory_space<vmem_shared>>)
      tpu.yield
    }) : () -> ()
    %add3A_140 = arith.constant 256 : i32
    %add3A_141 = arith.addi %mul3A_0, %add3A_140 : i32
    "tpu.region"() ({
      %run_scoped3A = tpu.sem_alloc : memref<!tpu.dma_semaphore, #tpu.memory_space<semaphore_mem>>
      %dma_start3A_400 = arith.constant 0 : i32
      %dma_start3A_401 = tpu.memref_slice %arg16[%add3A_141, %dma_start3A_400] : memref<10240x64xf32, #tpu.memory_space<vmem_shared>> -> memref<128x64xf32, #tpu.memory_space<vmem_shared>>
      %dma_start3A_402 = arith.constant 0 : i32
      %dma_start3A_403 = tpu.memref_slice %arg16[%add3A_141, %dma_start3A_402] : memref<10240x64xf32, #tpu.memory_space<vmem_shared>> -> memref<128x64xf32, #tpu.memory_space<vmem_shared>>
      tpu.enqueue_dma source(%arg14 : memref<128x64xf32, #tpu.memory_space<vmem>>) target(%dma_start3A_403 : memref<128x64xf32, #tpu.memory_space<vmem_shared>>) target_semaphore(%run_scoped3A : memref<!tpu.dma_semaphore, #tpu.memory_space<semaphore_mem>>)
      %dma_wait3A = arith.constant 0 : i32
      %dma_wait3A_404 = tpu.memref_slice %arg16[%add3A_141, %dma_wait3A] : memref<10240x64xf32, #tpu.memory_space<vmem_shared>> -> memref<128x64xf32, #tpu.memory_space<vmem_shared>>
      %dma_wait3A_405 = arith.constant 0 : i32
      %dma_wait3A_406 = tpu.memref_slice %arg16[%add3A_141, %dma_wait3A_405] : memref<10240x64xf32, #tpu.memory_space<vmem_shared>> -> memref<128x64xf32, #tpu.memory_space<vmem_shared>>
      tpu.wait_dma2 semaphore(%run_scoped3A : memref<!tpu.dma_semaphore, #tpu.memory_space<semaphore_mem>>) src(%arg14 : memref<128x64xf32, #tpu.memory_space<vmem>>) dst(%dma_wait3A_406 : memref<128x64xf32, #tpu.memory_space<vmem_shared>>)
      tpu.yield
    }) : () -> ()
    %add3A_142 = arith.constant 384 : i32
    %add3A_143 = arith.addi %mul3A_0, %add3A_142 : i32
    "tpu.region"() ({
      %run_scoped3A = tpu.sem_alloc : memref<!tpu.dma_semaphore, #tpu.memory_space<semaphore_mem>>
      %dma_start3A_400 = arith.constant 0 : i32
      %dma_start3A_401 = tpu.memref_slice %arg16[%add3A_143, %dma_start3A_400] : memref<10240x64xf32, #tpu.memory_space<vmem_shared>> -> memref<128x64xf32, #tpu.memory_space<vmem_shared>>
      %dma_start3A_402 = arith.constant 0 : i32
      %dma_start3A_403 = tpu.memref_slice %arg16[%add3A_143, %dma_start3A_402] : memref<10240x64xf32, #tpu.memory_space<vmem_shared>> -> memref<128x64xf32, #tpu.memory_space<vmem_shared>>
      tpu.enqueue_dma source(%arg14 : memref<128x64xf32, #tpu.memory_space<vmem>>) target(%dma_start3A_403 : memref<128x64xf32, #tpu.memory_space<vmem_shared>>) target_semaphore(%run_scoped3A : memref<!tpu.dma_semaphore, #tpu.memory_space<semaphore_mem>>)
      %dma_wait3A = arith.constant 0 : i32
      %dma_wait3A_404 = tpu.memref_slice %arg16[%add3A_143, %dma_wait3A] : memref<10240x64xf32, #tpu.memory_space<vmem_shared>> -> memref<128x64xf32, #tpu.memory_space<vmem_shared>>
      %dma_wait3A_405 = arith.constant 0 : i32
      %dma_wait3A_406 = tpu.memref_slice %arg16[%add3A_143, %dma_wait3A_405] : memref<10240x64xf32, #tpu.memory_space<vmem_shared>> -> memref<128x64xf32, #tpu.memory_space<vmem_shared>>
      tpu.wait_dma2 semaphore(%run_scoped3A : memref<!tpu.dma_semaphore, #tpu.memory_space<semaphore_mem>>) src(%arg14 : memref<128x64xf32, #tpu.memory_space<vmem>>) dst(%dma_wait3A_406 : memref<128x64xf32, #tpu.memory_space<vmem_shared>>)
      tpu.yield
    }) : () -> ()
    %add3A_144 = arith.constant 512 : i32
    %add3A_145 = arith.addi %mul3A_0, %add3A_144 : i32
    "tpu.region"() ({
      %run_scoped3A = tpu.sem_alloc : memref<!tpu.dma_semaphore, #tpu.memory_space<semaphore_mem>>
      %dma_start3A_400 = arith.constant 0 : i32
      %dma_start3A_401 = tpu.memref_slice %arg16[%add3A_145, %dma_start3A_400] : memref<10240x64xf32, #tpu.memory_space<vmem_shared>> -> memref<128x64xf32, #tpu.memory_space<vmem_shared>>
      %dma_start3A_402 = arith.constant 0 : i32
      %dma_start3A_403 = tpu.memref_slice %arg16[%add3A_145, %dma_start3A_402] : memref<10240x64xf32, #tpu.memory_space<vmem_shared>> -> memref<128x64xf32, #tpu.memory_space<vmem_shared>>
      tpu.enqueue_dma source(%arg14 : memref<128x64xf32, #tpu.memory_space<vmem>>) target(%dma_start3A_403 : memref<128x64xf32, #tpu.memory_space<vmem_shared>>) target_semaphore(%run_scoped3A : memref<!tpu.dma_semaphore, #tpu.memory_space<semaphore_mem>>)
      %dma_wait3A = arith.constant 0 : i32
      %dma_wait3A_404 = tpu.memref_slice %arg16[%add3A_145, %dma_wait3A] : memref<10240x64xf32, #tpu.memory_space<vmem_shared>> -> memref<128x64xf32, #tpu.memory_space<vmem_shared>>
      %dma_wait3A_405 = arith.constant 0 : i32
      %dma_wait3A_406 = tpu.memref_slice %arg16[%add3A_145, %dma_wait3A_405] : memref<10240x64xf32, #tpu.memory_space<vmem_shared>> -> memref<128x64xf32, #tpu.memory_space<vmem_shared>>
      tpu.wait_dma2 semaphore(%run_scoped3A : memref<!tpu.dma_semaphore, #tpu.memory_space<semaphore_mem>>) src(%arg14 : memref<128x64xf32, #tpu.memory_space<vmem>>) dst(%dma_wait3A_406 : memref<128x64xf32, #tpu.memory_space<vmem_shared>>)
      tpu.yield
    }) : () -> ()
    %barrier3A_146 = arith.constant 0 : index
    tpu.barrier barrier_id(%barrier3A_146)
    %mul3A_147 = arith.constant 12 : i32
    %mul3A_148 = arith.muli %arg0, %mul3A_147 : i32
    %add3A_149 = arith.constant 4 : i32
    %add3A_150 = arith.addi %mul3A_148, %add3A_149 : i32
    %mul3A_151 = arith.constant 10000 : i32
    %mul3A_152 = arith.muli %add3A_150, %mul3A_151 : i32
    %dma_start3A_153 = arith.constant 0 : i32
    %dma_start3A_154 = arith.constant 0 : i32
    %dma_start3A_155 = tpu.memref_slice %arg10[%dma_start3A_153, %dma_start3A_154] : memref<250x80xi32, #tpu.memory_space<vmem>> -> memref<1x80xi32, #tpu.memory_space<vmem>>
    %dma_start3A_156 = tpu.memref_squeeze %dma_start3A_155 : memref<1x80xi32, #tpu.memory_space<vmem>> -> memref<80xi32, #tpu.memory_space<vmem>>
    %dma_start3A_157 = arith.constant 0 : i32
    %dma_start3A_158 = tpu.memref_slice %arg4[%mul3A_152, %dma_start3A_157] : memref<240000x64xf32, #tpu.memory_space<hbm>> -> memref<10000x64xf32, #tpu.memory_space<hbm>>
    %dma_start3A_159 = arith.constant 0 : i32
    %dma_start3A_160 = arith.constant 0 : i32
    %dma_start3A_161 = tpu.memref_slice %dma_start3A_158[%dma_start3A_159, %dma_start3A_160] : memref<10000x64xf32, #tpu.memory_space<hbm>> -> memref<10000x64xf32, #tpu.memory_space<hbm>>
    tpu.enqueue_indirect_dma source(%dma_start3A_161 : memref<10000x64xf32, #tpu.memory_space<hbm>>) target(%arg12 : memref<80x64xf32, #tpu.memory_space<vmem>>) offsets(%dma_start3A_156 : memref<80xi32, #tpu.memory_space<vmem>>) semaphore(%arg18 : memref<!tpu.dma_semaphore, #tpu.memory_space<semaphore_mem>>)
    %scan3A_162 = arith.constant 0 : i32
    %scan3A_163 = arith.constant 0 : i32
    %scan3A_164 = arith.constant 125 : i32
    %scan3A_165 = arith.addi %scan3A_163, %scan3A_164 : i32
    %scan3A_166 = arith.constant 1 : i32
    scf.for %scan3A_400 = %scan3A_163 to %scan3A_165 step %scan3A_166  : i32 {
      %mul3A_401 = arith.constant 2 : i32
      %mul3A_402 = arith.muli %mul3A_401, %scan3A_400 : i32
      %add3A_403 = arith.constant 0 : i32
      %add3A_404 = arith.addi %mul3A_402, %add3A_403 : i32
      %dma_wait3A = arith.constant 0 : i32
      %dma_wait3A_405 = tpu.memref_slice %arg10[%add3A_404, %dma_wait3A] : memref<250x80xi32, #tpu.memory_space<vmem>> -> memref<1x80xi32, #tpu.memory_space<vmem>>
      %dma_wait3A_406 = tpu.memref_squeeze %dma_wait3A_405 : memref<1x80xi32, #tpu.memory_space<vmem>> -> memref<80xi32, #tpu.memory_space<vmem>>
      %dma_wait3A_407 = arith.constant 0 : i32
      %dma_wait3A_408 = tpu.memref_slice %arg4[%mul3A_152, %dma_wait3A_407] : memref<240000x64xf32, #tpu.memory_space<hbm>> -> memref<10000x64xf32, #tpu.memory_space<hbm>>
      %dma_wait3A_409 = arith.constant 0 : i32
      %dma_wait3A_410 = arith.constant 0 : i32
      %dma_wait3A_411 = tpu.memref_slice %dma_wait3A_408[%dma_wait3A_409, %dma_wait3A_410] : memref<10000x64xf32, #tpu.memory_space<hbm>> -> memref<10000x64xf32, #tpu.memory_space<hbm>>
      tpu.wait_indirect_dma semaphore(%arg18 : memref<!tpu.dma_semaphore, #tpu.memory_space<semaphore_mem>>) src(%dma_wait3A_411 : memref<10000x64xf32, #tpu.memory_space<hbm>>) dst(%arg12 : memref<80x64xf32, #tpu.memory_space<vmem>>)
      %add3A_412 = arith.constant 1 : i32
      %add3A_413 = arith.addi %add3A_404, %add3A_412 : i32
      %lt3A = arith.constant 250 : i32
      %lt3A_414 = arith.cmpi slt, %add3A_413, %lt3A : i32
      %convert_element_type3A_415 = arith.extui %lt3A_414 : i1 to i32
      %cond3A_416 = arith.constant 0 : i32
      %cond3A_417 = arith.cmpi ne, %convert_element_type3A_415, %cond3A_416 : i32
      scf.if %cond3A_417 {
        %add3A_435 = arith.constant 1 : i32
        %add3A_436 = arith.addi %add3A_404, %add3A_435 : i32
        %dma_start3A_437 = arith.constant 0 : i32
        %dma_start3A_438 = tpu.memref_slice %arg10[%add3A_436, %dma_start3A_437] : memref<250x80xi32, #tpu.memory_space<vmem>> -> memref<1x80xi32, #tpu.memory_space<vmem>>
        %dma_start3A_439 = tpu.memref_squeeze %dma_start3A_438 : memref<1x80xi32, #tpu.memory_space<vmem>> -> memref<80xi32, #tpu.memory_space<vmem>>
        %dma_start3A_440 = arith.constant 0 : i32
        %dma_start3A_441 = tpu.memref_slice %arg4[%mul3A_152, %dma_start3A_440] : memref<240000x64xf32, #tpu.memory_space<hbm>> -> memref<10000x64xf32, #tpu.memory_space<hbm>>
        %dma_start3A_442 = arith.constant 0 : i32
        %dma_start3A_443 = arith.constant 0 : i32
        %dma_start3A_444 = tpu.memref_slice %dma_start3A_441[%dma_start3A_442, %dma_start3A_443] : memref<10000x64xf32, #tpu.memory_space<hbm>> -> memref<10000x64xf32, #tpu.memory_space<hbm>>
        tpu.enqueue_indirect_dma source(%dma_start3A_444 : memref<10000x64xf32, #tpu.memory_space<hbm>>) target(%arg13 : memref<80x64xf32, #tpu.memory_space<vmem>>) offsets(%dma_start3A_439 : memref<80xi32, #tpu.memory_space<vmem>>) semaphore(%arg19 : memref<!tpu.dma_semaphore, #tpu.memory_space<semaphore_mem>>)
      } else {
      }
      "tpu.region"() ({
        %run_scoped3A = tpu.sem_alloc : memref<!tpu.dma_semaphore, #tpu.memory_space<semaphore_mem>>
        %dma_start3A_435 = arith.constant 0 : i32
        %dma_start3A_436 = tpu.memref_slice %arg11[%add3A_404, %dma_start3A_435] : memref<250x80xi32, #tpu.memory_space<vmem>> -> memref<1x80xi32, #tpu.memory_space<vmem>>
        %dma_start3A_437 = tpu.memref_squeeze %dma_start3A_436 : memref<1x80xi32, #tpu.memory_space<vmem>> -> memref<80xi32, #tpu.memory_space<vmem>>
        %dma_start3A_438 = arith.constant 0 : i32
        %dma_start3A_439 = arith.constant 0 : i32
        %dma_start3A_440 = tpu.memref_slice %arg16[%dma_start3A_438, %dma_start3A_439] : memref<10240x64xf32, #tpu.memory_space<vmem_shared>> -> memref<10240x64xf32, #tpu.memory_space<vmem_shared>>
        tpu.enqueue_indirect_dma source(%arg12 : memref<80x64xf32, #tpu.memory_space<vmem>>) target(%dma_start3A_440 : memref<10240x64xf32, #tpu.memory_space<vmem_shared>>) offsets(%dma_start3A_437 : memref<80xi32, #tpu.memory_space<vmem>>) semaphore(%run_scoped3A : memref<!tpu.dma_semaphore, #tpu.memory_space<semaphore_mem>>) {add = true}
        %dma_wait3A_441 = arith.constant 0 : i32
        %dma_wait3A_442 = tpu.memref_slice %arg11[%add3A_404, %dma_wait3A_441] : memref<250x80xi32, #tpu.memory_space<vmem>> -> memref<1x80xi32, #tpu.memory_space<vmem>>
        %dma_wait3A_443 = tpu.memref_squeeze %dma_wait3A_442 : memref<1x80xi32, #tpu.memory_space<vmem>> -> memref<80xi32, #tpu.memory_space<vmem>>
        %dma_wait3A_444 = arith.constant 0 : i32
        %dma_wait3A_445 = arith.constant 0 : i32
        %dma_wait3A_446 = tpu.memref_slice %arg16[%dma_wait3A_444, %dma_wait3A_445] : memref<10240x64xf32, #tpu.memory_space<vmem_shared>> -> memref<10240x64xf32, #tpu.memory_space<vmem_shared>>
        tpu.wait_indirect_dma semaphore(%run_scoped3A : memref<!tpu.dma_semaphore, #tpu.memory_space<semaphore_mem>>) src(%arg12 : memref<80x64xf32, #tpu.memory_space<vmem>>) dst(%dma_wait3A_446 : memref<10240x64xf32, #tpu.memory_space<vmem_shared>>)
        tpu.yield
      }) : () -> ()
      %add3A_418 = arith.constant 1 : i32
      %add3A_419 = arith.addi %mul3A_402, %add3A_418 : i32
      %dma_wait3A_420 = arith.constant 0 : i32
      %dma_wait3A_421 = tpu.memref_slice %arg10[%add3A_419, %dma_wait3A_420] : memref<250x80xi32, #tpu.memory_space<vmem>> -> memref<1x80xi32, #tpu.memory_space<vmem>>
      %dma_wait3A_422 = tpu.memref_squeeze %dma_wait3A_421 : memref<1x80xi32, #tpu.memory_space<vmem>> -> memref<80xi32, #tpu.memory_space<vmem>>
      %dma_wait3A_423 = arith.constant 0 : i32
      %dma_wait3A_424 = tpu.memref_slice %arg4[%mul3A_152, %dma_wait3A_423] : memref<240000x64xf32, #tpu.memory_space<hbm>> -> memref<10000x64xf32, #tpu.memory_space<hbm>>
      %dma_wait3A_425 = arith.constant 0 : i32
      %dma_wait3A_426 = arith.constant 0 : i32
      %dma_wait3A_427 = tpu.memref_slice %dma_wait3A_424[%dma_wait3A_425, %dma_wait3A_426] : memref<10000x64xf32, #tpu.memory_space<hbm>> -> memref<10000x64xf32, #tpu.memory_space<hbm>>
      tpu.wait_indirect_dma semaphore(%arg19 : memref<!tpu.dma_semaphore, #tpu.memory_space<semaphore_mem>>) src(%dma_wait3A_427 : memref<10000x64xf32, #tpu.memory_space<hbm>>) dst(%arg13 : memref<80x64xf32, #tpu.memory_space<vmem>>)
      %add3A_428 = arith.constant 1 : i32
      %add3A_429 = arith.addi %add3A_419, %add3A_428 : i32
      %lt3A_430 = arith.constant 250 : i32
      %lt3A_431 = arith.cmpi slt, %add3A_429, %lt3A_430 : i32
      %convert_element_type3A_432 = arith.extui %lt3A_431 : i1 to i32
      %cond3A_433 = arith.constant 0 : i32
      %cond3A_434 = arith.cmpi ne, %convert_element_type3A_432, %cond3A_433 : i32
      scf.if %cond3A_434 {
        %add3A_435 = arith.constant 1 : i32
        %add3A_436 = arith.addi %add3A_419, %add3A_435 : i32
        %dma_start3A_437 = arith.constant 0 : i32
        %dma_start3A_438 = tpu.memref_slice %arg10[%add3A_436, %dma_start3A_437] : memref<250x80xi32, #tpu.memory_space<vmem>> -> memref<1x80xi32, #tpu.memory_space<vmem>>
        %dma_start3A_439 = tpu.memref_squeeze %dma_start3A_438 : memref<1x80xi32, #tpu.memory_space<vmem>> -> memref<80xi32, #tpu.memory_space<vmem>>
        %dma_start3A_440 = arith.constant 0 : i32
        %dma_start3A_441 = tpu.memref_slice %arg4[%mul3A_152, %dma_start3A_440] : memref<240000x64xf32, #tpu.memory_space<hbm>> -> memref<10000x64xf32, #tpu.memory_space<hbm>>
        %dma_start3A_442 = arith.constant 0 : i32
        %dma_start3A_443 = arith.constant 0 : i32
        %dma_start3A_444 = tpu.memref_slice %dma_start3A_441[%dma_start3A_442, %dma_start3A_443] : memref<10000x64xf32, #tpu.memory_space<hbm>> -> memref<10000x64xf32, #tpu.memory_space<hbm>>
        tpu.enqueue_indirect_dma source(%dma_start3A_444 : memref<10000x64xf32, #tpu.memory_space<hbm>>) target(%arg12 : memref<80x64xf32, #tpu.memory_space<vmem>>) offsets(%dma_start3A_439 : memref<80xi32, #tpu.memory_space<vmem>>) semaphore(%arg18 : memref<!tpu.dma_semaphore, #tpu.memory_space<semaphore_mem>>)
      } else {
      }
      "tpu.region"() ({
        %run_scoped3A = tpu.sem_alloc : memref<!tpu.dma_semaphore, #tpu.memory_space<semaphore_mem>>
        %dma_start3A_435 = arith.constant 0 : i32
        %dma_start3A_436 = tpu.memref_slice %arg11[%add3A_419, %dma_start3A_435] : memref<250x80xi32, #tpu.memory_space<vmem>> -> memref<1x80xi32, #tpu.memory_space<vmem>>
        %dma_start3A_437 = tpu.memref_squeeze %dma_start3A_436 : memref<1x80xi32, #tpu.memory_space<vmem>> -> memref<80xi32, #tpu.memory_space<vmem>>
        %dma_start3A_438 = arith.constant 0 : i32
        %dma_start3A_439 = arith.constant 0 : i32
        %dma_start3A_440 = tpu.memref_slice %arg16[%dma_start3A_438, %dma_start3A_439] : memref<10240x64xf32, #tpu.memory_space<vmem_shared>> -> memref<10240x64xf32, #tpu.memory_space<vmem_shared>>
        tpu.enqueue_indirect_dma source(%arg13 : memref<80x64xf32, #tpu.memory_space<vmem>>) target(%dma_start3A_440 : memref<10240x64xf32, #tpu.memory_space<vmem_shared>>) offsets(%dma_start3A_437 : memref<80xi32, #tpu.memory_space<vmem>>) semaphore(%run_scoped3A : memref<!tpu.dma_semaphore, #tpu.memory_space<semaphore_mem>>) {add = true}
        %dma_wait3A_441 = arith.constant 0 : i32
        %dma_wait3A_442 = tpu.memref_slice %arg11[%add3A_419, %dma_wait3A_441] : memref<250x80xi32, #tpu.memory_space<vmem>> -> memref<1x80xi32, #tpu.memory_space<vmem>>
        %dma_wait3A_443 = tpu.memref_squeeze %dma_wait3A_442 : memref<1x80xi32, #tpu.memory_space<vmem>> -> memref<80xi32, #tpu.memory_space<vmem>>
        %dma_wait3A_444 = arith.constant 0 : i32
        %dma_wait3A_445 = arith.constant 0 : i32
        %dma_wait3A_446 = tpu.memref_slice %arg16[%dma_wait3A_444, %dma_wait3A_445] : memref<10240x64xf32, #tpu.memory_space<vmem_shared>> -> memref<10240x64xf32, #tpu.memory_space<vmem_shared>>
        tpu.wait_indirect_dma semaphore(%run_scoped3A : memref<!tpu.dma_semaphore, #tpu.memory_space<semaphore_mem>>) src(%arg13 : memref<80x64xf32, #tpu.memory_space<vmem>>) dst(%dma_wait3A_446 : memref<10240x64xf32, #tpu.memory_space<vmem_shared>>)
        tpu.yield
      }) : () -> ()
    }
    %scan3A_167 = arith.constant 125 : i32
    %barrier3A_168 = arith.constant 0 : index
    tpu.barrier barrier_id(%barrier3A_168)
    "tpu.region"() ({
      %run_scoped3A = tpu.sem_alloc : memref<!tpu.dma_semaphore, #tpu.memory_space<semaphore_mem>>
      %dma_start3A_400 = arith.constant 0 : i32
      %dma_start3A_401 = tpu.memref_slice %arg8[%add3A_150, %mul3A_0, %dma_start3A_400] : memref<24x10240x64xf32, #tpu.memory_space<hbm>> -> memref<1x640x64xf32, #tpu.memory_space<hbm>>
      %dma_start3A_402 = tpu.memref_squeeze %dma_start3A_401 : memref<1x640x64xf32, #tpu.memory_space<hbm>> -> memref<640x64xf32, #tpu.memory_space<hbm>>
      %dma_start3A_403 = arith.constant 0 : i32
      %dma_start3A_404 = tpu.memref_slice %arg16[%mul3A_0, %dma_start3A_403] : memref<10240x64xf32, #tpu.memory_space<vmem_shared>> -> memref<640x64xf32, #tpu.memory_space<vmem_shared>>
      tpu.enqueue_dma source(%dma_start3A_404 : memref<640x64xf32, #tpu.memory_space<vmem_shared>>) target(%dma_start3A_402 : memref<640x64xf32, #tpu.memory_space<hbm>>) target_semaphore(%run_scoped3A : memref<!tpu.dma_semaphore, #tpu.memory_space<semaphore_mem>>)
      %dma_wait3A = arith.constant 0 : i32
      %dma_wait3A_405 = tpu.memref_slice %arg8[%add3A_150, %mul3A_0, %dma_wait3A] : memref<24x10240x64xf32, #tpu.memory_space<hbm>> -> memref<1x640x64xf32, #tpu.memory_space<hbm>>
      %dma_wait3A_406 = tpu.memref_squeeze %dma_wait3A_405 : memref<1x640x64xf32, #tpu.memory_space<hbm>> -> memref<640x64xf32, #tpu.memory_space<hbm>>
      %dma_wait3A_407 = arith.constant 0 : i32
      %dma_wait3A_408 = tpu.memref_slice %arg16[%mul3A_0, %dma_wait3A_407] : memref<10240x64xf32, #tpu.memory_space<vmem_shared>> -> memref<640x64xf32, #tpu.memory_space<vmem_shared>>
      tpu.wait_dma2 semaphore(%run_scoped3A : memref<!tpu.dma_semaphore, #tpu.memory_space<semaphore_mem>>) src(%dma_wait3A_408 : memref<640x64xf32, #tpu.memory_space<vmem_shared>>) dst(%dma_wait3A_406 : memref<640x64xf32, #tpu.memory_space<hbm>>)
      tpu.yield
    }) : () -> ()
    %add3A_169 = arith.constant 0 : i32
    %add3A_170 = arith.addi %mul3A_0, %add3A_169 : i32
    "tpu.region"() ({
      %run_scoped3A = tpu.sem_alloc : memref<!tpu.dma_semaphore, #tpu.memory_space<semaphore_mem>>
      %dma_start3A_400 = arith.constant 0 : i32
      %dma_start3A_401 = tpu.memref_slice %arg16[%add3A_170, %dma_start3A_400] : memref<10240x64xf32, #tpu.memory_space<vmem_shared>> -> memref<128x64xf32, #tpu.memory_space<vmem_shared>>
      %dma_start3A_402 = arith.constant 0 : i32
      %dma_start3A_403 = tpu.memref_slice %arg16[%add3A_170, %dma_start3A_402] : memref<10240x64xf32, #tpu.memory_space<vmem_shared>> -> memref<128x64xf32, #tpu.memory_space<vmem_shared>>
      tpu.enqueue_dma source(%arg14 : memref<128x64xf32, #tpu.memory_space<vmem>>) target(%dma_start3A_403 : memref<128x64xf32, #tpu.memory_space<vmem_shared>>) target_semaphore(%run_scoped3A : memref<!tpu.dma_semaphore, #tpu.memory_space<semaphore_mem>>)
      %dma_wait3A = arith.constant 0 : i32
      %dma_wait3A_404 = tpu.memref_slice %arg16[%add3A_170, %dma_wait3A] : memref<10240x64xf32, #tpu.memory_space<vmem_shared>> -> memref<128x64xf32, #tpu.memory_space<vmem_shared>>
      %dma_wait3A_405 = arith.constant 0 : i32
      %dma_wait3A_406 = tpu.memref_slice %arg16[%add3A_170, %dma_wait3A_405] : memref<10240x64xf32, #tpu.memory_space<vmem_shared>> -> memref<128x64xf32, #tpu.memory_space<vmem_shared>>
      tpu.wait_dma2 semaphore(%run_scoped3A : memref<!tpu.dma_semaphore, #tpu.memory_space<semaphore_mem>>) src(%arg14 : memref<128x64xf32, #tpu.memory_space<vmem>>) dst(%dma_wait3A_406 : memref<128x64xf32, #tpu.memory_space<vmem_shared>>)
      tpu.yield
    }) : () -> ()
    %add3A_171 = arith.constant 128 : i32
    %add3A_172 = arith.addi %mul3A_0, %add3A_171 : i32
    "tpu.region"() ({
      %run_scoped3A = tpu.sem_alloc : memref<!tpu.dma_semaphore, #tpu.memory_space<semaphore_mem>>
      %dma_start3A_400 = arith.constant 0 : i32
      %dma_start3A_401 = tpu.memref_slice %arg16[%add3A_172, %dma_start3A_400] : memref<10240x64xf32, #tpu.memory_space<vmem_shared>> -> memref<128x64xf32, #tpu.memory_space<vmem_shared>>
      %dma_start3A_402 = arith.constant 0 : i32
      %dma_start3A_403 = tpu.memref_slice %arg16[%add3A_172, %dma_start3A_402] : memref<10240x64xf32, #tpu.memory_space<vmem_shared>> -> memref<128x64xf32, #tpu.memory_space<vmem_shared>>
      tpu.enqueue_dma source(%arg14 : memref<128x64xf32, #tpu.memory_space<vmem>>) target(%dma_start3A_403 : memref<128x64xf32, #tpu.memory_space<vmem_shared>>) target_semaphore(%run_scoped3A : memref<!tpu.dma_semaphore, #tpu.memory_space<semaphore_mem>>)
      %dma_wait3A = arith.constant 0 : i32
      %dma_wait3A_404 = tpu.memref_slice %arg16[%add3A_172, %dma_wait3A] : memref<10240x64xf32, #tpu.memory_space<vmem_shared>> -> memref<128x64xf32, #tpu.memory_space<vmem_shared>>
      %dma_wait3A_405 = arith.constant 0 : i32
      %dma_wait3A_406 = tpu.memref_slice %arg16[%add3A_172, %dma_wait3A_405] : memref<10240x64xf32, #tpu.memory_space<vmem_shared>> -> memref<128x64xf32, #tpu.memory_space<vmem_shared>>
      tpu.wait_dma2 semaphore(%run_scoped3A : memref<!tpu.dma_semaphore, #tpu.memory_space<semaphore_mem>>) src(%arg14 : memref<128x64xf32, #tpu.memory_space<vmem>>) dst(%dma_wait3A_406 : memref<128x64xf32, #tpu.memory_space<vmem_shared>>)
      tpu.yield
    }) : () -> ()
    %add3A_173 = arith.constant 256 : i32
    %add3A_174 = arith.addi %mul3A_0, %add3A_173 : i32
    "tpu.region"() ({
      %run_scoped3A = tpu.sem_alloc : memref<!tpu.dma_semaphore, #tpu.memory_space<semaphore_mem>>
      %dma_start3A_400 = arith.constant 0 : i32
      %dma_start3A_401 = tpu.memref_slice %arg16[%add3A_174, %dma_start3A_400] : memref<10240x64xf32, #tpu.memory_space<vmem_shared>> -> memref<128x64xf32, #tpu.memory_space<vmem_shared>>
      %dma_start3A_402 = arith.constant 0 : i32
      %dma_start3A_403 = tpu.memref_slice %arg16[%add3A_174, %dma_start3A_402] : memref<10240x64xf32, #tpu.memory_space<vmem_shared>> -> memref<128x64xf32, #tpu.memory_space<vmem_shared>>
      tpu.enqueue_dma source(%arg14 : memref<128x64xf32, #tpu.memory_space<vmem>>) target(%dma_start3A_403 : memref<128x64xf32, #tpu.memory_space<vmem_shared>>) target_semaphore(%run_scoped3A : memref<!tpu.dma_semaphore, #tpu.memory_space<semaphore_mem>>)
      %dma_wait3A = arith.constant 0 : i32
      %dma_wait3A_404 = tpu.memref_slice %arg16[%add3A_174, %dma_wait3A] : memref<10240x64xf32, #tpu.memory_space<vmem_shared>> -> memref<128x64xf32, #tpu.memory_space<vmem_shared>>
      %dma_wait3A_405 = arith.constant 0 : i32
      %dma_wait3A_406 = tpu.memref_slice %arg16[%add3A_174, %dma_wait3A_405] : memref<10240x64xf32, #tpu.memory_space<vmem_shared>> -> memref<128x64xf32, #tpu.memory_space<vmem_shared>>
      tpu.wait_dma2 semaphore(%run_scoped3A : memref<!tpu.dma_semaphore, #tpu.memory_space<semaphore_mem>>) src(%arg14 : memref<128x64xf32, #tpu.memory_space<vmem>>) dst(%dma_wait3A_406 : memref<128x64xf32, #tpu.memory_space<vmem_shared>>)
      tpu.yield
    }) : () -> ()
    %add3A_175 = arith.constant 384 : i32
    %add3A_176 = arith.addi %mul3A_0, %add3A_175 : i32
    "tpu.region"() ({
      %run_scoped3A = tpu.sem_alloc : memref<!tpu.dma_semaphore, #tpu.memory_space<semaphore_mem>>
      %dma_start3A_400 = arith.constant 0 : i32
      %dma_start3A_401 = tpu.memref_slice %arg16[%add3A_176, %dma_start3A_400] : memref<10240x64xf32, #tpu.memory_space<vmem_shared>> -> memref<128x64xf32, #tpu.memory_space<vmem_shared>>
      %dma_start3A_402 = arith.constant 0 : i32
      %dma_start3A_403 = tpu.memref_slice %arg16[%add3A_176, %dma_start3A_402] : memref<10240x64xf32, #tpu.memory_space<vmem_shared>> -> memref<128x64xf32, #tpu.memory_space<vmem_shared>>
      tpu.enqueue_dma source(%arg14 : memref<128x64xf32, #tpu.memory_space<vmem>>) target(%dma_start3A_403 : memref<128x64xf32, #tpu.memory_space<vmem_shared>>) target_semaphore(%run_scoped3A : memref<!tpu.dma_semaphore, #tpu.memory_space<semaphore_mem>>)
      %dma_wait3A = arith.constant 0 : i32
      %dma_wait3A_404 = tpu.memref_slice %arg16[%add3A_176, %dma_wait3A] : memref<10240x64xf32, #tpu.memory_space<vmem_shared>> -> memref<128x64xf32, #tpu.memory_space<vmem_shared>>
      %dma_wait3A_405 = arith.constant 0 : i32
      %dma_wait3A_406 = tpu.memref_slice %arg16[%add3A_176, %dma_wait3A_405] : memref<10240x64xf32, #tpu.memory_space<vmem_shared>> -> memref<128x64xf32, #tpu.memory_space<vmem_shared>>
      tpu.wait_dma2 semaphore(%run_scoped3A : memref<!tpu.dma_semaphore, #tpu.memory_space<semaphore_mem>>) src(%arg14 : memref<128x64xf32, #tpu.memory_space<vmem>>) dst(%dma_wait3A_406 : memref<128x64xf32, #tpu.memory_space<vmem_shared>>)
      tpu.yield
    }) : () -> ()
    %add3A_177 = arith.constant 512 : i32
    %add3A_178 = arith.addi %mul3A_0, %add3A_177 : i32
    "tpu.region"() ({
      %run_scoped3A = tpu.sem_alloc : memref<!tpu.dma_semaphore, #tpu.memory_space<semaphore_mem>>
      %dma_start3A_400 = arith.constant 0 : i32
      %dma_start3A_401 = tpu.memref_slice %arg16[%add3A_178, %dma_start3A_400] : memref<10240x64xf32, #tpu.memory_space<vmem_shared>> -> memref<128x64xf32, #tpu.memory_space<vmem_shared>>
      %dma_start3A_402 = arith.constant 0 : i32
      %dma_start3A_403 = tpu.memref_slice %arg16[%add3A_178, %dma_start3A_402] : memref<10240x64xf32, #tpu.memory_space<vmem_shared>> -> memref<128x64xf32, #tpu.memory_space<vmem_shared>>
      tpu.enqueue_dma source(%arg14 : memref<128x64xf32, #tpu.memory_space<vmem>>) target(%dma_start3A_403 : memref<128x64xf32, #tpu.memory_space<vmem_shared>>) target_semaphore(%run_scoped3A : memref<!tpu.dma_semaphore, #tpu.memory_space<semaphore_mem>>)
      %dma_wait3A = arith.constant 0 : i32
      %dma_wait3A_404 = tpu.memref_slice %arg16[%add3A_178, %dma_wait3A] : memref<10240x64xf32, #tpu.memory_space<vmem_shared>> -> memref<128x64xf32, #tpu.memory_space<vmem_shared>>
      %dma_wait3A_405 = arith.constant 0 : i32
      %dma_wait3A_406 = tpu.memref_slice %arg16[%add3A_178, %dma_wait3A_405] : memref<10240x64xf32, #tpu.memory_space<vmem_shared>> -> memref<128x64xf32, #tpu.memory_space<vmem_shared>>
      tpu.wait_dma2 semaphore(%run_scoped3A : memref<!tpu.dma_semaphore, #tpu.memory_space<semaphore_mem>>) src(%arg14 : memref<128x64xf32, #tpu.memory_space<vmem>>) dst(%dma_wait3A_406 : memref<128x64xf32, #tpu.memory_space<vmem_shared>>)
      tpu.yield
    }) : () -> ()
    %barrier3A_179 = arith.constant 0 : index
    tpu.barrier barrier_id(%barrier3A_179)
    %mul3A_180 = arith.constant 12 : i32
    %mul3A_181 = arith.muli %arg0, %mul3A_180 : i32
    %add3A_182 = arith.constant 5 : i32
    %add3A_183 = arith.addi %mul3A_181, %add3A_182 : i32
    %mul3A_184 = arith.constant 10000 : i32
    %mul3A_185 = arith.muli %add3A_183, %mul3A_184 : i32
    %dma_start3A_186 = arith.constant 0 : i32
    %dma_start3A_187 = arith.constant 0 : i32
    %dma_start3A_188 = tpu.memref_slice %arg10[%dma_start3A_186, %dma_start3A_187] : memref<250x80xi32, #tpu.memory_space<vmem>> -> memref<1x80xi32, #tpu.memory_space<vmem>>
    %dma_start3A_189 = tpu.memref_squeeze %dma_start3A_188 : memref<1x80xi32, #tpu.memory_space<vmem>> -> memref<80xi32, #tpu.memory_space<vmem>>
    %dma_start3A_190 = arith.constant 0 : i32
    %dma_start3A_191 = tpu.memref_slice %arg4[%mul3A_185, %dma_start3A_190] : memref<240000x64xf32, #tpu.memory_space<hbm>> -> memref<10000x64xf32, #tpu.memory_space<hbm>>
    %dma_start3A_192 = arith.constant 0 : i32
    %dma_start3A_193 = arith.constant 0 : i32
    %dma_start3A_194 = tpu.memref_slice %dma_start3A_191[%dma_start3A_192, %dma_start3A_193] : memref<10000x64xf32, #tpu.memory_space<hbm>> -> memref<10000x64xf32, #tpu.memory_space<hbm>>
    tpu.enqueue_indirect_dma source(%dma_start3A_194 : memref<10000x64xf32, #tpu.memory_space<hbm>>) target(%arg12 : memref<80x64xf32, #tpu.memory_space<vmem>>) offsets(%dma_start3A_189 : memref<80xi32, #tpu.memory_space<vmem>>) semaphore(%arg18 : memref<!tpu.dma_semaphore, #tpu.memory_space<semaphore_mem>>)
    %scan3A_195 = arith.constant 0 : i32
    %scan3A_196 = arith.constant 0 : i32
    %scan3A_197 = arith.constant 125 : i32
    %scan3A_198 = arith.addi %scan3A_196, %scan3A_197 : i32
    %scan3A_199 = arith.constant 1 : i32
    scf.for %scan3A_400 = %scan3A_196 to %scan3A_198 step %scan3A_199  : i32 {
      %mul3A_401 = arith.constant 2 : i32
      %mul3A_402 = arith.muli %mul3A_401, %scan3A_400 : i32
      %add3A_403 = arith.constant 0 : i32
      %add3A_404 = arith.addi %mul3A_402, %add3A_403 : i32
      %dma_wait3A = arith.constant 0 : i32
      %dma_wait3A_405 = tpu.memref_slice %arg10[%add3A_404, %dma_wait3A] : memref<250x80xi32, #tpu.memory_space<vmem>> -> memref<1x80xi32, #tpu.memory_space<vmem>>
      %dma_wait3A_406 = tpu.memref_squeeze %dma_wait3A_405 : memref<1x80xi32, #tpu.memory_space<vmem>> -> memref<80xi32, #tpu.memory_space<vmem>>
      %dma_wait3A_407 = arith.constant 0 : i32
      %dma_wait3A_408 = tpu.memref_slice %arg4[%mul3A_185, %dma_wait3A_407] : memref<240000x64xf32, #tpu.memory_space<hbm>> -> memref<10000x64xf32, #tpu.memory_space<hbm>>
      %dma_wait3A_409 = arith.constant 0 : i32
      %dma_wait3A_410 = arith.constant 0 : i32
      %dma_wait3A_411 = tpu.memref_slice %dma_wait3A_408[%dma_wait3A_409, %dma_wait3A_410] : memref<10000x64xf32, #tpu.memory_space<hbm>> -> memref<10000x64xf32, #tpu.memory_space<hbm>>
      tpu.wait_indirect_dma semaphore(%arg18 : memref<!tpu.dma_semaphore, #tpu.memory_space<semaphore_mem>>) src(%dma_wait3A_411 : memref<10000x64xf32, #tpu.memory_space<hbm>>) dst(%arg12 : memref<80x64xf32, #tpu.memory_space<vmem>>)
      %add3A_412 = arith.constant 1 : i32
      %add3A_413 = arith.addi %add3A_404, %add3A_412 : i32
      %lt3A = arith.constant 250 : i32
      %lt3A_414 = arith.cmpi slt, %add3A_413, %lt3A : i32
      %convert_element_type3A_415 = arith.extui %lt3A_414 : i1 to i32
      %cond3A_416 = arith.constant 0 : i32
      %cond3A_417 = arith.cmpi ne, %convert_element_type3A_415, %cond3A_416 : i32
      scf.if %cond3A_417 {
        %add3A_435 = arith.constant 1 : i32
        %add3A_436 = arith.addi %add3A_404, %add3A_435 : i32
        %dma_start3A_437 = arith.constant 0 : i32
        %dma_start3A_438 = tpu.memref_slice %arg10[%add3A_436, %dma_start3A_437] : memref<250x80xi32, #tpu.memory_space<vmem>> -> memref<1x80xi32, #tpu.memory_space<vmem>>
        %dma_start3A_439 = tpu.memref_squeeze %dma_start3A_438 : memref<1x80xi32, #tpu.memory_space<vmem>> -> memref<80xi32, #tpu.memory_space<vmem>>
        %dma_start3A_440 = arith.constant 0 : i32
        %dma_start3A_441 = tpu.memref_slice %arg4[%mul3A_185, %dma_start3A_440] : memref<240000x64xf32, #tpu.memory_space<hbm>> -> memref<10000x64xf32, #tpu.memory_space<hbm>>
        %dma_start3A_442 = arith.constant 0 : i32
        %dma_start3A_443 = arith.constant 0 : i32
        %dma_start3A_444 = tpu.memref_slice %dma_start3A_441[%dma_start3A_442, %dma_start3A_443] : memref<10000x64xf32, #tpu.memory_space<hbm>> -> memref<10000x64xf32, #tpu.memory_space<hbm>>
        tpu.enqueue_indirect_dma source(%dma_start3A_444 : memref<10000x64xf32, #tpu.memory_space<hbm>>) target(%arg13 : memref<80x64xf32, #tpu.memory_space<vmem>>) offsets(%dma_start3A_439 : memref<80xi32, #tpu.memory_space<vmem>>) semaphore(%arg19 : memref<!tpu.dma_semaphore, #tpu.memory_space<semaphore_mem>>)
      } else {
      }
      "tpu.region"() ({
        %run_scoped3A = tpu.sem_alloc : memref<!tpu.dma_semaphore, #tpu.memory_space<semaphore_mem>>
        %dma_start3A_435 = arith.constant 0 : i32
        %dma_start3A_436 = tpu.memref_slice %arg11[%add3A_404, %dma_start3A_435] : memref<250x80xi32, #tpu.memory_space<vmem>> -> memref<1x80xi32, #tpu.memory_space<vmem>>
        %dma_start3A_437 = tpu.memref_squeeze %dma_start3A_436 : memref<1x80xi32, #tpu.memory_space<vmem>> -> memref<80xi32, #tpu.memory_space<vmem>>
        %dma_start3A_438 = arith.constant 0 : i32
        %dma_start3A_439 = arith.constant 0 : i32
        %dma_start3A_440 = tpu.memref_slice %arg16[%dma_start3A_438, %dma_start3A_439] : memref<10240x64xf32, #tpu.memory_space<vmem_shared>> -> memref<10240x64xf32, #tpu.memory_space<vmem_shared>>
        tpu.enqueue_indirect_dma source(%arg12 : memref<80x64xf32, #tpu.memory_space<vmem>>) target(%dma_start3A_440 : memref<10240x64xf32, #tpu.memory_space<vmem_shared>>) offsets(%dma_start3A_437 : memref<80xi32, #tpu.memory_space<vmem>>) semaphore(%run_scoped3A : memref<!tpu.dma_semaphore, #tpu.memory_space<semaphore_mem>>) {add = true}
        %dma_wait3A_441 = arith.constant 0 : i32
        %dma_wait3A_442 = tpu.memref_slice %arg11[%add3A_404, %dma_wait3A_441] : memref<250x80xi32, #tpu.memory_space<vmem>> -> memref<1x80xi32, #tpu.memory_space<vmem>>
        %dma_wait3A_443 = tpu.memref_squeeze %dma_wait3A_442 : memref<1x80xi32, #tpu.memory_space<vmem>> -> memref<80xi32, #tpu.memory_space<vmem>>
        %dma_wait3A_444 = arith.constant 0 : i32
        %dma_wait3A_445 = arith.constant 0 : i32
        %dma_wait3A_446 = tpu.memref_slice %arg16[%dma_wait3A_444, %dma_wait3A_445] : memref<10240x64xf32, #tpu.memory_space<vmem_shared>> -> memref<10240x64xf32, #tpu.memory_space<vmem_shared>>
        tpu.wait_indirect_dma semaphore(%run_scoped3A : memref<!tpu.dma_semaphore, #tpu.memory_space<semaphore_mem>>) src(%arg12 : memref<80x64xf32, #tpu.memory_space<vmem>>) dst(%dma_wait3A_446 : memref<10240x64xf32, #tpu.memory_space<vmem_shared>>)
        tpu.yield
      }) : () -> ()
      %add3A_418 = arith.constant 1 : i32
      %add3A_419 = arith.addi %mul3A_402, %add3A_418 : i32
      %dma_wait3A_420 = arith.constant 0 : i32
      %dma_wait3A_421 = tpu.memref_slice %arg10[%add3A_419, %dma_wait3A_420] : memref<250x80xi32, #tpu.memory_space<vmem>> -> memref<1x80xi32, #tpu.memory_space<vmem>>
      %dma_wait3A_422 = tpu.memref_squeeze %dma_wait3A_421 : memref<1x80xi32, #tpu.memory_space<vmem>> -> memref<80xi32, #tpu.memory_space<vmem>>
      %dma_wait3A_423 = arith.constant 0 : i32
      %dma_wait3A_424 = tpu.memref_slice %arg4[%mul3A_185, %dma_wait3A_423] : memref<240000x64xf32, #tpu.memory_space<hbm>> -> memref<10000x64xf32, #tpu.memory_space<hbm>>
      %dma_wait3A_425 = arith.constant 0 : i32
      %dma_wait3A_426 = arith.constant 0 : i32
      %dma_wait3A_427 = tpu.memref_slice %dma_wait3A_424[%dma_wait3A_425, %dma_wait3A_426] : memref<10000x64xf32, #tpu.memory_space<hbm>> -> memref<10000x64xf32, #tpu.memory_space<hbm>>
      tpu.wait_indirect_dma semaphore(%arg19 : memref<!tpu.dma_semaphore, #tpu.memory_space<semaphore_mem>>) src(%dma_wait3A_427 : memref<10000x64xf32, #tpu.memory_space<hbm>>) dst(%arg13 : memref<80x64xf32, #tpu.memory_space<vmem>>)
      %add3A_428 = arith.constant 1 : i32
      %add3A_429 = arith.addi %add3A_419, %add3A_428 : i32
      %lt3A_430 = arith.constant 250 : i32
      %lt3A_431 = arith.cmpi slt, %add3A_429, %lt3A_430 : i32
      %convert_element_type3A_432 = arith.extui %lt3A_431 : i1 to i32
      %cond3A_433 = arith.constant 0 : i32
      %cond3A_434 = arith.cmpi ne, %convert_element_type3A_432, %cond3A_433 : i32
      scf.if %cond3A_434 {
        %add3A_435 = arith.constant 1 : i32
        %add3A_436 = arith.addi %add3A_419, %add3A_435 : i32
        %dma_start3A_437 = arith.constant 0 : i32
        %dma_start3A_438 = tpu.memref_slice %arg10[%add3A_436, %dma_start3A_437] : memref<250x80xi32, #tpu.memory_space<vmem>> -> memref<1x80xi32, #tpu.memory_space<vmem>>
        %dma_start3A_439 = tpu.memref_squeeze %dma_start3A_438 : memref<1x80xi32, #tpu.memory_space<vmem>> -> memref<80xi32, #tpu.memory_space<vmem>>
        %dma_start3A_440 = arith.constant 0 : i32
        %dma_start3A_441 = tpu.memref_slice %arg4[%mul3A_185, %dma_start3A_440] : memref<240000x64xf32, #tpu.memory_space<hbm>> -> memref<10000x64xf32, #tpu.memory_space<hbm>>
        %dma_start3A_442 = arith.constant 0 : i32
        %dma_start3A_443 = arith.constant 0 : i32
        %dma_start3A_444 = tpu.memref_slice %dma_start3A_441[%dma_start3A_442, %dma_start3A_443] : memref<10000x64xf32, #tpu.memory_space<hbm>> -> memref<10000x64xf32, #tpu.memory_space<hbm>>
        tpu.enqueue_indirect_dma source(%dma_start3A_444 : memref<10000x64xf32, #tpu.memory_space<hbm>>) target(%arg12 : memref<80x64xf32, #tpu.memory_space<vmem>>) offsets(%dma_start3A_439 : memref<80xi32, #tpu.memory_space<vmem>>) semaphore(%arg18 : memref<!tpu.dma_semaphore, #tpu.memory_space<semaphore_mem>>)
      } else {
      }
      "tpu.region"() ({
        %run_scoped3A = tpu.sem_alloc : memref<!tpu.dma_semaphore, #tpu.memory_space<semaphore_mem>>
        %dma_start3A_435 = arith.constant 0 : i32
        %dma_start3A_436 = tpu.memref_slice %arg11[%add3A_419, %dma_start3A_435] : memref<250x80xi32, #tpu.memory_space<vmem>> -> memref<1x80xi32, #tpu.memory_space<vmem>>
        %dma_start3A_437 = tpu.memref_squeeze %dma_start3A_436 : memref<1x80xi32, #tpu.memory_space<vmem>> -> memref<80xi32, #tpu.memory_space<vmem>>
        %dma_start3A_438 = arith.constant 0 : i32
        %dma_start3A_439 = arith.constant 0 : i32
        %dma_start3A_440 = tpu.memref_slice %arg16[%dma_start3A_438, %dma_start3A_439] : memref<10240x64xf32, #tpu.memory_space<vmem_shared>> -> memref<10240x64xf32, #tpu.memory_space<vmem_shared>>
        tpu.enqueue_indirect_dma source(%arg13 : memref<80x64xf32, #tpu.memory_space<vmem>>) target(%dma_start3A_440 : memref<10240x64xf32, #tpu.memory_space<vmem_shared>>) offsets(%dma_start3A_437 : memref<80xi32, #tpu.memory_space<vmem>>) semaphore(%run_scoped3A : memref<!tpu.dma_semaphore, #tpu.memory_space<semaphore_mem>>) {add = true}
        %dma_wait3A_441 = arith.constant 0 : i32
        %dma_wait3A_442 = tpu.memref_slice %arg11[%add3A_419, %dma_wait3A_441] : memref<250x80xi32, #tpu.memory_space<vmem>> -> memref<1x80xi32, #tpu.memory_space<vmem>>
        %dma_wait3A_443 = tpu.memref_squeeze %dma_wait3A_442 : memref<1x80xi32, #tpu.memory_space<vmem>> -> memref<80xi32, #tpu.memory_space<vmem>>
        %dma_wait3A_444 = arith.constant 0 : i32
        %dma_wait3A_445 = arith.constant 0 : i32
        %dma_wait3A_446 = tpu.memref_slice %arg16[%dma_wait3A_444, %dma_wait3A_445] : memref<10240x64xf32, #tpu.memory_space<vmem_shared>> -> memref<10240x64xf32, #tpu.memory_space<vmem_shared>>
        tpu.wait_indirect_dma semaphore(%run_scoped3A : memref<!tpu.dma_semaphore, #tpu.memory_space<semaphore_mem>>) src(%arg13 : memref<80x64xf32, #tpu.memory_space<vmem>>) dst(%dma_wait3A_446 : memref<10240x64xf32, #tpu.memory_space<vmem_shared>>)
        tpu.yield
      }) : () -> ()
    }
    %scan3A_200 = arith.constant 125 : i32
    %barrier3A_201 = arith.constant 0 : index
    tpu.barrier barrier_id(%barrier3A_201)
    "tpu.region"() ({
      %run_scoped3A = tpu.sem_alloc : memref<!tpu.dma_semaphore, #tpu.memory_space<semaphore_mem>>
      %dma_start3A_400 = arith.constant 0 : i32
      %dma_start3A_401 = tpu.memref_slice %arg8[%add3A_183, %mul3A_0, %dma_start3A_400] : memref<24x10240x64xf32, #tpu.memory_space<hbm>> -> memref<1x640x64xf32, #tpu.memory_space<hbm>>
      %dma_start3A_402 = tpu.memref_squeeze %dma_start3A_401 : memref<1x640x64xf32, #tpu.memory_space<hbm>> -> memref<640x64xf32, #tpu.memory_space<hbm>>
      %dma_start3A_403 = arith.constant 0 : i32
      %dma_start3A_404 = tpu.memref_slice %arg16[%mul3A_0, %dma_start3A_403] : memref<10240x64xf32, #tpu.memory_space<vmem_shared>> -> memref<640x64xf32, #tpu.memory_space<vmem_shared>>
      tpu.enqueue_dma source(%dma_start3A_404 : memref<640x64xf32, #tpu.memory_space<vmem_shared>>) target(%dma_start3A_402 : memref<640x64xf32, #tpu.memory_space<hbm>>) target_semaphore(%run_scoped3A : memref<!tpu.dma_semaphore, #tpu.memory_space<semaphore_mem>>)
      %dma_wait3A = arith.constant 0 : i32
      %dma_wait3A_405 = tpu.memref_slice %arg8[%add3A_183, %mul3A_0, %dma_wait3A] : memref<24x10240x64xf32, #tpu.memory_space<hbm>> -> memref<1x640x64xf32, #tpu.memory_space<hbm>>
      %dma_wait3A_406 = tpu.memref_squeeze %dma_wait3A_405 : memref<1x640x64xf32, #tpu.memory_space<hbm>> -> memref<640x64xf32, #tpu.memory_space<hbm>>
      %dma_wait3A_407 = arith.constant 0 : i32
      %dma_wait3A_408 = tpu.memref_slice %arg16[%mul3A_0, %dma_wait3A_407] : memref<10240x64xf32, #tpu.memory_space<vmem_shared>> -> memref<640x64xf32, #tpu.memory_space<vmem_shared>>
      tpu.wait_dma2 semaphore(%run_scoped3A : memref<!tpu.dma_semaphore, #tpu.memory_space<semaphore_mem>>) src(%dma_wait3A_408 : memref<640x64xf32, #tpu.memory_space<vmem_shared>>) dst(%dma_wait3A_406 : memref<640x64xf32, #tpu.memory_space<hbm>>)
      tpu.yield
    }) : () -> ()
    %add3A_202 = arith.constant 0 : i32
    %add3A_203 = arith.addi %mul3A_0, %add3A_202 : i32
    "tpu.region"() ({
      %run_scoped3A = tpu.sem_alloc : memref<!tpu.dma_semaphore, #tpu.memory_space<semaphore_mem>>
      %dma_start3A_400 = arith.constant 0 : i32
      %dma_start3A_401 = tpu.memref_slice %arg16[%add3A_203, %dma_start3A_400] : memref<10240x64xf32, #tpu.memory_space<vmem_shared>> -> memref<128x64xf32, #tpu.memory_space<vmem_shared>>
      %dma_start3A_402 = arith.constant 0 : i32
      %dma_start3A_403 = tpu.memref_slice %arg16[%add3A_203, %dma_start3A_402] : memref<10240x64xf32, #tpu.memory_space<vmem_shared>> -> memref<128x64xf32, #tpu.memory_space<vmem_shared>>
      tpu.enqueue_dma source(%arg14 : memref<128x64xf32, #tpu.memory_space<vmem>>) target(%dma_start3A_403 : memref<128x64xf32, #tpu.memory_space<vmem_shared>>) target_semaphore(%run_scoped3A : memref<!tpu.dma_semaphore, #tpu.memory_space<semaphore_mem>>)
      %dma_wait3A = arith.constant 0 : i32
      %dma_wait3A_404 = tpu.memref_slice %arg16[%add3A_203, %dma_wait3A] : memref<10240x64xf32, #tpu.memory_space<vmem_shared>> -> memref<128x64xf32, #tpu.memory_space<vmem_shared>>
      %dma_wait3A_405 = arith.constant 0 : i32
      %dma_wait3A_406 = tpu.memref_slice %arg16[%add3A_203, %dma_wait3A_405] : memref<10240x64xf32, #tpu.memory_space<vmem_shared>> -> memref<128x64xf32, #tpu.memory_space<vmem_shared>>
      tpu.wait_dma2 semaphore(%run_scoped3A : memref<!tpu.dma_semaphore, #tpu.memory_space<semaphore_mem>>) src(%arg14 : memref<128x64xf32, #tpu.memory_space<vmem>>) dst(%dma_wait3A_406 : memref<128x64xf32, #tpu.memory_space<vmem_shared>>)
      tpu.yield
    }) : () -> ()
    %add3A_204 = arith.constant 128 : i32
    %add3A_205 = arith.addi %mul3A_0, %add3A_204 : i32
    "tpu.region"() ({
      %run_scoped3A = tpu.sem_alloc : memref<!tpu.dma_semaphore, #tpu.memory_space<semaphore_mem>>
      %dma_start3A_400 = arith.constant 0 : i32
      %dma_start3A_401 = tpu.memref_slice %arg16[%add3A_205, %dma_start3A_400] : memref<10240x64xf32, #tpu.memory_space<vmem_shared>> -> memref<128x64xf32, #tpu.memory_space<vmem_shared>>
      %dma_start3A_402 = arith.constant 0 : i32
      %dma_start3A_403 = tpu.memref_slice %arg16[%add3A_205, %dma_start3A_402] : memref<10240x64xf32, #tpu.memory_space<vmem_shared>> -> memref<128x64xf32, #tpu.memory_space<vmem_shared>>
      tpu.enqueue_dma source(%arg14 : memref<128x64xf32, #tpu.memory_space<vmem>>) target(%dma_start3A_403 : memref<128x64xf32, #tpu.memory_space<vmem_shared>>) target_semaphore(%run_scoped3A : memref<!tpu.dma_semaphore, #tpu.memory_space<semaphore_mem>>)
      %dma_wait3A = arith.constant 0 : i32
      %dma_wait3A_404 = tpu.memref_slice %arg16[%add3A_205, %dma_wait3A] : memref<10240x64xf32, #tpu.memory_space<vmem_shared>> -> memref<128x64xf32, #tpu.memory_space<vmem_shared>>
      %dma_wait3A_405 = arith.constant 0 : i32
      %dma_wait3A_406 = tpu.memref_slice %arg16[%add3A_205, %dma_wait3A_405] : memref<10240x64xf32, #tpu.memory_space<vmem_shared>> -> memref<128x64xf32, #tpu.memory_space<vmem_shared>>
      tpu.wait_dma2 semaphore(%run_scoped3A : memref<!tpu.dma_semaphore, #tpu.memory_space<semaphore_mem>>) src(%arg14 : memref<128x64xf32, #tpu.memory_space<vmem>>) dst(%dma_wait3A_406 : memref<128x64xf32, #tpu.memory_space<vmem_shared>>)
      tpu.yield
    }) : () -> ()
    %add3A_206 = arith.constant 256 : i32
    %add3A_207 = arith.addi %mul3A_0, %add3A_206 : i32
    "tpu.region"() ({
      %run_scoped3A = tpu.sem_alloc : memref<!tpu.dma_semaphore, #tpu.memory_space<semaphore_mem>>
      %dma_start3A_400 = arith.constant 0 : i32
      %dma_start3A_401 = tpu.memref_slice %arg16[%add3A_207, %dma_start3A_400] : memref<10240x64xf32, #tpu.memory_space<vmem_shared>> -> memref<128x64xf32, #tpu.memory_space<vmem_shared>>
      %dma_start3A_402 = arith.constant 0 : i32
      %dma_start3A_403 = tpu.memref_slice %arg16[%add3A_207, %dma_start3A_402] : memref<10240x64xf32, #tpu.memory_space<vmem_shared>> -> memref<128x64xf32, #tpu.memory_space<vmem_shared>>
      tpu.enqueue_dma source(%arg14 : memref<128x64xf32, #tpu.memory_space<vmem>>) target(%dma_start3A_403 : memref<128x64xf32, #tpu.memory_space<vmem_shared>>) target_semaphore(%run_scoped3A : memref<!tpu.dma_semaphore, #tpu.memory_space<semaphore_mem>>)
      %dma_wait3A = arith.constant 0 : i32
      %dma_wait3A_404 = tpu.memref_slice %arg16[%add3A_207, %dma_wait3A] : memref<10240x64xf32, #tpu.memory_space<vmem_shared>> -> memref<128x64xf32, #tpu.memory_space<vmem_shared>>
      %dma_wait3A_405 = arith.constant 0 : i32
      %dma_wait3A_406 = tpu.memref_slice %arg16[%add3A_207, %dma_wait3A_405] : memref<10240x64xf32, #tpu.memory_space<vmem_shared>> -> memref<128x64xf32, #tpu.memory_space<vmem_shared>>
      tpu.wait_dma2 semaphore(%run_scoped3A : memref<!tpu.dma_semaphore, #tpu.memory_space<semaphore_mem>>) src(%arg14 : memref<128x64xf32, #tpu.memory_space<vmem>>) dst(%dma_wait3A_406 : memref<128x64xf32, #tpu.memory_space<vmem_shared>>)
      tpu.yield
    }) : () -> ()
    %add3A_208 = arith.constant 384 : i32
    %add3A_209 = arith.addi %mul3A_0, %add3A_208 : i32
    "tpu.region"() ({
      %run_scoped3A = tpu.sem_alloc : memref<!tpu.dma_semaphore, #tpu.memory_space<semaphore_mem>>
      %dma_start3A_400 = arith.constant 0 : i32
      %dma_start3A_401 = tpu.memref_slice %arg16[%add3A_209, %dma_start3A_400] : memref<10240x64xf32, #tpu.memory_space<vmem_shared>> -> memref<128x64xf32, #tpu.memory_space<vmem_shared>>
      %dma_start3A_402 = arith.constant 0 : i32
      %dma_start3A_403 = tpu.memref_slice %arg16[%add3A_209, %dma_start3A_402] : memref<10240x64xf32, #tpu.memory_space<vmem_shared>> -> memref<128x64xf32, #tpu.memory_space<vmem_shared>>
      tpu.enqueue_dma source(%arg14 : memref<128x64xf32, #tpu.memory_space<vmem>>) target(%dma_start3A_403 : memref<128x64xf32, #tpu.memory_space<vmem_shared>>) target_semaphore(%run_scoped3A : memref<!tpu.dma_semaphore, #tpu.memory_space<semaphore_mem>>)
      %dma_wait3A = arith.constant 0 : i32
      %dma_wait3A_404 = tpu.memref_slice %arg16[%add3A_209, %dma_wait3A] : memref<10240x64xf32, #tpu.memory_space<vmem_shared>> -> memref<128x64xf32, #tpu.memory_space<vmem_shared>>
      %dma_wait3A_405 = arith.constant 0 : i32
      %dma_wait3A_406 = tpu.memref_slice %arg16[%add3A_209, %dma_wait3A_405] : memref<10240x64xf32, #tpu.memory_space<vmem_shared>> -> memref<128x64xf32, #tpu.memory_space<vmem_shared>>
      tpu.wait_dma2 semaphore(%run_scoped3A : memref<!tpu.dma_semaphore, #tpu.memory_space<semaphore_mem>>) src(%arg14 : memref<128x64xf32, #tpu.memory_space<vmem>>) dst(%dma_wait3A_406 : memref<128x64xf32, #tpu.memory_space<vmem_shared>>)
      tpu.yield
    }) : () -> ()
    %add3A_210 = arith.constant 512 : i32
    %add3A_211 = arith.addi %mul3A_0, %add3A_210 : i32
    "tpu.region"() ({
      %run_scoped3A = tpu.sem_alloc : memref<!tpu.dma_semaphore, #tpu.memory_space<semaphore_mem>>
      %dma_start3A_400 = arith.constant 0 : i32
      %dma_start3A_401 = tpu.memref_slice %arg16[%add3A_211, %dma_start3A_400] : memref<10240x64xf32, #tpu.memory_space<vmem_shared>> -> memref<128x64xf32, #tpu.memory_space<vmem_shared>>
      %dma_start3A_402 = arith.constant 0 : i32
      %dma_start3A_403 = tpu.memref_slice %arg16[%add3A_211, %dma_start3A_402] : memref<10240x64xf32, #tpu.memory_space<vmem_shared>> -> memref<128x64xf32, #tpu.memory_space<vmem_shared>>
      tpu.enqueue_dma source(%arg14 : memref<128x64xf32, #tpu.memory_space<vmem>>) target(%dma_start3A_403 : memref<128x64xf32, #tpu.memory_space<vmem_shared>>) target_semaphore(%run_scoped3A : memref<!tpu.dma_semaphore, #tpu.memory_space<semaphore_mem>>)
      %dma_wait3A = arith.constant 0 : i32
      %dma_wait3A_404 = tpu.memref_slice %arg16[%add3A_211, %dma_wait3A] : memref<10240x64xf32, #tpu.memory_space<vmem_shared>> -> memref<128x64xf32, #tpu.memory_space<vmem_shared>>
      %dma_wait3A_405 = arith.constant 0 : i32
      %dma_wait3A_406 = tpu.memref_slice %arg16[%add3A_211, %dma_wait3A_405] : memref<10240x64xf32, #tpu.memory_space<vmem_shared>> -> memref<128x64xf32, #tpu.memory_space<vmem_shared>>
      tpu.wait_dma2 semaphore(%run_scoped3A : memref<!tpu.dma_semaphore, #tpu.memory_space<semaphore_mem>>) src(%arg14 : memref<128x64xf32, #tpu.memory_space<vmem>>) dst(%dma_wait3A_406 : memref<128x64xf32, #tpu.memory_space<vmem_shared>>)
      tpu.yield
    }) : () -> ()
    %barrier3A_212 = arith.constant 0 : index
    tpu.barrier barrier_id(%barrier3A_212)
    %mul3A_213 = arith.constant 12 : i32
    %mul3A_214 = arith.muli %arg0, %mul3A_213 : i32
    %add3A_215 = arith.constant 6 : i32
    %add3A_216 = arith.addi %mul3A_214, %add3A_215 : i32
    %mul3A_217 = arith.constant 10000 : i32
    %mul3A_218 = arith.muli %add3A_216, %mul3A_217 : i32
    %dma_start3A_219 = arith.constant 0 : i32
    %dma_start3A_220 = arith.constant 0 : i32
    %dma_start3A_221 = tpu.memref_slice %arg10[%dma_start3A_219, %dma_start3A_220] : memref<250x80xi32, #tpu.memory_space<vmem>> -> memref<1x80xi32, #tpu.memory_space<vmem>>
    %dma_start3A_222 = tpu.memref_squeeze %dma_start3A_221 : memref<1x80xi32, #tpu.memory_space<vmem>> -> memref<80xi32, #tpu.memory_space<vmem>>
    %dma_start3A_223 = arith.constant 0 : i32
    %dma_start3A_224 = tpu.memref_slice %arg4[%mul3A_218, %dma_start3A_223] : memref<240000x64xf32, #tpu.memory_space<hbm>> -> memref<10000x64xf32, #tpu.memory_space<hbm>>
    %dma_start3A_225 = arith.constant 0 : i32
    %dma_start3A_226 = arith.constant 0 : i32
    %dma_start3A_227 = tpu.memref_slice %dma_start3A_224[%dma_start3A_225, %dma_start3A_226] : memref<10000x64xf32, #tpu.memory_space<hbm>> -> memref<10000x64xf32, #tpu.memory_space<hbm>>
    tpu.enqueue_indirect_dma source(%dma_start3A_227 : memref<10000x64xf32, #tpu.memory_space<hbm>>) target(%arg12 : memref<80x64xf32, #tpu.memory_space<vmem>>) offsets(%dma_start3A_222 : memref<80xi32, #tpu.memory_space<vmem>>) semaphore(%arg18 : memref<!tpu.dma_semaphore, #tpu.memory_space<semaphore_mem>>)
    %scan3A_228 = arith.constant 0 : i32
    %scan3A_229 = arith.constant 0 : i32
    %scan3A_230 = arith.constant 125 : i32
    %scan3A_231 = arith.addi %scan3A_229, %scan3A_230 : i32
    %scan3A_232 = arith.constant 1 : i32
    scf.for %scan3A_400 = %scan3A_229 to %scan3A_231 step %scan3A_232  : i32 {
      %mul3A_401 = arith.constant 2 : i32
      %mul3A_402 = arith.muli %mul3A_401, %scan3A_400 : i32
      %add3A_403 = arith.constant 0 : i32
      %add3A_404 = arith.addi %mul3A_402, %add3A_403 : i32
      %dma_wait3A = arith.constant 0 : i32
      %dma_wait3A_405 = tpu.memref_slice %arg10[%add3A_404, %dma_wait3A] : memref<250x80xi32, #tpu.memory_space<vmem>> -> memref<1x80xi32, #tpu.memory_space<vmem>>
      %dma_wait3A_406 = tpu.memref_squeeze %dma_wait3A_405 : memref<1x80xi32, #tpu.memory_space<vmem>> -> memref<80xi32, #tpu.memory_space<vmem>>
      %dma_wait3A_407 = arith.constant 0 : i32
      %dma_wait3A_408 = tpu.memref_slice %arg4[%mul3A_218, %dma_wait3A_407] : memref<240000x64xf32, #tpu.memory_space<hbm>> -> memref<10000x64xf32, #tpu.memory_space<hbm>>
      %dma_wait3A_409 = arith.constant 0 : i32
      %dma_wait3A_410 = arith.constant 0 : i32
      %dma_wait3A_411 = tpu.memref_slice %dma_wait3A_408[%dma_wait3A_409, %dma_wait3A_410] : memref<10000x64xf32, #tpu.memory_space<hbm>> -> memref<10000x64xf32, #tpu.memory_space<hbm>>
      tpu.wait_indirect_dma semaphore(%arg18 : memref<!tpu.dma_semaphore, #tpu.memory_space<semaphore_mem>>) src(%dma_wait3A_411 : memref<10000x64xf32, #tpu.memory_space<hbm>>) dst(%arg12 : memref<80x64xf32, #tpu.memory_space<vmem>>)
      %add3A_412 = arith.constant 1 : i32
      %add3A_413 = arith.addi %add3A_404, %add3A_412 : i32
      %lt3A = arith.constant 250 : i32
      %lt3A_414 = arith.cmpi slt, %add3A_413, %lt3A : i32
      %convert_element_type3A_415 = arith.extui %lt3A_414 : i1 to i32
      %cond3A_416 = arith.constant 0 : i32
      %cond3A_417 = arith.cmpi ne, %convert_element_type3A_415, %cond3A_416 : i32
      scf.if %cond3A_417 {
        %add3A_435 = arith.constant 1 : i32
        %add3A_436 = arith.addi %add3A_404, %add3A_435 : i32
        %dma_start3A_437 = arith.constant 0 : i32
        %dma_start3A_438 = tpu.memref_slice %arg10[%add3A_436, %dma_start3A_437] : memref<250x80xi32, #tpu.memory_space<vmem>> -> memref<1x80xi32, #tpu.memory_space<vmem>>
        %dma_start3A_439 = tpu.memref_squeeze %dma_start3A_438 : memref<1x80xi32, #tpu.memory_space<vmem>> -> memref<80xi32, #tpu.memory_space<vmem>>
        %dma_start3A_440 = arith.constant 0 : i32
        %dma_start3A_441 = tpu.memref_slice %arg4[%mul3A_218, %dma_start3A_440] : memref<240000x64xf32, #tpu.memory_space<hbm>> -> memref<10000x64xf32, #tpu.memory_space<hbm>>
        %dma_start3A_442 = arith.constant 0 : i32
        %dma_start3A_443 = arith.constant 0 : i32
        %dma_start3A_444 = tpu.memref_slice %dma_start3A_441[%dma_start3A_442, %dma_start3A_443] : memref<10000x64xf32, #tpu.memory_space<hbm>> -> memref<10000x64xf32, #tpu.memory_space<hbm>>
        tpu.enqueue_indirect_dma source(%dma_start3A_444 : memref<10000x64xf32, #tpu.memory_space<hbm>>) target(%arg13 : memref<80x64xf32, #tpu.memory_space<vmem>>) offsets(%dma_start3A_439 : memref<80xi32, #tpu.memory_space<vmem>>) semaphore(%arg19 : memref<!tpu.dma_semaphore, #tpu.memory_space<semaphore_mem>>)
      } else {
      }
      "tpu.region"() ({
        %run_scoped3A = tpu.sem_alloc : memref<!tpu.dma_semaphore, #tpu.memory_space<semaphore_mem>>
        %dma_start3A_435 = arith.constant 0 : i32
        %dma_start3A_436 = tpu.memref_slice %arg11[%add3A_404, %dma_start3A_435] : memref<250x80xi32, #tpu.memory_space<vmem>> -> memref<1x80xi32, #tpu.memory_space<vmem>>
        %dma_start3A_437 = tpu.memref_squeeze %dma_start3A_436 : memref<1x80xi32, #tpu.memory_space<vmem>> -> memref<80xi32, #tpu.memory_space<vmem>>
        %dma_start3A_438 = arith.constant 0 : i32
        %dma_start3A_439 = arith.constant 0 : i32
        %dma_start3A_440 = tpu.memref_slice %arg16[%dma_start3A_438, %dma_start3A_439] : memref<10240x64xf32, #tpu.memory_space<vmem_shared>> -> memref<10240x64xf32, #tpu.memory_space<vmem_shared>>
        tpu.enqueue_indirect_dma source(%arg12 : memref<80x64xf32, #tpu.memory_space<vmem>>) target(%dma_start3A_440 : memref<10240x64xf32, #tpu.memory_space<vmem_shared>>) offsets(%dma_start3A_437 : memref<80xi32, #tpu.memory_space<vmem>>) semaphore(%run_scoped3A : memref<!tpu.dma_semaphore, #tpu.memory_space<semaphore_mem>>) {add = true}
        %dma_wait3A_441 = arith.constant 0 : i32
        %dma_wait3A_442 = tpu.memref_slice %arg11[%add3A_404, %dma_wait3A_441] : memref<250x80xi32, #tpu.memory_space<vmem>> -> memref<1x80xi32, #tpu.memory_space<vmem>>
        %dma_wait3A_443 = tpu.memref_squeeze %dma_wait3A_442 : memref<1x80xi32, #tpu.memory_space<vmem>> -> memref<80xi32, #tpu.memory_space<vmem>>
        %dma_wait3A_444 = arith.constant 0 : i32
        %dma_wait3A_445 = arith.constant 0 : i32
        %dma_wait3A_446 = tpu.memref_slice %arg16[%dma_wait3A_444, %dma_wait3A_445] : memref<10240x64xf32, #tpu.memory_space<vmem_shared>> -> memref<10240x64xf32, #tpu.memory_space<vmem_shared>>
        tpu.wait_indirect_dma semaphore(%run_scoped3A : memref<!tpu.dma_semaphore, #tpu.memory_space<semaphore_mem>>) src(%arg12 : memref<80x64xf32, #tpu.memory_space<vmem>>) dst(%dma_wait3A_446 : memref<10240x64xf32, #tpu.memory_space<vmem_shared>>)
        tpu.yield
      }) : () -> ()
      %add3A_418 = arith.constant 1 : i32
      %add3A_419 = arith.addi %mul3A_402, %add3A_418 : i32
      %dma_wait3A_420 = arith.constant 0 : i32
      %dma_wait3A_421 = tpu.memref_slice %arg10[%add3A_419, %dma_wait3A_420] : memref<250x80xi32, #tpu.memory_space<vmem>> -> memref<1x80xi32, #tpu.memory_space<vmem>>
      %dma_wait3A_422 = tpu.memref_squeeze %dma_wait3A_421 : memref<1x80xi32, #tpu.memory_space<vmem>> -> memref<80xi32, #tpu.memory_space<vmem>>
      %dma_wait3A_423 = arith.constant 0 : i32
      %dma_wait3A_424 = tpu.memref_slice %arg4[%mul3A_218, %dma_wait3A_423] : memref<240000x64xf32, #tpu.memory_space<hbm>> -> memref<10000x64xf32, #tpu.memory_space<hbm>>
      %dma_wait3A_425 = arith.constant 0 : i32
      %dma_wait3A_426 = arith.constant 0 : i32
      %dma_wait3A_427 = tpu.memref_slice %dma_wait3A_424[%dma_wait3A_425, %dma_wait3A_426] : memref<10000x64xf32, #tpu.memory_space<hbm>> -> memref<10000x64xf32, #tpu.memory_space<hbm>>
      tpu.wait_indirect_dma semaphore(%arg19 : memref<!tpu.dma_semaphore, #tpu.memory_space<semaphore_mem>>) src(%dma_wait3A_427 : memref<10000x64xf32, #tpu.memory_space<hbm>>) dst(%arg13 : memref<80x64xf32, #tpu.memory_space<vmem>>)
      %add3A_428 = arith.constant 1 : i32
      %add3A_429 = arith.addi %add3A_419, %add3A_428 : i32
      %lt3A_430 = arith.constant 250 : i32
      %lt3A_431 = arith.cmpi slt, %add3A_429, %lt3A_430 : i32
      %convert_element_type3A_432 = arith.extui %lt3A_431 : i1 to i32
      %cond3A_433 = arith.constant 0 : i32
      %cond3A_434 = arith.cmpi ne, %convert_element_type3A_432, %cond3A_433 : i32
      scf.if %cond3A_434 {
        %add3A_435 = arith.constant 1 : i32
        %add3A_436 = arith.addi %add3A_419, %add3A_435 : i32
        %dma_start3A_437 = arith.constant 0 : i32
        %dma_start3A_438 = tpu.memref_slice %arg10[%add3A_436, %dma_start3A_437] : memref<250x80xi32, #tpu.memory_space<vmem>> -> memref<1x80xi32, #tpu.memory_space<vmem>>
        %dma_start3A_439 = tpu.memref_squeeze %dma_start3A_438 : memref<1x80xi32, #tpu.memory_space<vmem>> -> memref<80xi32, #tpu.memory_space<vmem>>
        %dma_start3A_440 = arith.constant 0 : i32
        %dma_start3A_441 = tpu.memref_slice %arg4[%mul3A_218, %dma_start3A_440] : memref<240000x64xf32, #tpu.memory_space<hbm>> -> memref<10000x64xf32, #tpu.memory_space<hbm>>
        %dma_start3A_442 = arith.constant 0 : i32
        %dma_start3A_443 = arith.constant 0 : i32
        %dma_start3A_444 = tpu.memref_slice %dma_start3A_441[%dma_start3A_442, %dma_start3A_443] : memref<10000x64xf32, #tpu.memory_space<hbm>> -> memref<10000x64xf32, #tpu.memory_space<hbm>>
        tpu.enqueue_indirect_dma source(%dma_start3A_444 : memref<10000x64xf32, #tpu.memory_space<hbm>>) target(%arg12 : memref<80x64xf32, #tpu.memory_space<vmem>>) offsets(%dma_start3A_439 : memref<80xi32, #tpu.memory_space<vmem>>) semaphore(%arg18 : memref<!tpu.dma_semaphore, #tpu.memory_space<semaphore_mem>>)
      } else {
      }
      "tpu.region"() ({
        %run_scoped3A = tpu.sem_alloc : memref<!tpu.dma_semaphore, #tpu.memory_space<semaphore_mem>>
        %dma_start3A_435 = arith.constant 0 : i32
        %dma_start3A_436 = tpu.memref_slice %arg11[%add3A_419, %dma_start3A_435] : memref<250x80xi32, #tpu.memory_space<vmem>> -> memref<1x80xi32, #tpu.memory_space<vmem>>
        %dma_start3A_437 = tpu.memref_squeeze %dma_start3A_436 : memref<1x80xi32, #tpu.memory_space<vmem>> -> memref<80xi32, #tpu.memory_space<vmem>>
        %dma_start3A_438 = arith.constant 0 : i32
        %dma_start3A_439 = arith.constant 0 : i32
        %dma_start3A_440 = tpu.memref_slice %arg16[%dma_start3A_438, %dma_start3A_439] : memref<10240x64xf32, #tpu.memory_space<vmem_shared>> -> memref<10240x64xf32, #tpu.memory_space<vmem_shared>>
        tpu.enqueue_indirect_dma source(%arg13 : memref<80x64xf32, #tpu.memory_space<vmem>>) target(%dma_start3A_440 : memref<10240x64xf32, #tpu.memory_space<vmem_shared>>) offsets(%dma_start3A_437 : memref<80xi32, #tpu.memory_space<vmem>>) semaphore(%run_scoped3A : memref<!tpu.dma_semaphore, #tpu.memory_space<semaphore_mem>>) {add = true}
        %dma_wait3A_441 = arith.constant 0 : i32
        %dma_wait3A_442 = tpu.memref_slice %arg11[%add3A_419, %dma_wait3A_441] : memref<250x80xi32, #tpu.memory_space<vmem>> -> memref<1x80xi32, #tpu.memory_space<vmem>>
        %dma_wait3A_443 = tpu.memref_squeeze %dma_wait3A_442 : memref<1x80xi32, #tpu.memory_space<vmem>> -> memref<80xi32, #tpu.memory_space<vmem>>
        %dma_wait3A_444 = arith.constant 0 : i32
        %dma_wait3A_445 = arith.constant 0 : i32
        %dma_wait3A_446 = tpu.memref_slice %arg16[%dma_wait3A_444, %dma_wait3A_445] : memref<10240x64xf32, #tpu.memory_space<vmem_shared>> -> memref<10240x64xf32, #tpu.memory_space<vmem_shared>>
        tpu.wait_indirect_dma semaphore(%run_scoped3A : memref<!tpu.dma_semaphore, #tpu.memory_space<semaphore_mem>>) src(%arg13 : memref<80x64xf32, #tpu.memory_space<vmem>>) dst(%dma_wait3A_446 : memref<10240x64xf32, #tpu.memory_space<vmem_shared>>)
        tpu.yield
      }) : () -> ()
    }
    %scan3A_233 = arith.constant 125 : i32
    %barrier3A_234 = arith.constant 0 : index
    tpu.barrier barrier_id(%barrier3A_234)
    "tpu.region"() ({
      %run_scoped3A = tpu.sem_alloc : memref<!tpu.dma_semaphore, #tpu.memory_space<semaphore_mem>>
      %dma_start3A_400 = arith.constant 0 : i32
      %dma_start3A_401 = tpu.memref_slice %arg8[%add3A_216, %mul3A_0, %dma_start3A_400] : memref<24x10240x64xf32, #tpu.memory_space<hbm>> -> memref<1x640x64xf32, #tpu.memory_space<hbm>>
      %dma_start3A_402 = tpu.memref_squeeze %dma_start3A_401 : memref<1x640x64xf32, #tpu.memory_space<hbm>> -> memref<640x64xf32, #tpu.memory_space<hbm>>
      %dma_start3A_403 = arith.constant 0 : i32
      %dma_start3A_404 = tpu.memref_slice %arg16[%mul3A_0, %dma_start3A_403] : memref<10240x64xf32, #tpu.memory_space<vmem_shared>> -> memref<640x64xf32, #tpu.memory_space<vmem_shared>>
      tpu.enqueue_dma source(%dma_start3A_404 : memref<640x64xf32, #tpu.memory_space<vmem_shared>>) target(%dma_start3A_402 : memref<640x64xf32, #tpu.memory_space<hbm>>) target_semaphore(%run_scoped3A : memref<!tpu.dma_semaphore, #tpu.memory_space<semaphore_mem>>)
      %dma_wait3A = arith.constant 0 : i32
      %dma_wait3A_405 = tpu.memref_slice %arg8[%add3A_216, %mul3A_0, %dma_wait3A] : memref<24x10240x64xf32, #tpu.memory_space<hbm>> -> memref<1x640x64xf32, #tpu.memory_space<hbm>>
      %dma_wait3A_406 = tpu.memref_squeeze %dma_wait3A_405 : memref<1x640x64xf32, #tpu.memory_space<hbm>> -> memref<640x64xf32, #tpu.memory_space<hbm>>
      %dma_wait3A_407 = arith.constant 0 : i32
      %dma_wait3A_408 = tpu.memref_slice %arg16[%mul3A_0, %dma_wait3A_407] : memref<10240x64xf32, #tpu.memory_space<vmem_shared>> -> memref<640x64xf32, #tpu.memory_space<vmem_shared>>
      tpu.wait_dma2 semaphore(%run_scoped3A : memref<!tpu.dma_semaphore, #tpu.memory_space<semaphore_mem>>) src(%dma_wait3A_408 : memref<640x64xf32, #tpu.memory_space<vmem_shared>>) dst(%dma_wait3A_406 : memref<640x64xf32, #tpu.memory_space<hbm>>)
      tpu.yield
    }) : () -> ()
    %add3A_235 = arith.constant 0 : i32
    %add3A_236 = arith.addi %mul3A_0, %add3A_235 : i32
    "tpu.region"() ({
      %run_scoped3A = tpu.sem_alloc : memref<!tpu.dma_semaphore, #tpu.memory_space<semaphore_mem>>
      %dma_start3A_400 = arith.constant 0 : i32
      %dma_start3A_401 = tpu.memref_slice %arg16[%add3A_236, %dma_start3A_400] : memref<10240x64xf32, #tpu.memory_space<vmem_shared>> -> memref<128x64xf32, #tpu.memory_space<vmem_shared>>
      %dma_start3A_402 = arith.constant 0 : i32
      %dma_start3A_403 = tpu.memref_slice %arg16[%add3A_236, %dma_start3A_402] : memref<10240x64xf32, #tpu.memory_space<vmem_shared>> -> memref<128x64xf32, #tpu.memory_space<vmem_shared>>
      tpu.enqueue_dma source(%arg14 : memref<128x64xf32, #tpu.memory_space<vmem>>) target(%dma_start3A_403 : memref<128x64xf32, #tpu.memory_space<vmem_shared>>) target_semaphore(%run_scoped3A : memref<!tpu.dma_semaphore, #tpu.memory_space<semaphore_mem>>)
      %dma_wait3A = arith.constant 0 : i32
      %dma_wait3A_404 = tpu.memref_slice %arg16[%add3A_236, %dma_wait3A] : memref<10240x64xf32, #tpu.memory_space<vmem_shared>> -> memref<128x64xf32, #tpu.memory_space<vmem_shared>>
      %dma_wait3A_405 = arith.constant 0 : i32
      %dma_wait3A_406 = tpu.memref_slice %arg16[%add3A_236, %dma_wait3A_405] : memref<10240x64xf32, #tpu.memory_space<vmem_shared>> -> memref<128x64xf32, #tpu.memory_space<vmem_shared>>
      tpu.wait_dma2 semaphore(%run_scoped3A : memref<!tpu.dma_semaphore, #tpu.memory_space<semaphore_mem>>) src(%arg14 : memref<128x64xf32, #tpu.memory_space<vmem>>) dst(%dma_wait3A_406 : memref<128x64xf32, #tpu.memory_space<vmem_shared>>)
      tpu.yield
    }) : () -> ()
    %add3A_237 = arith.constant 128 : i32
    %add3A_238 = arith.addi %mul3A_0, %add3A_237 : i32
    "tpu.region"() ({
      %run_scoped3A = tpu.sem_alloc : memref<!tpu.dma_semaphore, #tpu.memory_space<semaphore_mem>>
      %dma_start3A_400 = arith.constant 0 : i32
      %dma_start3A_401 = tpu.memref_slice %arg16[%add3A_238, %dma_start3A_400] : memref<10240x64xf32, #tpu.memory_space<vmem_shared>> -> memref<128x64xf32, #tpu.memory_space<vmem_shared>>
      %dma_start3A_402 = arith.constant 0 : i32
      %dma_start3A_403 = tpu.memref_slice %arg16[%add3A_238, %dma_start3A_402] : memref<10240x64xf32, #tpu.memory_space<vmem_shared>> -> memref<128x64xf32, #tpu.memory_space<vmem_shared>>
      tpu.enqueue_dma source(%arg14 : memref<128x64xf32, #tpu.memory_space<vmem>>) target(%dma_start3A_403 : memref<128x64xf32, #tpu.memory_space<vmem_shared>>) target_semaphore(%run_scoped3A : memref<!tpu.dma_semaphore, #tpu.memory_space<semaphore_mem>>)
      %dma_wait3A = arith.constant 0 : i32
      %dma_wait3A_404 = tpu.memref_slice %arg16[%add3A_238, %dma_wait3A] : memref<10240x64xf32, #tpu.memory_space<vmem_shared>> -> memref<128x64xf32, #tpu.memory_space<vmem_shared>>
      %dma_wait3A_405 = arith.constant 0 : i32
      %dma_wait3A_406 = tpu.memref_slice %arg16[%add3A_238, %dma_wait3A_405] : memref<10240x64xf32, #tpu.memory_space<vmem_shared>> -> memref<128x64xf32, #tpu.memory_space<vmem_shared>>
      tpu.wait_dma2 semaphore(%run_scoped3A : memref<!tpu.dma_semaphore, #tpu.memory_space<semaphore_mem>>) src(%arg14 : memref<128x64xf32, #tpu.memory_space<vmem>>) dst(%dma_wait3A_406 : memref<128x64xf32, #tpu.memory_space<vmem_shared>>)
      tpu.yield
    }) : () -> ()
    %add3A_239 = arith.constant 256 : i32
    %add3A_240 = arith.addi %mul3A_0, %add3A_239 : i32
    "tpu.region"() ({
      %run_scoped3A = tpu.sem_alloc : memref<!tpu.dma_semaphore, #tpu.memory_space<semaphore_mem>>
      %dma_start3A_400 = arith.constant 0 : i32
      %dma_start3A_401 = tpu.memref_slice %arg16[%add3A_240, %dma_start3A_400] : memref<10240x64xf32, #tpu.memory_space<vmem_shared>> -> memref<128x64xf32, #tpu.memory_space<vmem_shared>>
      %dma_start3A_402 = arith.constant 0 : i32
      %dma_start3A_403 = tpu.memref_slice %arg16[%add3A_240, %dma_start3A_402] : memref<10240x64xf32, #tpu.memory_space<vmem_shared>> -> memref<128x64xf32, #tpu.memory_space<vmem_shared>>
      tpu.enqueue_dma source(%arg14 : memref<128x64xf32, #tpu.memory_space<vmem>>) target(%dma_start3A_403 : memref<128x64xf32, #tpu.memory_space<vmem_shared>>) target_semaphore(%run_scoped3A : memref<!tpu.dma_semaphore, #tpu.memory_space<semaphore_mem>>)
      %dma_wait3A = arith.constant 0 : i32
      %dma_wait3A_404 = tpu.memref_slice %arg16[%add3A_240, %dma_wait3A] : memref<10240x64xf32, #tpu.memory_space<vmem_shared>> -> memref<128x64xf32, #tpu.memory_space<vmem_shared>>
      %dma_wait3A_405 = arith.constant 0 : i32
      %dma_wait3A_406 = tpu.memref_slice %arg16[%add3A_240, %dma_wait3A_405] : memref<10240x64xf32, #tpu.memory_space<vmem_shared>> -> memref<128x64xf32, #tpu.memory_space<vmem_shared>>
      tpu.wait_dma2 semaphore(%run_scoped3A : memref<!tpu.dma_semaphore, #tpu.memory_space<semaphore_mem>>) src(%arg14 : memref<128x64xf32, #tpu.memory_space<vmem>>) dst(%dma_wait3A_406 : memref<128x64xf32, #tpu.memory_space<vmem_shared>>)
      tpu.yield
    }) : () -> ()
    %add3A_241 = arith.constant 384 : i32
    %add3A_242 = arith.addi %mul3A_0, %add3A_241 : i32
    "tpu.region"() ({
      %run_scoped3A = tpu.sem_alloc : memref<!tpu.dma_semaphore, #tpu.memory_space<semaphore_mem>>
      %dma_start3A_400 = arith.constant 0 : i32
      %dma_start3A_401 = tpu.memref_slice %arg16[%add3A_242, %dma_start3A_400] : memref<10240x64xf32, #tpu.memory_space<vmem_shared>> -> memref<128x64xf32, #tpu.memory_space<vmem_shared>>
      %dma_start3A_402 = arith.constant 0 : i32
      %dma_start3A_403 = tpu.memref_slice %arg16[%add3A_242, %dma_start3A_402] : memref<10240x64xf32, #tpu.memory_space<vmem_shared>> -> memref<128x64xf32, #tpu.memory_space<vmem_shared>>
      tpu.enqueue_dma source(%arg14 : memref<128x64xf32, #tpu.memory_space<vmem>>) target(%dma_start3A_403 : memref<128x64xf32, #tpu.memory_space<vmem_shared>>) target_semaphore(%run_scoped3A : memref<!tpu.dma_semaphore, #tpu.memory_space<semaphore_mem>>)
      %dma_wait3A = arith.constant 0 : i32
      %dma_wait3A_404 = tpu.memref_slice %arg16[%add3A_242, %dma_wait3A] : memref<10240x64xf32, #tpu.memory_space<vmem_shared>> -> memref<128x64xf32, #tpu.memory_space<vmem_shared>>
      %dma_wait3A_405 = arith.constant 0 : i32
      %dma_wait3A_406 = tpu.memref_slice %arg16[%add3A_242, %dma_wait3A_405] : memref<10240x64xf32, #tpu.memory_space<vmem_shared>> -> memref<128x64xf32, #tpu.memory_space<vmem_shared>>
      tpu.wait_dma2 semaphore(%run_scoped3A : memref<!tpu.dma_semaphore, #tpu.memory_space<semaphore_mem>>) src(%arg14 : memref<128x64xf32, #tpu.memory_space<vmem>>) dst(%dma_wait3A_406 : memref<128x64xf32, #tpu.memory_space<vmem_shared>>)
      tpu.yield
    }) : () -> ()
    %add3A_243 = arith.constant 512 : i32
    %add3A_244 = arith.addi %mul3A_0, %add3A_243 : i32
    "tpu.region"() ({
      %run_scoped3A = tpu.sem_alloc : memref<!tpu.dma_semaphore, #tpu.memory_space<semaphore_mem>>
      %dma_start3A_400 = arith.constant 0 : i32
      %dma_start3A_401 = tpu.memref_slice %arg16[%add3A_244, %dma_start3A_400] : memref<10240x64xf32, #tpu.memory_space<vmem_shared>> -> memref<128x64xf32, #tpu.memory_space<vmem_shared>>
      %dma_start3A_402 = arith.constant 0 : i32
      %dma_start3A_403 = tpu.memref_slice %arg16[%add3A_244, %dma_start3A_402] : memref<10240x64xf32, #tpu.memory_space<vmem_shared>> -> memref<128x64xf32, #tpu.memory_space<vmem_shared>>
      tpu.enqueue_dma source(%arg14 : memref<128x64xf32, #tpu.memory_space<vmem>>) target(%dma_start3A_403 : memref<128x64xf32, #tpu.memory_space<vmem_shared>>) target_semaphore(%run_scoped3A : memref<!tpu.dma_semaphore, #tpu.memory_space<semaphore_mem>>)
      %dma_wait3A = arith.constant 0 : i32
      %dma_wait3A_404 = tpu.memref_slice %arg16[%add3A_244, %dma_wait3A] : memref<10240x64xf32, #tpu.memory_space<vmem_shared>> -> memref<128x64xf32, #tpu.memory_space<vmem_shared>>
      %dma_wait3A_405 = arith.constant 0 : i32
      %dma_wait3A_406 = tpu.memref_slice %arg16[%add3A_244, %dma_wait3A_405] : memref<10240x64xf32, #tpu.memory_space<vmem_shared>> -> memref<128x64xf32, #tpu.memory_space<vmem_shared>>
      tpu.wait_dma2 semaphore(%run_scoped3A : memref<!tpu.dma_semaphore, #tpu.memory_space<semaphore_mem>>) src(%arg14 : memref<128x64xf32, #tpu.memory_space<vmem>>) dst(%dma_wait3A_406 : memref<128x64xf32, #tpu.memory_space<vmem_shared>>)
      tpu.yield
    }) : () -> ()
    %barrier3A_245 = arith.constant 0 : index
    tpu.barrier barrier_id(%barrier3A_245)
    %mul3A_246 = arith.constant 12 : i32
    %mul3A_247 = arith.muli %arg0, %mul3A_246 : i32
    %add3A_248 = arith.constant 7 : i32
    %add3A_249 = arith.addi %mul3A_247, %add3A_248 : i32
    %mul3A_250 = arith.constant 10000 : i32
    %mul3A_251 = arith.muli %add3A_249, %mul3A_250 : i32
    %dma_start3A_252 = arith.constant 0 : i32
    %dma_start3A_253 = arith.constant 0 : i32
    %dma_start3A_254 = tpu.memref_slice %arg10[%dma_start3A_252, %dma_start3A_253] : memref<250x80xi32, #tpu.memory_space<vmem>> -> memref<1x80xi32, #tpu.memory_space<vmem>>
    %dma_start3A_255 = tpu.memref_squeeze %dma_start3A_254 : memref<1x80xi32, #tpu.memory_space<vmem>> -> memref<80xi32, #tpu.memory_space<vmem>>
    %dma_start3A_256 = arith.constant 0 : i32
    %dma_start3A_257 = tpu.memref_slice %arg4[%mul3A_251, %dma_start3A_256] : memref<240000x64xf32, #tpu.memory_space<hbm>> -> memref<10000x64xf32, #tpu.memory_space<hbm>>
    %dma_start3A_258 = arith.constant 0 : i32
    %dma_start3A_259 = arith.constant 0 : i32
    %dma_start3A_260 = tpu.memref_slice %dma_start3A_257[%dma_start3A_258, %dma_start3A_259] : memref<10000x64xf32, #tpu.memory_space<hbm>> -> memref<10000x64xf32, #tpu.memory_space<hbm>>
    tpu.enqueue_indirect_dma source(%dma_start3A_260 : memref<10000x64xf32, #tpu.memory_space<hbm>>) target(%arg12 : memref<80x64xf32, #tpu.memory_space<vmem>>) offsets(%dma_start3A_255 : memref<80xi32, #tpu.memory_space<vmem>>) semaphore(%arg18 : memref<!tpu.dma_semaphore, #tpu.memory_space<semaphore_mem>>)
    %scan3A_261 = arith.constant 0 : i32
    %scan3A_262 = arith.constant 0 : i32
    %scan3A_263 = arith.constant 125 : i32
    %scan3A_264 = arith.addi %scan3A_262, %scan3A_263 : i32
    %scan3A_265 = arith.constant 1 : i32
    scf.for %scan3A_400 = %scan3A_262 to %scan3A_264 step %scan3A_265  : i32 {
      %mul3A_401 = arith.constant 2 : i32
      %mul3A_402 = arith.muli %mul3A_401, %scan3A_400 : i32
      %add3A_403 = arith.constant 0 : i32
      %add3A_404 = arith.addi %mul3A_402, %add3A_403 : i32
      %dma_wait3A = arith.constant 0 : i32
      %dma_wait3A_405 = tpu.memref_slice %arg10[%add3A_404, %dma_wait3A] : memref<250x80xi32, #tpu.memory_space<vmem>> -> memref<1x80xi32, #tpu.memory_space<vmem>>
      %dma_wait3A_406 = tpu.memref_squeeze %dma_wait3A_405 : memref<1x80xi32, #tpu.memory_space<vmem>> -> memref<80xi32, #tpu.memory_space<vmem>>
      %dma_wait3A_407 = arith.constant 0 : i32
      %dma_wait3A_408 = tpu.memref_slice %arg4[%mul3A_251, %dma_wait3A_407] : memref<240000x64xf32, #tpu.memory_space<hbm>> -> memref<10000x64xf32, #tpu.memory_space<hbm>>
      %dma_wait3A_409 = arith.constant 0 : i32
      %dma_wait3A_410 = arith.constant 0 : i32
      %dma_wait3A_411 = tpu.memref_slice %dma_wait3A_408[%dma_wait3A_409, %dma_wait3A_410] : memref<10000x64xf32, #tpu.memory_space<hbm>> -> memref<10000x64xf32, #tpu.memory_space<hbm>>
      tpu.wait_indirect_dma semaphore(%arg18 : memref<!tpu.dma_semaphore, #tpu.memory_space<semaphore_mem>>) src(%dma_wait3A_411 : memref<10000x64xf32, #tpu.memory_space<hbm>>) dst(%arg12 : memref<80x64xf32, #tpu.memory_space<vmem>>)
      %add3A_412 = arith.constant 1 : i32
      %add3A_413 = arith.addi %add3A_404, %add3A_412 : i32
      %lt3A = arith.constant 250 : i32
      %lt3A_414 = arith.cmpi slt, %add3A_413, %lt3A : i32
      %convert_element_type3A_415 = arith.extui %lt3A_414 : i1 to i32
      %cond3A_416 = arith.constant 0 : i32
      %cond3A_417 = arith.cmpi ne, %convert_element_type3A_415, %cond3A_416 : i32
      scf.if %cond3A_417 {
        %add3A_435 = arith.constant 1 : i32
        %add3A_436 = arith.addi %add3A_404, %add3A_435 : i32
        %dma_start3A_437 = arith.constant 0 : i32
        %dma_start3A_438 = tpu.memref_slice %arg10[%add3A_436, %dma_start3A_437] : memref<250x80xi32, #tpu.memory_space<vmem>> -> memref<1x80xi32, #tpu.memory_space<vmem>>
        %dma_start3A_439 = tpu.memref_squeeze %dma_start3A_438 : memref<1x80xi32, #tpu.memory_space<vmem>> -> memref<80xi32, #tpu.memory_space<vmem>>
        %dma_start3A_440 = arith.constant 0 : i32
        %dma_start3A_441 = tpu.memref_slice %arg4[%mul3A_251, %dma_start3A_440] : memref<240000x64xf32, #tpu.memory_space<hbm>> -> memref<10000x64xf32, #tpu.memory_space<hbm>>
        %dma_start3A_442 = arith.constant 0 : i32
        %dma_start3A_443 = arith.constant 0 : i32
        %dma_start3A_444 = tpu.memref_slice %dma_start3A_441[%dma_start3A_442, %dma_start3A_443] : memref<10000x64xf32, #tpu.memory_space<hbm>> -> memref<10000x64xf32, #tpu.memory_space<hbm>>
        tpu.enqueue_indirect_dma source(%dma_start3A_444 : memref<10000x64xf32, #tpu.memory_space<hbm>>) target(%arg13 : memref<80x64xf32, #tpu.memory_space<vmem>>) offsets(%dma_start3A_439 : memref<80xi32, #tpu.memory_space<vmem>>) semaphore(%arg19 : memref<!tpu.dma_semaphore, #tpu.memory_space<semaphore_mem>>)
      } else {
      }
      "tpu.region"() ({
        %run_scoped3A = tpu.sem_alloc : memref<!tpu.dma_semaphore, #tpu.memory_space<semaphore_mem>>
        %dma_start3A_435 = arith.constant 0 : i32
        %dma_start3A_436 = tpu.memref_slice %arg11[%add3A_404, %dma_start3A_435] : memref<250x80xi32, #tpu.memory_space<vmem>> -> memref<1x80xi32, #tpu.memory_space<vmem>>
        %dma_start3A_437 = tpu.memref_squeeze %dma_start3A_436 : memref<1x80xi32, #tpu.memory_space<vmem>> -> memref<80xi32, #tpu.memory_space<vmem>>
        %dma_start3A_438 = arith.constant 0 : i32
        %dma_start3A_439 = arith.constant 0 : i32
        %dma_start3A_440 = tpu.memref_slice %arg16[%dma_start3A_438, %dma_start3A_439] : memref<10240x64xf32, #tpu.memory_space<vmem_shared>> -> memref<10240x64xf32, #tpu.memory_space<vmem_shared>>
        tpu.enqueue_indirect_dma source(%arg12 : memref<80x64xf32, #tpu.memory_space<vmem>>) target(%dma_start3A_440 : memref<10240x64xf32, #tpu.memory_space<vmem_shared>>) offsets(%dma_start3A_437 : memref<80xi32, #tpu.memory_space<vmem>>) semaphore(%run_scoped3A : memref<!tpu.dma_semaphore, #tpu.memory_space<semaphore_mem>>) {add = true}
        %dma_wait3A_441 = arith.constant 0 : i32
        %dma_wait3A_442 = tpu.memref_slice %arg11[%add3A_404, %dma_wait3A_441] : memref<250x80xi32, #tpu.memory_space<vmem>> -> memref<1x80xi32, #tpu.memory_space<vmem>>
        %dma_wait3A_443 = tpu.memref_squeeze %dma_wait3A_442 : memref<1x80xi32, #tpu.memory_space<vmem>> -> memref<80xi32, #tpu.memory_space<vmem>>
        %dma_wait3A_444 = arith.constant 0 : i32
        %dma_wait3A_445 = arith.constant 0 : i32
        %dma_wait3A_446 = tpu.memref_slice %arg16[%dma_wait3A_444, %dma_wait3A_445] : memref<10240x64xf32, #tpu.memory_space<vmem_shared>> -> memref<10240x64xf32, #tpu.memory_space<vmem_shared>>
        tpu.wait_indirect_dma semaphore(%run_scoped3A : memref<!tpu.dma_semaphore, #tpu.memory_space<semaphore_mem>>) src(%arg12 : memref<80x64xf32, #tpu.memory_space<vmem>>) dst(%dma_wait3A_446 : memref<10240x64xf32, #tpu.memory_space<vmem_shared>>)
        tpu.yield
      }) : () -> ()
      %add3A_418 = arith.constant 1 : i32
      %add3A_419 = arith.addi %mul3A_402, %add3A_418 : i32
      %dma_wait3A_420 = arith.constant 0 : i32
      %dma_wait3A_421 = tpu.memref_slice %arg10[%add3A_419, %dma_wait3A_420] : memref<250x80xi32, #tpu.memory_space<vmem>> -> memref<1x80xi32, #tpu.memory_space<vmem>>
      %dma_wait3A_422 = tpu.memref_squeeze %dma_wait3A_421 : memref<1x80xi32, #tpu.memory_space<vmem>> -> memref<80xi32, #tpu.memory_space<vmem>>
      %dma_wait3A_423 = arith.constant 0 : i32
      %dma_wait3A_424 = tpu.memref_slice %arg4[%mul3A_251, %dma_wait3A_423] : memref<240000x64xf32, #tpu.memory_space<hbm>> -> memref<10000x64xf32, #tpu.memory_space<hbm>>
      %dma_wait3A_425 = arith.constant 0 : i32
      %dma_wait3A_426 = arith.constant 0 : i32
      %dma_wait3A_427 = tpu.memref_slice %dma_wait3A_424[%dma_wait3A_425, %dma_wait3A_426] : memref<10000x64xf32, #tpu.memory_space<hbm>> -> memref<10000x64xf32, #tpu.memory_space<hbm>>
      tpu.wait_indirect_dma semaphore(%arg19 : memref<!tpu.dma_semaphore, #tpu.memory_space<semaphore_mem>>) src(%dma_wait3A_427 : memref<10000x64xf32, #tpu.memory_space<hbm>>) dst(%arg13 : memref<80x64xf32, #tpu.memory_space<vmem>>)
      %add3A_428 = arith.constant 1 : i32
      %add3A_429 = arith.addi %add3A_419, %add3A_428 : i32
      %lt3A_430 = arith.constant 250 : i32
      %lt3A_431 = arith.cmpi slt, %add3A_429, %lt3A_430 : i32
      %convert_element_type3A_432 = arith.extui %lt3A_431 : i1 to i32
      %cond3A_433 = arith.constant 0 : i32
      %cond3A_434 = arith.cmpi ne, %convert_element_type3A_432, %cond3A_433 : i32
      scf.if %cond3A_434 {
        %add3A_435 = arith.constant 1 : i32
        %add3A_436 = arith.addi %add3A_419, %add3A_435 : i32
        %dma_start3A_437 = arith.constant 0 : i32
        %dma_start3A_438 = tpu.memref_slice %arg10[%add3A_436, %dma_start3A_437] : memref<250x80xi32, #tpu.memory_space<vmem>> -> memref<1x80xi32, #tpu.memory_space<vmem>>
        %dma_start3A_439 = tpu.memref_squeeze %dma_start3A_438 : memref<1x80xi32, #tpu.memory_space<vmem>> -> memref<80xi32, #tpu.memory_space<vmem>>
        %dma_start3A_440 = arith.constant 0 : i32
        %dma_start3A_441 = tpu.memref_slice %arg4[%mul3A_251, %dma_start3A_440] : memref<240000x64xf32, #tpu.memory_space<hbm>> -> memref<10000x64xf32, #tpu.memory_space<hbm>>
        %dma_start3A_442 = arith.constant 0 : i32
        %dma_start3A_443 = arith.constant 0 : i32
        %dma_start3A_444 = tpu.memref_slice %dma_start3A_441[%dma_start3A_442, %dma_start3A_443] : memref<10000x64xf32, #tpu.memory_space<hbm>> -> memref<10000x64xf32, #tpu.memory_space<hbm>>
        tpu.enqueue_indirect_dma source(%dma_start3A_444 : memref<10000x64xf32, #tpu.memory_space<hbm>>) target(%arg12 : memref<80x64xf32, #tpu.memory_space<vmem>>) offsets(%dma_start3A_439 : memref<80xi32, #tpu.memory_space<vmem>>) semaphore(%arg18 : memref<!tpu.dma_semaphore, #tpu.memory_space<semaphore_mem>>)
      } else {
      }
      "tpu.region"() ({
        %run_scoped3A = tpu.sem_alloc : memref<!tpu.dma_semaphore, #tpu.memory_space<semaphore_mem>>
        %dma_start3A_435 = arith.constant 0 : i32
        %dma_start3A_436 = tpu.memref_slice %arg11[%add3A_419, %dma_start3A_435] : memref<250x80xi32, #tpu.memory_space<vmem>> -> memref<1x80xi32, #tpu.memory_space<vmem>>
        %dma_start3A_437 = tpu.memref_squeeze %dma_start3A_436 : memref<1x80xi32, #tpu.memory_space<vmem>> -> memref<80xi32, #tpu.memory_space<vmem>>
        %dma_start3A_438 = arith.constant 0 : i32
        %dma_start3A_439 = arith.constant 0 : i32
        %dma_start3A_440 = tpu.memref_slice %arg16[%dma_start3A_438, %dma_start3A_439] : memref<10240x64xf32, #tpu.memory_space<vmem_shared>> -> memref<10240x64xf32, #tpu.memory_space<vmem_shared>>
        tpu.enqueue_indirect_dma source(%arg13 : memref<80x64xf32, #tpu.memory_space<vmem>>) target(%dma_start3A_440 : memref<10240x64xf32, #tpu.memory_space<vmem_shared>>) offsets(%dma_start3A_437 : memref<80xi32, #tpu.memory_space<vmem>>) semaphore(%run_scoped3A : memref<!tpu.dma_semaphore, #tpu.memory_space<semaphore_mem>>) {add = true}
        %dma_wait3A_441 = arith.constant 0 : i32
        %dma_wait3A_442 = tpu.memref_slice %arg11[%add3A_419, %dma_wait3A_441] : memref<250x80xi32, #tpu.memory_space<vmem>> -> memref<1x80xi32, #tpu.memory_space<vmem>>
        %dma_wait3A_443 = tpu.memref_squeeze %dma_wait3A_442 : memref<1x80xi32, #tpu.memory_space<vmem>> -> memref<80xi32, #tpu.memory_space<vmem>>
        %dma_wait3A_444 = arith.constant 0 : i32
        %dma_wait3A_445 = arith.constant 0 : i32
        %dma_wait3A_446 = tpu.memref_slice %arg16[%dma_wait3A_444, %dma_wait3A_445] : memref<10240x64xf32, #tpu.memory_space<vmem_shared>> -> memref<10240x64xf32, #tpu.memory_space<vmem_shared>>
        tpu.wait_indirect_dma semaphore(%run_scoped3A : memref<!tpu.dma_semaphore, #tpu.memory_space<semaphore_mem>>) src(%arg13 : memref<80x64xf32, #tpu.memory_space<vmem>>) dst(%dma_wait3A_446 : memref<10240x64xf32, #tpu.memory_space<vmem_shared>>)
        tpu.yield
      }) : () -> ()
    }
    %scan3A_266 = arith.constant 125 : i32
    %barrier3A_267 = arith.constant 0 : index
    tpu.barrier barrier_id(%barrier3A_267)
    "tpu.region"() ({
      %run_scoped3A = tpu.sem_alloc : memref<!tpu.dma_semaphore, #tpu.memory_space<semaphore_mem>>
      %dma_start3A_400 = arith.constant 0 : i32
      %dma_start3A_401 = tpu.memref_slice %arg8[%add3A_249, %mul3A_0, %dma_start3A_400] : memref<24x10240x64xf32, #tpu.memory_space<hbm>> -> memref<1x640x64xf32, #tpu.memory_space<hbm>>
      %dma_start3A_402 = tpu.memref_squeeze %dma_start3A_401 : memref<1x640x64xf32, #tpu.memory_space<hbm>> -> memref<640x64xf32, #tpu.memory_space<hbm>>
      %dma_start3A_403 = arith.constant 0 : i32
      %dma_start3A_404 = tpu.memref_slice %arg16[%mul3A_0, %dma_start3A_403] : memref<10240x64xf32, #tpu.memory_space<vmem_shared>> -> memref<640x64xf32, #tpu.memory_space<vmem_shared>>
      tpu.enqueue_dma source(%dma_start3A_404 : memref<640x64xf32, #tpu.memory_space<vmem_shared>>) target(%dma_start3A_402 : memref<640x64xf32, #tpu.memory_space<hbm>>) target_semaphore(%run_scoped3A : memref<!tpu.dma_semaphore, #tpu.memory_space<semaphore_mem>>)
      %dma_wait3A = arith.constant 0 : i32
      %dma_wait3A_405 = tpu.memref_slice %arg8[%add3A_249, %mul3A_0, %dma_wait3A] : memref<24x10240x64xf32, #tpu.memory_space<hbm>> -> memref<1x640x64xf32, #tpu.memory_space<hbm>>
      %dma_wait3A_406 = tpu.memref_squeeze %dma_wait3A_405 : memref<1x640x64xf32, #tpu.memory_space<hbm>> -> memref<640x64xf32, #tpu.memory_space<hbm>>
      %dma_wait3A_407 = arith.constant 0 : i32
      %dma_wait3A_408 = tpu.memref_slice %arg16[%mul3A_0, %dma_wait3A_407] : memref<10240x64xf32, #tpu.memory_space<vmem_shared>> -> memref<640x64xf32, #tpu.memory_space<vmem_shared>>
      tpu.wait_dma2 semaphore(%run_scoped3A : memref<!tpu.dma_semaphore, #tpu.memory_space<semaphore_mem>>) src(%dma_wait3A_408 : memref<640x64xf32, #tpu.memory_space<vmem_shared>>) dst(%dma_wait3A_406 : memref<640x64xf32, #tpu.memory_space<hbm>>)
      tpu.yield
    }) : () -> ()
    %add3A_268 = arith.constant 0 : i32
    %add3A_269 = arith.addi %mul3A_0, %add3A_268 : i32
    "tpu.region"() ({
      %run_scoped3A = tpu.sem_alloc : memref<!tpu.dma_semaphore, #tpu.memory_space<semaphore_mem>>
      %dma_start3A_400 = arith.constant 0 : i32
      %dma_start3A_401 = tpu.memref_slice %arg16[%add3A_269, %dma_start3A_400] : memref<10240x64xf32, #tpu.memory_space<vmem_shared>> -> memref<128x64xf32, #tpu.memory_space<vmem_shared>>
      %dma_start3A_402 = arith.constant 0 : i32
      %dma_start3A_403 = tpu.memref_slice %arg16[%add3A_269, %dma_start3A_402] : memref<10240x64xf32, #tpu.memory_space<vmem_shared>> -> memref<128x64xf32, #tpu.memory_space<vmem_shared>>
      tpu.enqueue_dma source(%arg14 : memref<128x64xf32, #tpu.memory_space<vmem>>) target(%dma_start3A_403 : memref<128x64xf32, #tpu.memory_space<vmem_shared>>) target_semaphore(%run_scoped3A : memref<!tpu.dma_semaphore, #tpu.memory_space<semaphore_mem>>)
      %dma_wait3A = arith.constant 0 : i32
      %dma_wait3A_404 = tpu.memref_slice %arg16[%add3A_269, %dma_wait3A] : memref<10240x64xf32, #tpu.memory_space<vmem_shared>> -> memref<128x64xf32, #tpu.memory_space<vmem_shared>>
      %dma_wait3A_405 = arith.constant 0 : i32
      %dma_wait3A_406 = tpu.memref_slice %arg16[%add3A_269, %dma_wait3A_405] : memref<10240x64xf32, #tpu.memory_space<vmem_shared>> -> memref<128x64xf32, #tpu.memory_space<vmem_shared>>
      tpu.wait_dma2 semaphore(%run_scoped3A : memref<!tpu.dma_semaphore, #tpu.memory_space<semaphore_mem>>) src(%arg14 : memref<128x64xf32, #tpu.memory_space<vmem>>) dst(%dma_wait3A_406 : memref<128x64xf32, #tpu.memory_space<vmem_shared>>)
      tpu.yield
    }) : () -> ()
    %add3A_270 = arith.constant 128 : i32
    %add3A_271 = arith.addi %mul3A_0, %add3A_270 : i32
    "tpu.region"() ({
      %run_scoped3A = tpu.sem_alloc : memref<!tpu.dma_semaphore, #tpu.memory_space<semaphore_mem>>
      %dma_start3A_400 = arith.constant 0 : i32
      %dma_start3A_401 = tpu.memref_slice %arg16[%add3A_271, %dma_start3A_400] : memref<10240x64xf32, #tpu.memory_space<vmem_shared>> -> memref<128x64xf32, #tpu.memory_space<vmem_shared>>
      %dma_start3A_402 = arith.constant 0 : i32
      %dma_start3A_403 = tpu.memref_slice %arg16[%add3A_271, %dma_start3A_402] : memref<10240x64xf32, #tpu.memory_space<vmem_shared>> -> memref<128x64xf32, #tpu.memory_space<vmem_shared>>
      tpu.enqueue_dma source(%arg14 : memref<128x64xf32, #tpu.memory_space<vmem>>) target(%dma_start3A_403 : memref<128x64xf32, #tpu.memory_space<vmem_shared>>) target_semaphore(%run_scoped3A : memref<!tpu.dma_semaphore, #tpu.memory_space<semaphore_mem>>)
      %dma_wait3A = arith.constant 0 : i32
      %dma_wait3A_404 = tpu.memref_slice %arg16[%add3A_271, %dma_wait3A] : memref<10240x64xf32, #tpu.memory_space<vmem_shared>> -> memref<128x64xf32, #tpu.memory_space<vmem_shared>>
      %dma_wait3A_405 = arith.constant 0 : i32
      %dma_wait3A_406 = tpu.memref_slice %arg16[%add3A_271, %dma_wait3A_405] : memref<10240x64xf32, #tpu.memory_space<vmem_shared>> -> memref<128x64xf32, #tpu.memory_space<vmem_shared>>
      tpu.wait_dma2 semaphore(%run_scoped3A : memref<!tpu.dma_semaphore, #tpu.memory_space<semaphore_mem>>) src(%arg14 : memref<128x64xf32, #tpu.memory_space<vmem>>) dst(%dma_wait3A_406 : memref<128x64xf32, #tpu.memory_space<vmem_shared>>)
      tpu.yield
    }) : () -> ()
    %add3A_272 = arith.constant 256 : i32
    %add3A_273 = arith.addi %mul3A_0, %add3A_272 : i32
    "tpu.region"() ({
      %run_scoped3A = tpu.sem_alloc : memref<!tpu.dma_semaphore, #tpu.memory_space<semaphore_mem>>
      %dma_start3A_400 = arith.constant 0 : i32
      %dma_start3A_401 = tpu.memref_slice %arg16[%add3A_273, %dma_start3A_400] : memref<10240x64xf32, #tpu.memory_space<vmem_shared>> -> memref<128x64xf32, #tpu.memory_space<vmem_shared>>
      %dma_start3A_402 = arith.constant 0 : i32
      %dma_start3A_403 = tpu.memref_slice %arg16[%add3A_273, %dma_start3A_402] : memref<10240x64xf32, #tpu.memory_space<vmem_shared>> -> memref<128x64xf32, #tpu.memory_space<vmem_shared>>
      tpu.enqueue_dma source(%arg14 : memref<128x64xf32, #tpu.memory_space<vmem>>) target(%dma_start3A_403 : memref<128x64xf32, #tpu.memory_space<vmem_shared>>) target_semaphore(%run_scoped3A : memref<!tpu.dma_semaphore, #tpu.memory_space<semaphore_mem>>)
      %dma_wait3A = arith.constant 0 : i32
      %dma_wait3A_404 = tpu.memref_slice %arg16[%add3A_273, %dma_wait3A] : memref<10240x64xf32, #tpu.memory_space<vmem_shared>> -> memref<128x64xf32, #tpu.memory_space<vmem_shared>>
      %dma_wait3A_405 = arith.constant 0 : i32
      %dma_wait3A_406 = tpu.memref_slice %arg16[%add3A_273, %dma_wait3A_405] : memref<10240x64xf32, #tpu.memory_space<vmem_shared>> -> memref<128x64xf32, #tpu.memory_space<vmem_shared>>
      tpu.wait_dma2 semaphore(%run_scoped3A : memref<!tpu.dma_semaphore, #tpu.memory_space<semaphore_mem>>) src(%arg14 : memref<128x64xf32, #tpu.memory_space<vmem>>) dst(%dma_wait3A_406 : memref<128x64xf32, #tpu.memory_space<vmem_shared>>)
      tpu.yield
    }) : () -> ()
    %add3A_274 = arith.constant 384 : i32
    %add3A_275 = arith.addi %mul3A_0, %add3A_274 : i32
    "tpu.region"() ({
      %run_scoped3A = tpu.sem_alloc : memref<!tpu.dma_semaphore, #tpu.memory_space<semaphore_mem>>
      %dma_start3A_400 = arith.constant 0 : i32
      %dma_start3A_401 = tpu.memref_slice %arg16[%add3A_275, %dma_start3A_400] : memref<10240x64xf32, #tpu.memory_space<vmem_shared>> -> memref<128x64xf32, #tpu.memory_space<vmem_shared>>
      %dma_start3A_402 = arith.constant 0 : i32
      %dma_start3A_403 = tpu.memref_slice %arg16[%add3A_275, %dma_start3A_402] : memref<10240x64xf32, #tpu.memory_space<vmem_shared>> -> memref<128x64xf32, #tpu.memory_space<vmem_shared>>
      tpu.enqueue_dma source(%arg14 : memref<128x64xf32, #tpu.memory_space<vmem>>) target(%dma_start3A_403 : memref<128x64xf32, #tpu.memory_space<vmem_shared>>) target_semaphore(%run_scoped3A : memref<!tpu.dma_semaphore, #tpu.memory_space<semaphore_mem>>)
      %dma_wait3A = arith.constant 0 : i32
      %dma_wait3A_404 = tpu.memref_slice %arg16[%add3A_275, %dma_wait3A] : memref<10240x64xf32, #tpu.memory_space<vmem_shared>> -> memref<128x64xf32, #tpu.memory_space<vmem_shared>>
      %dma_wait3A_405 = arith.constant 0 : i32
      %dma_wait3A_406 = tpu.memref_slice %arg16[%add3A_275, %dma_wait3A_405] : memref<10240x64xf32, #tpu.memory_space<vmem_shared>> -> memref<128x64xf32, #tpu.memory_space<vmem_shared>>
      tpu.wait_dma2 semaphore(%run_scoped3A : memref<!tpu.dma_semaphore, #tpu.memory_space<semaphore_mem>>) src(%arg14 : memref<128x64xf32, #tpu.memory_space<vmem>>) dst(%dma_wait3A_406 : memref<128x64xf32, #tpu.memory_space<vmem_shared>>)
      tpu.yield
    }) : () -> ()
    %add3A_276 = arith.constant 512 : i32
    %add3A_277 = arith.addi %mul3A_0, %add3A_276 : i32
    "tpu.region"() ({
      %run_scoped3A = tpu.sem_alloc : memref<!tpu.dma_semaphore, #tpu.memory_space<semaphore_mem>>
      %dma_start3A_400 = arith.constant 0 : i32
      %dma_start3A_401 = tpu.memref_slice %arg16[%add3A_277, %dma_start3A_400] : memref<10240x64xf32, #tpu.memory_space<vmem_shared>> -> memref<128x64xf32, #tpu.memory_space<vmem_shared>>
      %dma_start3A_402 = arith.constant 0 : i32
      %dma_start3A_403 = tpu.memref_slice %arg16[%add3A_277, %dma_start3A_402] : memref<10240x64xf32, #tpu.memory_space<vmem_shared>> -> memref<128x64xf32, #tpu.memory_space<vmem_shared>>
      tpu.enqueue_dma source(%arg14 : memref<128x64xf32, #tpu.memory_space<vmem>>) target(%dma_start3A_403 : memref<128x64xf32, #tpu.memory_space<vmem_shared>>) target_semaphore(%run_scoped3A : memref<!tpu.dma_semaphore, #tpu.memory_space<semaphore_mem>>)
      %dma_wait3A = arith.constant 0 : i32
      %dma_wait3A_404 = tpu.memref_slice %arg16[%add3A_277, %dma_wait3A] : memref<10240x64xf32, #tpu.memory_space<vmem_shared>> -> memref<128x64xf32, #tpu.memory_space<vmem_shared>>
      %dma_wait3A_405 = arith.constant 0 : i32
      %dma_wait3A_406 = tpu.memref_slice %arg16[%add3A_277, %dma_wait3A_405] : memref<10240x64xf32, #tpu.memory_space<vmem_shared>> -> memref<128x64xf32, #tpu.memory_space<vmem_shared>>
      tpu.wait_dma2 semaphore(%run_scoped3A : memref<!tpu.dma_semaphore, #tpu.memory_space<semaphore_mem>>) src(%arg14 : memref<128x64xf32, #tpu.memory_space<vmem>>) dst(%dma_wait3A_406 : memref<128x64xf32, #tpu.memory_space<vmem_shared>>)
      tpu.yield
    }) : () -> ()
    %barrier3A_278 = arith.constant 0 : index
    tpu.barrier barrier_id(%barrier3A_278)
    %mul3A_279 = arith.constant 12 : i32
    %mul3A_280 = arith.muli %arg0, %mul3A_279 : i32
    %add3A_281 = arith.constant 8 : i32
    %add3A_282 = arith.addi %mul3A_280, %add3A_281 : i32
    %mul3A_283 = arith.constant 10000 : i32
    %mul3A_284 = arith.muli %add3A_282, %mul3A_283 : i32
    %dma_start3A_285 = arith.constant 0 : i32
    %dma_start3A_286 = arith.constant 0 : i32
    %dma_start3A_287 = tpu.memref_slice %arg10[%dma_start3A_285, %dma_start3A_286] : memref<250x80xi32, #tpu.memory_space<vmem>> -> memref<1x80xi32, #tpu.memory_space<vmem>>
    %dma_start3A_288 = tpu.memref_squeeze %dma_start3A_287 : memref<1x80xi32, #tpu.memory_space<vmem>> -> memref<80xi32, #tpu.memory_space<vmem>>
    %dma_start3A_289 = arith.constant 0 : i32
    %dma_start3A_290 = tpu.memref_slice %arg4[%mul3A_284, %dma_start3A_289] : memref<240000x64xf32, #tpu.memory_space<hbm>> -> memref<10000x64xf32, #tpu.memory_space<hbm>>
    %dma_start3A_291 = arith.constant 0 : i32
    %dma_start3A_292 = arith.constant 0 : i32
    %dma_start3A_293 = tpu.memref_slice %dma_start3A_290[%dma_start3A_291, %dma_start3A_292] : memref<10000x64xf32, #tpu.memory_space<hbm>> -> memref<10000x64xf32, #tpu.memory_space<hbm>>
    tpu.enqueue_indirect_dma source(%dma_start3A_293 : memref<10000x64xf32, #tpu.memory_space<hbm>>) target(%arg12 : memref<80x64xf32, #tpu.memory_space<vmem>>) offsets(%dma_start3A_288 : memref<80xi32, #tpu.memory_space<vmem>>) semaphore(%arg18 : memref<!tpu.dma_semaphore, #tpu.memory_space<semaphore_mem>>)
    %scan3A_294 = arith.constant 0 : i32
    %scan3A_295 = arith.constant 0 : i32
    %scan3A_296 = arith.constant 125 : i32
    %scan3A_297 = arith.addi %scan3A_295, %scan3A_296 : i32
    %scan3A_298 = arith.constant 1 : i32
    scf.for %scan3A_400 = %scan3A_295 to %scan3A_297 step %scan3A_298  : i32 {
      %mul3A_401 = arith.constant 2 : i32
      %mul3A_402 = arith.muli %mul3A_401, %scan3A_400 : i32
      %add3A_403 = arith.constant 0 : i32
      %add3A_404 = arith.addi %mul3A_402, %add3A_403 : i32
      %dma_wait3A = arith.constant 0 : i32
      %dma_wait3A_405 = tpu.memref_slice %arg10[%add3A_404, %dma_wait3A] : memref<250x80xi32, #tpu.memory_space<vmem>> -> memref<1x80xi32, #tpu.memory_space<vmem>>
      %dma_wait3A_406 = tpu.memref_squeeze %dma_wait3A_405 : memref<1x80xi32, #tpu.memory_space<vmem>> -> memref<80xi32, #tpu.memory_space<vmem>>
      %dma_wait3A_407 = arith.constant 0 : i32
      %dma_wait3A_408 = tpu.memref_slice %arg4[%mul3A_284, %dma_wait3A_407] : memref<240000x64xf32, #tpu.memory_space<hbm>> -> memref<10000x64xf32, #tpu.memory_space<hbm>>
      %dma_wait3A_409 = arith.constant 0 : i32
      %dma_wait3A_410 = arith.constant 0 : i32
      %dma_wait3A_411 = tpu.memref_slice %dma_wait3A_408[%dma_wait3A_409, %dma_wait3A_410] : memref<10000x64xf32, #tpu.memory_space<hbm>> -> memref<10000x64xf32, #tpu.memory_space<hbm>>
      tpu.wait_indirect_dma semaphore(%arg18 : memref<!tpu.dma_semaphore, #tpu.memory_space<semaphore_mem>>) src(%dma_wait3A_411 : memref<10000x64xf32, #tpu.memory_space<hbm>>) dst(%arg12 : memref<80x64xf32, #tpu.memory_space<vmem>>)
      %add3A_412 = arith.constant 1 : i32
      %add3A_413 = arith.addi %add3A_404, %add3A_412 : i32
      %lt3A = arith.constant 250 : i32
      %lt3A_414 = arith.cmpi slt, %add3A_413, %lt3A : i32
      %convert_element_type3A_415 = arith.extui %lt3A_414 : i1 to i32
      %cond3A_416 = arith.constant 0 : i32
      %cond3A_417 = arith.cmpi ne, %convert_element_type3A_415, %cond3A_416 : i32
      scf.if %cond3A_417 {
        %add3A_435 = arith.constant 1 : i32
        %add3A_436 = arith.addi %add3A_404, %add3A_435 : i32
        %dma_start3A_437 = arith.constant 0 : i32
        %dma_start3A_438 = tpu.memref_slice %arg10[%add3A_436, %dma_start3A_437] : memref<250x80xi32, #tpu.memory_space<vmem>> -> memref<1x80xi32, #tpu.memory_space<vmem>>
        %dma_start3A_439 = tpu.memref_squeeze %dma_start3A_438 : memref<1x80xi32, #tpu.memory_space<vmem>> -> memref<80xi32, #tpu.memory_space<vmem>>
        %dma_start3A_440 = arith.constant 0 : i32
        %dma_start3A_441 = tpu.memref_slice %arg4[%mul3A_284, %dma_start3A_440] : memref<240000x64xf32, #tpu.memory_space<hbm>> -> memref<10000x64xf32, #tpu.memory_space<hbm>>
        %dma_start3A_442 = arith.constant 0 : i32
        %dma_start3A_443 = arith.constant 0 : i32
        %dma_start3A_444 = tpu.memref_slice %dma_start3A_441[%dma_start3A_442, %dma_start3A_443] : memref<10000x64xf32, #tpu.memory_space<hbm>> -> memref<10000x64xf32, #tpu.memory_space<hbm>>
        tpu.enqueue_indirect_dma source(%dma_start3A_444 : memref<10000x64xf32, #tpu.memory_space<hbm>>) target(%arg13 : memref<80x64xf32, #tpu.memory_space<vmem>>) offsets(%dma_start3A_439 : memref<80xi32, #tpu.memory_space<vmem>>) semaphore(%arg19 : memref<!tpu.dma_semaphore, #tpu.memory_space<semaphore_mem>>)
      } else {
      }
      "tpu.region"() ({
        %run_scoped3A = tpu.sem_alloc : memref<!tpu.dma_semaphore, #tpu.memory_space<semaphore_mem>>
        %dma_start3A_435 = arith.constant 0 : i32
        %dma_start3A_436 = tpu.memref_slice %arg11[%add3A_404, %dma_start3A_435] : memref<250x80xi32, #tpu.memory_space<vmem>> -> memref<1x80xi32, #tpu.memory_space<vmem>>
        %dma_start3A_437 = tpu.memref_squeeze %dma_start3A_436 : memref<1x80xi32, #tpu.memory_space<vmem>> -> memref<80xi32, #tpu.memory_space<vmem>>
        %dma_start3A_438 = arith.constant 0 : i32
        %dma_start3A_439 = arith.constant 0 : i32
        %dma_start3A_440 = tpu.memref_slice %arg16[%dma_start3A_438, %dma_start3A_439] : memref<10240x64xf32, #tpu.memory_space<vmem_shared>> -> memref<10240x64xf32, #tpu.memory_space<vmem_shared>>
        tpu.enqueue_indirect_dma source(%arg12 : memref<80x64xf32, #tpu.memory_space<vmem>>) target(%dma_start3A_440 : memref<10240x64xf32, #tpu.memory_space<vmem_shared>>) offsets(%dma_start3A_437 : memref<80xi32, #tpu.memory_space<vmem>>) semaphore(%run_scoped3A : memref<!tpu.dma_semaphore, #tpu.memory_space<semaphore_mem>>) {add = true}
        %dma_wait3A_441 = arith.constant 0 : i32
        %dma_wait3A_442 = tpu.memref_slice %arg11[%add3A_404, %dma_wait3A_441] : memref<250x80xi32, #tpu.memory_space<vmem>> -> memref<1x80xi32, #tpu.memory_space<vmem>>
        %dma_wait3A_443 = tpu.memref_squeeze %dma_wait3A_442 : memref<1x80xi32, #tpu.memory_space<vmem>> -> memref<80xi32, #tpu.memory_space<vmem>>
        %dma_wait3A_444 = arith.constant 0 : i32
        %dma_wait3A_445 = arith.constant 0 : i32
        %dma_wait3A_446 = tpu.memref_slice %arg16[%dma_wait3A_444, %dma_wait3A_445] : memref<10240x64xf32, #tpu.memory_space<vmem_shared>> -> memref<10240x64xf32, #tpu.memory_space<vmem_shared>>
        tpu.wait_indirect_dma semaphore(%run_scoped3A : memref<!tpu.dma_semaphore, #tpu.memory_space<semaphore_mem>>) src(%arg12 : memref<80x64xf32, #tpu.memory_space<vmem>>) dst(%dma_wait3A_446 : memref<10240x64xf32, #tpu.memory_space<vmem_shared>>)
        tpu.yield
      }) : () -> ()
      %add3A_418 = arith.constant 1 : i32
      %add3A_419 = arith.addi %mul3A_402, %add3A_418 : i32
      %dma_wait3A_420 = arith.constant 0 : i32
      %dma_wait3A_421 = tpu.memref_slice %arg10[%add3A_419, %dma_wait3A_420] : memref<250x80xi32, #tpu.memory_space<vmem>> -> memref<1x80xi32, #tpu.memory_space<vmem>>
      %dma_wait3A_422 = tpu.memref_squeeze %dma_wait3A_421 : memref<1x80xi32, #tpu.memory_space<vmem>> -> memref<80xi32, #tpu.memory_space<vmem>>
      %dma_wait3A_423 = arith.constant 0 : i32
      %dma_wait3A_424 = tpu.memref_slice %arg4[%mul3A_284, %dma_wait3A_423] : memref<240000x64xf32, #tpu.memory_space<hbm>> -> memref<10000x64xf32, #tpu.memory_space<hbm>>
      %dma_wait3A_425 = arith.constant 0 : i32
      %dma_wait3A_426 = arith.constant 0 : i32
      %dma_wait3A_427 = tpu.memref_slice %dma_wait3A_424[%dma_wait3A_425, %dma_wait3A_426] : memref<10000x64xf32, #tpu.memory_space<hbm>> -> memref<10000x64xf32, #tpu.memory_space<hbm>>
      tpu.wait_indirect_dma semaphore(%arg19 : memref<!tpu.dma_semaphore, #tpu.memory_space<semaphore_mem>>) src(%dma_wait3A_427 : memref<10000x64xf32, #tpu.memory_space<hbm>>) dst(%arg13 : memref<80x64xf32, #tpu.memory_space<vmem>>)
      %add3A_428 = arith.constant 1 : i32
      %add3A_429 = arith.addi %add3A_419, %add3A_428 : i32
      %lt3A_430 = arith.constant 250 : i32
      %lt3A_431 = arith.cmpi slt, %add3A_429, %lt3A_430 : i32
      %convert_element_type3A_432 = arith.extui %lt3A_431 : i1 to i32
      %cond3A_433 = arith.constant 0 : i32
      %cond3A_434 = arith.cmpi ne, %convert_element_type3A_432, %cond3A_433 : i32
      scf.if %cond3A_434 {
        %add3A_435 = arith.constant 1 : i32
        %add3A_436 = arith.addi %add3A_419, %add3A_435 : i32
        %dma_start3A_437 = arith.constant 0 : i32
        %dma_start3A_438 = tpu.memref_slice %arg10[%add3A_436, %dma_start3A_437] : memref<250x80xi32, #tpu.memory_space<vmem>> -> memref<1x80xi32, #tpu.memory_space<vmem>>
        %dma_start3A_439 = tpu.memref_squeeze %dma_start3A_438 : memref<1x80xi32, #tpu.memory_space<vmem>> -> memref<80xi32, #tpu.memory_space<vmem>>
        %dma_start3A_440 = arith.constant 0 : i32
        %dma_start3A_441 = tpu.memref_slice %arg4[%mul3A_284, %dma_start3A_440] : memref<240000x64xf32, #tpu.memory_space<hbm>> -> memref<10000x64xf32, #tpu.memory_space<hbm>>
        %dma_start3A_442 = arith.constant 0 : i32
        %dma_start3A_443 = arith.constant 0 : i32
        %dma_start3A_444 = tpu.memref_slice %dma_start3A_441[%dma_start3A_442, %dma_start3A_443] : memref<10000x64xf32, #tpu.memory_space<hbm>> -> memref<10000x64xf32, #tpu.memory_space<hbm>>
        tpu.enqueue_indirect_dma source(%dma_start3A_444 : memref<10000x64xf32, #tpu.memory_space<hbm>>) target(%arg12 : memref<80x64xf32, #tpu.memory_space<vmem>>) offsets(%dma_start3A_439 : memref<80xi32, #tpu.memory_space<vmem>>) semaphore(%arg18 : memref<!tpu.dma_semaphore, #tpu.memory_space<semaphore_mem>>)
      } else {
      }
      "tpu.region"() ({
        %run_scoped3A = tpu.sem_alloc : memref<!tpu.dma_semaphore, #tpu.memory_space<semaphore_mem>>
        %dma_start3A_435 = arith.constant 0 : i32
        %dma_start3A_436 = tpu.memref_slice %arg11[%add3A_419, %dma_start3A_435] : memref<250x80xi32, #tpu.memory_space<vmem>> -> memref<1x80xi32, #tpu.memory_space<vmem>>
        %dma_start3A_437 = tpu.memref_squeeze %dma_start3A_436 : memref<1x80xi32, #tpu.memory_space<vmem>> -> memref<80xi32, #tpu.memory_space<vmem>>
        %dma_start3A_438 = arith.constant 0 : i32
        %dma_start3A_439 = arith.constant 0 : i32
        %dma_start3A_440 = tpu.memref_slice %arg16[%dma_start3A_438, %dma_start3A_439] : memref<10240x64xf32, #tpu.memory_space<vmem_shared>> -> memref<10240x64xf32, #tpu.memory_space<vmem_shared>>
        tpu.enqueue_indirect_dma source(%arg13 : memref<80x64xf32, #tpu.memory_space<vmem>>) target(%dma_start3A_440 : memref<10240x64xf32, #tpu.memory_space<vmem_shared>>) offsets(%dma_start3A_437 : memref<80xi32, #tpu.memory_space<vmem>>) semaphore(%run_scoped3A : memref<!tpu.dma_semaphore, #tpu.memory_space<semaphore_mem>>) {add = true}
        %dma_wait3A_441 = arith.constant 0 : i32
        %dma_wait3A_442 = tpu.memref_slice %arg11[%add3A_419, %dma_wait3A_441] : memref<250x80xi32, #tpu.memory_space<vmem>> -> memref<1x80xi32, #tpu.memory_space<vmem>>
        %dma_wait3A_443 = tpu.memref_squeeze %dma_wait3A_442 : memref<1x80xi32, #tpu.memory_space<vmem>> -> memref<80xi32, #tpu.memory_space<vmem>>
        %dma_wait3A_444 = arith.constant 0 : i32
        %dma_wait3A_445 = arith.constant 0 : i32
        %dma_wait3A_446 = tpu.memref_slice %arg16[%dma_wait3A_444, %dma_wait3A_445] : memref<10240x64xf32, #tpu.memory_space<vmem_shared>> -> memref<10240x64xf32, #tpu.memory_space<vmem_shared>>
        tpu.wait_indirect_dma semaphore(%run_scoped3A : memref<!tpu.dma_semaphore, #tpu.memory_space<semaphore_mem>>) src(%arg13 : memref<80x64xf32, #tpu.memory_space<vmem>>) dst(%dma_wait3A_446 : memref<10240x64xf32, #tpu.memory_space<vmem_shared>>)
        tpu.yield
      }) : () -> ()
    }
    %scan3A_299 = arith.constant 125 : i32
    %barrier3A_300 = arith.constant 0 : index
    tpu.barrier barrier_id(%barrier3A_300)
    "tpu.region"() ({
      %run_scoped3A = tpu.sem_alloc : memref<!tpu.dma_semaphore, #tpu.memory_space<semaphore_mem>>
      %dma_start3A_400 = arith.constant 0 : i32
      %dma_start3A_401 = tpu.memref_slice %arg8[%add3A_282, %mul3A_0, %dma_start3A_400] : memref<24x10240x64xf32, #tpu.memory_space<hbm>> -> memref<1x640x64xf32, #tpu.memory_space<hbm>>
      %dma_start3A_402 = tpu.memref_squeeze %dma_start3A_401 : memref<1x640x64xf32, #tpu.memory_space<hbm>> -> memref<640x64xf32, #tpu.memory_space<hbm>>
      %dma_start3A_403 = arith.constant 0 : i32
      %dma_start3A_404 = tpu.memref_slice %arg16[%mul3A_0, %dma_start3A_403] : memref<10240x64xf32, #tpu.memory_space<vmem_shared>> -> memref<640x64xf32, #tpu.memory_space<vmem_shared>>
      tpu.enqueue_dma source(%dma_start3A_404 : memref<640x64xf32, #tpu.memory_space<vmem_shared>>) target(%dma_start3A_402 : memref<640x64xf32, #tpu.memory_space<hbm>>) target_semaphore(%run_scoped3A : memref<!tpu.dma_semaphore, #tpu.memory_space<semaphore_mem>>)
      %dma_wait3A = arith.constant 0 : i32
      %dma_wait3A_405 = tpu.memref_slice %arg8[%add3A_282, %mul3A_0, %dma_wait3A] : memref<24x10240x64xf32, #tpu.memory_space<hbm>> -> memref<1x640x64xf32, #tpu.memory_space<hbm>>
      %dma_wait3A_406 = tpu.memref_squeeze %dma_wait3A_405 : memref<1x640x64xf32, #tpu.memory_space<hbm>> -> memref<640x64xf32, #tpu.memory_space<hbm>>
      %dma_wait3A_407 = arith.constant 0 : i32
      %dma_wait3A_408 = tpu.memref_slice %arg16[%mul3A_0, %dma_wait3A_407] : memref<10240x64xf32, #tpu.memory_space<vmem_shared>> -> memref<640x64xf32, #tpu.memory_space<vmem_shared>>
      tpu.wait_dma2 semaphore(%run_scoped3A : memref<!tpu.dma_semaphore, #tpu.memory_space<semaphore_mem>>) src(%dma_wait3A_408 : memref<640x64xf32, #tpu.memory_space<vmem_shared>>) dst(%dma_wait3A_406 : memref<640x64xf32, #tpu.memory_space<hbm>>)
      tpu.yield
    }) : () -> ()
    %add3A_301 = arith.constant 0 : i32
    %add3A_302 = arith.addi %mul3A_0, %add3A_301 : i32
    "tpu.region"() ({
      %run_scoped3A = tpu.sem_alloc : memref<!tpu.dma_semaphore, #tpu.memory_space<semaphore_mem>>
      %dma_start3A_400 = arith.constant 0 : i32
      %dma_start3A_401 = tpu.memref_slice %arg16[%add3A_302, %dma_start3A_400] : memref<10240x64xf32, #tpu.memory_space<vmem_shared>> -> memref<128x64xf32, #tpu.memory_space<vmem_shared>>
      %dma_start3A_402 = arith.constant 0 : i32
      %dma_start3A_403 = tpu.memref_slice %arg16[%add3A_302, %dma_start3A_402] : memref<10240x64xf32, #tpu.memory_space<vmem_shared>> -> memref<128x64xf32, #tpu.memory_space<vmem_shared>>
      tpu.enqueue_dma source(%arg14 : memref<128x64xf32, #tpu.memory_space<vmem>>) target(%dma_start3A_403 : memref<128x64xf32, #tpu.memory_space<vmem_shared>>) target_semaphore(%run_scoped3A : memref<!tpu.dma_semaphore, #tpu.memory_space<semaphore_mem>>)
      %dma_wait3A = arith.constant 0 : i32
      %dma_wait3A_404 = tpu.memref_slice %arg16[%add3A_302, %dma_wait3A] : memref<10240x64xf32, #tpu.memory_space<vmem_shared>> -> memref<128x64xf32, #tpu.memory_space<vmem_shared>>
      %dma_wait3A_405 = arith.constant 0 : i32
      %dma_wait3A_406 = tpu.memref_slice %arg16[%add3A_302, %dma_wait3A_405] : memref<10240x64xf32, #tpu.memory_space<vmem_shared>> -> memref<128x64xf32, #tpu.memory_space<vmem_shared>>
      tpu.wait_dma2 semaphore(%run_scoped3A : memref<!tpu.dma_semaphore, #tpu.memory_space<semaphore_mem>>) src(%arg14 : memref<128x64xf32, #tpu.memory_space<vmem>>) dst(%dma_wait3A_406 : memref<128x64xf32, #tpu.memory_space<vmem_shared>>)
      tpu.yield
    }) : () -> ()
    %add3A_303 = arith.constant 128 : i32
    %add3A_304 = arith.addi %mul3A_0, %add3A_303 : i32
    "tpu.region"() ({
      %run_scoped3A = tpu.sem_alloc : memref<!tpu.dma_semaphore, #tpu.memory_space<semaphore_mem>>
      %dma_start3A_400 = arith.constant 0 : i32
      %dma_start3A_401 = tpu.memref_slice %arg16[%add3A_304, %dma_start3A_400] : memref<10240x64xf32, #tpu.memory_space<vmem_shared>> -> memref<128x64xf32, #tpu.memory_space<vmem_shared>>
      %dma_start3A_402 = arith.constant 0 : i32
      %dma_start3A_403 = tpu.memref_slice %arg16[%add3A_304, %dma_start3A_402] : memref<10240x64xf32, #tpu.memory_space<vmem_shared>> -> memref<128x64xf32, #tpu.memory_space<vmem_shared>>
      tpu.enqueue_dma source(%arg14 : memref<128x64xf32, #tpu.memory_space<vmem>>) target(%dma_start3A_403 : memref<128x64xf32, #tpu.memory_space<vmem_shared>>) target_semaphore(%run_scoped3A : memref<!tpu.dma_semaphore, #tpu.memory_space<semaphore_mem>>)
      %dma_wait3A = arith.constant 0 : i32
      %dma_wait3A_404 = tpu.memref_slice %arg16[%add3A_304, %dma_wait3A] : memref<10240x64xf32, #tpu.memory_space<vmem_shared>> -> memref<128x64xf32, #tpu.memory_space<vmem_shared>>
      %dma_wait3A_405 = arith.constant 0 : i32
      %dma_wait3A_406 = tpu.memref_slice %arg16[%add3A_304, %dma_wait3A_405] : memref<10240x64xf32, #tpu.memory_space<vmem_shared>> -> memref<128x64xf32, #tpu.memory_space<vmem_shared>>
      tpu.wait_dma2 semaphore(%run_scoped3A : memref<!tpu.dma_semaphore, #tpu.memory_space<semaphore_mem>>) src(%arg14 : memref<128x64xf32, #tpu.memory_space<vmem>>) dst(%dma_wait3A_406 : memref<128x64xf32, #tpu.memory_space<vmem_shared>>)
      tpu.yield
    }) : () -> ()
    %add3A_305 = arith.constant 256 : i32
    %add3A_306 = arith.addi %mul3A_0, %add3A_305 : i32
    "tpu.region"() ({
      %run_scoped3A = tpu.sem_alloc : memref<!tpu.dma_semaphore, #tpu.memory_space<semaphore_mem>>
      %dma_start3A_400 = arith.constant 0 : i32
      %dma_start3A_401 = tpu.memref_slice %arg16[%add3A_306, %dma_start3A_400] : memref<10240x64xf32, #tpu.memory_space<vmem_shared>> -> memref<128x64xf32, #tpu.memory_space<vmem_shared>>
      %dma_start3A_402 = arith.constant 0 : i32
      %dma_start3A_403 = tpu.memref_slice %arg16[%add3A_306, %dma_start3A_402] : memref<10240x64xf32, #tpu.memory_space<vmem_shared>> -> memref<128x64xf32, #tpu.memory_space<vmem_shared>>
      tpu.enqueue_dma source(%arg14 : memref<128x64xf32, #tpu.memory_space<vmem>>) target(%dma_start3A_403 : memref<128x64xf32, #tpu.memory_space<vmem_shared>>) target_semaphore(%run_scoped3A : memref<!tpu.dma_semaphore, #tpu.memory_space<semaphore_mem>>)
      %dma_wait3A = arith.constant 0 : i32
      %dma_wait3A_404 = tpu.memref_slice %arg16[%add3A_306, %dma_wait3A] : memref<10240x64xf32, #tpu.memory_space<vmem_shared>> -> memref<128x64xf32, #tpu.memory_space<vmem_shared>>
      %dma_wait3A_405 = arith.constant 0 : i32
      %dma_wait3A_406 = tpu.memref_slice %arg16[%add3A_306, %dma_wait3A_405] : memref<10240x64xf32, #tpu.memory_space<vmem_shared>> -> memref<128x64xf32, #tpu.memory_space<vmem_shared>>
      tpu.wait_dma2 semaphore(%run_scoped3A : memref<!tpu.dma_semaphore, #tpu.memory_space<semaphore_mem>>) src(%arg14 : memref<128x64xf32, #tpu.memory_space<vmem>>) dst(%dma_wait3A_406 : memref<128x64xf32, #tpu.memory_space<vmem_shared>>)
      tpu.yield
    }) : () -> ()
    %add3A_307 = arith.constant 384 : i32
    %add3A_308 = arith.addi %mul3A_0, %add3A_307 : i32
    "tpu.region"() ({
      %run_scoped3A = tpu.sem_alloc : memref<!tpu.dma_semaphore, #tpu.memory_space<semaphore_mem>>
      %dma_start3A_400 = arith.constant 0 : i32
      %dma_start3A_401 = tpu.memref_slice %arg16[%add3A_308, %dma_start3A_400] : memref<10240x64xf32, #tpu.memory_space<vmem_shared>> -> memref<128x64xf32, #tpu.memory_space<vmem_shared>>
      %dma_start3A_402 = arith.constant 0 : i32
      %dma_start3A_403 = tpu.memref_slice %arg16[%add3A_308, %dma_start3A_402] : memref<10240x64xf32, #tpu.memory_space<vmem_shared>> -> memref<128x64xf32, #tpu.memory_space<vmem_shared>>
      tpu.enqueue_dma source(%arg14 : memref<128x64xf32, #tpu.memory_space<vmem>>) target(%dma_start3A_403 : memref<128x64xf32, #tpu.memory_space<vmem_shared>>) target_semaphore(%run_scoped3A : memref<!tpu.dma_semaphore, #tpu.memory_space<semaphore_mem>>)
      %dma_wait3A = arith.constant 0 : i32
      %dma_wait3A_404 = tpu.memref_slice %arg16[%add3A_308, %dma_wait3A] : memref<10240x64xf32, #tpu.memory_space<vmem_shared>> -> memref<128x64xf32, #tpu.memory_space<vmem_shared>>
      %dma_wait3A_405 = arith.constant 0 : i32
      %dma_wait3A_406 = tpu.memref_slice %arg16[%add3A_308, %dma_wait3A_405] : memref<10240x64xf32, #tpu.memory_space<vmem_shared>> -> memref<128x64xf32, #tpu.memory_space<vmem_shared>>
      tpu.wait_dma2 semaphore(%run_scoped3A : memref<!tpu.dma_semaphore, #tpu.memory_space<semaphore_mem>>) src(%arg14 : memref<128x64xf32, #tpu.memory_space<vmem>>) dst(%dma_wait3A_406 : memref<128x64xf32, #tpu.memory_space<vmem_shared>>)
      tpu.yield
    }) : () -> ()
    %add3A_309 = arith.constant 512 : i32
    %add3A_310 = arith.addi %mul3A_0, %add3A_309 : i32
    "tpu.region"() ({
      %run_scoped3A = tpu.sem_alloc : memref<!tpu.dma_semaphore, #tpu.memory_space<semaphore_mem>>
      %dma_start3A_400 = arith.constant 0 : i32
      %dma_start3A_401 = tpu.memref_slice %arg16[%add3A_310, %dma_start3A_400] : memref<10240x64xf32, #tpu.memory_space<vmem_shared>> -> memref<128x64xf32, #tpu.memory_space<vmem_shared>>
      %dma_start3A_402 = arith.constant 0 : i32
      %dma_start3A_403 = tpu.memref_slice %arg16[%add3A_310, %dma_start3A_402] : memref<10240x64xf32, #tpu.memory_space<vmem_shared>> -> memref<128x64xf32, #tpu.memory_space<vmem_shared>>
      tpu.enqueue_dma source(%arg14 : memref<128x64xf32, #tpu.memory_space<vmem>>) target(%dma_start3A_403 : memref<128x64xf32, #tpu.memory_space<vmem_shared>>) target_semaphore(%run_scoped3A : memref<!tpu.dma_semaphore, #tpu.memory_space<semaphore_mem>>)
      %dma_wait3A = arith.constant 0 : i32
      %dma_wait3A_404 = tpu.memref_slice %arg16[%add3A_310, %dma_wait3A] : memref<10240x64xf32, #tpu.memory_space<vmem_shared>> -> memref<128x64xf32, #tpu.memory_space<vmem_shared>>
      %dma_wait3A_405 = arith.constant 0 : i32
      %dma_wait3A_406 = tpu.memref_slice %arg16[%add3A_310, %dma_wait3A_405] : memref<10240x64xf32, #tpu.memory_space<vmem_shared>> -> memref<128x64xf32, #tpu.memory_space<vmem_shared>>
      tpu.wait_dma2 semaphore(%run_scoped3A : memref<!tpu.dma_semaphore, #tpu.memory_space<semaphore_mem>>) src(%arg14 : memref<128x64xf32, #tpu.memory_space<vmem>>) dst(%dma_wait3A_406 : memref<128x64xf32, #tpu.memory_space<vmem_shared>>)
      tpu.yield
    }) : () -> ()
    %barrier3A_311 = arith.constant 0 : index
    tpu.barrier barrier_id(%barrier3A_311)
    %mul3A_312 = arith.constant 12 : i32
    %mul3A_313 = arith.muli %arg0, %mul3A_312 : i32
    %add3A_314 = arith.constant 9 : i32
    %add3A_315 = arith.addi %mul3A_313, %add3A_314 : i32
    %mul3A_316 = arith.constant 10000 : i32
    %mul3A_317 = arith.muli %add3A_315, %mul3A_316 : i32
    %dma_start3A_318 = arith.constant 0 : i32
    %dma_start3A_319 = arith.constant 0 : i32
    %dma_start3A_320 = tpu.memref_slice %arg10[%dma_start3A_318, %dma_start3A_319] : memref<250x80xi32, #tpu.memory_space<vmem>> -> memref<1x80xi32, #tpu.memory_space<vmem>>
    %dma_start3A_321 = tpu.memref_squeeze %dma_start3A_320 : memref<1x80xi32, #tpu.memory_space<vmem>> -> memref<80xi32, #tpu.memory_space<vmem>>
    %dma_start3A_322 = arith.constant 0 : i32
    %dma_start3A_323 = tpu.memref_slice %arg4[%mul3A_317, %dma_start3A_322] : memref<240000x64xf32, #tpu.memory_space<hbm>> -> memref<10000x64xf32, #tpu.memory_space<hbm>>
    %dma_start3A_324 = arith.constant 0 : i32
    %dma_start3A_325 = arith.constant 0 : i32
    %dma_start3A_326 = tpu.memref_slice %dma_start3A_323[%dma_start3A_324, %dma_start3A_325] : memref<10000x64xf32, #tpu.memory_space<hbm>> -> memref<10000x64xf32, #tpu.memory_space<hbm>>
    tpu.enqueue_indirect_dma source(%dma_start3A_326 : memref<10000x64xf32, #tpu.memory_space<hbm>>) target(%arg12 : memref<80x64xf32, #tpu.memory_space<vmem>>) offsets(%dma_start3A_321 : memref<80xi32, #tpu.memory_space<vmem>>) semaphore(%arg18 : memref<!tpu.dma_semaphore, #tpu.memory_space<semaphore_mem>>)
    %scan3A_327 = arith.constant 0 : i32
    %scan3A_328 = arith.constant 0 : i32
    %scan3A_329 = arith.constant 125 : i32
    %scan3A_330 = arith.addi %scan3A_328, %scan3A_329 : i32
    %scan3A_331 = arith.constant 1 : i32
    scf.for %scan3A_400 = %scan3A_328 to %scan3A_330 step %scan3A_331  : i32 {
      %mul3A_401 = arith.constant 2 : i32
      %mul3A_402 = arith.muli %mul3A_401, %scan3A_400 : i32
      %add3A_403 = arith.constant 0 : i32
      %add3A_404 = arith.addi %mul3A_402, %add3A_403 : i32
      %dma_wait3A = arith.constant 0 : i32
      %dma_wait3A_405 = tpu.memref_slice %arg10[%add3A_404, %dma_wait3A] : memref<250x80xi32, #tpu.memory_space<vmem>> -> memref<1x80xi32, #tpu.memory_space<vmem>>
      %dma_wait3A_406 = tpu.memref_squeeze %dma_wait3A_405 : memref<1x80xi32, #tpu.memory_space<vmem>> -> memref<80xi32, #tpu.memory_space<vmem>>
      %dma_wait3A_407 = arith.constant 0 : i32
      %dma_wait3A_408 = tpu.memref_slice %arg4[%mul3A_317, %dma_wait3A_407] : memref<240000x64xf32, #tpu.memory_space<hbm>> -> memref<10000x64xf32, #tpu.memory_space<hbm>>
      %dma_wait3A_409 = arith.constant 0 : i32
      %dma_wait3A_410 = arith.constant 0 : i32
      %dma_wait3A_411 = tpu.memref_slice %dma_wait3A_408[%dma_wait3A_409, %dma_wait3A_410] : memref<10000x64xf32, #tpu.memory_space<hbm>> -> memref<10000x64xf32, #tpu.memory_space<hbm>>
      tpu.wait_indirect_dma semaphore(%arg18 : memref<!tpu.dma_semaphore, #tpu.memory_space<semaphore_mem>>) src(%dma_wait3A_411 : memref<10000x64xf32, #tpu.memory_space<hbm>>) dst(%arg12 : memref<80x64xf32, #tpu.memory_space<vmem>>)
      %add3A_412 = arith.constant 1 : i32
      %add3A_413 = arith.addi %add3A_404, %add3A_412 : i32
      %lt3A = arith.constant 250 : i32
      %lt3A_414 = arith.cmpi slt, %add3A_413, %lt3A : i32
      %convert_element_type3A_415 = arith.extui %lt3A_414 : i1 to i32
      %cond3A_416 = arith.constant 0 : i32
      %cond3A_417 = arith.cmpi ne, %convert_element_type3A_415, %cond3A_416 : i32
      scf.if %cond3A_417 {
        %add3A_435 = arith.constant 1 : i32
        %add3A_436 = arith.addi %add3A_404, %add3A_435 : i32
        %dma_start3A_437 = arith.constant 0 : i32
        %dma_start3A_438 = tpu.memref_slice %arg10[%add3A_436, %dma_start3A_437] : memref<250x80xi32, #tpu.memory_space<vmem>> -> memref<1x80xi32, #tpu.memory_space<vmem>>
        %dma_start3A_439 = tpu.memref_squeeze %dma_start3A_438 : memref<1x80xi32, #tpu.memory_space<vmem>> -> memref<80xi32, #tpu.memory_space<vmem>>
        %dma_start3A_440 = arith.constant 0 : i32
        %dma_start3A_441 = tpu.memref_slice %arg4[%mul3A_317, %dma_start3A_440] : memref<240000x64xf32, #tpu.memory_space<hbm>> -> memref<10000x64xf32, #tpu.memory_space<hbm>>
        %dma_start3A_442 = arith.constant 0 : i32
        %dma_start3A_443 = arith.constant 0 : i32
        %dma_start3A_444 = tpu.memref_slice %dma_start3A_441[%dma_start3A_442, %dma_start3A_443] : memref<10000x64xf32, #tpu.memory_space<hbm>> -> memref<10000x64xf32, #tpu.memory_space<hbm>>
        tpu.enqueue_indirect_dma source(%dma_start3A_444 : memref<10000x64xf32, #tpu.memory_space<hbm>>) target(%arg13 : memref<80x64xf32, #tpu.memory_space<vmem>>) offsets(%dma_start3A_439 : memref<80xi32, #tpu.memory_space<vmem>>) semaphore(%arg19 : memref<!tpu.dma_semaphore, #tpu.memory_space<semaphore_mem>>)
      } else {
      }
      "tpu.region"() ({
        %run_scoped3A = tpu.sem_alloc : memref<!tpu.dma_semaphore, #tpu.memory_space<semaphore_mem>>
        %dma_start3A_435 = arith.constant 0 : i32
        %dma_start3A_436 = tpu.memref_slice %arg11[%add3A_404, %dma_start3A_435] : memref<250x80xi32, #tpu.memory_space<vmem>> -> memref<1x80xi32, #tpu.memory_space<vmem>>
        %dma_start3A_437 = tpu.memref_squeeze %dma_start3A_436 : memref<1x80xi32, #tpu.memory_space<vmem>> -> memref<80xi32, #tpu.memory_space<vmem>>
        %dma_start3A_438 = arith.constant 0 : i32
        %dma_start3A_439 = arith.constant 0 : i32
        %dma_start3A_440 = tpu.memref_slice %arg16[%dma_start3A_438, %dma_start3A_439] : memref<10240x64xf32, #tpu.memory_space<vmem_shared>> -> memref<10240x64xf32, #tpu.memory_space<vmem_shared>>
        tpu.enqueue_indirect_dma source(%arg12 : memref<80x64xf32, #tpu.memory_space<vmem>>) target(%dma_start3A_440 : memref<10240x64xf32, #tpu.memory_space<vmem_shared>>) offsets(%dma_start3A_437 : memref<80xi32, #tpu.memory_space<vmem>>) semaphore(%run_scoped3A : memref<!tpu.dma_semaphore, #tpu.memory_space<semaphore_mem>>) {add = true}
        %dma_wait3A_441 = arith.constant 0 : i32
        %dma_wait3A_442 = tpu.memref_slice %arg11[%add3A_404, %dma_wait3A_441] : memref<250x80xi32, #tpu.memory_space<vmem>> -> memref<1x80xi32, #tpu.memory_space<vmem>>
        %dma_wait3A_443 = tpu.memref_squeeze %dma_wait3A_442 : memref<1x80xi32, #tpu.memory_space<vmem>> -> memref<80xi32, #tpu.memory_space<vmem>>
        %dma_wait3A_444 = arith.constant 0 : i32
        %dma_wait3A_445 = arith.constant 0 : i32
        %dma_wait3A_446 = tpu.memref_slice %arg16[%dma_wait3A_444, %dma_wait3A_445] : memref<10240x64xf32, #tpu.memory_space<vmem_shared>> -> memref<10240x64xf32, #tpu.memory_space<vmem_shared>>
        tpu.wait_indirect_dma semaphore(%run_scoped3A : memref<!tpu.dma_semaphore, #tpu.memory_space<semaphore_mem>>) src(%arg12 : memref<80x64xf32, #tpu.memory_space<vmem>>) dst(%dma_wait3A_446 : memref<10240x64xf32, #tpu.memory_space<vmem_shared>>)
        tpu.yield
      }) : () -> ()
      %add3A_418 = arith.constant 1 : i32
      %add3A_419 = arith.addi %mul3A_402, %add3A_418 : i32
      %dma_wait3A_420 = arith.constant 0 : i32
      %dma_wait3A_421 = tpu.memref_slice %arg10[%add3A_419, %dma_wait3A_420] : memref<250x80xi32, #tpu.memory_space<vmem>> -> memref<1x80xi32, #tpu.memory_space<vmem>>
      %dma_wait3A_422 = tpu.memref_squeeze %dma_wait3A_421 : memref<1x80xi32, #tpu.memory_space<vmem>> -> memref<80xi32, #tpu.memory_space<vmem>>
      %dma_wait3A_423 = arith.constant 0 : i32
      %dma_wait3A_424 = tpu.memref_slice %arg4[%mul3A_317, %dma_wait3A_423] : memref<240000x64xf32, #tpu.memory_space<hbm>> -> memref<10000x64xf32, #tpu.memory_space<hbm>>
      %dma_wait3A_425 = arith.constant 0 : i32
      %dma_wait3A_426 = arith.constant 0 : i32
      %dma_wait3A_427 = tpu.memref_slice %dma_wait3A_424[%dma_wait3A_425, %dma_wait3A_426] : memref<10000x64xf32, #tpu.memory_space<hbm>> -> memref<10000x64xf32, #tpu.memory_space<hbm>>
      tpu.wait_indirect_dma semaphore(%arg19 : memref<!tpu.dma_semaphore, #tpu.memory_space<semaphore_mem>>) src(%dma_wait3A_427 : memref<10000x64xf32, #tpu.memory_space<hbm>>) dst(%arg13 : memref<80x64xf32, #tpu.memory_space<vmem>>)
      %add3A_428 = arith.constant 1 : i32
      %add3A_429 = arith.addi %add3A_419, %add3A_428 : i32
      %lt3A_430 = arith.constant 250 : i32
      %lt3A_431 = arith.cmpi slt, %add3A_429, %lt3A_430 : i32
      %convert_element_type3A_432 = arith.extui %lt3A_431 : i1 to i32
      %cond3A_433 = arith.constant 0 : i32
      %cond3A_434 = arith.cmpi ne, %convert_element_type3A_432, %cond3A_433 : i32
      scf.if %cond3A_434 {
        %add3A_435 = arith.constant 1 : i32
        %add3A_436 = arith.addi %add3A_419, %add3A_435 : i32
        %dma_start3A_437 = arith.constant 0 : i32
        %dma_start3A_438 = tpu.memref_slice %arg10[%add3A_436, %dma_start3A_437] : memref<250x80xi32, #tpu.memory_space<vmem>> -> memref<1x80xi32, #tpu.memory_space<vmem>>
        %dma_start3A_439 = tpu.memref_squeeze %dma_start3A_438 : memref<1x80xi32, #tpu.memory_space<vmem>> -> memref<80xi32, #tpu.memory_space<vmem>>
        %dma_start3A_440 = arith.constant 0 : i32
        %dma_start3A_441 = tpu.memref_slice %arg4[%mul3A_317, %dma_start3A_440] : memref<240000x64xf32, #tpu.memory_space<hbm>> -> memref<10000x64xf32, #tpu.memory_space<hbm>>
        %dma_start3A_442 = arith.constant 0 : i32
        %dma_start3A_443 = arith.constant 0 : i32
        %dma_start3A_444 = tpu.memref_slice %dma_start3A_441[%dma_start3A_442, %dma_start3A_443] : memref<10000x64xf32, #tpu.memory_space<hbm>> -> memref<10000x64xf32, #tpu.memory_space<hbm>>
        tpu.enqueue_indirect_dma source(%dma_start3A_444 : memref<10000x64xf32, #tpu.memory_space<hbm>>) target(%arg12 : memref<80x64xf32, #tpu.memory_space<vmem>>) offsets(%dma_start3A_439 : memref<80xi32, #tpu.memory_space<vmem>>) semaphore(%arg18 : memref<!tpu.dma_semaphore, #tpu.memory_space<semaphore_mem>>)
      } else {
      }
      "tpu.region"() ({
        %run_scoped3A = tpu.sem_alloc : memref<!tpu.dma_semaphore, #tpu.memory_space<semaphore_mem>>
        %dma_start3A_435 = arith.constant 0 : i32
        %dma_start3A_436 = tpu.memref_slice %arg11[%add3A_419, %dma_start3A_435] : memref<250x80xi32, #tpu.memory_space<vmem>> -> memref<1x80xi32, #tpu.memory_space<vmem>>
        %dma_start3A_437 = tpu.memref_squeeze %dma_start3A_436 : memref<1x80xi32, #tpu.memory_space<vmem>> -> memref<80xi32, #tpu.memory_space<vmem>>
        %dma_start3A_438 = arith.constant 0 : i32
        %dma_start3A_439 = arith.constant 0 : i32
        %dma_start3A_440 = tpu.memref_slice %arg16[%dma_start3A_438, %dma_start3A_439] : memref<10240x64xf32, #tpu.memory_space<vmem_shared>> -> memref<10240x64xf32, #tpu.memory_space<vmem_shared>>
        tpu.enqueue_indirect_dma source(%arg13 : memref<80x64xf32, #tpu.memory_space<vmem>>) target(%dma_start3A_440 : memref<10240x64xf32, #tpu.memory_space<vmem_shared>>) offsets(%dma_start3A_437 : memref<80xi32, #tpu.memory_space<vmem>>) semaphore(%run_scoped3A : memref<!tpu.dma_semaphore, #tpu.memory_space<semaphore_mem>>) {add = true}
        %dma_wait3A_441 = arith.constant 0 : i32
        %dma_wait3A_442 = tpu.memref_slice %arg11[%add3A_419, %dma_wait3A_441] : memref<250x80xi32, #tpu.memory_space<vmem>> -> memref<1x80xi32, #tpu.memory_space<vmem>>
        %dma_wait3A_443 = tpu.memref_squeeze %dma_wait3A_442 : memref<1x80xi32, #tpu.memory_space<vmem>> -> memref<80xi32, #tpu.memory_space<vmem>>
        %dma_wait3A_444 = arith.constant 0 : i32
        %dma_wait3A_445 = arith.constant 0 : i32
        %dma_wait3A_446 = tpu.memref_slice %arg16[%dma_wait3A_444, %dma_wait3A_445] : memref<10240x64xf32, #tpu.memory_space<vmem_shared>> -> memref<10240x64xf32, #tpu.memory_space<vmem_shared>>
        tpu.wait_indirect_dma semaphore(%run_scoped3A : memref<!tpu.dma_semaphore, #tpu.memory_space<semaphore_mem>>) src(%arg13 : memref<80x64xf32, #tpu.memory_space<vmem>>) dst(%dma_wait3A_446 : memref<10240x64xf32, #tpu.memory_space<vmem_shared>>)
        tpu.yield
      }) : () -> ()
    }
    %scan3A_332 = arith.constant 125 : i32
    %barrier3A_333 = arith.constant 0 : index
    tpu.barrier barrier_id(%barrier3A_333)
    "tpu.region"() ({
      %run_scoped3A = tpu.sem_alloc : memref<!tpu.dma_semaphore, #tpu.memory_space<semaphore_mem>>
      %dma_start3A_400 = arith.constant 0 : i32
      %dma_start3A_401 = tpu.memref_slice %arg8[%add3A_315, %mul3A_0, %dma_start3A_400] : memref<24x10240x64xf32, #tpu.memory_space<hbm>> -> memref<1x640x64xf32, #tpu.memory_space<hbm>>
      %dma_start3A_402 = tpu.memref_squeeze %dma_start3A_401 : memref<1x640x64xf32, #tpu.memory_space<hbm>> -> memref<640x64xf32, #tpu.memory_space<hbm>>
      %dma_start3A_403 = arith.constant 0 : i32
      %dma_start3A_404 = tpu.memref_slice %arg16[%mul3A_0, %dma_start3A_403] : memref<10240x64xf32, #tpu.memory_space<vmem_shared>> -> memref<640x64xf32, #tpu.memory_space<vmem_shared>>
      tpu.enqueue_dma source(%dma_start3A_404 : memref<640x64xf32, #tpu.memory_space<vmem_shared>>) target(%dma_start3A_402 : memref<640x64xf32, #tpu.memory_space<hbm>>) target_semaphore(%run_scoped3A : memref<!tpu.dma_semaphore, #tpu.memory_space<semaphore_mem>>)
      %dma_wait3A = arith.constant 0 : i32
      %dma_wait3A_405 = tpu.memref_slice %arg8[%add3A_315, %mul3A_0, %dma_wait3A] : memref<24x10240x64xf32, #tpu.memory_space<hbm>> -> memref<1x640x64xf32, #tpu.memory_space<hbm>>
      %dma_wait3A_406 = tpu.memref_squeeze %dma_wait3A_405 : memref<1x640x64xf32, #tpu.memory_space<hbm>> -> memref<640x64xf32, #tpu.memory_space<hbm>>
      %dma_wait3A_407 = arith.constant 0 : i32
      %dma_wait3A_408 = tpu.memref_slice %arg16[%mul3A_0, %dma_wait3A_407] : memref<10240x64xf32, #tpu.memory_space<vmem_shared>> -> memref<640x64xf32, #tpu.memory_space<vmem_shared>>
      tpu.wait_dma2 semaphore(%run_scoped3A : memref<!tpu.dma_semaphore, #tpu.memory_space<semaphore_mem>>) src(%dma_wait3A_408 : memref<640x64xf32, #tpu.memory_space<vmem_shared>>) dst(%dma_wait3A_406 : memref<640x64xf32, #tpu.memory_space<hbm>>)
      tpu.yield
    }) : () -> ()
    %add3A_334 = arith.constant 0 : i32
    %add3A_335 = arith.addi %mul3A_0, %add3A_334 : i32
    "tpu.region"() ({
      %run_scoped3A = tpu.sem_alloc : memref<!tpu.dma_semaphore, #tpu.memory_space<semaphore_mem>>
      %dma_start3A_400 = arith.constant 0 : i32
      %dma_start3A_401 = tpu.memref_slice %arg16[%add3A_335, %dma_start3A_400] : memref<10240x64xf32, #tpu.memory_space<vmem_shared>> -> memref<128x64xf32, #tpu.memory_space<vmem_shared>>
      %dma_start3A_402 = arith.constant 0 : i32
      %dma_start3A_403 = tpu.memref_slice %arg16[%add3A_335, %dma_start3A_402] : memref<10240x64xf32, #tpu.memory_space<vmem_shared>> -> memref<128x64xf32, #tpu.memory_space<vmem_shared>>
      tpu.enqueue_dma source(%arg14 : memref<128x64xf32, #tpu.memory_space<vmem>>) target(%dma_start3A_403 : memref<128x64xf32, #tpu.memory_space<vmem_shared>>) target_semaphore(%run_scoped3A : memref<!tpu.dma_semaphore, #tpu.memory_space<semaphore_mem>>)
      %dma_wait3A = arith.constant 0 : i32
      %dma_wait3A_404 = tpu.memref_slice %arg16[%add3A_335, %dma_wait3A] : memref<10240x64xf32, #tpu.memory_space<vmem_shared>> -> memref<128x64xf32, #tpu.memory_space<vmem_shared>>
      %dma_wait3A_405 = arith.constant 0 : i32
      %dma_wait3A_406 = tpu.memref_slice %arg16[%add3A_335, %dma_wait3A_405] : memref<10240x64xf32, #tpu.memory_space<vmem_shared>> -> memref<128x64xf32, #tpu.memory_space<vmem_shared>>
      tpu.wait_dma2 semaphore(%run_scoped3A : memref<!tpu.dma_semaphore, #tpu.memory_space<semaphore_mem>>) src(%arg14 : memref<128x64xf32, #tpu.memory_space<vmem>>) dst(%dma_wait3A_406 : memref<128x64xf32, #tpu.memory_space<vmem_shared>>)
      tpu.yield
    }) : () -> ()
    %add3A_336 = arith.constant 128 : i32
    %add3A_337 = arith.addi %mul3A_0, %add3A_336 : i32
    "tpu.region"() ({
      %run_scoped3A = tpu.sem_alloc : memref<!tpu.dma_semaphore, #tpu.memory_space<semaphore_mem>>
      %dma_start3A_400 = arith.constant 0 : i32
      %dma_start3A_401 = tpu.memref_slice %arg16[%add3A_337, %dma_start3A_400] : memref<10240x64xf32, #tpu.memory_space<vmem_shared>> -> memref<128x64xf32, #tpu.memory_space<vmem_shared>>
      %dma_start3A_402 = arith.constant 0 : i32
      %dma_start3A_403 = tpu.memref_slice %arg16[%add3A_337, %dma_start3A_402] : memref<10240x64xf32, #tpu.memory_space<vmem_shared>> -> memref<128x64xf32, #tpu.memory_space<vmem_shared>>
      tpu.enqueue_dma source(%arg14 : memref<128x64xf32, #tpu.memory_space<vmem>>) target(%dma_start3A_403 : memref<128x64xf32, #tpu.memory_space<vmem_shared>>) target_semaphore(%run_scoped3A : memref<!tpu.dma_semaphore, #tpu.memory_space<semaphore_mem>>)
      %dma_wait3A = arith.constant 0 : i32
      %dma_wait3A_404 = tpu.memref_slice %arg16[%add3A_337, %dma_wait3A] : memref<10240x64xf32, #tpu.memory_space<vmem_shared>> -> memref<128x64xf32, #tpu.memory_space<vmem_shared>>
      %dma_wait3A_405 = arith.constant 0 : i32
      %dma_wait3A_406 = tpu.memref_slice %arg16[%add3A_337, %dma_wait3A_405] : memref<10240x64xf32, #tpu.memory_space<vmem_shared>> -> memref<128x64xf32, #tpu.memory_space<vmem_shared>>
      tpu.wait_dma2 semaphore(%run_scoped3A : memref<!tpu.dma_semaphore, #tpu.memory_space<semaphore_mem>>) src(%arg14 : memref<128x64xf32, #tpu.memory_space<vmem>>) dst(%dma_wait3A_406 : memref<128x64xf32, #tpu.memory_space<vmem_shared>>)
      tpu.yield
    }) : () -> ()
    %add3A_338 = arith.constant 256 : i32
    %add3A_339 = arith.addi %mul3A_0, %add3A_338 : i32
    "tpu.region"() ({
      %run_scoped3A = tpu.sem_alloc : memref<!tpu.dma_semaphore, #tpu.memory_space<semaphore_mem>>
      %dma_start3A_400 = arith.constant 0 : i32
      %dma_start3A_401 = tpu.memref_slice %arg16[%add3A_339, %dma_start3A_400] : memref<10240x64xf32, #tpu.memory_space<vmem_shared>> -> memref<128x64xf32, #tpu.memory_space<vmem_shared>>
      %dma_start3A_402 = arith.constant 0 : i32
      %dma_start3A_403 = tpu.memref_slice %arg16[%add3A_339, %dma_start3A_402] : memref<10240x64xf32, #tpu.memory_space<vmem_shared>> -> memref<128x64xf32, #tpu.memory_space<vmem_shared>>
      tpu.enqueue_dma source(%arg14 : memref<128x64xf32, #tpu.memory_space<vmem>>) target(%dma_start3A_403 : memref<128x64xf32, #tpu.memory_space<vmem_shared>>) target_semaphore(%run_scoped3A : memref<!tpu.dma_semaphore, #tpu.memory_space<semaphore_mem>>)
      %dma_wait3A = arith.constant 0 : i32
      %dma_wait3A_404 = tpu.memref_slice %arg16[%add3A_339, %dma_wait3A] : memref<10240x64xf32, #tpu.memory_space<vmem_shared>> -> memref<128x64xf32, #tpu.memory_space<vmem_shared>>
      %dma_wait3A_405 = arith.constant 0 : i32
      %dma_wait3A_406 = tpu.memref_slice %arg16[%add3A_339, %dma_wait3A_405] : memref<10240x64xf32, #tpu.memory_space<vmem_shared>> -> memref<128x64xf32, #tpu.memory_space<vmem_shared>>
      tpu.wait_dma2 semaphore(%run_scoped3A : memref<!tpu.dma_semaphore, #tpu.memory_space<semaphore_mem>>) src(%arg14 : memref<128x64xf32, #tpu.memory_space<vmem>>) dst(%dma_wait3A_406 : memref<128x64xf32, #tpu.memory_space<vmem_shared>>)
      tpu.yield
    }) : () -> ()
    %add3A_340 = arith.constant 384 : i32
    %add3A_341 = arith.addi %mul3A_0, %add3A_340 : i32
    "tpu.region"() ({
      %run_scoped3A = tpu.sem_alloc : memref<!tpu.dma_semaphore, #tpu.memory_space<semaphore_mem>>
      %dma_start3A_400 = arith.constant 0 : i32
      %dma_start3A_401 = tpu.memref_slice %arg16[%add3A_341, %dma_start3A_400] : memref<10240x64xf32, #tpu.memory_space<vmem_shared>> -> memref<128x64xf32, #tpu.memory_space<vmem_shared>>
      %dma_start3A_402 = arith.constant 0 : i32
      %dma_start3A_403 = tpu.memref_slice %arg16[%add3A_341, %dma_start3A_402] : memref<10240x64xf32, #tpu.memory_space<vmem_shared>> -> memref<128x64xf32, #tpu.memory_space<vmem_shared>>
      tpu.enqueue_dma source(%arg14 : memref<128x64xf32, #tpu.memory_space<vmem>>) target(%dma_start3A_403 : memref<128x64xf32, #tpu.memory_space<vmem_shared>>) target_semaphore(%run_scoped3A : memref<!tpu.dma_semaphore, #tpu.memory_space<semaphore_mem>>)
      %dma_wait3A = arith.constant 0 : i32
      %dma_wait3A_404 = tpu.memref_slice %arg16[%add3A_341, %dma_wait3A] : memref<10240x64xf32, #tpu.memory_space<vmem_shared>> -> memref<128x64xf32, #tpu.memory_space<vmem_shared>>
      %dma_wait3A_405 = arith.constant 0 : i32
      %dma_wait3A_406 = tpu.memref_slice %arg16[%add3A_341, %dma_wait3A_405] : memref<10240x64xf32, #tpu.memory_space<vmem_shared>> -> memref<128x64xf32, #tpu.memory_space<vmem_shared>>
      tpu.wait_dma2 semaphore(%run_scoped3A : memref<!tpu.dma_semaphore, #tpu.memory_space<semaphore_mem>>) src(%arg14 : memref<128x64xf32, #tpu.memory_space<vmem>>) dst(%dma_wait3A_406 : memref<128x64xf32, #tpu.memory_space<vmem_shared>>)
      tpu.yield
    }) : () -> ()
    %add3A_342 = arith.constant 512 : i32
    %add3A_343 = arith.addi %mul3A_0, %add3A_342 : i32
    "tpu.region"() ({
      %run_scoped3A = tpu.sem_alloc : memref<!tpu.dma_semaphore, #tpu.memory_space<semaphore_mem>>
      %dma_start3A_400 = arith.constant 0 : i32
      %dma_start3A_401 = tpu.memref_slice %arg16[%add3A_343, %dma_start3A_400] : memref<10240x64xf32, #tpu.memory_space<vmem_shared>> -> memref<128x64xf32, #tpu.memory_space<vmem_shared>>
      %dma_start3A_402 = arith.constant 0 : i32
      %dma_start3A_403 = tpu.memref_slice %arg16[%add3A_343, %dma_start3A_402] : memref<10240x64xf32, #tpu.memory_space<vmem_shared>> -> memref<128x64xf32, #tpu.memory_space<vmem_shared>>
      tpu.enqueue_dma source(%arg14 : memref<128x64xf32, #tpu.memory_space<vmem>>) target(%dma_start3A_403 : memref<128x64xf32, #tpu.memory_space<vmem_shared>>) target_semaphore(%run_scoped3A : memref<!tpu.dma_semaphore, #tpu.memory_space<semaphore_mem>>)
      %dma_wait3A = arith.constant 0 : i32
      %dma_wait3A_404 = tpu.memref_slice %arg16[%add3A_343, %dma_wait3A] : memref<10240x64xf32, #tpu.memory_space<vmem_shared>> -> memref<128x64xf32, #tpu.memory_space<vmem_shared>>
      %dma_wait3A_405 = arith.constant 0 : i32
      %dma_wait3A_406 = tpu.memref_slice %arg16[%add3A_343, %dma_wait3A_405] : memref<10240x64xf32, #tpu.memory_space<vmem_shared>> -> memref<128x64xf32, #tpu.memory_space<vmem_shared>>
      tpu.wait_dma2 semaphore(%run_scoped3A : memref<!tpu.dma_semaphore, #tpu.memory_space<semaphore_mem>>) src(%arg14 : memref<128x64xf32, #tpu.memory_space<vmem>>) dst(%dma_wait3A_406 : memref<128x64xf32, #tpu.memory_space<vmem_shared>>)
      tpu.yield
    }) : () -> ()
    %barrier3A_344 = arith.constant 0 : index
    tpu.barrier barrier_id(%barrier3A_344)
    %mul3A_345 = arith.constant 12 : i32
    %mul3A_346 = arith.muli %arg0, %mul3A_345 : i32
    %add3A_347 = arith.constant 10 : i32
    %add3A_348 = arith.addi %mul3A_346, %add3A_347 : i32
    %mul3A_349 = arith.constant 10000 : i32
    %mul3A_350 = arith.muli %add3A_348, %mul3A_349 : i32
    %dma_start3A_351 = arith.constant 0 : i32
    %dma_start3A_352 = arith.constant 0 : i32
    %dma_start3A_353 = tpu.memref_slice %arg10[%dma_start3A_351, %dma_start3A_352] : memref<250x80xi32, #tpu.memory_space<vmem>> -> memref<1x80xi32, #tpu.memory_space<vmem>>
    %dma_start3A_354 = tpu.memref_squeeze %dma_start3A_353 : memref<1x80xi32, #tpu.memory_space<vmem>> -> memref<80xi32, #tpu.memory_space<vmem>>
    %dma_start3A_355 = arith.constant 0 : i32
    %dma_start3A_356 = tpu.memref_slice %arg4[%mul3A_350, %dma_start3A_355] : memref<240000x64xf32, #tpu.memory_space<hbm>> -> memref<10000x64xf32, #tpu.memory_space<hbm>>
    %dma_start3A_357 = arith.constant 0 : i32
    %dma_start3A_358 = arith.constant 0 : i32
    %dma_start3A_359 = tpu.memref_slice %dma_start3A_356[%dma_start3A_357, %dma_start3A_358] : memref<10000x64xf32, #tpu.memory_space<hbm>> -> memref<10000x64xf32, #tpu.memory_space<hbm>>
    tpu.enqueue_indirect_dma source(%dma_start3A_359 : memref<10000x64xf32, #tpu.memory_space<hbm>>) target(%arg12 : memref<80x64xf32, #tpu.memory_space<vmem>>) offsets(%dma_start3A_354 : memref<80xi32, #tpu.memory_space<vmem>>) semaphore(%arg18 : memref<!tpu.dma_semaphore, #tpu.memory_space<semaphore_mem>>)
    %scan3A_360 = arith.constant 0 : i32
    %scan3A_361 = arith.constant 0 : i32
    %scan3A_362 = arith.constant 125 : i32
    %scan3A_363 = arith.addi %scan3A_361, %scan3A_362 : i32
    %scan3A_364 = arith.constant 1 : i32
    scf.for %scan3A_400 = %scan3A_361 to %scan3A_363 step %scan3A_364  : i32 {
      %mul3A_401 = arith.constant 2 : i32
      %mul3A_402 = arith.muli %mul3A_401, %scan3A_400 : i32
      %add3A_403 = arith.constant 0 : i32
      %add3A_404 = arith.addi %mul3A_402, %add3A_403 : i32
      %dma_wait3A = arith.constant 0 : i32
      %dma_wait3A_405 = tpu.memref_slice %arg10[%add3A_404, %dma_wait3A] : memref<250x80xi32, #tpu.memory_space<vmem>> -> memref<1x80xi32, #tpu.memory_space<vmem>>
      %dma_wait3A_406 = tpu.memref_squeeze %dma_wait3A_405 : memref<1x80xi32, #tpu.memory_space<vmem>> -> memref<80xi32, #tpu.memory_space<vmem>>
      %dma_wait3A_407 = arith.constant 0 : i32
      %dma_wait3A_408 = tpu.memref_slice %arg4[%mul3A_350, %dma_wait3A_407] : memref<240000x64xf32, #tpu.memory_space<hbm>> -> memref<10000x64xf32, #tpu.memory_space<hbm>>
      %dma_wait3A_409 = arith.constant 0 : i32
      %dma_wait3A_410 = arith.constant 0 : i32
      %dma_wait3A_411 = tpu.memref_slice %dma_wait3A_408[%dma_wait3A_409, %dma_wait3A_410] : memref<10000x64xf32, #tpu.memory_space<hbm>> -> memref<10000x64xf32, #tpu.memory_space<hbm>>
      tpu.wait_indirect_dma semaphore(%arg18 : memref<!tpu.dma_semaphore, #tpu.memory_space<semaphore_mem>>) src(%dma_wait3A_411 : memref<10000x64xf32, #tpu.memory_space<hbm>>) dst(%arg12 : memref<80x64xf32, #tpu.memory_space<vmem>>)
      %add3A_412 = arith.constant 1 : i32
      %add3A_413 = arith.addi %add3A_404, %add3A_412 : i32
      %lt3A = arith.constant 250 : i32
      %lt3A_414 = arith.cmpi slt, %add3A_413, %lt3A : i32
      %convert_element_type3A_415 = arith.extui %lt3A_414 : i1 to i32
      %cond3A_416 = arith.constant 0 : i32
      %cond3A_417 = arith.cmpi ne, %convert_element_type3A_415, %cond3A_416 : i32
      scf.if %cond3A_417 {
        %add3A_435 = arith.constant 1 : i32
        %add3A_436 = arith.addi %add3A_404, %add3A_435 : i32
        %dma_start3A_437 = arith.constant 0 : i32
        %dma_start3A_438 = tpu.memref_slice %arg10[%add3A_436, %dma_start3A_437] : memref<250x80xi32, #tpu.memory_space<vmem>> -> memref<1x80xi32, #tpu.memory_space<vmem>>
        %dma_start3A_439 = tpu.memref_squeeze %dma_start3A_438 : memref<1x80xi32, #tpu.memory_space<vmem>> -> memref<80xi32, #tpu.memory_space<vmem>>
        %dma_start3A_440 = arith.constant 0 : i32
        %dma_start3A_441 = tpu.memref_slice %arg4[%mul3A_350, %dma_start3A_440] : memref<240000x64xf32, #tpu.memory_space<hbm>> -> memref<10000x64xf32, #tpu.memory_space<hbm>>
        %dma_start3A_442 = arith.constant 0 : i32
        %dma_start3A_443 = arith.constant 0 : i32
        %dma_start3A_444 = tpu.memref_slice %dma_start3A_441[%dma_start3A_442, %dma_start3A_443] : memref<10000x64xf32, #tpu.memory_space<hbm>> -> memref<10000x64xf32, #tpu.memory_space<hbm>>
        tpu.enqueue_indirect_dma source(%dma_start3A_444 : memref<10000x64xf32, #tpu.memory_space<hbm>>) target(%arg13 : memref<80x64xf32, #tpu.memory_space<vmem>>) offsets(%dma_start3A_439 : memref<80xi32, #tpu.memory_space<vmem>>) semaphore(%arg19 : memref<!tpu.dma_semaphore, #tpu.memory_space<semaphore_mem>>)
      } else {
      }
      "tpu.region"() ({
        %run_scoped3A = tpu.sem_alloc : memref<!tpu.dma_semaphore, #tpu.memory_space<semaphore_mem>>
        %dma_start3A_435 = arith.constant 0 : i32
        %dma_start3A_436 = tpu.memref_slice %arg11[%add3A_404, %dma_start3A_435] : memref<250x80xi32, #tpu.memory_space<vmem>> -> memref<1x80xi32, #tpu.memory_space<vmem>>
        %dma_start3A_437 = tpu.memref_squeeze %dma_start3A_436 : memref<1x80xi32, #tpu.memory_space<vmem>> -> memref<80xi32, #tpu.memory_space<vmem>>
        %dma_start3A_438 = arith.constant 0 : i32
        %dma_start3A_439 = arith.constant 0 : i32
        %dma_start3A_440 = tpu.memref_slice %arg16[%dma_start3A_438, %dma_start3A_439] : memref<10240x64xf32, #tpu.memory_space<vmem_shared>> -> memref<10240x64xf32, #tpu.memory_space<vmem_shared>>
        tpu.enqueue_indirect_dma source(%arg12 : memref<80x64xf32, #tpu.memory_space<vmem>>) target(%dma_start3A_440 : memref<10240x64xf32, #tpu.memory_space<vmem_shared>>) offsets(%dma_start3A_437 : memref<80xi32, #tpu.memory_space<vmem>>) semaphore(%run_scoped3A : memref<!tpu.dma_semaphore, #tpu.memory_space<semaphore_mem>>) {add = true}
        %dma_wait3A_441 = arith.constant 0 : i32
        %dma_wait3A_442 = tpu.memref_slice %arg11[%add3A_404, %dma_wait3A_441] : memref<250x80xi32, #tpu.memory_space<vmem>> -> memref<1x80xi32, #tpu.memory_space<vmem>>
        %dma_wait3A_443 = tpu.memref_squeeze %dma_wait3A_442 : memref<1x80xi32, #tpu.memory_space<vmem>> -> memref<80xi32, #tpu.memory_space<vmem>>
        %dma_wait3A_444 = arith.constant 0 : i32
        %dma_wait3A_445 = arith.constant 0 : i32
        %dma_wait3A_446 = tpu.memref_slice %arg16[%dma_wait3A_444, %dma_wait3A_445] : memref<10240x64xf32, #tpu.memory_space<vmem_shared>> -> memref<10240x64xf32, #tpu.memory_space<vmem_shared>>
        tpu.wait_indirect_dma semaphore(%run_scoped3A : memref<!tpu.dma_semaphore, #tpu.memory_space<semaphore_mem>>) src(%arg12 : memref<80x64xf32, #tpu.memory_space<vmem>>) dst(%dma_wait3A_446 : memref<10240x64xf32, #tpu.memory_space<vmem_shared>>)
        tpu.yield
      }) : () -> ()
      %add3A_418 = arith.constant 1 : i32
      %add3A_419 = arith.addi %mul3A_402, %add3A_418 : i32
      %dma_wait3A_420 = arith.constant 0 : i32
      %dma_wait3A_421 = tpu.memref_slice %arg10[%add3A_419, %dma_wait3A_420] : memref<250x80xi32, #tpu.memory_space<vmem>> -> memref<1x80xi32, #tpu.memory_space<vmem>>
      %dma_wait3A_422 = tpu.memref_squeeze %dma_wait3A_421 : memref<1x80xi32, #tpu.memory_space<vmem>> -> memref<80xi32, #tpu.memory_space<vmem>>
      %dma_wait3A_423 = arith.constant 0 : i32
      %dma_wait3A_424 = tpu.memref_slice %arg4[%mul3A_350, %dma_wait3A_423] : memref<240000x64xf32, #tpu.memory_space<hbm>> -> memref<10000x64xf32, #tpu.memory_space<hbm>>
      %dma_wait3A_425 = arith.constant 0 : i32
      %dma_wait3A_426 = arith.constant 0 : i32
      %dma_wait3A_427 = tpu.memref_slice %dma_wait3A_424[%dma_wait3A_425, %dma_wait3A_426] : memref<10000x64xf32, #tpu.memory_space<hbm>> -> memref<10000x64xf32, #tpu.memory_space<hbm>>
      tpu.wait_indirect_dma semaphore(%arg19 : memref<!tpu.dma_semaphore, #tpu.memory_space<semaphore_mem>>) src(%dma_wait3A_427 : memref<10000x64xf32, #tpu.memory_space<hbm>>) dst(%arg13 : memref<80x64xf32, #tpu.memory_space<vmem>>)
      %add3A_428 = arith.constant 1 : i32
      %add3A_429 = arith.addi %add3A_419, %add3A_428 : i32
      %lt3A_430 = arith.constant 250 : i32
      %lt3A_431 = arith.cmpi slt, %add3A_429, %lt3A_430 : i32
      %convert_element_type3A_432 = arith.extui %lt3A_431 : i1 to i32
      %cond3A_433 = arith.constant 0 : i32
      %cond3A_434 = arith.cmpi ne, %convert_element_type3A_432, %cond3A_433 : i32
      scf.if %cond3A_434 {
        %add3A_435 = arith.constant 1 : i32
        %add3A_436 = arith.addi %add3A_419, %add3A_435 : i32
        %dma_start3A_437 = arith.constant 0 : i32
        %dma_start3A_438 = tpu.memref_slice %arg10[%add3A_436, %dma_start3A_437] : memref<250x80xi32, #tpu.memory_space<vmem>> -> memref<1x80xi32, #tpu.memory_space<vmem>>
        %dma_start3A_439 = tpu.memref_squeeze %dma_start3A_438 : memref<1x80xi32, #tpu.memory_space<vmem>> -> memref<80xi32, #tpu.memory_space<vmem>>
        %dma_start3A_440 = arith.constant 0 : i32
        %dma_start3A_441 = tpu.memref_slice %arg4[%mul3A_350, %dma_start3A_440] : memref<240000x64xf32, #tpu.memory_space<hbm>> -> memref<10000x64xf32, #tpu.memory_space<hbm>>
        %dma_start3A_442 = arith.constant 0 : i32
        %dma_start3A_443 = arith.constant 0 : i32
        %dma_start3A_444 = tpu.memref_slice %dma_start3A_441[%dma_start3A_442, %dma_start3A_443] : memref<10000x64xf32, #tpu.memory_space<hbm>> -> memref<10000x64xf32, #tpu.memory_space<hbm>>
        tpu.enqueue_indirect_dma source(%dma_start3A_444 : memref<10000x64xf32, #tpu.memory_space<hbm>>) target(%arg12 : memref<80x64xf32, #tpu.memory_space<vmem>>) offsets(%dma_start3A_439 : memref<80xi32, #tpu.memory_space<vmem>>) semaphore(%arg18 : memref<!tpu.dma_semaphore, #tpu.memory_space<semaphore_mem>>)
      } else {
      }
      "tpu.region"() ({
        %run_scoped3A = tpu.sem_alloc : memref<!tpu.dma_semaphore, #tpu.memory_space<semaphore_mem>>
        %dma_start3A_435 = arith.constant 0 : i32
        %dma_start3A_436 = tpu.memref_slice %arg11[%add3A_419, %dma_start3A_435] : memref<250x80xi32, #tpu.memory_space<vmem>> -> memref<1x80xi32, #tpu.memory_space<vmem>>
        %dma_start3A_437 = tpu.memref_squeeze %dma_start3A_436 : memref<1x80xi32, #tpu.memory_space<vmem>> -> memref<80xi32, #tpu.memory_space<vmem>>
        %dma_start3A_438 = arith.constant 0 : i32
        %dma_start3A_439 = arith.constant 0 : i32
        %dma_start3A_440 = tpu.memref_slice %arg16[%dma_start3A_438, %dma_start3A_439] : memref<10240x64xf32, #tpu.memory_space<vmem_shared>> -> memref<10240x64xf32, #tpu.memory_space<vmem_shared>>
        tpu.enqueue_indirect_dma source(%arg13 : memref<80x64xf32, #tpu.memory_space<vmem>>) target(%dma_start3A_440 : memref<10240x64xf32, #tpu.memory_space<vmem_shared>>) offsets(%dma_start3A_437 : memref<80xi32, #tpu.memory_space<vmem>>) semaphore(%run_scoped3A : memref<!tpu.dma_semaphore, #tpu.memory_space<semaphore_mem>>) {add = true}
        %dma_wait3A_441 = arith.constant 0 : i32
        %dma_wait3A_442 = tpu.memref_slice %arg11[%add3A_419, %dma_wait3A_441] : memref<250x80xi32, #tpu.memory_space<vmem>> -> memref<1x80xi32, #tpu.memory_space<vmem>>
        %dma_wait3A_443 = tpu.memref_squeeze %dma_wait3A_442 : memref<1x80xi32, #tpu.memory_space<vmem>> -> memref<80xi32, #tpu.memory_space<vmem>>
        %dma_wait3A_444 = arith.constant 0 : i32
        %dma_wait3A_445 = arith.constant 0 : i32
        %dma_wait3A_446 = tpu.memref_slice %arg16[%dma_wait3A_444, %dma_wait3A_445] : memref<10240x64xf32, #tpu.memory_space<vmem_shared>> -> memref<10240x64xf32, #tpu.memory_space<vmem_shared>>
        tpu.wait_indirect_dma semaphore(%run_scoped3A : memref<!tpu.dma_semaphore, #tpu.memory_space<semaphore_mem>>) src(%arg13 : memref<80x64xf32, #tpu.memory_space<vmem>>) dst(%dma_wait3A_446 : memref<10240x64xf32, #tpu.memory_space<vmem_shared>>)
        tpu.yield
      }) : () -> ()
    }
    %scan3A_365 = arith.constant 125 : i32
    %barrier3A_366 = arith.constant 0 : index
    tpu.barrier barrier_id(%barrier3A_366)
    "tpu.region"() ({
      %run_scoped3A = tpu.sem_alloc : memref<!tpu.dma_semaphore, #tpu.memory_space<semaphore_mem>>
      %dma_start3A_400 = arith.constant 0 : i32
      %dma_start3A_401 = tpu.memref_slice %arg8[%add3A_348, %mul3A_0, %dma_start3A_400] : memref<24x10240x64xf32, #tpu.memory_space<hbm>> -> memref<1x640x64xf32, #tpu.memory_space<hbm>>
      %dma_start3A_402 = tpu.memref_squeeze %dma_start3A_401 : memref<1x640x64xf32, #tpu.memory_space<hbm>> -> memref<640x64xf32, #tpu.memory_space<hbm>>
      %dma_start3A_403 = arith.constant 0 : i32
      %dma_start3A_404 = tpu.memref_slice %arg16[%mul3A_0, %dma_start3A_403] : memref<10240x64xf32, #tpu.memory_space<vmem_shared>> -> memref<640x64xf32, #tpu.memory_space<vmem_shared>>
      tpu.enqueue_dma source(%dma_start3A_404 : memref<640x64xf32, #tpu.memory_space<vmem_shared>>) target(%dma_start3A_402 : memref<640x64xf32, #tpu.memory_space<hbm>>) target_semaphore(%run_scoped3A : memref<!tpu.dma_semaphore, #tpu.memory_space<semaphore_mem>>)
      %dma_wait3A = arith.constant 0 : i32
      %dma_wait3A_405 = tpu.memref_slice %arg8[%add3A_348, %mul3A_0, %dma_wait3A] : memref<24x10240x64xf32, #tpu.memory_space<hbm>> -> memref<1x640x64xf32, #tpu.memory_space<hbm>>
      %dma_wait3A_406 = tpu.memref_squeeze %dma_wait3A_405 : memref<1x640x64xf32, #tpu.memory_space<hbm>> -> memref<640x64xf32, #tpu.memory_space<hbm>>
      %dma_wait3A_407 = arith.constant 0 : i32
      %dma_wait3A_408 = tpu.memref_slice %arg16[%mul3A_0, %dma_wait3A_407] : memref<10240x64xf32, #tpu.memory_space<vmem_shared>> -> memref<640x64xf32, #tpu.memory_space<vmem_shared>>
      tpu.wait_dma2 semaphore(%run_scoped3A : memref<!tpu.dma_semaphore, #tpu.memory_space<semaphore_mem>>) src(%dma_wait3A_408 : memref<640x64xf32, #tpu.memory_space<vmem_shared>>) dst(%dma_wait3A_406 : memref<640x64xf32, #tpu.memory_space<hbm>>)
      tpu.yield
    }) : () -> ()
    %add3A_367 = arith.constant 0 : i32
    %add3A_368 = arith.addi %mul3A_0, %add3A_367 : i32
    "tpu.region"() ({
      %run_scoped3A = tpu.sem_alloc : memref<!tpu.dma_semaphore, #tpu.memory_space<semaphore_mem>>
      %dma_start3A_400 = arith.constant 0 : i32
      %dma_start3A_401 = tpu.memref_slice %arg16[%add3A_368, %dma_start3A_400] : memref<10240x64xf32, #tpu.memory_space<vmem_shared>> -> memref<128x64xf32, #tpu.memory_space<vmem_shared>>
      %dma_start3A_402 = arith.constant 0 : i32
      %dma_start3A_403 = tpu.memref_slice %arg16[%add3A_368, %dma_start3A_402] : memref<10240x64xf32, #tpu.memory_space<vmem_shared>> -> memref<128x64xf32, #tpu.memory_space<vmem_shared>>
      tpu.enqueue_dma source(%arg14 : memref<128x64xf32, #tpu.memory_space<vmem>>) target(%dma_start3A_403 : memref<128x64xf32, #tpu.memory_space<vmem_shared>>) target_semaphore(%run_scoped3A : memref<!tpu.dma_semaphore, #tpu.memory_space<semaphore_mem>>)
      %dma_wait3A = arith.constant 0 : i32
      %dma_wait3A_404 = tpu.memref_slice %arg16[%add3A_368, %dma_wait3A] : memref<10240x64xf32, #tpu.memory_space<vmem_shared>> -> memref<128x64xf32, #tpu.memory_space<vmem_shared>>
      %dma_wait3A_405 = arith.constant 0 : i32
      %dma_wait3A_406 = tpu.memref_slice %arg16[%add3A_368, %dma_wait3A_405] : memref<10240x64xf32, #tpu.memory_space<vmem_shared>> -> memref<128x64xf32, #tpu.memory_space<vmem_shared>>
      tpu.wait_dma2 semaphore(%run_scoped3A : memref<!tpu.dma_semaphore, #tpu.memory_space<semaphore_mem>>) src(%arg14 : memref<128x64xf32, #tpu.memory_space<vmem>>) dst(%dma_wait3A_406 : memref<128x64xf32, #tpu.memory_space<vmem_shared>>)
      tpu.yield
    }) : () -> ()
    %add3A_369 = arith.constant 128 : i32
    %add3A_370 = arith.addi %mul3A_0, %add3A_369 : i32
    "tpu.region"() ({
      %run_scoped3A = tpu.sem_alloc : memref<!tpu.dma_semaphore, #tpu.memory_space<semaphore_mem>>
      %dma_start3A_400 = arith.constant 0 : i32
      %dma_start3A_401 = tpu.memref_slice %arg16[%add3A_370, %dma_start3A_400] : memref<10240x64xf32, #tpu.memory_space<vmem_shared>> -> memref<128x64xf32, #tpu.memory_space<vmem_shared>>
      %dma_start3A_402 = arith.constant 0 : i32
      %dma_start3A_403 = tpu.memref_slice %arg16[%add3A_370, %dma_start3A_402] : memref<10240x64xf32, #tpu.memory_space<vmem_shared>> -> memref<128x64xf32, #tpu.memory_space<vmem_shared>>
      tpu.enqueue_dma source(%arg14 : memref<128x64xf32, #tpu.memory_space<vmem>>) target(%dma_start3A_403 : memref<128x64xf32, #tpu.memory_space<vmem_shared>>) target_semaphore(%run_scoped3A : memref<!tpu.dma_semaphore, #tpu.memory_space<semaphore_mem>>)
      %dma_wait3A = arith.constant 0 : i32
      %dma_wait3A_404 = tpu.memref_slice %arg16[%add3A_370, %dma_wait3A] : memref<10240x64xf32, #tpu.memory_space<vmem_shared>> -> memref<128x64xf32, #tpu.memory_space<vmem_shared>>
      %dma_wait3A_405 = arith.constant 0 : i32
      %dma_wait3A_406 = tpu.memref_slice %arg16[%add3A_370, %dma_wait3A_405] : memref<10240x64xf32, #tpu.memory_space<vmem_shared>> -> memref<128x64xf32, #tpu.memory_space<vmem_shared>>
      tpu.wait_dma2 semaphore(%run_scoped3A : memref<!tpu.dma_semaphore, #tpu.memory_space<semaphore_mem>>) src(%arg14 : memref<128x64xf32, #tpu.memory_space<vmem>>) dst(%dma_wait3A_406 : memref<128x64xf32, #tpu.memory_space<vmem_shared>>)
      tpu.yield
    }) : () -> ()
    %add3A_371 = arith.constant 256 : i32
    %add3A_372 = arith.addi %mul3A_0, %add3A_371 : i32
    "tpu.region"() ({
      %run_scoped3A = tpu.sem_alloc : memref<!tpu.dma_semaphore, #tpu.memory_space<semaphore_mem>>
      %dma_start3A_400 = arith.constant 0 : i32
      %dma_start3A_401 = tpu.memref_slice %arg16[%add3A_372, %dma_start3A_400] : memref<10240x64xf32, #tpu.memory_space<vmem_shared>> -> memref<128x64xf32, #tpu.memory_space<vmem_shared>>
      %dma_start3A_402 = arith.constant 0 : i32
      %dma_start3A_403 = tpu.memref_slice %arg16[%add3A_372, %dma_start3A_402] : memref<10240x64xf32, #tpu.memory_space<vmem_shared>> -> memref<128x64xf32, #tpu.memory_space<vmem_shared>>
      tpu.enqueue_dma source(%arg14 : memref<128x64xf32, #tpu.memory_space<vmem>>) target(%dma_start3A_403 : memref<128x64xf32, #tpu.memory_space<vmem_shared>>) target_semaphore(%run_scoped3A : memref<!tpu.dma_semaphore, #tpu.memory_space<semaphore_mem>>)
      %dma_wait3A = arith.constant 0 : i32
      %dma_wait3A_404 = tpu.memref_slice %arg16[%add3A_372, %dma_wait3A] : memref<10240x64xf32, #tpu.memory_space<vmem_shared>> -> memref<128x64xf32, #tpu.memory_space<vmem_shared>>
      %dma_wait3A_405 = arith.constant 0 : i32
      %dma_wait3A_406 = tpu.memref_slice %arg16[%add3A_372, %dma_wait3A_405] : memref<10240x64xf32, #tpu.memory_space<vmem_shared>> -> memref<128x64xf32, #tpu.memory_space<vmem_shared>>
      tpu.wait_dma2 semaphore(%run_scoped3A : memref<!tpu.dma_semaphore, #tpu.memory_space<semaphore_mem>>) src(%arg14 : memref<128x64xf32, #tpu.memory_space<vmem>>) dst(%dma_wait3A_406 : memref<128x64xf32, #tpu.memory_space<vmem_shared>>)
      tpu.yield
    }) : () -> ()
    %add3A_373 = arith.constant 384 : i32
    %add3A_374 = arith.addi %mul3A_0, %add3A_373 : i32
    "tpu.region"() ({
      %run_scoped3A = tpu.sem_alloc : memref<!tpu.dma_semaphore, #tpu.memory_space<semaphore_mem>>
      %dma_start3A_400 = arith.constant 0 : i32
      %dma_start3A_401 = tpu.memref_slice %arg16[%add3A_374, %dma_start3A_400] : memref<10240x64xf32, #tpu.memory_space<vmem_shared>> -> memref<128x64xf32, #tpu.memory_space<vmem_shared>>
      %dma_start3A_402 = arith.constant 0 : i32
      %dma_start3A_403 = tpu.memref_slice %arg16[%add3A_374, %dma_start3A_402] : memref<10240x64xf32, #tpu.memory_space<vmem_shared>> -> memref<128x64xf32, #tpu.memory_space<vmem_shared>>
      tpu.enqueue_dma source(%arg14 : memref<128x64xf32, #tpu.memory_space<vmem>>) target(%dma_start3A_403 : memref<128x64xf32, #tpu.memory_space<vmem_shared>>) target_semaphore(%run_scoped3A : memref<!tpu.dma_semaphore, #tpu.memory_space<semaphore_mem>>)
      %dma_wait3A = arith.constant 0 : i32
      %dma_wait3A_404 = tpu.memref_slice %arg16[%add3A_374, %dma_wait3A] : memref<10240x64xf32, #tpu.memory_space<vmem_shared>> -> memref<128x64xf32, #tpu.memory_space<vmem_shared>>
      %dma_wait3A_405 = arith.constant 0 : i32
      %dma_wait3A_406 = tpu.memref_slice %arg16[%add3A_374, %dma_wait3A_405] : memref<10240x64xf32, #tpu.memory_space<vmem_shared>> -> memref<128x64xf32, #tpu.memory_space<vmem_shared>>
      tpu.wait_dma2 semaphore(%run_scoped3A : memref<!tpu.dma_semaphore, #tpu.memory_space<semaphore_mem>>) src(%arg14 : memref<128x64xf32, #tpu.memory_space<vmem>>) dst(%dma_wait3A_406 : memref<128x64xf32, #tpu.memory_space<vmem_shared>>)
      tpu.yield
    }) : () -> ()
    %add3A_375 = arith.constant 512 : i32
    %add3A_376 = arith.addi %mul3A_0, %add3A_375 : i32
    "tpu.region"() ({
      %run_scoped3A = tpu.sem_alloc : memref<!tpu.dma_semaphore, #tpu.memory_space<semaphore_mem>>
      %dma_start3A_400 = arith.constant 0 : i32
      %dma_start3A_401 = tpu.memref_slice %arg16[%add3A_376, %dma_start3A_400] : memref<10240x64xf32, #tpu.memory_space<vmem_shared>> -> memref<128x64xf32, #tpu.memory_space<vmem_shared>>
      %dma_start3A_402 = arith.constant 0 : i32
      %dma_start3A_403 = tpu.memref_slice %arg16[%add3A_376, %dma_start3A_402] : memref<10240x64xf32, #tpu.memory_space<vmem_shared>> -> memref<128x64xf32, #tpu.memory_space<vmem_shared>>
      tpu.enqueue_dma source(%arg14 : memref<128x64xf32, #tpu.memory_space<vmem>>) target(%dma_start3A_403 : memref<128x64xf32, #tpu.memory_space<vmem_shared>>) target_semaphore(%run_scoped3A : memref<!tpu.dma_semaphore, #tpu.memory_space<semaphore_mem>>)
      %dma_wait3A = arith.constant 0 : i32
      %dma_wait3A_404 = tpu.memref_slice %arg16[%add3A_376, %dma_wait3A] : memref<10240x64xf32, #tpu.memory_space<vmem_shared>> -> memref<128x64xf32, #tpu.memory_space<vmem_shared>>
      %dma_wait3A_405 = arith.constant 0 : i32
      %dma_wait3A_406 = tpu.memref_slice %arg16[%add3A_376, %dma_wait3A_405] : memref<10240x64xf32, #tpu.memory_space<vmem_shared>> -> memref<128x64xf32, #tpu.memory_space<vmem_shared>>
      tpu.wait_dma2 semaphore(%run_scoped3A : memref<!tpu.dma_semaphore, #tpu.memory_space<semaphore_mem>>) src(%arg14 : memref<128x64xf32, #tpu.memory_space<vmem>>) dst(%dma_wait3A_406 : memref<128x64xf32, #tpu.memory_space<vmem_shared>>)
      tpu.yield
    }) : () -> ()
    %barrier3A_377 = arith.constant 0 : index
    tpu.barrier barrier_id(%barrier3A_377)
    %mul3A_378 = arith.constant 12 : i32
    %mul3A_379 = arith.muli %arg0, %mul3A_378 : i32
    %add3A_380 = arith.constant 11 : i32
    %add3A_381 = arith.addi %mul3A_379, %add3A_380 : i32
    %mul3A_382 = arith.constant 10000 : i32
    %mul3A_383 = arith.muli %add3A_381, %mul3A_382 : i32
    %dma_start3A_384 = arith.constant 0 : i32
    %dma_start3A_385 = arith.constant 0 : i32
    %dma_start3A_386 = tpu.memref_slice %arg10[%dma_start3A_384, %dma_start3A_385] : memref<250x80xi32, #tpu.memory_space<vmem>> -> memref<1x80xi32, #tpu.memory_space<vmem>>
    %dma_start3A_387 = tpu.memref_squeeze %dma_start3A_386 : memref<1x80xi32, #tpu.memory_space<vmem>> -> memref<80xi32, #tpu.memory_space<vmem>>
    %dma_start3A_388 = arith.constant 0 : i32
    %dma_start3A_389 = tpu.memref_slice %arg4[%mul3A_383, %dma_start3A_388] : memref<240000x64xf32, #tpu.memory_space<hbm>> -> memref<10000x64xf32, #tpu.memory_space<hbm>>
    %dma_start3A_390 = arith.constant 0 : i32
    %dma_start3A_391 = arith.constant 0 : i32
    %dma_start3A_392 = tpu.memref_slice %dma_start3A_389[%dma_start3A_390, %dma_start3A_391] : memref<10000x64xf32, #tpu.memory_space<hbm>> -> memref<10000x64xf32, #tpu.memory_space<hbm>>
    tpu.enqueue_indirect_dma source(%dma_start3A_392 : memref<10000x64xf32, #tpu.memory_space<hbm>>) target(%arg12 : memref<80x64xf32, #tpu.memory_space<vmem>>) offsets(%dma_start3A_387 : memref<80xi32, #tpu.memory_space<vmem>>) semaphore(%arg18 : memref<!tpu.dma_semaphore, #tpu.memory_space<semaphore_mem>>)
    %scan3A_393 = arith.constant 0 : i32
    %scan3A_394 = arith.constant 0 : i32
    %scan3A_395 = arith.constant 125 : i32
    %scan3A_396 = arith.addi %scan3A_394, %scan3A_395 : i32
    %scan3A_397 = arith.constant 1 : i32
    scf.for %scan3A_400 = %scan3A_394 to %scan3A_396 step %scan3A_397  : i32 {
      %mul3A_401 = arith.constant 2 : i32
      %mul3A_402 = arith.muli %mul3A_401, %scan3A_400 : i32
      %add3A_403 = arith.constant 0 : i32
      %add3A_404 = arith.addi %mul3A_402, %add3A_403 : i32
      %dma_wait3A = arith.constant 0 : i32
      %dma_wait3A_405 = tpu.memref_slice %arg10[%add3A_404, %dma_wait3A] : memref<250x80xi32, #tpu.memory_space<vmem>> -> memref<1x80xi32, #tpu.memory_space<vmem>>
      %dma_wait3A_406 = tpu.memref_squeeze %dma_wait3A_405 : memref<1x80xi32, #tpu.memory_space<vmem>> -> memref<80xi32, #tpu.memory_space<vmem>>
      %dma_wait3A_407 = arith.constant 0 : i32
      %dma_wait3A_408 = tpu.memref_slice %arg4[%mul3A_383, %dma_wait3A_407] : memref<240000x64xf32, #tpu.memory_space<hbm>> -> memref<10000x64xf32, #tpu.memory_space<hbm>>
      %dma_wait3A_409 = arith.constant 0 : i32
      %dma_wait3A_410 = arith.constant 0 : i32
      %dma_wait3A_411 = tpu.memref_slice %dma_wait3A_408[%dma_wait3A_409, %dma_wait3A_410] : memref<10000x64xf32, #tpu.memory_space<hbm>> -> memref<10000x64xf32, #tpu.memory_space<hbm>>
      tpu.wait_indirect_dma semaphore(%arg18 : memref<!tpu.dma_semaphore, #tpu.memory_space<semaphore_mem>>) src(%dma_wait3A_411 : memref<10000x64xf32, #tpu.memory_space<hbm>>) dst(%arg12 : memref<80x64xf32, #tpu.memory_space<vmem>>)
      %add3A_412 = arith.constant 1 : i32
      %add3A_413 = arith.addi %add3A_404, %add3A_412 : i32
      %lt3A = arith.constant 250 : i32
      %lt3A_414 = arith.cmpi slt, %add3A_413, %lt3A : i32
      %convert_element_type3A_415 = arith.extui %lt3A_414 : i1 to i32
      %cond3A_416 = arith.constant 0 : i32
      %cond3A_417 = arith.cmpi ne, %convert_element_type3A_415, %cond3A_416 : i32
      scf.if %cond3A_417 {
        %add3A_435 = arith.constant 1 : i32
        %add3A_436 = arith.addi %add3A_404, %add3A_435 : i32
        %dma_start3A_437 = arith.constant 0 : i32
        %dma_start3A_438 = tpu.memref_slice %arg10[%add3A_436, %dma_start3A_437] : memref<250x80xi32, #tpu.memory_space<vmem>> -> memref<1x80xi32, #tpu.memory_space<vmem>>
        %dma_start3A_439 = tpu.memref_squeeze %dma_start3A_438 : memref<1x80xi32, #tpu.memory_space<vmem>> -> memref<80xi32, #tpu.memory_space<vmem>>
        %dma_start3A_440 = arith.constant 0 : i32
        %dma_start3A_441 = tpu.memref_slice %arg4[%mul3A_383, %dma_start3A_440] : memref<240000x64xf32, #tpu.memory_space<hbm>> -> memref<10000x64xf32, #tpu.memory_space<hbm>>
        %dma_start3A_442 = arith.constant 0 : i32
        %dma_start3A_443 = arith.constant 0 : i32
        %dma_start3A_444 = tpu.memref_slice %dma_start3A_441[%dma_start3A_442, %dma_start3A_443] : memref<10000x64xf32, #tpu.memory_space<hbm>> -> memref<10000x64xf32, #tpu.memory_space<hbm>>
        tpu.enqueue_indirect_dma source(%dma_start3A_444 : memref<10000x64xf32, #tpu.memory_space<hbm>>) target(%arg13 : memref<80x64xf32, #tpu.memory_space<vmem>>) offsets(%dma_start3A_439 : memref<80xi32, #tpu.memory_space<vmem>>) semaphore(%arg19 : memref<!tpu.dma_semaphore, #tpu.memory_space<semaphore_mem>>)
      } else {
      }
      "tpu.region"() ({
        %run_scoped3A = tpu.sem_alloc : memref<!tpu.dma_semaphore, #tpu.memory_space<semaphore_mem>>
        %dma_start3A_435 = arith.constant 0 : i32
        %dma_start3A_436 = tpu.memref_slice %arg11[%add3A_404, %dma_start3A_435] : memref<250x80xi32, #tpu.memory_space<vmem>> -> memref<1x80xi32, #tpu.memory_space<vmem>>
        %dma_start3A_437 = tpu.memref_squeeze %dma_start3A_436 : memref<1x80xi32, #tpu.memory_space<vmem>> -> memref<80xi32, #tpu.memory_space<vmem>>
        %dma_start3A_438 = arith.constant 0 : i32
        %dma_start3A_439 = arith.constant 0 : i32
        %dma_start3A_440 = tpu.memref_slice %arg16[%dma_start3A_438, %dma_start3A_439] : memref<10240x64xf32, #tpu.memory_space<vmem_shared>> -> memref<10240x64xf32, #tpu.memory_space<vmem_shared>>
        tpu.enqueue_indirect_dma source(%arg12 : memref<80x64xf32, #tpu.memory_space<vmem>>) target(%dma_start3A_440 : memref<10240x64xf32, #tpu.memory_space<vmem_shared>>) offsets(%dma_start3A_437 : memref<80xi32, #tpu.memory_space<vmem>>) semaphore(%run_scoped3A : memref<!tpu.dma_semaphore, #tpu.memory_space<semaphore_mem>>) {add = true}
        %dma_wait3A_441 = arith.constant 0 : i32
        %dma_wait3A_442 = tpu.memref_slice %arg11[%add3A_404, %dma_wait3A_441] : memref<250x80xi32, #tpu.memory_space<vmem>> -> memref<1x80xi32, #tpu.memory_space<vmem>>
        %dma_wait3A_443 = tpu.memref_squeeze %dma_wait3A_442 : memref<1x80xi32, #tpu.memory_space<vmem>> -> memref<80xi32, #tpu.memory_space<vmem>>
        %dma_wait3A_444 = arith.constant 0 : i32
        %dma_wait3A_445 = arith.constant 0 : i32
        %dma_wait3A_446 = tpu.memref_slice %arg16[%dma_wait3A_444, %dma_wait3A_445] : memref<10240x64xf32, #tpu.memory_space<vmem_shared>> -> memref<10240x64xf32, #tpu.memory_space<vmem_shared>>
        tpu.wait_indirect_dma semaphore(%run_scoped3A : memref<!tpu.dma_semaphore, #tpu.memory_space<semaphore_mem>>) src(%arg12 : memref<80x64xf32, #tpu.memory_space<vmem>>) dst(%dma_wait3A_446 : memref<10240x64xf32, #tpu.memory_space<vmem_shared>>)
        tpu.yield
      }) : () -> ()
      %add3A_418 = arith.constant 1 : i32
      %add3A_419 = arith.addi %mul3A_402, %add3A_418 : i32
      %dma_wait3A_420 = arith.constant 0 : i32
      %dma_wait3A_421 = tpu.memref_slice %arg10[%add3A_419, %dma_wait3A_420] : memref<250x80xi32, #tpu.memory_space<vmem>> -> memref<1x80xi32, #tpu.memory_space<vmem>>
      %dma_wait3A_422 = tpu.memref_squeeze %dma_wait3A_421 : memref<1x80xi32, #tpu.memory_space<vmem>> -> memref<80xi32, #tpu.memory_space<vmem>>
      %dma_wait3A_423 = arith.constant 0 : i32
      %dma_wait3A_424 = tpu.memref_slice %arg4[%mul3A_383, %dma_wait3A_423] : memref<240000x64xf32, #tpu.memory_space<hbm>> -> memref<10000x64xf32, #tpu.memory_space<hbm>>
      %dma_wait3A_425 = arith.constant 0 : i32
      %dma_wait3A_426 = arith.constant 0 : i32
      %dma_wait3A_427 = tpu.memref_slice %dma_wait3A_424[%dma_wait3A_425, %dma_wait3A_426] : memref<10000x64xf32, #tpu.memory_space<hbm>> -> memref<10000x64xf32, #tpu.memory_space<hbm>>
      tpu.wait_indirect_dma semaphore(%arg19 : memref<!tpu.dma_semaphore, #tpu.memory_space<semaphore_mem>>) src(%dma_wait3A_427 : memref<10000x64xf32, #tpu.memory_space<hbm>>) dst(%arg13 : memref<80x64xf32, #tpu.memory_space<vmem>>)
      %add3A_428 = arith.constant 1 : i32
      %add3A_429 = arith.addi %add3A_419, %add3A_428 : i32
      %lt3A_430 = arith.constant 250 : i32
      %lt3A_431 = arith.cmpi slt, %add3A_429, %lt3A_430 : i32
      %convert_element_type3A_432 = arith.extui %lt3A_431 : i1 to i32
      %cond3A_433 = arith.constant 0 : i32
      %cond3A_434 = arith.cmpi ne, %convert_element_type3A_432, %cond3A_433 : i32
      scf.if %cond3A_434 {
        %add3A_435 = arith.constant 1 : i32
        %add3A_436 = arith.addi %add3A_419, %add3A_435 : i32
        %dma_start3A_437 = arith.constant 0 : i32
        %dma_start3A_438 = tpu.memref_slice %arg10[%add3A_436, %dma_start3A_437] : memref<250x80xi32, #tpu.memory_space<vmem>> -> memref<1x80xi32, #tpu.memory_space<vmem>>
        %dma_start3A_439 = tpu.memref_squeeze %dma_start3A_438 : memref<1x80xi32, #tpu.memory_space<vmem>> -> memref<80xi32, #tpu.memory_space<vmem>>
        %dma_start3A_440 = arith.constant 0 : i32
        %dma_start3A_441 = tpu.memref_slice %arg4[%mul3A_383, %dma_start3A_440] : memref<240000x64xf32, #tpu.memory_space<hbm>> -> memref<10000x64xf32, #tpu.memory_space<hbm>>
        %dma_start3A_442 = arith.constant 0 : i32
        %dma_start3A_443 = arith.constant 0 : i32
        %dma_start3A_444 = tpu.memref_slice %dma_start3A_441[%dma_start3A_442, %dma_start3A_443] : memref<10000x64xf32, #tpu.memory_space<hbm>> -> memref<10000x64xf32, #tpu.memory_space<hbm>>
        tpu.enqueue_indirect_dma source(%dma_start3A_444 : memref<10000x64xf32, #tpu.memory_space<hbm>>) target(%arg12 : memref<80x64xf32, #tpu.memory_space<vmem>>) offsets(%dma_start3A_439 : memref<80xi32, #tpu.memory_space<vmem>>) semaphore(%arg18 : memref<!tpu.dma_semaphore, #tpu.memory_space<semaphore_mem>>)
      } else {
      }
      "tpu.region"() ({
        %run_scoped3A = tpu.sem_alloc : memref<!tpu.dma_semaphore, #tpu.memory_space<semaphore_mem>>
        %dma_start3A_435 = arith.constant 0 : i32
        %dma_start3A_436 = tpu.memref_slice %arg11[%add3A_419, %dma_start3A_435] : memref<250x80xi32, #tpu.memory_space<vmem>> -> memref<1x80xi32, #tpu.memory_space<vmem>>
        %dma_start3A_437 = tpu.memref_squeeze %dma_start3A_436 : memref<1x80xi32, #tpu.memory_space<vmem>> -> memref<80xi32, #tpu.memory_space<vmem>>
        %dma_start3A_438 = arith.constant 0 : i32
        %dma_start3A_439 = arith.constant 0 : i32
        %dma_start3A_440 = tpu.memref_slice %arg16[%dma_start3A_438, %dma_start3A_439] : memref<10240x64xf32, #tpu.memory_space<vmem_shared>> -> memref<10240x64xf32, #tpu.memory_space<vmem_shared>>
        tpu.enqueue_indirect_dma source(%arg13 : memref<80x64xf32, #tpu.memory_space<vmem>>) target(%dma_start3A_440 : memref<10240x64xf32, #tpu.memory_space<vmem_shared>>) offsets(%dma_start3A_437 : memref<80xi32, #tpu.memory_space<vmem>>) semaphore(%run_scoped3A : memref<!tpu.dma_semaphore, #tpu.memory_space<semaphore_mem>>) {add = true}
        %dma_wait3A_441 = arith.constant 0 : i32
        %dma_wait3A_442 = tpu.memref_slice %arg11[%add3A_419, %dma_wait3A_441] : memref<250x80xi32, #tpu.memory_space<vmem>> -> memref<1x80xi32, #tpu.memory_space<vmem>>
        %dma_wait3A_443 = tpu.memref_squeeze %dma_wait3A_442 : memref<1x80xi32, #tpu.memory_space<vmem>> -> memref<80xi32, #tpu.memory_space<vmem>>
        %dma_wait3A_444 = arith.constant 0 : i32
        %dma_wait3A_445 = arith.constant 0 : i32
        %dma_wait3A_446 = tpu.memref_slice %arg16[%dma_wait3A_444, %dma_wait3A_445] : memref<10240x64xf32, #tpu.memory_space<vmem_shared>> -> memref<10240x64xf32, #tpu.memory_space<vmem_shared>>
        tpu.wait_indirect_dma semaphore(%run_scoped3A : memref<!tpu.dma_semaphore, #tpu.memory_space<semaphore_mem>>) src(%arg13 : memref<80x64xf32, #tpu.memory_space<vmem>>) dst(%dma_wait3A_446 : memref<10240x64xf32, #tpu.memory_space<vmem_shared>>)
        tpu.yield
      }) : () -> ()
    }
    %scan3A_398 = arith.constant 125 : i32
    %barrier3A_399 = arith.constant 0 : index
    tpu.barrier barrier_id(%barrier3A_399)
    "tpu.region"() ({
      %run_scoped3A = tpu.sem_alloc : memref<!tpu.dma_semaphore, #tpu.memory_space<semaphore_mem>>
      %dma_start3A_400 = arith.constant 0 : i32
      %dma_start3A_401 = tpu.memref_slice %arg8[%add3A_381, %mul3A_0, %dma_start3A_400] : memref<24x10240x64xf32, #tpu.memory_space<hbm>> -> memref<1x640x64xf32, #tpu.memory_space<hbm>>
      %dma_start3A_402 = tpu.memref_squeeze %dma_start3A_401 : memref<1x640x64xf32, #tpu.memory_space<hbm>> -> memref<640x64xf32, #tpu.memory_space<hbm>>
      %dma_start3A_403 = arith.constant 0 : i32
      %dma_start3A_404 = tpu.memref_slice %arg16[%mul3A_0, %dma_start3A_403] : memref<10240x64xf32, #tpu.memory_space<vmem_shared>> -> memref<640x64xf32, #tpu.memory_space<vmem_shared>>
      tpu.enqueue_dma source(%dma_start3A_404 : memref<640x64xf32, #tpu.memory_space<vmem_shared>>) target(%dma_start3A_402 : memref<640x64xf32, #tpu.memory_space<hbm>>) target_semaphore(%run_scoped3A : memref<!tpu.dma_semaphore, #tpu.memory_space<semaphore_mem>>)
      %dma_wait3A = arith.constant 0 : i32
      %dma_wait3A_405 = tpu.memref_slice %arg8[%add3A_381, %mul3A_0, %dma_wait3A] : memref<24x10240x64xf32, #tpu.memory_space<hbm>> -> memref<1x640x64xf32, #tpu.memory_space<hbm>>
      %dma_wait3A_406 = tpu.memref_squeeze %dma_wait3A_405 : memref<1x640x64xf32, #tpu.memory_space<hbm>> -> memref<640x64xf32, #tpu.memory_space<hbm>>
      %dma_wait3A_407 = arith.constant 0 : i32
      %dma_wait3A_408 = tpu.memref_slice %arg16[%mul3A_0, %dma_wait3A_407] : memref<10240x64xf32, #tpu.memory_space<vmem_shared>> -> memref<640x64xf32, #tpu.memory_space<vmem_shared>>
      tpu.wait_dma2 semaphore(%run_scoped3A : memref<!tpu.dma_semaphore, #tpu.memory_space<semaphore_mem>>) src(%dma_wait3A_408 : memref<640x64xf32, #tpu.memory_space<vmem_shared>>) dst(%dma_wait3A_406 : memref<640x64xf32, #tpu.memory_space<hbm>>)
      tpu.yield
    }) : () -> ()
    return
  }
}

module attributes {stable_mosaic.version = 14 : i64} {
  func.func @_fold_body(%arg0: memref<128x256xf32, #tpu.memory_space<vmem>>, %arg1: memref<128x256xf32, #tpu.memory_space<vmem>>, %arg2: memref<512x256xf32, #tpu.memory_space<vmem>>, %arg3: memref<1x256xf32, #tpu.memory_space<vmem>>, %arg4: memref<1x256xf32, #tpu.memory_space<vmem>>, %arg5: memref<128x256xf32, #tpu.memory_space<vmem>>, %arg6: memref<128x256xf32, #tpu.memory_space<vmem>>, %arg7: memref<512x256xf32, #tpu.memory_space<vmem>>, %arg8: memref<1x256xf32, #tpu.memory_space<vmem>>, %arg9: memref<1x256xf32, #tpu.memory_space<vmem>>, %arg10: memref<1x12xf32, #tpu.memory_space<vmem>>, %arg11: memref<256x512xf32, #tpu.memory_space<vmem>>, %arg12: memref<1x512xf32, #tpu.memory_space<vmem>>, %arg13: memref<1x12xf32, #tpu.memory_space<vmem>>) attributes {dimension_semantics = [], scalar_prefetch = 0 : i64, scratch_operands = 0 : i64, tpu.core_type = #tpu.core_type<tc>} {
    %get3A = arith.constant 0 : index
    %get3A_0 = arith.constant 0 : index
    %get3A_1 = vector.load %arg2[%get3A, %get3A_0] : memref<512x256xf32, #tpu.memory_space<vmem>>, vector<256x256xf32>
    %get3A_2 = arith.constant 0 : index
    %get3A_3 = arith.constant 0 : index
    %get3A_4 = vector.load %arg7[%get3A_2, %get3A_3] : memref<512x256xf32, #tpu.memory_space<vmem>>, vector<256x256xf32>
    %get3A_5 = arith.constant 0 : index
    %get3A_6 = arith.constant 0 : index
    %get3A_7 = vector.load %arg0[%get3A_5, %get3A_6] : memref<128x256xf32, #tpu.memory_space<vmem>>, vector<128x256xf32>
    %dot_general3A = arith.constant dense<0.000000e+00> : vector<128x256xf32>
    %dot_general3A_8 = tpu.matmul %get3A_7, %get3A_1, %dot_general3A {dimension_numbers = #tpu.dot_dimension_numbers<[1], [0], [0], [1], [0, 0, 1, 1], [], []>, transpose_lhs_hint = false} : vector<128x256xf32>, vector<256x256xf32>, vector<128x256xf32> -> vector<128x256xf32>
    %get3A_9 = arith.constant 0 : index
    %get3A_10 = arith.constant 0 : index
    %get3A_11 = vector.load %arg1[%get3A_9, %get3A_10] : memref<128x256xf32, #tpu.memory_space<vmem>>, vector<128x256xf32>
    %dot_general3A_12 = arith.constant dense<0.000000e+00> : vector<128x256xf32>
    %dot_general3A_13 = tpu.matmul %get3A_11, %get3A_1, %dot_general3A_12 {dimension_numbers = #tpu.dot_dimension_numbers<[1], [0], [0], [1], [0, 0, 1, 1], [], []>, transpose_lhs_hint = false} : vector<128x256xf32>, vector<256x256xf32>, vector<128x256xf32> -> vector<128x256xf32>
    %get3A_14 = arith.constant 0 : index
    %get3A_15 = arith.constant 0 : index
    %get3A_16 = vector.load %arg5[%get3A_14, %get3A_15] : memref<128x256xf32, #tpu.memory_space<vmem>>, vector<128x256xf32>
    %dot_general3A_17 = arith.constant dense<0.000000e+00> : vector<128x256xf32>
    %dot_general3A_18 = tpu.matmul %get3A_16, %get3A_4, %dot_general3A_17 {dimension_numbers = #tpu.dot_dimension_numbers<[1], [0], [0], [1], [0, 0, 1, 1], [], []>, transpose_lhs_hint = false} : vector<128x256xf32>, vector<256x256xf32>, vector<128x256xf32> -> vector<128x256xf32>
    %get3A_19 = arith.constant 0 : index
    %get3A_20 = arith.constant 0 : index
    %get3A_21 = vector.load %arg6[%get3A_19, %get3A_20] : memref<128x256xf32, #tpu.memory_space<vmem>>, vector<128x256xf32>
    %dot_general3A_22 = arith.constant dense<0.000000e+00> : vector<128x256xf32>
    %dot_general3A_23 = tpu.matmul %get3A_21, %get3A_4, %dot_general3A_22 {dimension_numbers = #tpu.dot_dimension_numbers<[1], [0], [0], [1], [0, 0, 1, 1], [], []>, transpose_lhs_hint = false} : vector<128x256xf32>, vector<256x256xf32>, vector<128x256xf32> -> vector<128x256xf32>
    %concatenate3A = tpu.concatenate %dot_general3A_8, %dot_general3A_18 in 1 : vector<128x256xf32>, vector<128x256xf32> -> vector<128x512xf32>
    %concatenate3A_24 = tpu.concatenate %dot_general3A_13, %dot_general3A_23 in 1 : vector<128x256xf32>, vector<128x256xf32> -> vector<128x512xf32>
    %concatenate3A_25 = tpu.concatenate %concatenate3A, %concatenate3A_24 in 0 : vector<128x512xf32>, vector<128x512xf32> -> vector<256x512xf32>
    %swap3A = arith.constant 0 : index
    %swap3A_26 = arith.constant 0 : index
    %swap3A_27 = vector.load %arg11[%swap3A, %swap3A_26] : memref<256x512xf32, #tpu.memory_space<vmem>>, vector<256x512xf32>
    tpu.vector_store %arg11[%swap3A, %swap3A_26], %concatenate3A_25 {strides = array<i32>} : memref<256x512xf32, #tpu.memory_space<vmem>>, vector<256x512xf32>,
    %get3A_28 = arith.constant 0 : index
    %get3A_29 = arith.constant 0 : index
    %get3A_30 = vector.load %arg3[%get3A_28, %get3A_29] : memref<1x256xf32, #tpu.memory_space<vmem>>, vector<1x256xf32>
    %dot_general3A_31 = arith.constant dense<0.000000e+00> : vector<1x256xf32>
    %dot_general3A_32 = tpu.matmul %get3A_30, %get3A_1, %dot_general3A_31 {dimension_numbers = #tpu.dot_dimension_numbers<[1], [0], [0], [1], [0, 0, 1, 1], [], []>, transpose_lhs_hint = false} : vector<1x256xf32>, vector<256x256xf32>, vector<1x256xf32> -> vector<1x256xf32>
    %get3A_33 = arith.constant 0 : index
    %get3A_34 = arith.constant 0 : index
    %get3A_35 = vector.load %arg4[%get3A_33, %get3A_34] : memref<1x256xf32, #tpu.memory_space<vmem>>, vector<1x256xf32>
    %add3A = arith.addf %dot_general3A_32, %get3A_35 : vector<1x256xf32>
    %get3A_36 = arith.constant 0 : index
    %get3A_37 = arith.constant 0 : index
    %get3A_38 = vector.load %arg8[%get3A_36, %get3A_37] : memref<1x256xf32, #tpu.memory_space<vmem>>, vector<1x256xf32>
    %dot_general3A_39 = arith.constant dense<0.000000e+00> : vector<1x256xf32>
    %dot_general3A_40 = tpu.matmul %get3A_38, %get3A_4, %dot_general3A_39 {dimension_numbers = #tpu.dot_dimension_numbers<[1], [0], [0], [1], [0, 0, 1, 1], [], []>, transpose_lhs_hint = false} : vector<1x256xf32>, vector<256x256xf32>, vector<1x256xf32> -> vector<1x256xf32>
    %get3A_41 = arith.constant 0 : index
    %get3A_42 = arith.constant 0 : index
    %get3A_43 = vector.load %arg9[%get3A_41, %get3A_42] : memref<1x256xf32, #tpu.memory_space<vmem>>, vector<1x256xf32>
    %add3A_44 = arith.addf %dot_general3A_40, %get3A_43 : vector<1x256xf32>
    %concatenate3A_45 = tpu.concatenate %add3A, %add3A_44 in 1 : vector<1x256xf32>, vector<1x256xf32> -> vector<1x512xf32>
    %swap3A_46 = arith.constant 0 : index
    %swap3A_47 = arith.constant 0 : index
    %swap3A_48 = vector.load %arg12[%swap3A_46, %swap3A_47] : memref<1x512xf32, #tpu.memory_space<vmem>>, vector<1x512xf32>
    tpu.vector_store %arg12[%swap3A_46, %swap3A_47], %concatenate3A_45 {strides = array<i32>} : memref<1x512xf32, #tpu.memory_space<vmem>>, vector<1x512xf32>,
    %get3A_49 = arith.constant 0 : index
    %get3A_50 = arith.constant 0 : index
    %get3A_51 = vector.load %arg10[%get3A_49, %get3A_50] : memref<1x12xf32, #tpu.memory_space<vmem>>, vector<1x12xf32>
    %reduce_max3A = vector.shape_cast %get3A_51 : vector<1x12xf32> to vector<1x1x12xf32>
    %reduce_max3A_52 = arith.constant dense<0xFF800000> : vector<1xf32>
    %reduce_max3A_53 = vector.multi_reduction <maximumf>, %reduce_max3A, %reduce_max3A_52 [1, 2] : vector<1x1x12xf32> to vector<1xf32>
    %reduce_max3A_54 = vector.shape_cast %reduce_max3A_53 : vector<1xf32> to vector<1x1x1xf32>
    %reduce_max3A_55 = vector.extract %reduce_max3A_54[0, 0, 0] : f32 from vector<1x1x1xf32>
    %sub3A = vector.broadcast %reduce_max3A_55 : f32 to vector<1x12xf32>
    %sub3A_56 = arith.subf %get3A_51, %sub3A : vector<1x12xf32>
    %exp3A = math.exp %sub3A_56 : vector<1x12xf32>
    %reduce_sum3A = vector.shape_cast %exp3A : vector<1x12xf32> to vector<1x1x12xf32>
    %reduce_sum3A_57 = arith.constant dense<0.000000e+00> : vector<1xf32>
    %reduce_sum3A_58 = vector.multi_reduction <add>, %reduce_sum3A, %reduce_sum3A_57 [1, 2] : vector<1x1x12xf32> to vector<1xf32>
    %reduce_sum3A_59 = vector.shape_cast %reduce_sum3A_58 : vector<1xf32> to vector<1x1x1xf32>
    %reduce_sum3A_60 = vector.extract %reduce_sum3A_59[0, 0, 0] : f32 from vector<1x1x1xf32>
    %div3A = vector.broadcast %reduce_sum3A_60 : f32 to vector<1x12xf32>
    %div3A_61 = arith.divf %exp3A, %div3A : vector<1x12xf32>
    %swap3A_62 = arith.constant 0 : index
    %swap3A_63 = arith.constant 0 : index
    %swap3A_64 = vector.load %arg13[%swap3A_62, %swap3A_63] : memref<1x12xf32, #tpu.memory_space<vmem>>, vector<1x12xf32>
    tpu.vector_store %arg13[%swap3A_62, %swap3A_63], %div3A_61 {strides = array<i32>} : memref<1x12xf32, #tpu.memory_space<vmem>>, vector<1x12xf32>,
    return
  }
}

module attributes {stable_mosaic.version = 14 : i64} {
  func.func @_main_body(%arg0: i32, %arg1: i32, %arg2: memref<1x2x1000x64xf32, #tpu.memory_space<vmem>>, %arg3: memref<1x2x1000x64xf32, #tpu.memory_space<vmem>>, %arg4: memref<1000x16xf32, #tpu.memory_space<vmem>>, %arg5: memref<256x512xf32, #tpu.memory_space<vmem>>, %arg6: memref<1x512xf32, #tpu.memory_space<vmem>>, %arg7: memref<1x12xf32, #tpu.memory_space<smem>>, %arg8: memref<256x128xf32, #tpu.memory_space<vmem>>, %arg9: memref<1x128xf32, #tpu.memory_space<vmem>>, %arg10: memref<128x1xf32, #tpu.memory_space<vmem>>, %arg11: memref<1x1xf32, #tpu.memory_space<vmem>>, %arg12: memref<1000x1xf32, #tpu.memory_space<vmem>>, %arg13: memref<1000x256xf32, #tpu.memory_space<vmem>>) attributes {dimension_semantics = [#tpu.dimension_semantics<arbitrary>, #tpu.dimension_semantics<arbitrary>], iteration_bounds = array<i64: 10, 12>, scalar_prefetch = 0 : i64, scratch_operands = 0 : i64, tpu.core_type = #tpu.core_type<tc>, window_params = [{transform_indices = @transform_0, window_bounds = array<i64: 1, 2, 1000, 64>}, {transform_indices = @transform_1, window_bounds = array<i64: 1, 2, 1000, 64>}, {transform_indices = @transform_2, window_bounds = array<i64: 1000, 16>}, {pipeline_mode = #tpu.pipeline_mode<synchronous>, transform_indices = @transform_3, window_bounds = array<i64: 256, 512>}, {pipeline_mode = #tpu.pipeline_mode<synchronous>, transform_indices = @transform_4, window_bounds = array<i64: 1, 512>}, {transform_indices = @transform_5, window_bounds = array<i64: 1, 12>}, {pipeline_mode = #tpu.pipeline_mode<synchronous>, transform_indices = @transform_6, window_bounds = array<i64: 256, 128>}, {pipeline_mode = #tpu.pipeline_mode<synchronous>, transform_indices = @transform_7, window_bounds = array<i64: 1, 128>}, {pipeline_mode = #tpu.pipeline_mode<synchronous>, transform_indices = @transform_8, window_bounds = array<i64: 128, 1>}, {pipeline_mode = #tpu.pipeline_mode<synchronous>, transform_indices = @transform_9, window_bounds = array<i64: 1, 1>}, {transform_indices = @transform_10, window_bounds = array<i64: 1000, 1>}, {transform_indices = @transform_11, window_bounds = array<i64: 1000, 256>}]} {
    %get3A = arith.constant 0 : index
    %get3A_0 = arith.constant 0 : index
    %get3A_1 = vector.load %arg4[%get3A, %get3A_0] : memref<1000x16xf32, #tpu.memory_space<vmem>>, vector<1000x1xf32>
    %max3A = arith.constant 1.000000e+00 : f32
    %max3A_2 = vector.broadcast %max3A : f32 to vector<1000x1xf32>
    %max3A_3 = arith.maximumf %get3A_1, %max3A_2 : vector<1000x1xf32>
    %get3A_4 = arith.constant 0 : index
    %get3A_5 = arith.constant 0 : index
    %get3A_6 = arith.constant 0 : index
    %get3A_7 = arith.constant 0 : index
    %get3A_8 = vector.load %arg2[%get3A_4, %get3A_5, %get3A_6, %get3A_7] : memref<1x2x1000x64xf32, #tpu.memory_space<vmem>>, vector<1x1x1000x64xf32>
    %get3A_9 = vector.shape_cast %get3A_8 : vector<1x1x1000x64xf32> to vector<1000x64xf32>
    %get3A_10 = arith.constant 0 : index
    %get3A_11 = arith.constant 1 : index
    %get3A_12 = arith.constant 0 : index
    %get3A_13 = arith.constant 0 : index
    %get3A_14 = vector.load %arg2[%get3A_10, %get3A_11, %get3A_12, %get3A_13] : memref<1x2x1000x64xf32, #tpu.memory_space<vmem>>, vector<1x1x1000x64xf32>
    %get3A_15 = vector.shape_cast %get3A_14 : vector<1x1x1000x64xf32> to vector<1000x64xf32>
    %concatenate3A = tpu.concatenate %get3A_9, %get3A_15 in 1 : vector<1000x64xf32>, vector<1000x64xf32> -> vector<1000x128xf32>
    %div3A = vector.broadcast %max3A_3 : vector<1000x1xf32> to vector<1000x128xf32>
    %div3A_16 = arith.divf %concatenate3A, %div3A : vector<1000x128xf32>
    %get3A_17 = arith.constant 0 : index
    %get3A_18 = arith.constant 0 : index
    %get3A_19 = arith.constant 0 : index
    %get3A_20 = arith.constant 0 : index
    %get3A_21 = vector.load %arg3[%get3A_17, %get3A_18, %get3A_19, %get3A_20] : memref<1x2x1000x64xf32, #tpu.memory_space<vmem>>, vector<1x1x1000x64xf32>
    %get3A_22 = vector.shape_cast %get3A_21 : vector<1x1x1000x64xf32> to vector<1000x64xf32>
    %get3A_23 = arith.constant 0 : index
    %get3A_24 = arith.constant 1 : index
    %get3A_25 = arith.constant 0 : index
    %get3A_26 = arith.constant 0 : index
    %get3A_27 = vector.load %arg3[%get3A_23, %get3A_24, %get3A_25, %get3A_26] : memref<1x2x1000x64xf32, #tpu.memory_space<vmem>>, vector<1x1x1000x64xf32>
    %get3A_28 = vector.shape_cast %get3A_27 : vector<1x1x1000x64xf32> to vector<1000x64xf32>
    %concatenate3A_29 = tpu.concatenate %get3A_22, %get3A_28 in 1 : vector<1000x64xf32>, vector<1000x64xf32> -> vector<1000x128xf32>
    %concatenate3A_30 = tpu.concatenate %div3A_16, %concatenate3A_29 in 1 : vector<1000x128xf32>, vector<1000x128xf32> -> vector<1000x256xf32>
    %get3A_31 = arith.constant 0 : index
    %get3A_32 = arith.constant 0 : index
    %get3A_33 = vector.load %arg5[%get3A_31, %get3A_32] : memref<256x512xf32, #tpu.memory_space<vmem>>, vector<256x512xf32>
    %dot_general3A = arith.constant dense<0.000000e+00> : vector<1000x512xf32>
    %dot_general3A_34 = tpu.matmul %concatenate3A_30, %get3A_33, %dot_general3A {dimension_numbers = #tpu.dot_dimension_numbers<[1], [0], [0], [1], [0, 0, 1, 1], [], []>, transpose_lhs_hint = false} : vector<1000x256xf32>, vector<256x512xf32>, vector<1000x512xf32> -> vector<1000x512xf32>
    %get3A_35 = arith.constant 0 : index
    %get3A_36 = arith.constant 0 : index
    %get3A_37 = vector.load %arg6[%get3A_35, %get3A_36] : memref<1x512xf32, #tpu.memory_space<vmem>>, vector<1x512xf32>
    %add3A = vector.broadcast %get3A_37 : vector<1x512xf32> to vector<1000x512xf32>
    %add3A_38 = arith.addf %dot_general3A_34, %add3A : vector<1000x512xf32>
    %slice3A = vector.extract_strided_slice %add3A_38 {offsets = [0, 0], sizes = [1000, 256], strides = [1, 1]} : vector<1000x512xf32> to vector<1000x256xf32>
    %logistic3A = arith.negf %slice3A : vector<1000x256xf32>
    %logistic3A_39 = math.exp %logistic3A : vector<1000x256xf32>
    %logistic3A_40 = arith.constant 1.000000e+00 : f32
    %logistic3A_41 = vector.broadcast %logistic3A_40 : f32 to vector<1000x256xf32>
    %logistic3A_42 = arith.addf %logistic3A_41, %logistic3A_39 : vector<1000x256xf32>
    %logistic3A_43 = arith.divf %logistic3A_41, %logistic3A_42 : vector<1000x256xf32>
    %slice3A_44 = vector.extract_strided_slice %add3A_38 {offsets = [0, 256], sizes = [1000, 256], strides = [1, 1]} : vector<1000x512xf32> to vector<1000x256xf32>
    %tanh3A = math.tanh %slice3A_44 : vector<1000x256xf32>
    %get3A_45 = arith.constant 0 : index
    %get3A_46 = arith.index_cast %arg1 : i32 to index
    %get3A_47 = memref.load %arg7[%get3A_45, %get3A_46] : memref<1x12xf32, #tpu.memory_space<smem>>
    %sub3A = arith.constant 1.000000e+00 : f32
    %sub3A_48 = vector.broadcast %sub3A : f32 to vector<1000x256xf32>
    %sub3A_49 = arith.subf %sub3A_48, %logistic3A_43 : vector<1000x256xf32>
    %mul3A = vector.broadcast %get3A_47 : f32 to vector<1000x256xf32>
    %mul3A_50 = arith.mulf %mul3A, %sub3A_49 : vector<1000x256xf32>
    %mul3A_51 = arith.mulf %mul3A_50, %tanh3A : vector<1000x256xf32>
    %eq3A = arith.constant 0 : i32
    %eq3A_52 = arith.cmpi eq, %arg1, %eq3A : i32
    %convert_element_type3A = arith.extui %eq3A_52 : i1 to i32
    %cond3A = arith.constant 0 : i32
    %cond3A_53 = arith.cmpi ne, %convert_element_type3A, %cond3A : i32
    scf.if %cond3A_53 {
      %swap3A = arith.constant 0 : index
      %swap3A_63 = arith.constant 0 : index
      %swap3A_64 = vector.load %arg13[%swap3A, %swap3A_63] : memref<1000x256xf32, #tpu.memory_space<vmem>>, vector<1000x256xf32>
      tpu.vector_store %arg13[%swap3A, %swap3A_63], %mul3A_51 {strides = array<i32>} : memref<1000x256xf32, #tpu.memory_space<vmem>>, vector<1000x256xf32>,
    } else {
    }
    %gt3A = arith.constant 0 : i32
    %gt3A_54 = arith.cmpi sgt, %arg1, %gt3A : i32
    %convert_element_type3A_55 = arith.extui %gt3A_54 : i1 to i32
    %cond3A_56 = arith.constant 0 : i32
    %cond3A_57 = arith.cmpi ne, %convert_element_type3A_55, %cond3A_56 : i32
    scf.if %cond3A_57 {
      %get3A_63 = arith.constant 0 : index
      %get3A_64 = arith.constant 0 : index
      %get3A_65 = vector.load %arg13[%get3A_63, %get3A_64] : memref<1000x256xf32, #tpu.memory_space<vmem>>, vector<1000x256xf32>
      %add3A_66 = arith.addf %get3A_65, %mul3A_51 : vector<1000x256xf32>
      %swap3A = arith.constant 0 : index
      %swap3A_67 = arith.constant 0 : index
      %swap3A_68 = vector.load %arg13[%swap3A, %swap3A_67] : memref<1000x256xf32, #tpu.memory_space<vmem>>, vector<1000x256xf32>
      tpu.vector_store %arg13[%swap3A, %swap3A_67], %add3A_66 {strides = array<i32>} : memref<1000x256xf32, #tpu.memory_space<vmem>>, vector<1000x256xf32>,
    } else {
    }
    %eq3A_58 = arith.constant 11 : i32
    %eq3A_59 = arith.cmpi eq, %arg1, %eq3A_58 : i32
    %convert_element_type3A_60 = arith.extui %eq3A_59 : i1 to i32
    %cond3A_61 = arith.constant 0 : i32
    %cond3A_62 = arith.cmpi ne, %convert_element_type3A_60, %cond3A_61 : i32
    scf.if %cond3A_62 {
      %get3A_63 = arith.constant 0 : index
      %get3A_64 = arith.constant 0 : index
      %get3A_65 = vector.load %arg13[%get3A_63, %get3A_64] : memref<1000x256xf32, #tpu.memory_space<vmem>>, vector<1000x256xf32>
      %max3A_66 = arith.constant 0.000000e+00 : f32
      %max3A_67 = vector.broadcast %max3A_66 : f32 to vector<1000x256xf32>
      %max3A_68 = arith.maximumf %get3A_65, %max3A_67 : vector<1000x256xf32>
      %get3A_69 = arith.constant 0 : index
      %get3A_70 = arith.constant 0 : index
      %get3A_71 = vector.load %arg8[%get3A_69, %get3A_70] : memref<256x128xf32, #tpu.memory_space<vmem>>, vector<256x128xf32>
      %dot_general3A_72 = arith.constant dense<0.000000e+00> : vector<1000x128xf32>
      %dot_general3A_73 = tpu.matmul %max3A_68, %get3A_71, %dot_general3A_72 {dimension_numbers = #tpu.dot_dimension_numbers<[1], [0], [0], [1], [0, 0, 1, 1], [], []>, transpose_lhs_hint = false} : vector<1000x256xf32>, vector<256x128xf32>, vector<1000x128xf32> -> vector<1000x128xf32>
      %get3A_74 = arith.constant 0 : index
      %get3A_75 = arith.constant 0 : index
      %get3A_76 = vector.load %arg9[%get3A_74, %get3A_75] : memref<1x128xf32, #tpu.memory_space<vmem>>, vector<1x128xf32>
      %add3A_77 = vector.broadcast %get3A_76 : vector<1x128xf32> to vector<1000x128xf32>
      %add3A_78 = arith.addf %dot_general3A_73, %add3A_77 : vector<1000x128xf32>
      %max3A_79 = arith.constant 0.000000e+00 : f32
      %max3A_80 = vector.broadcast %max3A_79 : f32 to vector<1000x128xf32>
      %max3A_81 = arith.maximumf %add3A_78, %max3A_80 : vector<1000x128xf32>
      %get3A_82 = arith.constant 0 : index
      %get3A_83 = arith.constant 0 : index
      %get3A_84 = vector.load %arg10[%get3A_82, %get3A_83] : memref<128x1xf32, #tpu.memory_space<vmem>>, vector<128x1xf32>
      %dot_general3A_85 = arith.constant dense<0.000000e+00> : vector<1000x1xf32>
      %dot_general3A_86 = tpu.matmul %max3A_81, %get3A_84, %dot_general3A_85 {dimension_numbers = #tpu.dot_dimension_numbers<[1], [0], [0], [1], [0, 0, 1, 1], [], []>, transpose_lhs_hint = false} : vector<1000x128xf32>, vector<128x1xf32>, vector<1000x1xf32> -> vector<1000x1xf32>
      %get3A_87 = arith.constant 0 : index
      %get3A_88 = arith.constant 0 : index
      %get3A_89 = vector.load %arg11[%get3A_87, %get3A_88] : memref<1x1xf32, #tpu.memory_space<vmem>>, vector<1x1xf32>
      %add3A_90 = vector.broadcast %get3A_89 : vector<1x1xf32> to vector<1000x1xf32>
      %add3A_91 = arith.addf %dot_general3A_86, %add3A_90 : vector<1000x1xf32>
      %swap3A = arith.constant 0 : index
      %swap3A_92 = arith.constant 0 : index
      %swap3A_93 = vector.load %arg12[%swap3A, %swap3A_92] : memref<1000x1xf32, #tpu.memory_space<vmem>>, vector<1000x1xf32>
      tpu.vector_store %arg12[%swap3A, %swap3A_92], %add3A_91 {strides = array<i32>} : memref<1000x1xf32, #tpu.memory_space<vmem>>, vector<1000x1xf32>,
    } else {
    }
    return
  }
  func.func @transform_0(%arg0: i32, %arg1: i32) -> (i32, i32, i32, i32) {
    %c0_i32 = arith.constant 0 : i32
    %c0_i32_0 = arith.constant 0 : i32
    %c0_i32_1 = arith.constant 0 : i32
    return %arg1, %c0_i32, %arg0, %c0_i32_0 : i32, i32, i32, i32
  }
  func.func @transform_1(%arg0: i32, %arg1: i32) -> (i32, i32, i32, i32) {
    %c0_i32 = arith.constant 0 : i32
    %c0_i32_0 = arith.constant 0 : i32
    %c0_i32_1 = arith.constant 0 : i32
    return %arg1, %c0_i32, %arg0, %c0_i32_0 : i32, i32, i32, i32
  }
  func.func @transform_2(%arg0: i32, %arg1: i32) -> (i32, i32) {
    %c0_i32 = arith.constant 0 : i32
    %c0_i32_0 = arith.constant 0 : i32
    return %arg0, %c0_i32 : i32, i32
  }
  func.func @transform_3(%arg0: i32, %arg1: i32) -> (i32, i32) {
    %c0_i32 = arith.constant 0 : i32
    %c0_i32_0 = arith.constant 0 : i32
    %c0_i32_1 = arith.constant 0 : i32
    return %c0_i32, %c0_i32_0 : i32, i32
  }
  func.func @transform_4(%arg0: i32, %arg1: i32) -> (i32, i32) {
    %c0_i32 = arith.constant 0 : i32
    %c0_i32_0 = arith.constant 0 : i32
    %c0_i32_1 = arith.constant 0 : i32
    return %c0_i32, %c0_i32_0 : i32, i32
  }
  func.func @transform_5(%arg0: i32, %arg1: i32) -> (i32, i32) {
    %c0_i32 = arith.constant 0 : i32
    %c0_i32_0 = arith.constant 0 : i32
    %c0_i32_1 = arith.constant 0 : i32
    return %c0_i32, %c0_i32_0 : i32, i32
  }
  func.func @transform_6(%arg0: i32, %arg1: i32) -> (i32, i32) {
    %c0_i32 = arith.constant 0 : i32
    %c0_i32_0 = arith.constant 0 : i32
    %c0_i32_1 = arith.constant 0 : i32
    return %c0_i32, %c0_i32_0 : i32, i32
  }
  func.func @transform_7(%arg0: i32, %arg1: i32) -> (i32, i32) {
    %c0_i32 = arith.constant 0 : i32
    %c0_i32_0 = arith.constant 0 : i32
    %c0_i32_1 = arith.constant 0 : i32
    return %c0_i32, %c0_i32_0 : i32, i32
  }
  func.func @transform_8(%arg0: i32, %arg1: i32) -> (i32, i32) {
    %c0_i32 = arith.constant 0 : i32
    %c0_i32_0 = arith.constant 0 : i32
    %c0_i32_1 = arith.constant 0 : i32
    return %c0_i32, %c0_i32_0 : i32, i32
  }
  func.func @transform_9(%arg0: i32, %arg1: i32) -> (i32, i32) {
    %c0_i32 = arith.constant 0 : i32
    %c0_i32_0 = arith.constant 0 : i32
    %c0_i32_1 = arith.constant 0 : i32
    return %c0_i32, %c0_i32_0 : i32, i32
  }
  func.func @transform_10(%arg0: i32, %arg1: i32) -> (i32, i32) {
    %c0_i32 = arith.constant 0 : i32
    %c0_i32_0 = arith.constant 0 : i32
    return %arg0, %c0_i32 : i32, i32
  }
  func.func @transform_11(%arg0: i32, %arg1: i32) -> (i32, i32) {
    %c0_i32 = arith.constant 0 : i32
    %c0_i32_0 = arith.constant 0 : i32
    return %arg0, %c0_i32 : i32, i32
  }
}

</mosaic_0001>

<sc_bundles>
// kernel: kernel.5.cloned.1.call-start
scs
__scs_entry_jumppad:
0x0: {  	(pc) =	sbr.rel $0x88, $3  }
0x1: {  	(tag) =	ssettag $0x0;
	lr =	simm.s32 $0x1  }
0x2: {  	[smem:$0x3F90] =	sst lr;
	_ =	strace $0xD0000000  }
0x3: {  	_ = 	snop  }
0x4: {  	_ = 	snop  }
0x5: {  	_ = 	snop  }
0x6: {  	_ = 	snop  }
0x7: {  	_ = 	snop  }
__scs_overlays_trampoline_lowered:
0x8: {  	[smem:$0x3F9F] =	sst s0  }
0x9: {  	[smem:$0x3FA0] =	sst s1  }
0xa: {  	[smem:$0x3FA1] =	sst s2  }
0xb: {  	[smem:$0x3FA2] =	sst s3  }
0xc: {  	[smem:$0x3FA3] =	sst s4  }
0xd: {  	[smem:$0x3FA4] =	sst s5  }
0xe: {  	[smem:$0x3FA5] =	sst s6  }
0xf: {  	[smem:$0x3FA6] =	sst s7  }
0x10: {  	[smem:$0x3FA7] =	sst s8  }
0x11: {  	[smem:$0x3FA8] =	sst s9;
	s0 =	simm.s32 @!p0 $0x0  }
0x12: {  	s1 =	sld [smem:$0x3F8E];
	s0 =	simm.s32 @p0 $0x1  }
0x13: {  	[smem:$0x3FA9] =	sst s0;
	s0 =	simm.s32 @!p1 $0x0  }
0x14: {  	s2 =	sld [smem:$0x3F8D];
	s0 =	simm.s32 @p1 $0x1  }
0x15: {  	[smem:$0x3FAA] =	sst s0;
	s0 =	simm.s32 @!p2 $0x0  }
0x16: {  	s3 =	sld [smem:$0x3FDB];
	s0 =	simm.s32 @p2 $0x1  }
0x17: {  	s4 =	simm.s32 $0x1BF5;
	[smem:$0x3FAC] =	sst s0  }
0x18: {  	s0 =	sld [smem:$0x3F8F];
	_ =	swait.ge [sflag:s4], $0x0  }
0x19: {  	s7 =	sld [smem:$0x3F90]  }
0x1a: {  	s8 =	sadd.s32 $0xFFFFE003, lr  }
0x1b: {  	s9 =	sadd.s32 $0xFFFFFEF7, lr;
	s5 =	simm.s32 $0xFFFFFFFF;
	p2 =	slt.u32 s8, $0xFFFFF086  }
0x1c: {  	p1 =	slt.u32 s9, $0xF7A;
	s5 =	simm.s32 @!p2 $0x0  }
0x1d: {  	s5 =	simm.s32 @p1 $0x1;
	p0 =	seq.s32 s7, s2  }
0x1e: {  	s7 =	smul.u32 @!p0 $0xF7A, s2;
	p2 =	seq.s32 @!p0 s5, $0x0  }
0x1f: {  	s9 =	smul.u32 $0xF7A, s1;
	s8 =	simm.s32 @!p0 $0x1BF5;
	p2 =	por !p2, p0  }
0x20: {  	[sflag:s8] =	ssyncset.s32 @!p0 $0xFFFFF086;
	s6 =	sadd.s32 @!p0 s3, s7;
	s7 =	simm.s32 @!p0 $0x108  }
0x21: {  	s3 =	sadd.s32 s3, s9;
	s6 =	sadd.s32 @!p0 $0x88, s6;
	s7 =	simm.s32 @p2 $0x1082  }
0x22: {  	[simem:s7], [sflag:s8] =	dma.local @!p0 [hbm:s6], $0xF7A  }
0x23: {  	s9 =	sor.u32 $0xD0000000, s2;
	s6 =	simm.s32 $0x108;
	_ =	swait.ge @!p0 [sflag:s8], $0x0  }
0x24: {  	s3 =	sadd.s32 $0x88, s3;
	s6 =	simm.s32 @!p1 $0x1082;
	[sflag:s4] =	ssyncset.s32 $0xFFFFF086  }
0x25: {  	[simem:s6], [sflag:s4] =	dma.local [hbm:s3], $0xF7A  }
0x26: {  	[smem:$0x3F90] =	sst s1;
	(tag) =	ssettag s2;
	_ =	strace s9  }
0x27: {  	s1 =	sld [smem:$0x3FA0]  }
0x28: {  	s2 =	sld [smem:$0x3FA1]  }
0x29: {  	s4 =	sld [smem:$0x3FA3]  }
0x2a: {  	p0 =	seq.s32 s5, $0x0;
	s5 =	sld [smem:$0x3FA4]  }
0x2b: {  	s6 =	sld [smem:$0x3FA5]  }
0x2c: {  	s7 =	sld [smem:$0x3FA6]  }
0x2d: {  	s3 =	simm.s32 $0x108;
	s8 =	sld [smem:$0x3FA7]  }
0x2e: {  	s3 =	simm.s32 @!p0 $0x1082;
	s9 =	sld [smem:$0x3FA8]  }
0x2f: {  	lr =	sadd.s32 s0, s3;
	s0 =	sld [smem:$0x3F9F]  }
0x30: {  	s3 =	sld [smem:$0x3FA2]  }
0x31: {  	[smem:$0x3FAB] =	sst s10  }
0x32: {  	s10 =	sld [smem:$0x3FA9];
	_ =	sdelay $0x3  }
0x33: {  	p0 =	seq.s32 s10, $0x1;
	s10 =	sld [smem:$0x3FAB];
	_ =	sdelay $0x3  }
0x34: {  	[smem:$0x3FAB] =	sst s10  }
0x35: {  	s10 =	sld [smem:$0x3FAA];
	_ =	sdelay $0x3  }
0x36: {  	p1 =	seq.s32 s10, $0x1;
	s10 =	sld [smem:$0x3FAB];
	_ =	sdelay $0x3  }
0x37: {  	[smem:$0x3FAB] =	sst s10  }
0x38: {  	s10 =	sld [smem:$0x3FAC]  }
0x39: {  	_ = 	snop;
	(pc) =	sbr.ind lr, $3  }
0x3a: {  	_ = 	snop  }
0x3b: {  	_ = 	snop  }
0x3c: {  	p2 =	seq.s32 s10, $0x1;
	s10 =	sld [smem:$0x3FAB]  }
0x3d: {  	_ =	shalt  }
0x3e: {  	_ =	shalt  }
0x3f: {  	_ =	shalt  }
0x40: {  	_ =	shalt  }
0x41: {  	_ =	shalt  }
0x42: {  	_ =	shalt  }
0x43: {  	_ =	shalt  }
0x44: {  	_ =	shalt  }
0x45: {  	_ =	shalt  }
0x46: {  	_ =	shalt  }
0x47: {  	_ =	shalt  }
0x48: {  	_ =	shalt  }
0x49: {  	_ =	shalt  }
0x4a: {  	_ =	shalt  }
0x4b: {  	_ =	shalt  }
0x4c: {  	_ =	shalt  }
0x4d: {  	_ =	shalt  }
0x4e: {  	_ =	shalt  }
0x4f: {  	_ =	shalt  }
0x50: {  	_ =	shalt  }
0x51: {  	_ =	shalt  }
0x52: {  	_ =	shalt  }
0x53: {  	_ =	shalt  }
0x54: {  	_ =	shalt  }
0x55: {  	_ =	shalt  }
0x56: {  	_ =	shalt  }
0x57: {  	_ =	shalt  }
0x58: {  	_ =	shalt  }
0x59: {  	_ =	shalt  }
0x5a: {  	_ =	shalt  }
0x5b: {  	_ =	shalt  }
0x5c: {  	_ =	shalt  }
0x5d: {  	_ =	shalt  }
0x5e: {  	_ =	shalt  }
0x5f: {  	_ =	shalt  }
0x60: {  	_ =	shalt  }
0x61: {  	_ =	shalt  }
0x62: {  	_ =	shalt  }
0x63: {  	_ =	shalt  }
0x64: {  	_ =	shalt  }
0x65: {  	_ =	shalt  }
0x66: {  	_ =	shalt  }
0x67: {  	_ =	shalt  }
0x68: {  	_ =	shalt  }
0x69: {  	_ =	shalt  }
0x6a: {  	_ =	shalt  }
0x6b: {  	_ =	shalt  }
0x6c: {  	_ =	shalt  }
0x6d: {  	_ =	shalt  }
0x6e: {  	_ =	shalt  }
0x6f: {  	_ =	shalt  }
0x70: {  	_ =	shalt  }
0x71: {  	_ =	shalt  }
0x72: {  	_ =	shalt  }
0x73: {  	_ =	shalt  }
0x74: {  	_ =	shalt  }
0x75: {  	_ =	shalt  }
0x76: {  	_ =	shalt  }
0x77: {  	_ =	shalt  }
0x78: {  	_ =	shalt  }
0x79: {  	_ =	shalt  }
0x7a: {  	_ =	shalt  }
0x7b: {  	_ =	shalt  }
0x7c: {  	_ =	shalt  }
0x7d: {  	_ =	shalt  }
0x7e: {  	_ =	shalt  }
0x7f: {  	_ =	shalt  }
0x80: {  	_ =	shalt  }
0x81: {  	_ =	shalt  }
0x82: {  	_ =	shalt  }
0x83: {  	_ =	shalt  }
0x84: {  	_ =	shalt  }
0x85: {  	_ =	shalt  }
0x86: {  	_ =	shalt  }
0x87: {  	_ =	shalt  }
.Lfunc_end0:
.L_simem_size_0:
called_computation.1_lowered:
.L_overlay_start_0:
0x88: {  	s2 =	sld [smem:$0x3FD9]  }
0x89: {  	s3 =	sld [smem:$0x3FFE];
	_ =	sdelay $0x1  }
0x8a: {  	s1 =	srdreg.scid  }
0x8b: {  	s0 =	sand.u32 $0x1, s1  }
0x8c: {  	s14 =	sshll.u32 s0, $0xA;
	s2 =	sadd.s32 s3, s2  }
0x8d: {  	s2 =	sadd.s32 s2, s14  }
0x8e: {  	[smem:$0x3FB7] =	sst s2  }
0x8f: {  	_ = 	snop  }
0x90: {  	s2 =	sld [smem:$0x3FD0];
	_ =	sdelay $0x2  }
0x91: {  	s15 =	simm.s32 $0xA;
	s4 =	simm.s32 $0x10  }
0x92: {  	[smem:s4], [sflag:s15] =	dma.local [hbm:s2], $0x1  }
0x93: {  	_ =	swait.eq [sflag:s15], $0x1  }
0x94: {  	[sflag:s15] =	ssyncset.done $0x0  }
0x95: {  	s16 =	sld [smem:$0x10];
	[sflag:s15] =	ssyncadd.s32 $0xFFFFFFFF  }
0x96: {  	s17 =	sld [smem:$0x11];
	(tm) =	ssettm $0x1  }
0x97: {  	s18 =	sld [smem:$0x3FFB];
	_ =	sdelay $0x3  }
0x98: {  	_ =	strace s18  }
0x99: {  	s4 =	sld [smem:$0x3FFC];
	_ =	sdelay $0x3  }
0x9a: {  	_ =	strace s4  }
0x9b: {  	s4 =	sld [smem:$0x3FFD];
	_ =	sdelay $0x3  }
0x9c: {  	_ =	strace s4  }
0x9d: {  	_ =	strace $0x8FFFFFFF  }
0x9e: {  	s19 =	sld [smem:$0x3FDB];
	_ =	sdelay $0x1  }
0x9f: {  	s5 =	simm.s32 $_scs_section_size  }
0xa0: {  	s6 =	simm.s32 $_size__tile_overlayer_lowered;
	s7 =	simm.s32 $_tile_overlayer_lowered  }
0xa1: {  	s22 =	simm.s32 $0x1BFF;
	s21 =	sshll.u32 s7, $0x1;
	s4 =	sadd.s32 s5, s19  }
0xa2: {  	s8 =	simm.s32 $0x0;
	s20 =	sshll.u32 s6, $0x1;
	s6 =	sadd.s32 s21, s4  }
0xa3: {  	[timem:s8], [sflag:s22] =	dma.local [hbm:s6], s20  }
0xa4: {  	_ =	swait.ge [sflag:s22], s20  }
0xa5: {  	s5 =	ssub.s32 $0x0, s20;
	[sflag:s22] =	ssyncset.done $0x0  }
0xa6: {  	[sflag:s22] =	ssyncadd.s32 s5;
	_ =	sdelay $0x1  }
0xa7: {  	s23 =	simm.s32 $0x1B8B  }
0xa8: {  	_ =	swait.ge [sflag:s23], $0x1  }
0xa9: {  	[sflag:s23] =	ssyncset.done $0x0  }
0xaa: {  	s25 =	simm.s32 $0x1B8E;
	s24 =	sld [smem:$0x3FFE];
	[sflag:s23] =	ssyncadd.s32 $0xFFFFFFFF  }
0xab: {  	s26 =	simm.s32 $execute0_lowered;
	[smem:$0x3FD2] =	sst s25  }
0xac: {  	s6 =	sshll.u32 s26, $0x1;
	_ =	strace $0x80000049;
	[dreg:$0x1] =	wrdreg $0xFFFFFFFF  }
0xad: {  	s28 =	simm.s32 $_size_execute0_lowered;
	s4 =	sadd.s32 s4, s6;
	[dreg:$0x0] =	wrdreg $0x0  }
0xae: {  	s6 =	sshll.u32 s28, $0x1;
	[dreg:$0x2] =	wrdreg s4  }
0xaf: {  	[dreg:$0x3] =	wrdreg s6  }
0xb0: {  	[dreg:$0x4] =	wrdreg $0xC0  }
0xb1: {  	_ =	task [dreg:s8], $0x5FFFF  }
0xb2: {  	[dreg:$0x1] =	wrdreg $0xFFFFFFFF  }
0xb3: {  	[dreg:$0x0] =	wrdreg $0x60  }
0xb4: {  	[dreg:$0x2] =	wrdreg s24  }
0xb5: {  	[dreg:$0x3] =	wrdreg s17  }
0xb6: {  	[dreg:$0x4] =	wrdreg s16  }
0xb7: {  	[dreg:$0x5] =	wrdreg $0xE9400  }
0xb8: {  	[dreg:$0x6] =	wrdreg $0x189400  }
0xb9: {  	[dreg:$0x7] =	wrdreg $0x9  }
0xba: {  	_ =	task.clear_ibuf [dreg:s8], $0x8FFFF;
	_ =	strace $0x90000049  }
0xbb: {  	s29 =	simm.s32 $0x9;
	_ =	strace $0x8000004B  }
0xbc: {  	_ =	swait.ge [sflag:s29], $0x1  }
0xbd: {  	[sflag:s29] =	ssyncadd.s32 $0xFFFFFFFF  }
0xbe: {  	_ =	strace $0x9000004B  }
0xbf: {  	_ =	sfence  }
0xc0: {  	s30 =	sld [smem:$0x0];
	_ =	sdelay $0x2  }
0xc1: {  	s31 =	sshll.u32 s1, $0xD;
	s1 =	sshrl.u32 s1, $0x2  }
0xc2: {  	s3 =	sand.u32 $0x4000, s31;
	s1 =	sadd.s32 s1, s30  }
0xc3: {  	s0 =	sor.u32 s3, s0;
	s1 =	sshll.u32 s1, $0x11  }
0xc4: {  	s0 =	sor.u32 s1, s0  }
0xc5: {  	s0 =	sadd.s32 $0x8F2B, s0  }
0xc6: {  	[sflag:s0] =	ssyncadd.remote.s32 $0x1  }
0xc7: {  	_ =	sfence.sel $0xFFFF  }
0xc8: {  	[dreg:$0x0] =	wrdreg $0xFFFFFFFF;
	(pc) =	sbr.abs _section_cstart, $3  }
0xc9: {  	[dreg:$0x1] =	wrdreg $0xFFFFFFFF  }
0xca: {  	_ =	task.clear_ibuf [dreg:s8], $0x2FFFF;
	_ =	strace $0x9FFFFFFF  }
0xcb: {  	(tm) =	ssettm $0x7FFFFFFF  }
tec
execute0_lowered:
.L_overlay_start_1:
0x0: {  	(tag) =	ssettag $0x1  }
0x1: {  	s29 =	stileid.u32;
	s0 =	srdreg.scid  }
0x2: {  	s6 =	sand.u32 $0x1, s0;
	s0 =	smul.u32 $0xA000, s29  }
0x3: {  	s7 =	smul.u32 $0xC, s6  }
0x4: {  	s1 =	rddreg [dreg:$0x0];
	s2 =	simm.s32 $0x0;
	s3 =	smul.u32 $0xEA600, s6  }
0x5: {  	s24 =	ssub.s32 $0x2, s6;
	s9 =	smul.u32 $0x780000, s6;
	s25 =	sor.u32 $0x1, s7  }
0x6: {  	[smem:$0x7FF] =	sst s2;
	s5 =	sshrl.u32 s24, $0x1;
	s26 =	smul.u32 $0xA0000, s25  }
0x7: {  	s2 =	ssub.s32 s24, s5;
	s13 =	sor.u32 $0x2, s7;
	s5 =	smul.u32 $0x13880, s25  }
0x8: {  	s4 =	rddreg [dreg:$0x1];
	s28 =	smul.u32 $0x13880, s13  }
0x9: {  	s8 =	sadd.s32 $0x2800, s1;
	s14 =	sor.u32 $0x3, s7;
	s13 =	smul.u32 $0xA0000, s13  }
0xa: {  	s10 =	sadd.s32 $0x58FE00, s1;
	p0 =	sne.s32 s6, $0x0;
	s31 =	smul.u32 $0x13880, s14  }
0xb: {  	s12 =	sadd.s32 s0, s9;
	s15 =	sadd.s32 $0x4, s7;
	s14 =	smul.u32 $0xA0000, s14  }
0xc: {  	s3 =	sadd.s32 s8, s3;
	s11 =	sshrl.u32 s12, $0x3;
	s17 =	smul.u32 $0xA0000, s15  }
0xd: {  	s19 =	smul.u32 $0x13880, s15;
	s21 =	sadd.s32 $0x320000, s12;
	s22 =	sadd.s32 $0x3C0000, s12  }
0xe: {  	s23 =	sadd.s32 $0x460000, s12;
	s15 =	sadd.s32 $0x6E0000, s12;
	s2 =	smax.u32 s2, $0x1  }
0xf: {  	s11 =	sadd.s32 s10, s11;
	s25 =	sshrl.u32 s23, $0x3;
	s23 =	sadd.s32 $0x1D7A00, s1  }
0x10: {  	[dreg:$0x6] =	wrdreg s11;
	s9 =	sadd.s32 s0, s26;
	s5 =	sadd.s32 s8, s5  }
0x11: {  	s13 =	sadd.s32 s0, s13;
	s7 =	sadd.s32 s8, s28;
	s18 =	sadd.s32 s0, s14  }
0x12: {  	s26 =	sadd.s32 $0x500000, s12;
	s28 =	sadd.s32 $0x5A0000, s12;
	s9 =	sshrl.u32 s9, $0x3  }
0x13: {  	s16 =	sshrl.u32 s13, $0x3;
	s13 =	sadd.s32 s0, s17;
	s17 =	smul.u32 $0x2800, s29  }
0x14: {  	s9 =	sadd.s32 s10, s9;
	s11 =	sadd.s32 s10, s16;
	s20 =	sshrl.u32 s13, $0x3  }
0x15: {  	s13 =	sshrl.u32 s22, $0x3;
	s16 =	smul.u32 $0x9C4, s29;
	[dreg:$0x7] =	wrdreg s9  }
0x16: {  	[dreg:$0x8] =	wrdreg s11;
	s9 =	sadd.s32 s8, s31;
	s11 =	sshrl.u32 s18, $0x3  }
0x17: {  	s24 =	sadd.s32 s10, s13;
	s13 =	sshrl.u32 s28, $0x3;
	s31 =	sadd.s32 $0x640000, s12  }
0x18: {  	s18 =	smul.u32 $0x28000, s29;
	s11 =	sadd.s32 s10, s11;
	[dreg:$0xc] =	wrdreg s24  }
0x19: {  	[dreg:$0x9] =	wrdreg s11;
	s11 =	sadd.s32 s8, s19;
	s8 =	sadd.s32 s10, s20  }
0x1a: {  	s13 =	sadd.s32 s10, s13;
	[dreg:$0xa] =	wrdreg s8;
	s8 =	sshrl.u32 s21, $0x3  }
0x1b: {  	s22 =	sshrl.u32 s17, $0x3;
	[dreg:$0xf] =	wrdreg s13;
	s8 =	sadd.s32 s10, s8  }
0x1c: {  	s12 =	sadd.s32 $0x75300, s3;
	[dreg:$0xb] =	wrdreg s8;
	s8 =	sadd.s32 s10, s25  }
0x1d: {  	s14 =	sshrl.u32 s31, $0x3;
	[dreg:$0xd] =	wrdreg s8;
	s8 =	sshrl.u32 s26, $0x3  }
0x1e: {  	s4 =	sadd.s32 s4, s16;
	s20 =	rddreg [dreg:$0x3];
	s8 =	sadd.s32 s10, s8  }
0x1f: {  	s19 =	sadd.s32 s16, s1;
	[dreg:$0xe] =	wrdreg s8;
	s8 =	sadd.s32 s10, s14  }
0x20: {  	s6 =	sshrl.u32 s18, $0x2;
	[dreg:$0x10] =	wrdreg s8;
	s8 =	sshrl.u32 s15, $0x3  }
0x21: {  	s13 =	sadd.s32 $0x88B80, s3;
	s21 =	rddreg [dreg:$0x4];
	s8 =	sadd.s32 s10, s8  }
0x22: {  	s16 =	sadd.s32 $0xC3500, s3;
	s18 =	simm.s32 $0xC440;
	[dreg:$0x11] =	wrdreg s8  }
0x23: {  	s24 =	sadd.s32 $0x586000, s19;
	_ =	strace $0x8000004A;
	[dreg:$0x12] =	wrdreg s4  }
0x24: {  	s10 =	sadd.s32 s22, s1;
	s1 =	sadd.s32 $0x1D7400, s1;
	[dreg:$0x13] =	wrdreg s23  }
0x25: {  	s19 =	sadd.s32 s0, s20;
	s25 =	sadd.s32 s6, s20;
	[dreg:$0x14] =	wrdreg s1  }
0x26: {  	s0 =	sshrl.u32 s0, $0x2;
	s26 =	sadd.s32 $0x4000, s25;
	[dreg:$0x15] =	wrdreg s24  }
0x27: {  	s0 =	sadd.s32 s0, s21;
	s28 =	sadd.s32 $0x6000, s25;
	[dreg:$0x16] =	wrdreg s26  }
0x28: {  	s0 =	sshrl.u32 @!p0 s0, $0x3;
	s31 =	sadd.s32 $0x76FE00, s10;
	[dreg:$0x17] =	wrdreg s28  }
0x29: {  	s30 =	sadd.s32 $0x2000, s25;
	s14 =	sadd.s32 $0x9C400, s3;
	[dreg:$0x19] =	wrdreg s31  }
0x2a: {  	s15 =	sadd.s32 $0xAFC80, s3;
	s22 =	simm.s32 $0x3;
	[dreg:$0x1a] =	wrdreg s2  }
0x2b: {  	s10 =	sadd.s32 $0x61A80, s3;
	s1 =	sadd.s32 $0x8000, s25;
	[dreg:$0x1b] =	wrdreg s0  }
0x2c: {  	s23 =	simm.s32 $0x50;
	s24 =	simm.s32 $0x9C40;
	s25 =	simm.s32 $0x1  }
0x2d: {  	s26 =	simm.s32 $0xB040;
	[dreg:$0x18] =	wrdreg s1;
	s1 =	sadd.s32 s17, s21  }
0x2e: {  	s4 =	simm.s32 $0x0;
	s17 =	sadd.s32 $0xD6D80, s3;
	s0 =	sshrl.u32 @!p0 s1, $0x3  }
0x2f: {  	s1 =	simm.s32 $0x2;
	[dreg:$0x1c] =	wrdreg s0;
	s0 =	simm.s32 $0x4  }
.LBB2_1:
0x30: {  	[dreg:$0x1d] =	wrdreg s4  }
0x31: {  	s2 =	rddreg [dreg:$0x2];
	s4 =	simm.s32 $0x0  }
0x32: {  	[tilespmem:s18], [sflag:$0x3] =	stream.linear.gather [hbm4b:s2+s4], $0x2000, $0x38;
	[tilespmem:$0x1B140] =	vst v63  }
0x33: {  	_ =	swait.ge [sflag:s22], $0x2000  }
0x34: {  	[sflag:s22] =	ssyncset.done $0x0  }
0x35: {  	s6 =	simm.s32 $0xE440;
	s8 =	rddreg [dreg:$0x13];
	[sflag:s22] =	ssyncadd.s32 $0xFFFFE000  }
0x36: {  	[tilespmem:s6], [sflag:$0x3] =	stream.linear.gather [hbm4b:s8+s4], $0x500, $0x38;
	[tilespmem:$0x1B140] =	vst v63  }
0x37: {  	_ =	swait.ge [sflag:s22], $0x500  }
0x38: {  	[sflag:s22] =	ssyncset.done $0x0  }
0x39: {  	s8 =	rddreg [dreg:$0x15];
	[sflag:s22] =	ssyncadd.s32 $0xFFFFFB00  }
0x3a: {  	[tilespmem:s4], [sflag:$0x3] =	stream.linear.gather [hbm4b:s8+s4], $0x4E20, $0x38;
	[tilespmem:$0x1B140] =	vst v63  }
0x3b: {  	_ =	swait.ge [sflag:s22], $0x4E20  }
0x3c: {  	[sflag:s22] =	ssyncset.done $0x0  }
0x3d: {  	s8 =	simm.s32 $0x4E20;
	s6 =	rddreg [dreg:$0x12];
	[sflag:s22] =	ssyncadd.s32 $0xFFFFB1E0  }
0x3e: {  	[tilespmem:s8], [sflag:$0x3] =	stream.linear.gather [hbm4b:s6+s4], $0x4E20, $0x38;
	[tilespmem:$0x1B140] =	vst v63  }
0x3f: {  	_ =	swait.ge [sflag:s22], $0x4E20  }
0x40: {  	[sflag:s22] =	ssyncset.done $0x0  }
0x41: {  	[sflag:s22] =	ssyncadd.s32 $0xFFFFB1E0  }
0x42: {  	[spmem:s19] =	stream.linear.scatter [tilespmem:s18], [sflag:$0x3], $0x2000, $0x38;
	[tilespmem:$0x1B140] =	vst v63  }
0x43: {  	_ =	swait.ge [sflag:s22], $0x2000  }
0x44: {  	[sflag:s22] =	ssyncset.done $0x0  }
0x45: {  	[sflag:s22] =	ssyncadd.s32 $0xFFFFE000  }
0x46: {  	[spmem:s30] =	stream.linear.scatter [tilespmem:s18], [sflag:$0x3], $0x2000, $0x38;
	[tilespmem:$0x1B140] =	vst v63  }
0x47: {  	_ =	swait.ge [sflag:s22], $0x2000  }
0x48: {  	[sflag:s22] =	ssyncset.done $0x0  }
0x49: {  	s31 =	smov.u32 s30;
	s30 =	rddreg [dreg:$0x16];
	[sflag:s22] =	ssyncadd.s32 $0xFFFFE000  }
0x4a: {  	[spmem:s30] =	stream.linear.scatter [tilespmem:s18], [sflag:$0x3], $0x2000, $0x38;
	[tilespmem:$0x1B140] =	vst v63  }
0x4b: {  	_ =	swait.ge [sflag:s22], $0x2000  }
0x4c: {  	[sflag:s22] =	ssyncset.done $0x0  }
0x4d: {  	s6 =	rddreg [dreg:$0x17];
	[sflag:s22] =	ssyncadd.s32 $0xFFFFE000  }
0x4e: {  	[spmem:s6] =	stream.linear.scatter [tilespmem:s18], [sflag:$0x3], $0x2000, $0x38;
	[tilespmem:$0x1B140] =	vst v63  }
0x4f: {  	_ =	swait.ge [sflag:s22], $0x2000  }
0x50: {  	[sflag:s22] =	ssyncset.done $0x0  }
0x51: {  	s8 =	rddreg [dreg:$0x18];
	[sflag:s22] =	ssyncadd.s32 $0xFFFFE000  }
0x52: {  	[spmem:s8] =	stream.linear.scatter [tilespmem:s18], [sflag:$0x3], $0x2000, $0x38;
	[tilespmem:$0x1B140] =	vst v63  }
0x53: {  	_ =	swait.ge [sflag:s22], $0x2000  }
0x54: {  	s2 =	sshll.u32 @!p0 s29, $0x6;
	[sflag:s22] =	ssyncset.done $0x0;
	s6 =	rddreg [dreg:$0x14]  }
0x55: {  	s2 =	sor.u32 @!p0 $0x1C03, s2;
	s8 =	rddreg [dreg:$0x1b];
	[sflag:s22] =	ssyncadd.s32 $0xFFFFE000  }
0x56: {  	[spmem:s8], [sflag:s2] =	dma.local @!p0 [hbm:s6], $0x500  }
0x57: {  	s2 =	simm.s32 @!p0 $0x3  }
0x58: {  	_ =	swait.ge @!p0 [sflag:s2], $0x500  }
0x59: {  	[sflag:s2] =	ssyncset.done @!p0 $0x0  }
0x5a: {  	[sflag:s2] =	ssyncadd.s32 @!p0 $0xFFFFFB00  }
0x5b: {  	[bflag:$0x0] =	sbarrier.arrive $0xFFFF  }
0x5c: {  	[tilespmem:s24], [sflag:$0x1] =	stream.indirect.gather [hbm4b:s3+s23], $0x40, s4, s23, $0xb8;
	[tilespmem:$0x1B140] =	vst v63  }
0x5d: {  	_ =	swait.ge [sflag:s25], $0x1400  }
0x5e: {  	[sflag:s25] =	ssyncset.done $0x0  }
0x5f: {  	s30 =	simm.s32 $0x50;
	[sflag:s25] =	ssyncadd.s32 $0xFFFFEC00  }
0x60: {  	[tilespmem:s26], [sflag:$0x2] =	stream.indirect.gather [hbm4b:s3+s23], $0x40, s30, s23, $0xb8;
	[tilespmem:$0x1B140] =	vst v63  }
0x61: {  	s28 =	simm.s32 $0x4E20  }
0x62: {  	[spmem:s20] =	stream.indirect.scatter.add.f32 [tilespmem:s24], [sflag:$0x4], $0x40, s28, s23, $0xb8;
	[tilespmem:$0x1B140] =	vst v63  }
0x63: {  	_ =	swait.ge [sflag:s0], $0x1400  }
0x64: {  	s8 =	simm.s32 @!p0 $0x50;
	[sflag:s0] =	ssyncset.done $0x0  }
0x65: {  	s6 =	simm.s32 @!p0 $0xE440;
	s4 =	simm.s32 @!p0 $0x4;
	[sflag:s0] =	ssyncadd.s32 $0xFFFFEC00  }
0x66: {  	[spmem:s21] =	stream.indirect.scatter.add.f32 @!p0 [tilespmem:s6], [sflag:$0x4], $0x10, s28, s8, $0xb8;
	[tilespmem:$0x1B140] =	vst v63  }
0x67: {  	_ =	swait.ge @!p0 [sflag:s4], $0x500  }
0x68: {  	[sflag:s4] =	ssyncset.done @!p0 $0x0  }
0x69: {  	[sflag:s4] =	ssyncadd.s32 @!p0 $0xFFFFFB00  }
0x6a: {  	_ =	swait.ge [sflag:s1], $0x1400  }
0x6b: {  	[sflag:s1] =	ssyncset.done $0x0  }
0x6c: {  	s28 =	simm.s32 $0xA0;
	[sflag:s1] =	ssyncadd.s32 $0xFFFFEC00  }
0x6d: {  	[tilespmem:s24], [sflag:$0x1] =	stream.indirect.gather [hbm4b:s3+s23], $0x40, s28, s23, $0xb8;
	[tilespmem:$0x1B140] =	vst v63  }
0x6e: {  	s28 =	simm.s32 $0x4E70  }
0x6f: {  	[spmem:s20] =	stream.indirect.scatter.add.f32 [tilespmem:s26], [sflag:$0x4], $0x40, s28, s23, $0xb8;
	[tilespmem:$0x1B140] =	vst v63  }
0x70: {  	_ =	swait.ge [sflag:s0], $0x1400  }
0x71: {  	[sflag:s0] =	ssyncset.done $0x0  }
0x72: {  	[sflag:s0] =	ssyncadd.s32 $0xFFFFEC00  }
0x73: {  	[spmem:s21] =	stream.indirect.scatter.add.f32 @!p0 [tilespmem:s6], [sflag:$0x3], $0x10, s28, s8, $0xb8;
	[tilespmem:$0x1B140] =	vst v63  }
0x74: {  	_ =	swait.ge @!p0 [sflag:s2], $0x500  }
0x75: {  	s28 =	simm.s32 $0x280;
	[sflag:s2] =	ssyncset.done @!p0 $0x0  }
.LBB2_2:
0x76: {  	[sflag:s2] =	ssyncadd.s32 @!p0 $0xFFFFFB00;
	s29 =	smov.u32 s28;
	s28 =	sadd.s32 $0x280, s28  }
0x77: {  	_ =	swait.ge [sflag:s25], $0x1400;
	p1 =	sne.s32 s28, $0x13600  }
0x78: {  	s29 =	sshra.s32 s29, $0x2;
	[sflag:s25] =	ssyncset.done $0x0  }
0x79: {  	s30 =	sadd.s32 $0x50, s29;
	[sflag:s25] =	ssyncadd.s32 $0xFFFFEC00  }
0x7a: {  	[tilespmem:s26], [sflag:$0x2] =	stream.indirect.gather [hbm4b:s3+s23], $0x40, s30, s23, $0xb8;
	[tilespmem:$0x1B140] =	vst v63  }
0x7b: {  	s30 =	sadd.s32 $0x4E20, s29  }
0x7c: {  	[spmem:s20] =	stream.indirect.scatter.add.f32 [tilespmem:s24], [sflag:$0x4], $0x40, s30, s23, $0xb8;
	[tilespmem:$0x1B140] =	vst v63  }
0x7d: {  	_ =	swait.ge [sflag:s0], $0x1400  }
0x7e: {  	[sflag:s0] =	ssyncset.done $0x0  }
0x7f: {  	[sflag:s0] =	ssyncadd.s32 $0xFFFFEC00  }
0x80: {  	[spmem:s21] =	stream.indirect.scatter.add.f32 @!p0 [tilespmem:s6], [sflag:$0x4], $0x10, s30, s8, $0xb8;
	[tilespmem:$0x1B140] =	vst v63  }
0x81: {  	_ =	swait.ge @!p0 [sflag:s4], $0x500  }
0x82: {  	[sflag:s4] =	ssyncset.done @!p0 $0x0  }
0x83: {  	[sflag:s4] =	ssyncadd.s32 @!p0 $0xFFFFFB00  }
0x84: {  	_ =	swait.ge [sflag:s1], $0x1400  }
0x85: {  	[sflag:s1] =	ssyncset.done $0x0  }
0x86: {  	s30 =	sadd.s32 $0xA0, s29;
	[sflag:s1] =	ssyncadd.s32 $0xFFFFEC00  }
0x87: {  	[tilespmem:s24], [sflag:$0x1] =	stream.indirect.gather [hbm4b:s3+s23], $0x40, s30, s23, $0xb8;
	[tilespmem:$0x1B140] =	vst v63  }
0x88: {  	s29 =	sadd.s32 $0x4E70, s29  }
0x89: {  	[spmem:s20] =	stream.indirect.scatter.add.f32 [tilespmem:s26], [sflag:$0x4], $0x40, s29, s23, $0xb8;
	[tilespmem:$0x1B140] =	vst v63  }
0x8a: {  	_ =	swait.ge [sflag:s0], $0x1400  }
.Ltmp0:
0x8b: {  	[sflag:s0] =	ssyncset.done $0x0;
	(pc) =	sbr.rel @p1 .LBB2_2-.Ltmp0, $4  }
0x8c: {  	[sflag:s0] =	ssyncadd.s32 $0xFFFFEC00  }
0x8d: {  	[spmem:s21] =	stream.indirect.scatter.add.f32 @!p0 [tilespmem:s6], [sflag:$0x3], $0x10, s29, s8, $0xb8;
	[tilespmem:$0x1B140] =	vst v63  }
0x8e: {  	_ =	swait.ge @!p0 [sflag:s2], $0x500  }
0x8f: {  	[sflag:s2] =	ssyncset.done @!p0 $0x0  }
0x90: {  	[sflag:s2] =	ssyncadd.s32 @!p0 $0xFFFFFB00  }
0x91: {  	_ =	swait.ge [sflag:s25], $0x1400  }
0x92: {  	[sflag:s25] =	ssyncset.done $0x0  }
0x93: {  	s28 =	simm.s32 $0x4DD0;
	[sflag:s25] =	ssyncadd.s32 $0xFFFFEC00  }
0x94: {  	[tilespmem:s26], [sflag:$0x2] =	stream.indirect.gather [hbm4b:s3+s23], $0x40, s28, s23, $0xb8;
	[tilespmem:$0x1B140] =	vst v63  }
0x95: {  	s28 =	simm.s32 $0x9BA0  }
0x96: {  	[spmem:s20] =	stream.indirect.scatter.add.f32 [tilespmem:s24], [sflag:$0x4], $0x40, s28, s23, $0xb8;
	[tilespmem:$0x1B140] =	vst v63  }
0x97: {  	_ =	swait.ge [sflag:s0], $0x1400  }
0x98: {  	[sflag:s0] =	ssyncset.done $0x0  }
0x99: {  	s2 =	simm.s32 @p0 $0x2;
	[sflag:s0] =	ssyncadd.s32 $0xFFFFEC00  }
0x9a: {  	_ =	swait.ge @p0 [sflag:s2], $0x1400  }
0x9b: {  	s29 =	simm.s32 @p0 $0xB040;
	[sflag:s2] =	ssyncset.done @p0 $0x0  }
0x9c: {  	s28 =	simm.s32 @p0 $0x9BF0;
	[sflag:s2] =	ssyncadd.s32 @p0 $0xFFFFEC00;
	s2 =	simm.s32 @p0 $0x50  }
0x9d: {  	[spmem:s20] =	stream.indirect.scatter.add.f32 @p0 [tilespmem:s29], [sflag:$0x4], $0x40, s28, s2, $0xb8;
	[tilespmem:$0x1B140] =	vst v63  }
0x9e: {  	s2 =	simm.s32 @p0 $0x4  }
0x9f: {  	_ =	swait.ge @p0 [sflag:s2], $0x1400  }
0xa0: {  	[sflag:s2] =	ssyncset.done @p0 $0x0  }
0xa1: {  	[sflag:s2] =	ssyncadd.s32 @p0 $0xFFFFEC00;
	s2 =	simm.s32 @!p0 $0x9BA0  }
0xa2: {  	[spmem:s21] =	stream.indirect.scatter.add.f32 @!p0 [tilespmem:s6], [sflag:$0x4], $0x10, s2, s8, $0xb8;
	[tilespmem:$0x1B140] =	vst v63  }
0xa3: {  	_ =	swait.ge @!p0 [sflag:s4], $0x500  }
0xa4: {  	[sflag:s4] =	ssyncset.done @!p0 $0x0  }
0xa5: {  	s2 =	simm.s32 @!p0 $0x2;
	[sflag:s4] =	ssyncadd.s32 @!p0 $0xFFFFFB00  }
0xa6: {  	_ =	swait.ge @!p0 [sflag:s2], $0x1400  }
0xa7: {  	[sflag:s2] =	ssyncset.done @!p0 $0x0  }
0xa8: {  	s28 =	simm.s32 @!p0 $0xB040;
	[sflag:s2] =	ssyncadd.s32 @!p0 $0xFFFFEC00;
	s2 =	simm.s32 @!p0 $0x9BF0  }
0xa9: {  	[spmem:s20] =	stream.indirect.scatter.add.f32 @!p0 [tilespmem:s28], [sflag:$0x4], $0x40, s2, s8, $0xb8;
	[tilespmem:$0x1B140] =	vst v63  }
0xaa: {  	_ =	swait.ge @!p0 [sflag:s4], $0x1400  }
0xab: {  	[sflag:s4] =	ssyncset.done @!p0 $0x0  }
0xac: {  	[sflag:s4] =	ssyncadd.s32 @!p0 $0xFFFFEC00  }
0xad: {  	[spmem:s21] =	stream.indirect.scatter.add.f32 @!p0 [tilespmem:s6], [sflag:$0x3], $0x10, s2, s8, $0xb8;
	[tilespmem:$0x1B140] =	vst v63  }
0xae: {  	s2 =	simm.s32 @!p0 $0x3  }
0xaf: {  	_ =	swait.ge @!p0 [sflag:s2], $0x500  }
0xb0: {  	[sflag:s2] =	ssyncset.done @!p0 $0x0  }
0xb1: {  	s29 =	stileid.u32;
	[sflag:s2] =	ssyncadd.s32 @!p0 $0xFFFFFB00  }
0xb2: {  	s8 =	sshll.u32 s29, $0x6;
	[bflag:$0x0] =	sbarrier.arrive $0xFFFF  }
0xb3: {  	s4 =	sshrl.u32 s19, $0x3;
	s8 =	sor.u32 $0x1C03, s8;
	s28 =	rddreg [dreg:$0x6]  }
0xb4: {  	[hbm:s28], [sflag:s8] =	dma.local [spmem:s4], $0x1400  }
0xb5: {  	_ =	swait.ge [sflag:s22], $0x1400  }
0xb6: {  	[sflag:s22] =	ssyncset.done $0x0;
	s6 =	rddreg [dreg:$0x19]  }
0xb7: {  	s28 =	rddreg [dreg:$0x1c];
	[sflag:s22] =	ssyncadd.s32 $0xFFFFEC00  }
0xb8: {  	[hbm:s6], [sflag:s8] =	dma.local @!p0 [spmem:s28], $0x500  }
0xb9: {  	_ =	swait.ge @!p0 [sflag:s2], $0x500  }
0xba: {  	[sflag:s2] =	ssyncset.done @!p0 $0x0  }
0xbb: {  	[sflag:s2] =	ssyncadd.s32 @!p0 $0xFFFFFB00  }
0xbc: {  	[spmem:s19] =	stream.linear.scatter [tilespmem:s18], [sflag:$0x3], $0x2000, $0x38;
	[tilespmem:$0x1B140] =	vst v63  }
0xbd: {  	_ =	swait.ge [sflag:s22], $0x2000  }
0xbe: {  	[sflag:s22] =	ssyncset.done $0x0  }
0xbf: {  	[sflag:s22] =	ssyncadd.s32 $0xFFFFE000  }
0xc0: {  	[spmem:s31] =	stream.linear.scatter [tilespmem:s18], [sflag:$0x3], $0x2000, $0x38;
	[tilespmem:$0x1B140] =	vst v63  }
0xc1: {  	_ =	swait.ge [sflag:s22], $0x2000  }
0xc2: {  	[sflag:s22] =	ssyncset.done $0x0  }
0xc3: {  	s30 =	smov.u32 s31;
	s31 =	rddreg [dreg:$0x16];
	[sflag:s22] =	ssyncadd.s32 $0xFFFFE000  }
0xc4: {  	[spmem:s31] =	stream.linear.scatter [tilespmem:s18], [sflag:$0x3], $0x2000, $0x38;
	[tilespmem:$0x1B140] =	vst v63  }
0xc5: {  	_ =	swait.ge [sflag:s22], $0x2000  }
0xc6: {  	[sflag:s22] =	ssyncset.done $0x0  }
0xc7: {  	s28 =	rddreg [dreg:$0x17];
	[sflag:s22] =	ssyncadd.s32 $0xFFFFE000  }
0xc8: {  	[spmem:s28] =	stream.linear.scatter [tilespmem:s18], [sflag:$0x3], $0x2000, $0x38;
	[tilespmem:$0x1B140] =	vst v63  }
0xc9: {  	_ =	swait.ge [sflag:s22], $0x2000  }
0xca: {  	[sflag:s22] =	ssyncset.done $0x0  }
0xcb: {  	s6 =	rddreg [dreg:$0x18];
	[sflag:s22] =	ssyncadd.s32 $0xFFFFE000  }
0xcc: {  	[spmem:s6] =	stream.linear.scatter [tilespmem:s18], [sflag:$0x3], $0x2000, $0x38;
	[tilespmem:$0x1B140] =	vst v63  }
0xcd: {  	_ =	swait.ge [sflag:s22], $0x2000  }
0xce: {  	[sflag:s22] =	ssyncset.done $0x0  }
0xcf: {  	[sflag:s22] =	ssyncadd.s32 $0xFFFFE000  }
0xd0: {  	s28 =	simm.s32 $0x0;
	[bflag:$0x0] =	sbarrier.arrive $0xFFFF  }
0xd1: {  	[tilespmem:s24], [sflag:$0x1] =	stream.indirect.gather [hbm4b:s5+s23], $0x40, s28, s23, $0xb8;
	[tilespmem:$0x1B140] =	vst v63  }
0xd2: {  	_ =	swait.ge [sflag:s25], $0x1400  }
0xd3: {  	[sflag:s25] =	ssyncset.done $0x0  }
0xd4: {  	s6 =	simm.s32 $0x50;
	[sflag:s25] =	ssyncadd.s32 $0xFFFFEC00  }
0xd5: {  	[tilespmem:s26], [sflag:$0x2] =	stream.indirect.gather [hbm4b:s5+s23], $0x40, s6, s23, $0xb8;
	[tilespmem:$0x1B140] =	vst v63  }
0xd6: {  	s28 =	simm.s32 $0x4E20  }
0xd7: {  	[spmem:s20] =	stream.indirect.scatter.add.f32 [tilespmem:s24], [sflag:$0x3], $0x40, s28, s23, $0xb8;
	[tilespmem:$0x1B140] =	vst v63  }
0xd8: {  	_ =	swait.ge [sflag:s22], $0x1400  }
0xd9: {  	[sflag:s22] =	ssyncset.done $0x0  }
0xda: {  	[sflag:s22] =	ssyncadd.s32 $0xFFFFEC00  }
0xdb: {  	_ =	swait.ge [sflag:s1], $0x1400  }
0xdc: {  	[sflag:s1] =	ssyncset.done $0x0  }
0xdd: {  	s6 =	simm.s32 $0xA0;
	[sflag:s1] =	ssyncadd.s32 $0xFFFFEC00  }
0xde: {  	[tilespmem:s24], [sflag:$0x1] =	stream.indirect.gather [hbm4b:s5+s23], $0x40, s6, s23, $0xb8;
	[tilespmem:$0x1B140] =	vst v63  }
0xdf: {  	s28 =	simm.s32 $0x4E70  }
0xe0: {  	[spmem:s20] =	stream.indirect.scatter.add.f32 [tilespmem:s26], [sflag:$0x3], $0x40, s28, s23, $0xb8;
	[tilespmem:$0x1B140] =	vst v63  }
0xe1: {  	_ =	swait.ge [sflag:s22], $0x1400  }
0xe2: {  	s2 =	simm.s32 $0x280;
	[sflag:s22] =	ssyncset.done $0x0  }
.LBB2_4:
0xe3: {  	p1 =	sne.s32 s2, $0x13380  }
0xe4: {  	[sflag:s22] =	ssyncadd.s32 $0xFFFFEC00;
	s6 =	smov.u32 s2;
	s2 =	sadd.s32 $0x280, s2  }
0xe5: {  	_ = 	snop  }
0xe6: {  	_ =	swait.ge [sflag:s25], $0x1400  }
0xe7: {  	s6 =	sshra.s32 s6, $0x2;
	[sflag:s25] =	ssyncset.done $0x0  }
0xe8: {  	s28 =	sadd.s32 $0x50, s6;
	[sflag:s25] =	ssyncadd.s32 $0xFFFFEC00  }
0xe9: {  	[tilespmem:s26], [sflag:$0x2] =	stream.indirect.gather [hbm4b:s5+s23], $0x40, s28, s23, $0xb8;
	[tilespmem:$0x1B140] =	vst v63  }
0xea: {  	s28 =	sadd.s32 $0x4E20, s6  }
0xeb: {  	[spmem:s20] =	stream.indirect.scatter.add.f32 [tilespmem:s24], [sflag:$0x3], $0x40, s28, s23, $0xb8;
	[tilespmem:$0x1B140] =	vst v63  }
0xec: {  	_ =	swait.ge [sflag:s22], $0x1400  }
0xed: {  	[sflag:s22] =	ssyncset.done $0x0  }
0xee: {  	[sflag:s22] =	ssyncadd.s32 $0xFFFFEC00  }
0xef: {  	_ =	swait.ge [sflag:s1], $0x1400  }
0xf0: {  	[sflag:s1] =	ssyncset.done $0x0  }
0xf1: {  	s28 =	sadd.s32 $0xA0, s6;
	[sflag:s1] =	ssyncadd.s32 $0xFFFFEC00  }
0xf2: {  	[tilespmem:s24], [sflag:$0x1] =	stream.indirect.gather [hbm4b:s5+s23], $0x40, s28, s23, $0xb8;
	[tilespmem:$0x1B140] =	vst v63  }
.Ltmp1:
0xf3: {  	_ = 	snop;
	(pc) =	sbr.rel @p1 .LBB2_4-.Ltmp1, $4  }
0xf4: {  	s6 =	sadd.s32 $0x4E70, s6  }
0xf5: {  	[spmem:s20] =	stream.indirect.scatter.add.f32 [tilespmem:s26], [sflag:$0x3], $0x40, s6, s23, $0xb8;
	[tilespmem:$0x1B140] =	vst v63  }
0xf6: {  	_ =	swait.ge [sflag:s22], $0x1400  }
0xf7: {  	[sflag:s22] =	ssyncset.done $0x0  }
0xf8: {  	[sflag:s22] =	ssyncadd.s32 $0xFFFFEC00  }
0xf9: {  	_ =	swait.ge [sflag:s25], $0x1400  }
0xfa: {  	[sflag:s25] =	ssyncset.done $0x0  }
0xfb: {  	s2 =	simm.s32 $0x4DD0;
	[sflag:s25] =	ssyncadd.s32 $0xFFFFEC00  }
0xfc: {  	[tilespmem:s26], [sflag:$0x2] =	stream.indirect.gather [hbm4b:s5+s23], $0x40, s2, s23, $0xb8;
	[tilespmem:$0x1B140] =	vst v63  }
0xfd: {  	s6 =	simm.s32 $0x9BA0  }
0xfe: {  	[spmem:s20] =	stream.indirect.scatter.add.f32 [tilespmem:s24], [sflag:$0x3], $0x40, s6, s23, $0xb8;
	[tilespmem:$0x1B140] =	vst v63  }
0xff: {  	_ =	swait.ge [sflag:s22], $0x1400  }
0x100: {  	[sflag:s22] =	ssyncset.done $0x0  }
0x101: {  	[sflag:s22] =	ssyncadd.s32 $0xFFFFEC00  }
0x102: {  	_ =	swait.ge [sflag:s1], $0x1400  }
0x103: {  	[sflag:s1] =	ssyncset.done $0x0  }
0x104: {  	s28 =	simm.s32 $0x9BF0;
	[sflag:s1] =	ssyncadd.s32 $0xFFFFEC00  }
0x105: {  	[spmem:s20] =	stream.indirect.scatter.add.f32 [tilespmem:s26], [sflag:$0x3], $0x40, s28, s23, $0xb8;
	[tilespmem:$0x1B140] =	vst v63  }
0x106: {  	_ =	swait.ge [sflag:s22], $0x1400  }
0x107: {  	[sflag:s22] =	ssyncset.done $0x0  }
0x108: {  	[sflag:s22] =	ssyncadd.s32 $0xFFFFEC00  }
0x109: {  	[bflag:$0x0] =	sbarrier.arrive $0xFFFF  }
0x10a: {  	s6 =	rddreg [dreg:$0x7]  }
0x10b: {  	[hbm:s6], [sflag:s8] =	dma.local [spmem:s4], $0x1400  }
0x10c: {  	_ =	swait.ge [sflag:s22], $0x1400  }
0x10d: {  	[sflag:s22] =	ssyncset.done $0x0  }
0x10e: {  	[sflag:s22] =	ssyncadd.s32 $0xFFFFEC00  }
0x10f: {  	[spmem:s19] =	stream.linear.scatter [tilespmem:s18], [sflag:$0x3], $0x2000, $0x38;
	[tilespmem:$0x1B140] =	vst v63  }
0x110: {  	_ =	swait.ge [sflag:s22], $0x2000  }
0x111: {  	[sflag:s22] =	ssyncset.done $0x0  }
0x112: {  	[sflag:s22] =	ssyncadd.s32 $0xFFFFE000  }
0x113: {  	[spmem:s30] =	stream.linear.scatter [tilespmem:s18], [sflag:$0x3], $0x2000, $0x38;
	[tilespmem:$0x1B140] =	vst v63  }
0x114: {  	_ =	swait.ge [sflag:s22], $0x2000  }
0x115: {  	[sflag:s22] =	ssyncset.done $0x0  }
0x116: {  	[sflag:s22] =	ssyncadd.s32 $0xFFFFE000  }
0x117: {  	[spmem:s31] =	stream.linear.scatter [tilespmem:s18], [sflag:$0x3], $0x2000, $0x38;
	[tilespmem:$0x1B140] =	vst v63  }
0x118: {  	_ =	swait.ge [sflag:s22], $0x2000  }
0x119: {  	[sflag:s22] =	ssyncset.done $0x0  }
0x11a: {  	s28 =	rddreg [dreg:$0x17];
	[sflag:s22] =	ssyncadd.s32 $0xFFFFE000  }
0x11b: {  	[spmem:s28] =	stream.linear.scatter [tilespmem:s18], [sflag:$0x3], $0x2000, $0x38;
	[tilespmem:$0x1B140] =	vst v63  }
0x11c: {  	_ =	swait.ge [sflag:s22], $0x2000  }
0x11d: {  	[sflag:s22] =	ssyncset.done $0x0  }
0x11e: {  	s6 =	rddreg [dreg:$0x18];
	[sflag:s22] =	ssyncadd.s32 $0xFFFFE000  }
0x11f: {  	[spmem:s6] =	stream.linear.scatter [tilespmem:s18], [sflag:$0x3], $0x2000, $0x38;
	[tilespmem:$0x1B140] =	vst v63  }
0x120: {  	_ =	swait.ge [sflag:s22], $0x2000  }
0x121: {  	[sflag:s22] =	ssyncset.done $0x0  }
0x122: {  	[sflag:s22] =	ssyncadd.s32 $0xFFFFE000  }
0x123: {  	s28 =	simm.s32 $0x0;
	[bflag:$0x0] =	sbarrier.arrive $0xFFFF  }
0x124: {  	[tilespmem:s24], [sflag:$0x1] =	stream.indirect.gather [hbm4b:s7+s23], $0x40, s28, s23, $0xb8;
	[tilespmem:$0x1B140] =	vst v63  }
0x125: {  	_ =	swait.ge [sflag:s25], $0x1400  }
0x126: {  	[sflag:s25] =	ssyncset.done $0x0  }
0x127: {  	s6 =	simm.s32 $0x50;
	[sflag:s25] =	ssyncadd.s32 $0xFFFFEC00  }
0x128: {  	[tilespmem:s26], [sflag:$0x2] =	stream.indirect.gather [hbm4b:s7+s23], $0x40, s6, s23, $0xb8;
	[tilespmem:$0x1B140] =	vst v63  }
0x129: {  	s28 =	simm.s32 $0x4E20  }
0x12a: {  	[spmem:s20] =	stream.indirect.scatter.add.f32 [tilespmem:s24], [sflag:$0x3], $0x40, s28, s23, $0xb8;
	[tilespmem:$0x1B140] =	vst v63  }
0x12b: {  	_ =	swait.ge [sflag:s22], $0x1400  }
0x12c: {  	[sflag:s22] =	ssyncset.done $0x0  }
0x12d: {  	[sflag:s22] =	ssyncadd.s32 $0xFFFFEC00  }
0x12e: {  	_ =	swait.ge [sflag:s1], $0x1400  }
0x12f: {  	[sflag:s1] =	ssyncset.done $0x0  }
0x130: {  	s6 =	simm.s32 $0xA0;
	[sflag:s1] =	ssyncadd.s32 $0xFFFFEC00  }
0x131: {  	[tilespmem:s24], [sflag:$0x1] =	stream.indirect.gather [hbm4b:s7+s23], $0x40, s6, s23, $0xb8;
	[tilespmem:$0x1B140] =	vst v63  }
0x132: {  	s28 =	simm.s32 $0x4E70  }
0x133: {  	[spmem:s20] =	stream.indirect.scatter.add.f32 [tilespmem:s26], [sflag:$0x3], $0x40, s28, s23, $0xb8;
	[tilespmem:$0x1B140] =	vst v63  }
0x134: {  	_ =	swait.ge [sflag:s22], $0x1400  }
0x135: {  	s2 =	simm.s32 $0x280;
	[sflag:s22] =	ssyncset.done $0x0  }
.LBB2_6:
0x136: {  	p1 =	sne.s32 s2, $0x13380  }
0x137: {  	[sflag:s22] =	ssyncadd.s32 $0xFFFFEC00;
	s6 =	smov.u32 s2;
	s2 =	sadd.s32 $0x280, s2  }
0x138: {  	_ = 	snop  }
0x139: {  	_ =	swait.ge [sflag:s25], $0x1400  }
0x13a: {  	s6 =	sshra.s32 s6, $0x2;
	[sflag:s25] =	ssyncset.done $0x0  }
0x13b: {  	s28 =	sadd.s32 $0x50, s6;
	[sflag:s25] =	ssyncadd.s32 $0xFFFFEC00  }
0x13c: {  	[tilespmem:s26], [sflag:$0x2] =	stream.indirect.gather [hbm4b:s7+s23], $0x40, s28, s23, $0xb8;
	[tilespmem:$0x1B140] =	vst v63  }
0x13d: {  	s28 =	sadd.s32 $0x4E20, s6  }
0x13e: {  	[spmem:s20] =	stream.indirect.scatter.add.f32 [tilespmem:s24], [sflag:$0x3], $0x40, s28, s23, $0xb8;
	[tilespmem:$0x1B140] =	vst v63  }
0x13f: {  	_ =	swait.ge [sflag:s22], $0x1400  }
0x140: {  	[sflag:s22] =	ssyncset.done $0x0  }
0x141: {  	[sflag:s22] =	ssyncadd.s32 $0xFFFFEC00  }
0x142: {  	_ =	swait.ge [sflag:s1], $0x1400  }
0x143: {  	[sflag:s1] =	ssyncset.done $0x0  }
0x144: {  	s28 =	sadd.s32 $0xA0, s6;
	[sflag:s1] =	ssyncadd.s32 $0xFFFFEC00  }
0x145: {  	[tilespmem:s24], [sflag:$0x1] =	stream.indirect.gather [hbm4b:s7+s23], $0x40, s28, s23, $0xb8;
	[tilespmem:$0x1B140] =	vst v63  }
.Ltmp2:
0x146: {  	_ = 	snop;
	(pc) =	sbr.rel @p1 .LBB2_6-.Ltmp2, $4  }
0x147: {  	s6 =	sadd.s32 $0x4E70, s6  }
0x148: {  	[spmem:s20] =	stream.indirect.scatter.add.f32 [tilespmem:s26], [sflag:$0x3], $0x40, s6, s23, $0xb8;
	[tilespmem:$0x1B140] =	vst v63  }
0x149: {  	_ =	swait.ge [sflag:s22], $0x1400  }
0x14a: {  	[sflag:s22] =	ssyncset.done $0x0  }
0x14b: {  	[sflag:s22] =	ssyncadd.s32 $0xFFFFEC00  }
0x14c: {  	_ =	swait.ge [sflag:s25], $0x1400  }
0x14d: {  	[sflag:s25] =	ssyncset.done $0x0  }
0x14e: {  	s2 =	simm.s32 $0x4DD0;
	[sflag:s25] =	ssyncadd.s32 $0xFFFFEC00  }
0x14f: {  	[tilespmem:s26], [sflag:$0x2] =	stream.indirect.gather [hbm4b:s7+s23], $0x40, s2, s23, $0xb8;
	[tilespmem:$0x1B140] =	vst v63  }
0x150: {  	s6 =	simm.s32 $0x9BA0  }
0x151: {  	[spmem:s20] =	stream.indirect.scatter.add.f32 [tilespmem:s24], [sflag:$0x3], $0x40, s6, s23, $0xb8;
	[tilespmem:$0x1B140] =	vst v63  }
0x152: {  	_ =	swait.ge [sflag:s22], $0x1400  }
0x153: {  	[sflag:s22] =	ssyncset.done $0x0  }
0x154: {  	[sflag:s22] =	ssyncadd.s32 $0xFFFFEC00  }
0x155: {  	_ =	swait.ge [sflag:s1], $0x1400  }
0x156: {  	[sflag:s1] =	ssyncset.done $0x0  }
0x157: {  	s28 =	simm.s32 $0x9BF0;
	[sflag:s1] =	ssyncadd.s32 $0xFFFFEC00  }
0x158: {  	[spmem:s20] =	stream.indirect.scatter.add.f32 [tilespmem:s26], [sflag:$0x3], $0x40, s28, s23, $0xb8;
	[tilespmem:$0x1B140] =	vst v63  }
0x159: {  	_ =	swait.ge [sflag:s22], $0x1400  }
0x15a: {  	[sflag:s22] =	ssyncset.done $0x0  }
0x15b: {  	[sflag:s22] =	ssyncadd.s32 $0xFFFFEC00  }
0x15c: {  	[bflag:$0x0] =	sbarrier.arrive $0xFFFF  }
0x15d: {  	s6 =	rddreg [dreg:$0x8]  }
0x15e: {  	[hbm:s6], [sflag:s8] =	dma.local [spmem:s4], $0x1400  }
0x15f: {  	_ =	swait.ge [sflag:s22], $0x1400  }
0x160: {  	[sflag:s22] =	ssyncset.done $0x0  }
0x161: {  	[sflag:s22] =	ssyncadd.s32 $0xFFFFEC00  }
0x162: {  	[spmem:s19] =	stream.linear.scatter [tilespmem:s18], [sflag:$0x3], $0x2000, $0x38;
	[tilespmem:$0x1B140] =	vst v63  }
0x163: {  	_ =	swait.ge [sflag:s22], $0x2000  }
0x164: {  	[sflag:s22] =	ssyncset.done $0x0  }
0x165: {  	[sflag:s22] =	ssyncadd.s32 $0xFFFFE000  }
0x166: {  	[spmem:s30] =	stream.linear.scatter [tilespmem:s18], [sflag:$0x3], $0x2000, $0x38;
	[tilespmem:$0x1B140] =	vst v63  }
0x167: {  	_ =	swait.ge [sflag:s22], $0x2000  }
0x168: {  	[sflag:s22] =	ssyncset.done $0x0  }
0x169: {  	[sflag:s22] =	ssyncadd.s32 $0xFFFFE000  }
0x16a: {  	[spmem:s31] =	stream.linear.scatter [tilespmem:s18], [sflag:$0x3], $0x2000, $0x38;
	[tilespmem:$0x1B140] =	vst v63  }
0x16b: {  	_ =	swait.ge [sflag:s22], $0x2000  }
0x16c: {  	[sflag:s22] =	ssyncset.done $0x0  }
0x16d: {  	s28 =	rddreg [dreg:$0x17];
	[sflag:s22] =	ssyncadd.s32 $0xFFFFE000  }
0x16e: {  	[spmem:s28] =	stream.linear.scatter [tilespmem:s18], [sflag:$0x3], $0x2000, $0x38;
	[tilespmem:$0x1B140] =	vst v63  }
0x16f: {  	_ =	swait.ge [sflag:s22], $0x2000  }
0x170: {  	[sflag:s22] =	ssyncset.done $0x0  }
0x171: {  	s6 =	rddreg [dreg:$0x18];
	[sflag:s22] =	ssyncadd.s32 $0xFFFFE000  }
0x172: {  	[spmem:s6] =	stream.linear.scatter [tilespmem:s18], [sflag:$0x3], $0x2000, $0x38;
	[tilespmem:$0x1B140] =	vst v63  }
0x173: {  	_ =	swait.ge [sflag:s22], $0x2000  }
0x174: {  	[sflag:s22] =	ssyncset.done $0x0  }
0x175: {  	[sflag:s22] =	ssyncadd.s32 $0xFFFFE000  }
0x176: {  	s28 =	simm.s32 $0x0;
	[bflag:$0x0] =	sbarrier.arrive $0xFFFF  }
0x177: {  	[tilespmem:s24], [sflag:$0x1] =	stream.indirect.gather [hbm4b:s9+s23], $0x40, s28, s23, $0xb8;
	[tilespmem:$0x1B140] =	vst v63  }
0x178: {  	_ =	swait.ge [sflag:s25], $0x1400  }
0x179: {  	[sflag:s25] =	ssyncset.done $0x0  }
0x17a: {  	s6 =	simm.s32 $0x50;
	[sflag:s25] =	ssyncadd.s32 $0xFFFFEC00  }
0x17b: {  	[tilespmem:s26], [sflag:$0x2] =	stream.indirect.gather [hbm4b:s9+s23], $0x40, s6, s23, $0xb8;
	[tilespmem:$0x1B140] =	vst v63  }
0x17c: {  	s28 =	simm.s32 $0x4E20  }
0x17d: {  	[spmem:s20] =	stream.indirect.scatter.add.f32 [tilespmem:s24], [sflag:$0x3], $0x40, s28, s23, $0xb8;
	[tilespmem:$0x1B140] =	vst v63  }
0x17e: {  	_ =	swait.ge [sflag:s22], $0x1400  }
0x17f: {  	[sflag:s22] =	ssyncset.done $0x0  }
0x180: {  	[sflag:s22] =	ssyncadd.s32 $0xFFFFEC00  }
0x181: {  	_ =	swait.ge [sflag:s1], $0x1400  }
0x182: {  	[sflag:s1] =	ssyncset.done $0x0  }
0x183: {  	s6 =	simm.s32 $0xA0;
	[sflag:s1] =	ssyncadd.s32 $0xFFFFEC00  }
0x184: {  	[tilespmem:s24], [sflag:$0x1] =	stream.indirect.gather [hbm4b:s9+s23], $0x40, s6, s23, $0xb8;
	[tilespmem:$0x1B140] =	vst v63  }
0x185: {  	s28 =	simm.s32 $0x4E70  }
0x186: {  	[spmem:s20] =	stream.indirect.scatter.add.f32 [tilespmem:s26], [sflag:$0x3], $0x40, s28, s23, $0xb8;
	[tilespmem:$0x1B140] =	vst v63  }
0x187: {  	_ =	swait.ge [sflag:s22], $0x1400  }
0x188: {  	s2 =	simm.s32 $0x280;
	[sflag:s22] =	ssyncset.done $0x0  }
.LBB2_8:
0x189: {  	p1 =	sne.s32 s2, $0x13380  }
0x18a: {  	[sflag:s22] =	ssyncadd.s32 $0xFFFFEC00;
	s6 =	smov.u32 s2;
	s2 =	sadd.s32 $0x280, s2  }
0x18b: {  	_ = 	snop  }
0x18c: {  	_ =	swait.ge [sflag:s25], $0x1400  }
0x18d: {  	s6 =	sshra.s32 s6, $0x2;
	[sflag:s25] =	ssyncset.done $0x0  }
0x18e: {  	s28 =	sadd.s32 $0x50, s6;
	[sflag:s25] =	ssyncadd.s32 $0xFFFFEC00  }
0x18f: {  	[tilespmem:s26], [sflag:$0x2] =	stream.indirect.gather [hbm4b:s9+s23], $0x40, s28, s23, $0xb8;
	[tilespmem:$0x1B140] =	vst v63  }
0x190: {  	s28 =	sadd.s32 $0x4E20, s6  }
0x191: {  	[spmem:s20] =	stream.indirect.scatter.add.f32 [tilespmem:s24], [sflag:$0x3], $0x40, s28, s23, $0xb8;
	[tilespmem:$0x1B140] =	vst v63  }
0x192: {  	_ =	swait.ge [sflag:s22], $0x1400  }
0x193: {  	[sflag:s22] =	ssyncset.done $0x0  }
0x194: {  	[sflag:s22] =	ssyncadd.s32 $0xFFFFEC00  }
0x195: {  	_ =	swait.ge [sflag:s1], $0x1400  }
0x196: {  	[sflag:s1] =	ssyncset.done $0x0  }
0x197: {  	s28 =	sadd.s32 $0xA0, s6;
	[sflag:s1] =	ssyncadd.s32 $0xFFFFEC00  }
0x198: {  	[tilespmem:s24], [sflag:$0x1] =	stream.indirect.gather [hbm4b:s9+s23], $0x40, s28, s23, $0xb8;
	[tilespmem:$0x1B140] =	vst v63  }
.Ltmp3:
0x199: {  	_ = 	snop;
	(pc) =	sbr.rel @p1 .LBB2_8-.Ltmp3, $4  }
0x19a: {  	s6 =	sadd.s32 $0x4E70, s6  }
0x19b: {  	[spmem:s20] =	stream.indirect.scatter.add.f32 [tilespmem:s26], [sflag:$0x3], $0x40, s6, s23, $0xb8;
	[tilespmem:$0x1B140] =	vst v63  }
0x19c: {  	_ =	swait.ge [sflag:s22], $0x1400  }
0x19d: {  	[sflag:s22] =	ssyncset.done $0x0  }
0x19e: {  	[sflag:s22] =	ssyncadd.s32 $0xFFFFEC00  }
0x19f: {  	_ =	swait.ge [sflag:s25], $0x1400  }
0x1a0: {  	[sflag:s25] =	ssyncset.done $0x0  }
0x1a1: {  	s2 =	simm.s32 $0x4DD0;
	[sflag:s25] =	ssyncadd.s32 $0xFFFFEC00  }
0x1a2: {  	[tilespmem:s26], [sflag:$0x2] =	stream.indirect.gather [hbm4b:s9+s23], $0x40, s2, s23, $0xb8;
	[tilespmem:$0x1B140] =	vst v63  }
0x1a3: {  	s6 =	simm.s32 $0x9BA0  }
0x1a4: {  	[spmem:s20] =	stream.indirect.scatter.add.f32 [tilespmem:s24], [sflag:$0x3], $0x40, s6, s23, $0xb8;
	[tilespmem:$0x1B140] =	vst v63  }
0x1a5: {  	_ =	swait.ge [sflag:s22], $0x1400  }
0x1a6: {  	[sflag:s22] =	ssyncset.done $0x0  }
0x1a7: {  	[sflag:s22] =	ssyncadd.s32 $0xFFFFEC00  }
0x1a8: {  	_ =	swait.ge [sflag:s1], $0x1400  }
0x1a9: {  	[sflag:s1] =	ssyncset.done $0x0  }
0x1aa: {  	s28 =	simm.s32 $0x9BF0;
	[sflag:s1] =	ssyncadd.s32 $0xFFFFEC00  }
0x1ab: {  	[spmem:s20] =	stream.indirect.scatter.add.f32 [tilespmem:s26], [sflag:$0x3], $0x40, s28, s23, $0xb8;
	[tilespmem:$0x1B140] =	vst v63  }
0x1ac: {  	_ =	swait.ge [sflag:s22], $0x1400  }
0x1ad: {  	[sflag:s22] =	ssyncset.done $0x0  }
0x1ae: {  	[sflag:s22] =	ssyncadd.s32 $0xFFFFEC00  }
0x1af: {  	[bflag:$0x0] =	sbarrier.arrive $0xFFFF  }
0x1b0: {  	s6 =	rddreg [dreg:$0x9]  }
0x1b1: {  	[hbm:s6], [sflag:s8] =	dma.local [spmem:s4], $0x1400  }
0x1b2: {  	_ =	swait.ge [sflag:s22], $0x1400  }
0x1b3: {  	[sflag:s22] =	ssyncset.done $0x0  }
0x1b4: {  	[sflag:s22] =	ssyncadd.s32 $0xFFFFEC00  }
0x1b5: {  	[spmem:s19] =	stream.linear.scatter [tilespmem:s18], [sflag:$0x3], $0x2000, $0x38;
	[tilespmem:$0x1B140] =	vst v63  }
0x1b6: {  	_ =	swait.ge [sflag:s22], $0x2000  }
0x1b7: {  	[sflag:s22] =	ssyncset.done $0x0  }
0x1b8: {  	[sflag:s22] =	ssyncadd.s32 $0xFFFFE000  }
0x1b9: {  	[spmem:s30] =	stream.linear.scatter [tilespmem:s18], [sflag:$0x3], $0x2000, $0x38;
	[tilespmem:$0x1B140] =	vst v63  }
0x1ba: {  	_ =	swait.ge [sflag:s22], $0x2000  }
0x1bb: {  	[sflag:s22] =	ssyncset.done $0x0  }
0x1bc: {  	[sflag:s22] =	ssyncadd.s32 $0xFFFFE000  }
0x1bd: {  	[spmem:s31] =	stream.linear.scatter [tilespmem:s18], [sflag:$0x3], $0x2000, $0x38;
	[tilespmem:$0x1B140] =	vst v63  }
0x1be: {  	_ =	swait.ge [sflag:s22], $0x2000  }
0x1bf: {  	[sflag:s22] =	ssyncset.done $0x0  }
0x1c0: {  	s28 =	rddreg [dreg:$0x17];
	[sflag:s22] =	ssyncadd.s32 $0xFFFFE000  }
0x1c1: {  	[spmem:s28] =	stream.linear.scatter [tilespmem:s18], [sflag:$0x3], $0x2000, $0x38;
	[tilespmem:$0x1B140] =	vst v63  }
0x1c2: {  	_ =	swait.ge [sflag:s22], $0x2000  }
0x1c3: {  	[sflag:s22] =	ssyncset.done $0x0  }
0x1c4: {  	s6 =	rddreg [dreg:$0x18];
	[sflag:s22] =	ssyncadd.s32 $0xFFFFE000  }
0x1c5: {  	[spmem:s6] =	stream.linear.scatter [tilespmem:s18], [sflag:$0x3], $0x2000, $0x38;
	[tilespmem:$0x1B140] =	vst v63  }
0x1c6: {  	_ =	swait.ge [sflag:s22], $0x2000  }
0x1c7: {  	[sflag:s22] =	ssyncset.done $0x0  }
0x1c8: {  	[sflag:s22] =	ssyncadd.s32 $0xFFFFE000  }
0x1c9: {  	s28 =	simm.s32 $0x0;
	[bflag:$0x0] =	sbarrier.arrive $0xFFFF  }
0x1ca: {  	[tilespmem:s24], [sflag:$0x1] =	stream.indirect.gather [hbm4b:s11+s23], $0x40, s28, s23, $0xb8;
	[tilespmem:$0x1B140] =	vst v63  }
0x1cb: {  	_ =	swait.ge [sflag:s25], $0x1400  }
0x1cc: {  	[sflag:s25] =	ssyncset.done $0x0  }
0x1cd: {  	s6 =	simm.s32 $0x50;
	[sflag:s25] =	ssyncadd.s32 $0xFFFFEC00  }
0x1ce: {  	[tilespmem:s26], [sflag:$0x2] =	stream.indirect.gather [hbm4b:s11+s23], $0x40, s6, s23, $0xb8;
	[tilespmem:$0x1B140] =	vst v63  }
0x1cf: {  	s28 =	simm.s32 $0x4E20  }
0x1d0: {  	[spmem:s20] =	stream.indirect.scatter.add.f32 [tilespmem:s24], [sflag:$0x3], $0x40, s28, s23, $0xb8;
	[tilespmem:$0x1B140] =	vst v63  }
0x1d1: {  	_ =	swait.ge [sflag:s22], $0x1400  }
0x1d2: {  	[sflag:s22] =	ssyncset.done $0x0  }
0x1d3: {  	[sflag:s22] =	ssyncadd.s32 $0xFFFFEC00  }
0x1d4: {  	_ =	swait.ge [sflag:s1], $0x1400  }
0x1d5: {  	[sflag:s1] =	ssyncset.done $0x0  }
0x1d6: {  	s6 =	simm.s32 $0xA0;
	[sflag:s1] =	ssyncadd.s32 $0xFFFFEC00  }
0x1d7: {  	[tilespmem:s24], [sflag:$0x1] =	stream.indirect.gather [hbm4b:s11+s23], $0x40, s6, s23, $0xb8;
	[tilespmem:$0x1B140] =	vst v63  }
0x1d8: {  	s28 =	simm.s32 $0x4E70  }
0x1d9: {  	[spmem:s20] =	stream.indirect.scatter.add.f32 [tilespmem:s26], [sflag:$0x3], $0x40, s28, s23, $0xb8;
	[tilespmem:$0x1B140] =	vst v63  }
0x1da: {  	_ =	swait.ge [sflag:s22], $0x1400  }
0x1db: {  	s2 =	simm.s32 $0x280;
	[sflag:s22] =	ssyncset.done $0x0  }
.LBB2_10:
0x1dc: {  	p1 =	sne.s32 s2, $0x13380  }
0x1dd: {  	[sflag:s22] =	ssyncadd.s32 $0xFFFFEC00;
	s6 =	smov.u32 s2;
	s2 =	sadd.s32 $0x280, s2  }
0x1de: {  	_ = 	snop  }
0x1df: {  	_ =	swait.ge [sflag:s25], $0x1400  }
0x1e0: {  	s6 =	sshra.s32 s6, $0x2;
	[sflag:s25] =	ssyncset.done $0x0  }
0x1e1: {  	s28 =	sadd.s32 $0x50, s6;
	[sflag:s25] =	ssyncadd.s32 $0xFFFFEC00  }
0x1e2: {  	[tilespmem:s26], [sflag:$0x2] =	stream.indirect.gather [hbm4b:s11+s23], $0x40, s28, s23, $0xb8;
	[tilespmem:$0x1B140] =	vst v63  }
0x1e3: {  	s28 =	sadd.s32 $0x4E20, s6  }
0x1e4: {  	[spmem:s20] =	stream.indirect.scatter.add.f32 [tilespmem:s24], [sflag:$0x3], $0x40, s28, s23, $0xb8;
	[tilespmem:$0x1B140] =	vst v63  }
0x1e5: {  	_ =	swait.ge [sflag:s22], $0x1400  }
0x1e6: {  	[sflag:s22] =	ssyncset.done $0x0  }
0x1e7: {  	[sflag:s22] =	ssyncadd.s32 $0xFFFFEC00  }
0x1e8: {  	_ =	swait.ge [sflag:s1], $0x1400  }
0x1e9: {  	[sflag:s1] =	ssyncset.done $0x0  }
0x1ea: {  	s28 =	sadd.s32 $0xA0, s6;
	[sflag:s1] =	ssyncadd.s32 $0xFFFFEC00  }
0x1eb: {  	[tilespmem:s24], [sflag:$0x1] =	stream.indirect.gather [hbm4b:s11+s23], $0x40, s28, s23, $0xb8;
	[tilespmem:$0x1B140] =	vst v63  }
.Ltmp4:
0x1ec: {  	_ = 	snop;
	(pc) =	sbr.rel @p1 .LBB2_10-.Ltmp4, $4  }
0x1ed: {  	s6 =	sadd.s32 $0x4E70, s6  }
0x1ee: {  	[spmem:s20] =	stream.indirect.scatter.add.f32 [tilespmem:s26], [sflag:$0x3], $0x40, s6, s23, $0xb8;
	[tilespmem:$0x1B140] =	vst v63  }
0x1ef: {  	_ =	swait.ge [sflag:s22], $0x1400  }
0x1f0: {  	[sflag:s22] =	ssyncset.done $0x0  }
0x1f1: {  	[sflag:s22] =	ssyncadd.s32 $0xFFFFEC00  }
0x1f2: {  	_ =	swait.ge [sflag:s25], $0x1400  }
0x1f3: {  	[sflag:s25] =	ssyncset.done $0x0  }
0x1f4: {  	s2 =	simm.s32 $0x4DD0;
	[sflag:s25] =	ssyncadd.s32 $0xFFFFEC00  }
0x1f5: {  	[tilespmem:s26], [sflag:$0x2] =	stream.indirect.gather [hbm4b:s11+s23], $0x40, s2, s23, $0xb8;
	[tilespmem:$0x1B140] =	vst v63  }
0x1f6: {  	s6 =	simm.s32 $0x9BA0  }
0x1f7: {  	[spmem:s20] =	stream.indirect.scatter.add.f32 [tilespmem:s24], [sflag:$0x3], $0x40, s6, s23, $0xb8;
	[tilespmem:$0x1B140] =	vst v63  }
0x1f8: {  	_ =	swait.ge [sflag:s22], $0x1400  }
0x1f9: {  	[sflag:s22] =	ssyncset.done $0x0  }
0x1fa: {  	[sflag:s22] =	ssyncadd.s32 $0xFFFFEC00  }
0x1fb: {  	_ =	swait.ge [sflag:s1], $0x1400  }
0x1fc: {  	[sflag:s1] =	ssyncset.done $0x0  }
0x1fd: {  	s28 =	simm.s32 $0x9BF0;
	[sflag:s1] =	ssyncadd.s32 $0xFFFFEC00  }
0x1fe: {  	[spmem:s20] =	stream.indirect.scatter.add.f32 [tilespmem:s26], [sflag:$0x3], $0x40, s28, s23, $0xb8;
	[tilespmem:$0x1B140] =	vst v63  }
0x1ff: {  	_ =	swait.ge [sflag:s22], $0x1400  }
0x200: {  	[sflag:s22] =	ssyncset.done $0x0  }
0x201: {  	[sflag:s22] =	ssyncadd.s32 $0xFFFFEC00  }
0x202: {  	[bflag:$0x0] =	sbarrier.arrive $0xFFFF  }
0x203: {  	s6 =	rddreg [dreg:$0xa]  }
0x204: {  	[hbm:s6], [sflag:s8] =	dma.local [spmem:s4], $0x1400  }
0x205: {  	_ =	swait.ge [sflag:s22], $0x1400  }
0x206: {  	[sflag:s22] =	ssyncset.done $0x0  }
0x207: {  	[sflag:s22] =	ssyncadd.s32 $0xFFFFEC00  }
0x208: {  	[spmem:s19] =	stream.linear.scatter [tilespmem:s18], [sflag:$0x3], $0x2000, $0x38;
	[tilespmem:$0x1B140] =	vst v63  }
0x209: {  	_ =	swait.ge [sflag:s22], $0x2000  }
0x20a: {  	[sflag:s22] =	ssyncset.done $0x0  }
0x20b: {  	[sflag:s22] =	ssyncadd.s32 $0xFFFFE000  }
0x20c: {  	[spmem:s30] =	stream.linear.scatter [tilespmem:s18], [sflag:$0x3], $0x2000, $0x38;
	[tilespmem:$0x1B140] =	vst v63  }
0x20d: {  	_ =	swait.ge [sflag:s22], $0x2000  }
0x20e: {  	[sflag:s22] =	ssyncset.done $0x0  }
0x20f: {  	[sflag:s22] =	ssyncadd.s32 $0xFFFFE000  }
0x210: {  	[spmem:s31] =	stream.linear.scatter [tilespmem:s18], [sflag:$0x3], $0x2000, $0x38;
	[tilespmem:$0x1B140] =	vst v63  }
0x211: {  	_ =	swait.ge [sflag:s22], $0x2000  }
0x212: {  	[sflag:s22] =	ssyncset.done $0x0  }
0x213: {  	s28 =	rddreg [dreg:$0x17];
	[sflag:s22] =	ssyncadd.s32 $0xFFFFE000  }
0x214: {  	[spmem:s28] =	stream.linear.scatter [tilespmem:s18], [sflag:$0x3], $0x2000, $0x38;
	[tilespmem:$0x1B140] =	vst v63  }
0x215: {  	_ =	swait.ge [sflag:s22], $0x2000  }
0x216: {  	[sflag:s22] =	ssyncset.done $0x0  }
0x217: {  	s6 =	rddreg [dreg:$0x18];
	[sflag:s22] =	ssyncadd.s32 $0xFFFFE000  }
0x218: {  	[spmem:s6] =	stream.linear.scatter [tilespmem:s18], [sflag:$0x3], $0x2000, $0x38;
	[tilespmem:$0x1B140] =	vst v63  }
0x219: {  	_ =	swait.ge [sflag:s22], $0x2000  }
0x21a: {  	[sflag:s22] =	ssyncset.done $0x0  }
0x21b: {  	[sflag:s22] =	ssyncadd.s32 $0xFFFFE000  }
0x21c: {  	s28 =	simm.s32 $0x0;
	[bflag:$0x0] =	sbarrier.arrive $0xFFFF  }
0x21d: {  	[tilespmem:s24], [sflag:$0x1] =	stream.indirect.gather [hbm4b:s10+s23], $0x40, s28, s23, $0xb8;
	[tilespmem:$0x1B140] =	vst v63  }
0x21e: {  	_ =	swait.ge [sflag:s25], $0x1400  }
0x21f: {  	[sflag:s25] =	ssyncset.done $0x0  }
0x220: {  	s6 =	simm.s32 $0x50;
	[sflag:s25] =	ssyncadd.s32 $0xFFFFEC00  }
0x221: {  	[tilespmem:s26], [sflag:$0x2] =	stream.indirect.gather [hbm4b:s10+s23], $0x40, s6, s23, $0xb8;
	[tilespmem:$0x1B140] =	vst v63  }
0x222: {  	s28 =	simm.s32 $0x4E20  }
0x223: {  	[spmem:s20] =	stream.indirect.scatter.add.f32 [tilespmem:s24], [sflag:$0x3], $0x40, s28, s23, $0xb8;
	[tilespmem:$0x1B140] =	vst v63  }
0x224: {  	_ =	swait.ge [sflag:s22], $0x1400  }
0x225: {  	[sflag:s22] =	ssyncset.done $0x0  }
0x226: {  	[sflag:s22] =	ssyncadd.s32 $0xFFFFEC00  }
0x227: {  	_ =	swait.ge [sflag:s1], $0x1400  }
0x228: {  	[sflag:s1] =	ssyncset.done $0x0  }
0x229: {  	s6 =	simm.s32 $0xA0;
	[sflag:s1] =	ssyncadd.s32 $0xFFFFEC00  }
0x22a: {  	[tilespmem:s24], [sflag:$0x1] =	stream.indirect.gather [hbm4b:s10+s23], $0x40, s6, s23, $0xb8;
	[tilespmem:$0x1B140] =	vst v63  }
0x22b: {  	s28 =	simm.s32 $0x4E70  }
0x22c: {  	[spmem:s20] =	stream.indirect.scatter.add.f32 [tilespmem:s26], [sflag:$0x3], $0x40, s28, s23, $0xb8;
	[tilespmem:$0x1B140] =	vst v63  }
0x22d: {  	_ =	swait.ge [sflag:s22], $0x1400  }
0x22e: {  	s2 =	simm.s32 $0x280;
	[sflag:s22] =	ssyncset.done $0x0  }
.LBB2_12:
0x22f: {  	p1 =	sne.s32 s2, $0x13380  }
0x230: {  	[sflag:s22] =	ssyncadd.s32 $0xFFFFEC00;
	s6 =	smov.u32 s2;
	s2 =	sadd.s32 $0x280, s2  }
0x231: {  	_ = 	snop  }
0x232: {  	_ =	swait.ge [sflag:s25], $0x1400  }
0x233: {  	s6 =	sshra.s32 s6, $0x2;
	[sflag:s25] =	ssyncset.done $0x0  }
0x234: {  	s28 =	sadd.s32 $0x50, s6;
	[sflag:s25] =	ssyncadd.s32 $0xFFFFEC00  }
0x235: {  	[tilespmem:s26], [sflag:$0x2] =	stream.indirect.gather [hbm4b:s10+s23], $0x40, s28, s23, $0xb8;
	[tilespmem:$0x1B140] =	vst v63  }
0x236: {  	s28 =	sadd.s32 $0x4E20, s6  }
0x237: {  	[spmem:s20] =	stream.indirect.scatter.add.f32 [tilespmem:s24], [sflag:$0x3], $0x40, s28, s23, $0xb8;
	[tilespmem:$0x1B140] =	vst v63  }
0x238: {  	_ =	swait.ge [sflag:s22], $0x1400  }
0x239: {  	[sflag:s22] =	ssyncset.done $0x0  }
0x23a: {  	[sflag:s22] =	ssyncadd.s32 $0xFFFFEC00  }
0x23b: {  	_ =	swait.ge [sflag:s1], $0x1400  }
0x23c: {  	[sflag:s1] =	ssyncset.done $0x0  }
0x23d: {  	s28 =	sadd.s32 $0xA0, s6;
	[sflag:s1] =	ssyncadd.s32 $0xFFFFEC00  }
0x23e: {  	[tilespmem:s24], [sflag:$0x1] =	stream.indirect.gather [hbm4b:s10+s23], $0x40, s28, s23, $0xb8;
	[tilespmem:$0x1B140] =	vst v63  }
.Ltmp5:
0x23f: {  	_ = 	snop;
	(pc) =	sbr.rel @p1 .LBB2_12-.Ltmp5, $4  }
0x240: {  	s6 =	sadd.s32 $0x4E70, s6  }
0x241: {  	[spmem:s20] =	stream.indirect.scatter.add.f32 [tilespmem:s26], [sflag:$0x3], $0x40, s6, s23, $0xb8;
	[tilespmem:$0x1B140] =	vst v63  }
0x242: {  	_ =	swait.ge [sflag:s22], $0x1400  }
0x243: {  	[sflag:s22] =	ssyncset.done $0x0  }
0x244: {  	[sflag:s22] =	ssyncadd.s32 $0xFFFFEC00  }
0x245: {  	_ =	swait.ge [sflag:s25], $0x1400  }
0x246: {  	[sflag:s25] =	ssyncset.done $0x0  }
0x247: {  	s2 =	simm.s32 $0x4DD0;
	[sflag:s25] =	ssyncadd.s32 $0xFFFFEC00  }
0x248: {  	[tilespmem:s26], [sflag:$0x2] =	stream.indirect.gather [hbm4b:s10+s23], $0x40, s2, s23, $0xb8;
	[tilespmem:$0x1B140] =	vst v63  }
0x249: {  	s6 =	simm.s32 $0x9BA0  }
0x24a: {  	[spmem:s20] =	stream.indirect.scatter.add.f32 [tilespmem:s24], [sflag:$0x3], $0x40, s6, s23, $0xb8;
	[tilespmem:$0x1B140] =	vst v63  }
0x24b: {  	_ =	swait.ge [sflag:s22], $0x1400  }
0x24c: {  	[sflag:s22] =	ssyncset.done $0x0  }
0x24d: {  	[sflag:s22] =	ssyncadd.s32 $0xFFFFEC00  }
0x24e: {  	_ =	swait.ge [sflag:s1], $0x1400  }
0x24f: {  	[sflag:s1] =	ssyncset.done $0x0  }
0x250: {  	s28 =	simm.s32 $0x9BF0;
	[sflag:s1] =	ssyncadd.s32 $0xFFFFEC00  }
0x251: {  	[spmem:s20] =	stream.indirect.scatter.add.f32 [tilespmem:s26], [sflag:$0x3], $0x40, s28, s23, $0xb8;
	[tilespmem:$0x1B140] =	vst v63  }
0x252: {  	_ =	swait.ge [sflag:s22], $0x1400  }
0x253: {  	[sflag:s22] =	ssyncset.done $0x0  }
0x254: {  	[sflag:s22] =	ssyncadd.s32 $0xFFFFEC00  }
0x255: {  	[bflag:$0x0] =	sbarrier.arrive $0xFFFF  }
0x256: {  	s6 =	rddreg [dreg:$0xb]  }
0x257: {  	[hbm:s6], [sflag:s8] =	dma.local [spmem:s4], $0x1400  }
0x258: {  	_ =	swait.ge [sflag:s22], $0x1400  }
0x259: {  	[sflag:s22] =	ssyncset.done $0x0  }
0x25a: {  	[sflag:s22] =	ssyncadd.s32 $0xFFFFEC00  }
0x25b: {  	[spmem:s19] =	stream.linear.scatter [tilespmem:s18], [sflag:$0x3], $0x2000, $0x38;
	[tilespmem:$0x1B140] =	vst v63  }
0x25c: {  	_ =	swait.ge [sflag:s22], $0x2000  }
0x25d: {  	[sflag:s22] =	ssyncset.done $0x0  }
0x25e: {  	[sflag:s22] =	ssyncadd.s32 $0xFFFFE000  }
0x25f: {  	[spmem:s30] =	stream.linear.scatter [tilespmem:s18], [sflag:$0x3], $0x2000, $0x38;
	[tilespmem:$0x1B140] =	vst v63  }
0x260: {  	_ =	swait.ge [sflag:s22], $0x2000  }
0x261: {  	[sflag:s22] =	ssyncset.done $0x0  }
0x262: {  	[sflag:s22] =	ssyncadd.s32 $0xFFFFE000  }
0x263: {  	[spmem:s31] =	stream.linear.scatter [tilespmem:s18], [sflag:$0x3], $0x2000, $0x38;
	[tilespmem:$0x1B140] =	vst v63  }
0x264: {  	_ =	swait.ge [sflag:s22], $0x2000  }
0x265: {  	[sflag:s22] =	ssyncset.done $0x0  }
0x266: {  	s28 =	rddreg [dreg:$0x17];
	[sflag:s22] =	ssyncadd.s32 $0xFFFFE000  }
0x267: {  	[spmem:s28] =	stream.linear.scatter [tilespmem:s18], [sflag:$0x3], $0x2000, $0x38;
	[tilespmem:$0x1B140] =	vst v63  }
0x268: {  	_ =	swait.ge [sflag:s22], $0x2000  }
0x269: {  	[sflag:s22] =	ssyncset.done $0x0  }
0x26a: {  	s6 =	rddreg [dreg:$0x18];
	[sflag:s22] =	ssyncadd.s32 $0xFFFFE000  }
0x26b: {  	[spmem:s6] =	stream.linear.scatter [tilespmem:s18], [sflag:$0x3], $0x2000, $0x38;
	[tilespmem:$0x1B140] =	vst v63  }
0x26c: {  	_ =	swait.ge [sflag:s22], $0x2000  }
0x26d: {  	[sflag:s22] =	ssyncset.done $0x0  }
0x26e: {  	[sflag:s22] =	ssyncadd.s32 $0xFFFFE000  }
0x26f: {  	s28 =	simm.s32 $0x0;
	[bflag:$0x0] =	sbarrier.arrive $0xFFFF  }
0x270: {  	[tilespmem:s24], [sflag:$0x1] =	stream.indirect.gather [hbm4b:s12+s23], $0x40, s28, s23, $0xb8;
	[tilespmem:$0x1B140] =	vst v63  }
0x271: {  	_ =	swait.ge [sflag:s25], $0x1400  }
0x272: {  	[sflag:s25] =	ssyncset.done $0x0  }
0x273: {  	s6 =	simm.s32 $0x50;
	[sflag:s25] =	ssyncadd.s32 $0xFFFFEC00  }
0x274: {  	[tilespmem:s26], [sflag:$0x2] =	stream.indirect.gather [hbm4b:s12+s23], $0x40, s6, s23, $0xb8;
	[tilespmem:$0x1B140] =	vst v63  }
0x275: {  	s28 =	simm.s32 $0x4E20  }
0x276: {  	[spmem:s20] =	stream.indirect.scatter.add.f32 [tilespmem:s24], [sflag:$0x3], $0x40, s28, s23, $0xb8;
	[tilespmem:$0x1B140] =	vst v63  }
0x277: {  	_ =	swait.ge [sflag:s22], $0x1400  }
0x278: {  	[sflag:s22] =	ssyncset.done $0x0  }
0x279: {  	[sflag:s22] =	ssyncadd.s32 $0xFFFFEC00  }
0x27a: {  	_ =	swait.ge [sflag:s1], $0x1400  }
0x27b: {  	[sflag:s1] =	ssyncset.done $0x0  }
0x27c: {  	s6 =	simm.s32 $0xA0;
	[sflag:s1] =	ssyncadd.s32 $0xFFFFEC00  }
0x27d: {  	[tilespmem:s24], [sflag:$0x1] =	stream.indirect.gather [hbm4b:s12+s23], $0x40, s6, s23, $0xb8;
	[tilespmem:$0x1B140] =	vst v63  }
0x27e: {  	s28 =	simm.s32 $0x4E70  }
0x27f: {  	[spmem:s20] =	stream.indirect.scatter.add.f32 [tilespmem:s26], [sflag:$0x3], $0x40, s28, s23, $0xb8;
	[tilespmem:$0x1B140] =	vst v63  }
0x280: {  	_ =	swait.ge [sflag:s22], $0x1400  }
0x281: {  	s2 =	simm.s32 $0x280;
	[sflag:s22] =	ssyncset.done $0x0  }
.LBB2_14:
0x282: {  	p1 =	sne.s32 s2, $0x13380  }
0x283: {  	[sflag:s22] =	ssyncadd.s32 $0xFFFFEC00;
	s6 =	smov.u32 s2;
	s2 =	sadd.s32 $0x280, s2  }
0x284: {  	_ = 	snop  }
0x285: {  	_ =	swait.ge [sflag:s25], $0x1400  }
0x286: {  	s6 =	sshra.s32 s6, $0x2;
	[sflag:s25] =	ssyncset.done $0x0  }
0x287: {  	s28 =	sadd.s32 $0x50, s6;
	[sflag:s25] =	ssyncadd.s32 $0xFFFFEC00  }
0x288: {  	[tilespmem:s26], [sflag:$0x2] =	stream.indirect.gather [hbm4b:s12+s23], $0x40, s28, s23, $0xb8;
	[tilespmem:$0x1B140] =	vst v63  }
0x289: {  	s28 =	sadd.s32 $0x4E20, s6  }
0x28a: {  	[spmem:s20] =	stream.indirect.scatter.add.f32 [tilespmem:s24], [sflag:$0x3], $0x40, s28, s23, $0xb8;
	[tilespmem:$0x1B140] =	vst v63  }
0x28b: {  	_ =	swait.ge [sflag:s22], $0x1400  }
0x28c: {  	[sflag:s22] =	ssyncset.done $0x0  }
0x28d: {  	[sflag:s22] =	ssyncadd.s32 $0xFFFFEC00  }
0x28e: {  	_ =	swait.ge [sflag:s1], $0x1400  }
0x28f: {  	[sflag:s1] =	ssyncset.done $0x0  }
0x290: {  	s28 =	sadd.s32 $0xA0, s6;
	[sflag:s1] =	ssyncadd.s32 $0xFFFFEC00  }
0x291: {  	[tilespmem:s24], [sflag:$0x1] =	stream.indirect.gather [hbm4b:s12+s23], $0x40, s28, s23, $0xb8;
	[tilespmem:$0x1B140] =	vst v63  }
.Ltmp6:
0x292: {  	_ = 	snop;
	(pc) =	sbr.rel @p1 .LBB2_14-.Ltmp6, $4  }
0x293: {  	s6 =	sadd.s32 $0x4E70, s6  }
0x294: {  	[spmem:s20] =	stream.indirect.scatter.add.f32 [tilespmem:s26], [sflag:$0x3], $0x40, s6, s23, $0xb8;
	[tilespmem:$0x1B140] =	vst v63  }
0x295: {  	_ =	swait.ge [sflag:s22], $0x1400  }
0x296: {  	[sflag:s22] =	ssyncset.done $0x0  }
0x297: {  	[sflag:s22] =	ssyncadd.s32 $0xFFFFEC00  }
0x298: {  	_ =	swait.ge [sflag:s25], $0x1400  }
0x299: {  	[sflag:s25] =	ssyncset.done $0x0  }
0x29a: {  	s2 =	simm.s32 $0x4DD0;
	[sflag:s25] =	ssyncadd.s32 $0xFFFFEC00  }
0x29b: {  	[tilespmem:s26], [sflag:$0x2] =	stream.indirect.gather [hbm4b:s12+s23], $0x40, s2, s23, $0xb8;
	[tilespmem:$0x1B140] =	vst v63  }
0x29c: {  	s6 =	simm.s32 $0x9BA0  }
0x29d: {  	[spmem:s20] =	stream.indirect.scatter.add.f32 [tilespmem:s24], [sflag:$0x3], $0x40, s6, s23, $0xb8;
	[tilespmem:$0x1B140] =	vst v63  }
0x29e: {  	_ =	swait.ge [sflag:s22], $0x1400  }
0x29f: {  	[sflag:s22] =	ssyncset.done $0x0  }
0x2a0: {  	[sflag:s22] =	ssyncadd.s32 $0xFFFFEC00  }
0x2a1: {  	_ =	swait.ge [sflag:s1], $0x1400  }
0x2a2: {  	[sflag:s1] =	ssyncset.done $0x0  }
0x2a3: {  	s28 =	simm.s32 $0x9BF0;
	[sflag:s1] =	ssyncadd.s32 $0xFFFFEC00  }
0x2a4: {  	[spmem:s20] =	stream.indirect.scatter.add.f32 [tilespmem:s26], [sflag:$0x3], $0x40, s28, s23, $0xb8;
	[tilespmem:$0x1B140] =	vst v63  }
0x2a5: {  	_ =	swait.ge [sflag:s22], $0x1400  }
0x2a6: {  	[sflag:s22] =	ssyncset.done $0x0  }
0x2a7: {  	[sflag:s22] =	ssyncadd.s32 $0xFFFFEC00  }
0x2a8: {  	[bflag:$0x0] =	sbarrier.arrive $0xFFFF  }
0x2a9: {  	s6 =	rddreg [dreg:$0xc]  }
0x2aa: {  	[hbm:s6], [sflag:s8] =	dma.local [spmem:s4], $0x1400  }
0x2ab: {  	_ =	swait.ge [sflag:s22], $0x1400  }
0x2ac: {  	[sflag:s22] =	ssyncset.done $0x0  }
0x2ad: {  	[sflag:s22] =	ssyncadd.s32 $0xFFFFEC00  }
0x2ae: {  	[spmem:s19] =	stream.linear.scatter [tilespmem:s18], [sflag:$0x3], $0x2000, $0x38;
	[tilespmem:$0x1B140] =	vst v63  }
0x2af: {  	_ =	swait.ge [sflag:s22], $0x2000  }
0x2b0: {  	[sflag:s22] =	ssyncset.done $0x0  }
0x2b1: {  	[sflag:s22] =	ssyncadd.s32 $0xFFFFE000  }
0x2b2: {  	[spmem:s30] =	stream.linear.scatter [tilespmem:s18], [sflag:$0x3], $0x2000, $0x38;
	[tilespmem:$0x1B140] =	vst v63  }
0x2b3: {  	_ =	swait.ge [sflag:s22], $0x2000  }
0x2b4: {  	[sflag:s22] =	ssyncset.done $0x0  }
0x2b5: {  	[sflag:s22] =	ssyncadd.s32 $0xFFFFE000  }
0x2b6: {  	[spmem:s31] =	stream.linear.scatter [tilespmem:s18], [sflag:$0x3], $0x2000, $0x38;
	[tilespmem:$0x1B140] =	vst v63  }
0x2b7: {  	_ =	swait.ge [sflag:s22], $0x2000  }
0x2b8: {  	[sflag:s22] =	ssyncset.done $0x0  }
0x2b9: {  	s28 =	rddreg [dreg:$0x17];
	[sflag:s22] =	ssyncadd.s32 $0xFFFFE000  }
0x2ba: {  	[spmem:s28] =	stream.linear.scatter [tilespmem:s18], [sflag:$0x3], $0x2000, $0x38;
	[tilespmem:$0x1B140] =	vst v63  }
0x2bb: {  	_ =	swait.ge [sflag:s22], $0x2000  }
0x2bc: {  	[sflag:s22] =	ssyncset.done $0x0  }
0x2bd: {  	s6 =	rddreg [dreg:$0x18];
	[sflag:s22] =	ssyncadd.s32 $0xFFFFE000  }
0x2be: {  	[spmem:s6] =	stream.linear.scatter [tilespmem:s18], [sflag:$0x3], $0x2000, $0x38;
	[tilespmem:$0x1B140] =	vst v63  }
0x2bf: {  	_ =	swait.ge [sflag:s22], $0x2000  }
0x2c0: {  	[sflag:s22] =	ssyncset.done $0x0  }
0x2c1: {  	[sflag:s22] =	ssyncadd.s32 $0xFFFFE000  }
0x2c2: {  	s28 =	simm.s32 $0x0;
	[bflag:$0x0] =	sbarrier.arrive $0xFFFF  }
0x2c3: {  	[tilespmem:s24], [sflag:$0x1] =	stream.indirect.gather [hbm4b:s13+s23], $0x40, s28, s23, $0xb8;
	[tilespmem:$0x1B140] =	vst v63  }
0x2c4: {  	_ =	swait.ge [sflag:s25], $0x1400  }
0x2c5: {  	[sflag:s25] =	ssyncset.done $0x0  }
0x2c6: {  	s6 =	simm.s32 $0x50;
	[sflag:s25] =	ssyncadd.s32 $0xFFFFEC00  }
0x2c7: {  	[tilespmem:s26], [sflag:$0x2] =	stream.indirect.gather [hbm4b:s13+s23], $0x40, s6, s23, $0xb8;
	[tilespmem:$0x1B140] =	vst v63  }
0x2c8: {  	s28 =	simm.s32 $0x4E20  }
0x2c9: {  	[spmem:s20] =	stream.indirect.scatter.add.f32 [tilespmem:s24], [sflag:$0x3], $0x40, s28, s23, $0xb8;
	[tilespmem:$0x1B140] =	vst v63  }
0x2ca: {  	_ =	swait.ge [sflag:s22], $0x1400  }
0x2cb: {  	[sflag:s22] =	ssyncset.done $0x0  }
0x2cc: {  	[sflag:s22] =	ssyncadd.s32 $0xFFFFEC00  }
0x2cd: {  	_ =	swait.ge [sflag:s1], $0x1400  }
0x2ce: {  	[sflag:s1] =	ssyncset.done $0x0  }
0x2cf: {  	s6 =	simm.s32 $0xA0;
	[sflag:s1] =	ssyncadd.s32 $0xFFFFEC00  }
0x2d0: {  	[tilespmem:s24], [sflag:$0x1] =	stream.indirect.gather [hbm4b:s13+s23], $0x40, s6, s23, $0xb8;
	[tilespmem:$0x1B140] =	vst v63  }
0x2d1: {  	s28 =	simm.s32 $0x4E70  }
0x2d2: {  	[spmem:s20] =	stream.indirect.scatter.add.f32 [tilespmem:s26], [sflag:$0x3], $0x40, s28, s23, $0xb8;
	[tilespmem:$0x1B140] =	vst v63  }
0x2d3: {  	_ =	swait.ge [sflag:s22], $0x1400  }
0x2d4: {  	s2 =	simm.s32 $0x280;
	[sflag:s22] =	ssyncset.done $0x0  }
.LBB2_16:
0x2d5: {  	p1 =	sne.s32 s2, $0x13380  }
0x2d6: {  	[sflag:s22] =	ssyncadd.s32 $0xFFFFEC00;
	s6 =	smov.u32 s2;
	s2 =	sadd.s32 $0x280, s2  }
0x2d7: {  	_ = 	snop  }
0x2d8: {  	_ =	swait.ge [sflag:s25], $0x1400  }
0x2d9: {  	s6 =	sshra.s32 s6, $0x2;
	[sflag:s25] =	ssyncset.done $0x0  }
0x2da: {  	s28 =	sadd.s32 $0x50, s6;
	[sflag:s25] =	ssyncadd.s32 $0xFFFFEC00  }
0x2db: {  	[tilespmem:s26], [sflag:$0x2] =	stream.indirect.gather [hbm4b:s13+s23], $0x40, s28, s23, $0xb8;
	[tilespmem:$0x1B140] =	vst v63  }
0x2dc: {  	s28 =	sadd.s32 $0x4E20, s6  }
0x2dd: {  	[spmem:s20] =	stream.indirect.scatter.add.f32 [tilespmem:s24], [sflag:$0x3], $0x40, s28, s23, $0xb8;
	[tilespmem:$0x1B140] =	vst v63  }
0x2de: {  	_ =	swait.ge [sflag:s22], $0x1400  }
0x2df: {  	[sflag:s22] =	ssyncset.done $0x0  }
0x2e0: {  	[sflag:s22] =	ssyncadd.s32 $0xFFFFEC00  }
0x2e1: {  	_ =	swait.ge [sflag:s1], $0x1400  }
0x2e2: {  	[sflag:s1] =	ssyncset.done $0x0  }
0x2e3: {  	s28 =	sadd.s32 $0xA0, s6;
	[sflag:s1] =	ssyncadd.s32 $0xFFFFEC00  }
0x2e4: {  	[tilespmem:s24], [sflag:$0x1] =	stream.indirect.gather [hbm4b:s13+s23], $0x40, s28, s23, $0xb8;
	[tilespmem:$0x1B140] =	vst v63  }
.Ltmp7:
0x2e5: {  	_ = 	snop;
	(pc) =	sbr.rel @p1 .LBB2_16-.Ltmp7, $4  }
0x2e6: {  	s6 =	sadd.s32 $0x4E70, s6  }
0x2e7: {  	[spmem:s20] =	stream.indirect.scatter.add.f32 [tilespmem:s26], [sflag:$0x3], $0x40, s6, s23, $0xb8;
	[tilespmem:$0x1B140] =	vst v63  }
0x2e8: {  	_ =	swait.ge [sflag:s22], $0x1400  }
0x2e9: {  	[sflag:s22] =	ssyncset.done $0x0  }
0x2ea: {  	[sflag:s22] =	ssyncadd.s32 $0xFFFFEC00  }
0x2eb: {  	_ =	swait.ge [sflag:s25], $0x1400  }
0x2ec: {  	[sflag:s25] =	ssyncset.done $0x0  }
0x2ed: {  	s2 =	simm.s32 $0x4DD0;
	[sflag:s25] =	ssyncadd.s32 $0xFFFFEC00  }
0x2ee: {  	[tilespmem:s26], [sflag:$0x2] =	stream.indirect.gather [hbm4b:s13+s23], $0x40, s2, s23, $0xb8;
	[tilespmem:$0x1B140] =	vst v63  }
0x2ef: {  	s6 =	simm.s32 $0x9BA0  }
0x2f0: {  	[spmem:s20] =	stream.indirect.scatter.add.f32 [tilespmem:s24], [sflag:$0x3], $0x40, s6, s23, $0xb8;
	[tilespmem:$0x1B140] =	vst v63  }
0x2f1: {  	_ =	swait.ge [sflag:s22], $0x1400  }
0x2f2: {  	[sflag:s22] =	ssyncset.done $0x0  }
0x2f3: {  	[sflag:s22] =	ssyncadd.s32 $0xFFFFEC00  }
0x2f4: {  	_ =	swait.ge [sflag:s1], $0x1400  }
0x2f5: {  	[sflag:s1] =	ssyncset.done $0x0  }
0x2f6: {  	s28 =	simm.s32 $0x9BF0;
	[sflag:s1] =	ssyncadd.s32 $0xFFFFEC00  }
0x2f7: {  	[spmem:s20] =	stream.indirect.scatter.add.f32 [tilespmem:s26], [sflag:$0x3], $0x40, s28, s23, $0xb8;
	[tilespmem:$0x1B140] =	vst v63  }
0x2f8: {  	_ =	swait.ge [sflag:s22], $0x1400  }
0x2f9: {  	[sflag:s22] =	ssyncset.done $0x0  }
0x2fa: {  	[sflag:s22] =	ssyncadd.s32 $0xFFFFEC00  }
0x2fb: {  	[bflag:$0x0] =	sbarrier.arrive $0xFFFF  }
0x2fc: {  	s6 =	rddreg [dreg:$0xd]  }
0x2fd: {  	[hbm:s6], [sflag:s8] =	dma.local [spmem:s4], $0x1400  }
0x2fe: {  	_ =	swait.ge [sflag:s22], $0x1400  }
0x2ff: {  	[sflag:s22] =	ssyncset.done $0x0  }
0x300: {  	[sflag:s22] =	ssyncadd.s32 $0xFFFFEC00  }
0x301: {  	[spmem:s19] =	stream.linear.scatter [tilespmem:s18], [sflag:$0x3], $0x2000, $0x38;
	[tilespmem:$0x1B140] =	vst v63  }
0x302: {  	_ =	swait.ge [sflag:s22], $0x2000  }
0x303: {  	[sflag:s22] =	ssyncset.done $0x0  }
0x304: {  	[sflag:s22] =	ssyncadd.s32 $0xFFFFE000  }
0x305: {  	[spmem:s30] =	stream.linear.scatter [tilespmem:s18], [sflag:$0x3], $0x2000, $0x38;
	[tilespmem:$0x1B140] =	vst v63  }
0x306: {  	_ =	swait.ge [sflag:s22], $0x2000  }
0x307: {  	[sflag:s22] =	ssyncset.done $0x0  }
0x308: {  	[sflag:s22] =	ssyncadd.s32 $0xFFFFE000  }
0x309: {  	[spmem:s31] =	stream.linear.scatter [tilespmem:s18], [sflag:$0x3], $0x2000, $0x38;
	[tilespmem:$0x1B140] =	vst v63  }
0x30a: {  	_ =	swait.ge [sflag:s22], $0x2000  }
0x30b: {  	[sflag:s22] =	ssyncset.done $0x0  }
0x30c: {  	s28 =	rddreg [dreg:$0x17];
	[sflag:s22] =	ssyncadd.s32 $0xFFFFE000  }
0x30d: {  	[spmem:s28] =	stream.linear.scatter [tilespmem:s18], [sflag:$0x3], $0x2000, $0x38;
	[tilespmem:$0x1B140] =	vst v63  }
0x30e: {  	_ =	swait.ge [sflag:s22], $0x2000  }
0x30f: {  	[sflag:s22] =	ssyncset.done $0x0  }
0x310: {  	s6 =	rddreg [dreg:$0x18];
	[sflag:s22] =	ssyncadd.s32 $0xFFFFE000  }
0x311: {  	[spmem:s6] =	stream.linear.scatter [tilespmem:s18], [sflag:$0x3], $0x2000, $0x38;
	[tilespmem:$0x1B140] =	vst v63  }
0x312: {  	_ =	swait.ge [sflag:s22], $0x2000  }
0x313: {  	[sflag:s22] =	ssyncset.done $0x0  }
0x314: {  	[sflag:s22] =	ssyncadd.s32 $0xFFFFE000  }
0x315: {  	s28 =	simm.s32 $0x0;
	[bflag:$0x0] =	sbarrier.arrive $0xFFFF  }
0x316: {  	[tilespmem:s24], [sflag:$0x1] =	stream.indirect.gather [hbm4b:s14+s23], $0x40, s28, s23, $0xb8;
	[tilespmem:$0x1B140] =	vst v63  }
0x317: {  	_ =	swait.ge [sflag:s25], $0x1400  }
0x318: {  	[sflag:s25] =	ssyncset.done $0x0  }
0x319: {  	s6 =	simm.s32 $0x50;
	[sflag:s25] =	ssyncadd.s32 $0xFFFFEC00  }
0x31a: {  	[tilespmem:s26], [sflag:$0x2] =	stream.indirect.gather [hbm4b:s14+s23], $0x40, s6, s23, $0xb8;
	[tilespmem:$0x1B140] =	vst v63  }
0x31b: {  	s28 =	simm.s32 $0x4E20  }
0x31c: {  	[spmem:s20] =	stream.indirect.scatter.add.f32 [tilespmem:s24], [sflag:$0x3], $0x40, s28, s23, $0xb8;
	[tilespmem:$0x1B140] =	vst v63  }
0x31d: {  	_ =	swait.ge [sflag:s22], $0x1400  }
0x31e: {  	[sflag:s22] =	ssyncset.done $0x0  }
0x31f: {  	[sflag:s22] =	ssyncadd.s32 $0xFFFFEC00  }
0x320: {  	_ =	swait.ge [sflag:s1], $0x1400  }
0x321: {  	[sflag:s1] =	ssyncset.done $0x0  }
0x322: {  	s6 =	simm.s32 $0xA0;
	[sflag:s1] =	ssyncadd.s32 $0xFFFFEC00  }
0x323: {  	[tilespmem:s24], [sflag:$0x1] =	stream.indirect.gather [hbm4b:s14+s23], $0x40, s6, s23, $0xb8;
	[tilespmem:$0x1B140] =	vst v63  }
0x324: {  	s28 =	simm.s32 $0x4E70  }
0x325: {  	[spmem:s20] =	stream.indirect.scatter.add.f32 [tilespmem:s26], [sflag:$0x3], $0x40, s28, s23, $0xb8;
	[tilespmem:$0x1B140] =	vst v63  }
0x326: {  	_ =	swait.ge [sflag:s22], $0x1400  }
0x327: {  	s2 =	simm.s32 $0x280;
	[sflag:s22] =	ssyncset.done $0x0  }
.LBB2_18:
0x328: {  	p1 =	sne.s32 s2, $0x13380  }
0x329: {  	[sflag:s22] =	ssyncadd.s32 $0xFFFFEC00;
	s6 =	smov.u32 s2;
	s2 =	sadd.s32 $0x280, s2  }
0x32a: {  	_ = 	snop  }
0x32b: {  	_ =	swait.ge [sflag:s25], $0x1400  }
0x32c: {  	s6 =	sshra.s32 s6, $0x2;
	[sflag:s25] =	ssyncset.done $0x0  }
0x32d: {  	s28 =	sadd.s32 $0x50, s6;
	[sflag:s25] =	ssyncadd.s32 $0xFFFFEC00  }
0x32e: {  	[tilespmem:s26], [sflag:$0x2] =	stream.indirect.gather [hbm4b:s14+s23], $0x40, s28, s23, $0xb8;
	[tilespmem:$0x1B140] =	vst v63  }
0x32f: {  	s28 =	sadd.s32 $0x4E20, s6  }
0x330: {  	[spmem:s20] =	stream.indirect.scatter.add.f32 [tilespmem:s24], [sflag:$0x3], $0x40, s28, s23, $0xb8;
	[tilespmem:$0x1B140] =	vst v63  }
0x331: {  	_ =	swait.ge [sflag:s22], $0x1400  }
0x332: {  	[sflag:s22] =	ssyncset.done $0x0  }
0x333: {  	[sflag:s22] =	ssyncadd.s32 $0xFFFFEC00  }
0x334: {  	_ =	swait.ge [sflag:s1], $0x1400  }
0x335: {  	[sflag:s1] =	ssyncset.done $0x0  }
0x336: {  	s28 =	sadd.s32 $0xA0, s6;
	[sflag:s1] =	ssyncadd.s32 $0xFFFFEC00  }
0x337: {  	[tilespmem:s24], [sflag:$0x1] =	stream.indirect.gather [hbm4b:s14+s23], $0x40, s28, s23, $0xb8;
	[tilespmem:$0x1B140] =	vst v63  }
.Ltmp8:
0x338: {  	_ = 	snop;
	(pc) =	sbr.rel @p1 .LBB2_18-.Ltmp8, $4  }
0x339: {  	s6 =	sadd.s32 $0x4E70, s6  }
0x33a: {  	[spmem:s20] =	stream.indirect.scatter.add.f32 [tilespmem:s26], [sflag:$0x3], $0x40, s6, s23, $0xb8;
	[tilespmem:$0x1B140] =	vst v63  }
0x33b: {  	_ =	swait.ge [sflag:s22], $0x1400  }
0x33c: {  	[sflag:s22] =	ssyncset.done $0x0  }
0x33d: {  	[sflag:s22] =	ssyncadd.s32 $0xFFFFEC00  }
0x33e: {  	_ =	swait.ge [sflag:s25], $0x1400  }
0x33f: {  	[sflag:s25] =	ssyncset.done $0x0  }
0x340: {  	s2 =	simm.s32 $0x4DD0;
	[sflag:s25] =	ssyncadd.s32 $0xFFFFEC00  }
0x341: {  	[tilespmem:s26], [sflag:$0x2] =	stream.indirect.gather [hbm4b:s14+s23], $0x40, s2, s23, $0xb8;
	[tilespmem:$0x1B140] =	vst v63  }
0x342: {  	s6 =	simm.s32 $0x9BA0  }
0x343: {  	[spmem:s20] =	stream.indirect.scatter.add.f32 [tilespmem:s24], [sflag:$0x3], $0x40, s6, s23, $0xb8;
	[tilespmem:$0x1B140] =	vst v63  }
0x344: {  	_ =	swait.ge [sflag:s22], $0x1400  }
0x345: {  	[sflag:s22] =	ssyncset.done $0x0  }
0x346: {  	[sflag:s22] =	ssyncadd.s32 $0xFFFFEC00  }
0x347: {  	_ =	swait.ge [sflag:s1], $0x1400  }
0x348: {  	[sflag:s1] =	ssyncset.done $0x0  }
0x349: {  	s28 =	simm.s32 $0x9BF0;
	[sflag:s1] =	ssyncadd.s32 $0xFFFFEC00  }
0x34a: {  	[spmem:s20] =	stream.indirect.scatter.add.f32 [tilespmem:s26], [sflag:$0x3], $0x40, s28, s23, $0xb8;
	[tilespmem:$0x1B140] =	vst v63  }
0x34b: {  	_ =	swait.ge [sflag:s22], $0x1400  }
0x34c: {  	[sflag:s22] =	ssyncset.done $0x0  }
0x34d: {  	[sflag:s22] =	ssyncadd.s32 $0xFFFFEC00  }
0x34e: {  	[bflag:$0x0] =	sbarrier.arrive $0xFFFF  }
0x34f: {  	s6 =	rddreg [dreg:$0xe]  }
0x350: {  	[hbm:s6], [sflag:s8] =	dma.local [spmem:s4], $0x1400  }
0x351: {  	_ =	swait.ge [sflag:s22], $0x1400  }
0x352: {  	[sflag:s22] =	ssyncset.done $0x0  }
0x353: {  	[sflag:s22] =	ssyncadd.s32 $0xFFFFEC00  }
0x354: {  	[spmem:s19] =	stream.linear.scatter [tilespmem:s18], [sflag:$0x3], $0x2000, $0x38;
	[tilespmem:$0x1B140] =	vst v63  }
0x355: {  	_ =	swait.ge [sflag:s22], $0x2000  }
0x356: {  	[sflag:s22] =	ssyncset.done $0x0  }
0x357: {  	[sflag:s22] =	ssyncadd.s32 $0xFFFFE000  }
0x358: {  	[spmem:s30] =	stream.linear.scatter [tilespmem:s18], [sflag:$0x3], $0x2000, $0x38;
	[tilespmem:$0x1B140] =	vst v63  }
0x359: {  	_ =	swait.ge [sflag:s22], $0x2000  }
0x35a: {  	[sflag:s22] =	ssyncset.done $0x0  }
0x35b: {  	[sflag:s22] =	ssyncadd.s32 $0xFFFFE000  }
0x35c: {  	[spmem:s31] =	stream.linear.scatter [tilespmem:s18], [sflag:$0x3], $0x2000, $0x38;
	[tilespmem:$0x1B140] =	vst v63  }
0x35d: {  	_ =	swait.ge [sflag:s22], $0x2000  }
0x35e: {  	[sflag:s22] =	ssyncset.done $0x0  }
0x35f: {  	s28 =	rddreg [dreg:$0x17];
	[sflag:s22] =	ssyncadd.s32 $0xFFFFE000  }
0x360: {  	[spmem:s28] =	stream.linear.scatter [tilespmem:s18], [sflag:$0x3], $0x2000, $0x38;
	[tilespmem:$0x1B140] =	vst v63  }
0x361: {  	_ =	swait.ge [sflag:s22], $0x2000  }
0x362: {  	[sflag:s22] =	ssyncset.done $0x0  }
0x363: {  	s6 =	rddreg [dreg:$0x18];
	[sflag:s22] =	ssyncadd.s32 $0xFFFFE000  }
0x364: {  	[spmem:s6] =	stream.linear.scatter [tilespmem:s18], [sflag:$0x3], $0x2000, $0x38;
	[tilespmem:$0x1B140] =	vst v63  }
0x365: {  	_ =	swait.ge [sflag:s22], $0x2000  }
0x366: {  	[sflag:s22] =	ssyncset.done $0x0  }
0x367: {  	[sflag:s22] =	ssyncadd.s32 $0xFFFFE000  }
0x368: {  	s28 =	simm.s32 $0x0;
	[bflag:$0x0] =	sbarrier.arrive $0xFFFF  }
0x369: {  	[tilespmem:s24], [sflag:$0x1] =	stream.indirect.gather [hbm4b:s15+s23], $0x40, s28, s23, $0xb8;
	[tilespmem:$0x1B140] =	vst v63  }
0x36a: {  	_ =	swait.ge [sflag:s25], $0x1400  }
0x36b: {  	[sflag:s25] =	ssyncset.done $0x0  }
0x36c: {  	s6 =	simm.s32 $0x50;
	[sflag:s25] =	ssyncadd.s32 $0xFFFFEC00  }
0x36d: {  	[tilespmem:s26], [sflag:$0x2] =	stream.indirect.gather [hbm4b:s15+s23], $0x40, s6, s23, $0xb8;
	[tilespmem:$0x1B140] =	vst v63  }
0x36e: {  	s28 =	simm.s32 $0x4E20  }
0x36f: {  	[spmem:s20] =	stream.indirect.scatter.add.f32 [tilespmem:s24], [sflag:$0x3], $0x40, s28, s23, $0xb8;
	[tilespmem:$0x1B140] =	vst v63  }
0x370: {  	_ =	swait.ge [sflag:s22], $0x1400  }
0x371: {  	[sflag:s22] =	ssyncset.done $0x0  }
0x372: {  	[sflag:s22] =	ssyncadd.s32 $0xFFFFEC00  }
0x373: {  	_ =	swait.ge [sflag:s1], $0x1400  }
0x374: {  	[sflag:s1] =	ssyncset.done $0x0  }
0x375: {  	s6 =	simm.s32 $0xA0;
	[sflag:s1] =	ssyncadd.s32 $0xFFFFEC00  }
0x376: {  	[tilespmem:s24], [sflag:$0x1] =	stream.indirect.gather [hbm4b:s15+s23], $0x40, s6, s23, $0xb8;
	[tilespmem:$0x1B140] =	vst v63  }
0x377: {  	s28 =	simm.s32 $0x4E70  }
0x378: {  	[spmem:s20] =	stream.indirect.scatter.add.f32 [tilespmem:s26], [sflag:$0x3], $0x40, s28, s23, $0xb8;
	[tilespmem:$0x1B140] =	vst v63  }
0x379: {  	_ =	swait.ge [sflag:s22], $0x1400  }
0x37a: {  	s2 =	simm.s32 $0x280;
	[sflag:s22] =	ssyncset.done $0x0  }
.LBB2_20:
0x37b: {  	p1 =	sne.s32 s2, $0x13380  }
0x37c: {  	[sflag:s22] =	ssyncadd.s32 $0xFFFFEC00;
	s6 =	smov.u32 s2;
	s2 =	sadd.s32 $0x280, s2  }
0x37d: {  	_ = 	snop  }
0x37e: {  	_ =	swait.ge [sflag:s25], $0x1400  }
0x37f: {  	s6 =	sshra.s32 s6, $0x2;
	[sflag:s25] =	ssyncset.done $0x0  }
0x380: {  	s28 =	sadd.s32 $0x50, s6;
	[sflag:s25] =	ssyncadd.s32 $0xFFFFEC00  }
0x381: {  	[tilespmem:s26], [sflag:$0x2] =	stream.indirect.gather [hbm4b:s15+s23], $0x40, s28, s23, $0xb8;
	[tilespmem:$0x1B140] =	vst v63  }
0x382: {  	s28 =	sadd.s32 $0x4E20, s6  }
0x383: {  	[spmem:s20] =	stream.indirect.scatter.add.f32 [tilespmem:s24], [sflag:$0x3], $0x40, s28, s23, $0xb8;
	[tilespmem:$0x1B140] =	vst v63  }
0x384: {  	_ =	swait.ge [sflag:s22], $0x1400  }
0x385: {  	[sflag:s22] =	ssyncset.done $0x0  }
0x386: {  	[sflag:s22] =	ssyncadd.s32 $0xFFFFEC00  }
0x387: {  	_ =	swait.ge [sflag:s1], $0x1400  }
0x388: {  	[sflag:s1] =	ssyncset.done $0x0  }
0x389: {  	s28 =	sadd.s32 $0xA0, s6;
	[sflag:s1] =	ssyncadd.s32 $0xFFFFEC00  }
0x38a: {  	[tilespmem:s24], [sflag:$0x1] =	stream.indirect.gather [hbm4b:s15+s23], $0x40, s28, s23, $0xb8;
	[tilespmem:$0x1B140] =	vst v63  }
.Ltmp9:
0x38b: {  	_ = 	snop;
	(pc) =	sbr.rel @p1 .LBB2_20-.Ltmp9, $4  }
0x38c: {  	s6 =	sadd.s32 $0x4E70, s6  }
0x38d: {  	[spmem:s20] =	stream.indirect.scatter.add.f32 [tilespmem:s26], [sflag:$0x3], $0x40, s6, s23, $0xb8;
	[tilespmem:$0x1B140] =	vst v63  }
0x38e: {  	_ =	swait.ge [sflag:s22], $0x1400  }
0x38f: {  	[sflag:s22] =	ssyncset.done $0x0  }
0x390: {  	[sflag:s22] =	ssyncadd.s32 $0xFFFFEC00  }
0x391: {  	_ =	swait.ge [sflag:s25], $0x1400  }
0x392: {  	[sflag:s25] =	ssyncset.done $0x0  }
0x393: {  	s2 =	simm.s32 $0x4DD0;
	[sflag:s25] =	ssyncadd.s32 $0xFFFFEC00  }
0x394: {  	[tilespmem:s26], [sflag:$0x2] =	stream.indirect.gather [hbm4b:s15+s23], $0x40, s2, s23, $0xb8;
	[tilespmem:$0x1B140] =	vst v63  }
0x395: {  	s6 =	simm.s32 $0x9BA0  }
0x396: {  	[spmem:s20] =	stream.indirect.scatter.add.f32 [tilespmem:s24], [sflag:$0x3], $0x40, s6, s23, $0xb8;
	[tilespmem:$0x1B140] =	vst v63  }
0x397: {  	_ =	swait.ge [sflag:s22], $0x1400  }
0x398: {  	[sflag:s22] =	ssyncset.done $0x0  }
0x399: {  	[sflag:s22] =	ssyncadd.s32 $0xFFFFEC00  }
0x39a: {  	_ =	swait.ge [sflag:s1], $0x1400  }
0x39b: {  	[sflag:s1] =	ssyncset.done $0x0  }
0x39c: {  	s28 =	simm.s32 $0x9BF0;
	[sflag:s1] =	ssyncadd.s32 $0xFFFFEC00  }
0x39d: {  	[spmem:s20] =	stream.indirect.scatter.add.f32 [tilespmem:s26], [sflag:$0x3], $0x40, s28, s23, $0xb8;
	[tilespmem:$0x1B140] =	vst v63  }
0x39e: {  	_ =	swait.ge [sflag:s22], $0x1400  }
0x39f: {  	[sflag:s22] =	ssyncset.done $0x0  }
0x3a0: {  	[sflag:s22] =	ssyncadd.s32 $0xFFFFEC00  }
0x3a1: {  	[bflag:$0x0] =	sbarrier.arrive $0xFFFF  }
0x3a2: {  	s6 =	rddreg [dreg:$0xf]  }
0x3a3: {  	[hbm:s6], [sflag:s8] =	dma.local [spmem:s4], $0x1400  }
0x3a4: {  	_ =	swait.ge [sflag:s22], $0x1400  }
0x3a5: {  	[sflag:s22] =	ssyncset.done $0x0  }
0x3a6: {  	[sflag:s22] =	ssyncadd.s32 $0xFFFFEC00  }
0x3a7: {  	[spmem:s19] =	stream.linear.scatter [tilespmem:s18], [sflag:$0x3], $0x2000, $0x38;
	[tilespmem:$0x1B140] =	vst v63  }
0x3a8: {  	_ =	swait.ge [sflag:s22], $0x2000  }
0x3a9: {  	[sflag:s22] =	ssyncset.done $0x0  }
0x3aa: {  	[sflag:s22] =	ssyncadd.s32 $0xFFFFE000  }
0x3ab: {  	[spmem:s30] =	stream.linear.scatter [tilespmem:s18], [sflag:$0x3], $0x2000, $0x38;
	[tilespmem:$0x1B140] =	vst v63  }
0x3ac: {  	_ =	swait.ge [sflag:s22], $0x2000  }
0x3ad: {  	[sflag:s22] =	ssyncset.done $0x0  }
0x3ae: {  	[sflag:s22] =	ssyncadd.s32 $0xFFFFE000  }
0x3af: {  	[spmem:s31] =	stream.linear.scatter [tilespmem:s18], [sflag:$0x3], $0x2000, $0x38;
	[tilespmem:$0x1B140] =	vst v63  }
0x3b0: {  	_ =	swait.ge [sflag:s22], $0x2000  }
0x3b1: {  	[sflag:s22] =	ssyncset.done $0x0  }
0x3b2: {  	s28 =	rddreg [dreg:$0x17];
	[sflag:s22] =	ssyncadd.s32 $0xFFFFE000  }
0x3b3: {  	[spmem:s28] =	stream.linear.scatter [tilespmem:s18], [sflag:$0x3], $0x2000, $0x38;
	[tilespmem:$0x1B140] =	vst v63  }
0x3b4: {  	_ =	swait.ge [sflag:s22], $0x2000  }
0x3b5: {  	[sflag:s22] =	ssyncset.done $0x0  }
0x3b6: {  	s6 =	rddreg [dreg:$0x18];
	[sflag:s22] =	ssyncadd.s32 $0xFFFFE000  }
0x3b7: {  	[spmem:s6] =	stream.linear.scatter [tilespmem:s18], [sflag:$0x3], $0x2000, $0x38;
	[tilespmem:$0x1B140] =	vst v63  }
0x3b8: {  	_ =	swait.ge [sflag:s22], $0x2000  }
0x3b9: {  	[sflag:s22] =	ssyncset.done $0x0  }
0x3ba: {  	[sflag:s22] =	ssyncadd.s32 $0xFFFFE000  }
0x3bb: {  	s28 =	simm.s32 $0x0;
	[bflag:$0x0] =	sbarrier.arrive $0xFFFF  }
0x3bc: {  	[tilespmem:s24], [sflag:$0x1] =	stream.indirect.gather [hbm4b:s16+s23], $0x40, s28, s23, $0xb8;
	[tilespmem:$0x1B140] =	vst v63  }
0x3bd: {  	_ =	swait.ge [sflag:s25], $0x1400  }
0x3be: {  	[sflag:s25] =	ssyncset.done $0x0  }
0x3bf: {  	s6 =	simm.s32 $0x50;
	[sflag:s25] =	ssyncadd.s32 $0xFFFFEC00  }
0x3c0: {  	[tilespmem:s26], [sflag:$0x2] =	stream.indirect.gather [hbm4b:s16+s23], $0x40, s6, s23, $0xb8;
	[tilespmem:$0x1B140] =	vst v63  }
0x3c1: {  	s28 =	simm.s32 $0x4E20  }
0x3c2: {  	[spmem:s20] =	stream.indirect.scatter.add.f32 [tilespmem:s24], [sflag:$0x3], $0x40, s28, s23, $0xb8;
	[tilespmem:$0x1B140] =	vst v63  }
0x3c3: {  	_ =	swait.ge [sflag:s22], $0x1400  }
0x3c4: {  	[sflag:s22] =	ssyncset.done $0x0  }
0x3c5: {  	[sflag:s22] =	ssyncadd.s32 $0xFFFFEC00  }
0x3c6: {  	_ =	swait.ge [sflag:s1], $0x1400  }
0x3c7: {  	[sflag:s1] =	ssyncset.done $0x0  }
0x3c8: {  	s6 =	simm.s32 $0xA0;
	[sflag:s1] =	ssyncadd.s32 $0xFFFFEC00  }
0x3c9: {  	[tilespmem:s24], [sflag:$0x1] =	stream.indirect.gather [hbm4b:s16+s23], $0x40, s6, s23, $0xb8;
	[tilespmem:$0x1B140] =	vst v63  }
0x3ca: {  	s28 =	simm.s32 $0x4E70  }
0x3cb: {  	[spmem:s20] =	stream.indirect.scatter.add.f32 [tilespmem:s26], [sflag:$0x3], $0x40, s28, s23, $0xb8;
	[tilespmem:$0x1B140] =	vst v63  }
0x3cc: {  	_ =	swait.ge [sflag:s22], $0x1400  }
0x3cd: {  	s2 =	simm.s32 $0x280;
	[sflag:s22] =	ssyncset.done $0x0  }
.LBB2_22:
0x3ce: {  	p1 =	sne.s32 s2, $0x13380  }
0x3cf: {  	[sflag:s22] =	ssyncadd.s32 $0xFFFFEC00;
	s6 =	smov.u32 s2;
	s2 =	sadd.s32 $0x280, s2  }
0x3d0: {  	_ = 	snop  }
0x3d1: {  	_ =	swait.ge [sflag:s25], $0x1400  }
0x3d2: {  	s6 =	sshra.s32 s6, $0x2;
	[sflag:s25] =	ssyncset.done $0x0  }
0x3d3: {  	s28 =	sadd.s32 $0x50, s6;
	[sflag:s25] =	ssyncadd.s32 $0xFFFFEC00  }
0x3d4: {  	[tilespmem:s26], [sflag:$0x2] =	stream.indirect.gather [hbm4b:s16+s23], $0x40, s28, s23, $0xb8;
	[tilespmem:$0x1B140] =	vst v63  }
0x3d5: {  	s28 =	sadd.s32 $0x4E20, s6  }
0x3d6: {  	[spmem:s20] =	stream.indirect.scatter.add.f32 [tilespmem:s24], [sflag:$0x3], $0x40, s28, s23, $0xb8;
	[tilespmem:$0x1B140] =	vst v63  }
0x3d7: {  	_ =	swait.ge [sflag:s22], $0x1400  }
0x3d8: {  	[sflag:s22] =	ssyncset.done $0x0  }
0x3d9: {  	[sflag:s22] =	ssyncadd.s32 $0xFFFFEC00  }
0x3da: {  	_ =	swait.ge [sflag:s1], $0x1400  }
0x3db: {  	[sflag:s1] =	ssyncset.done $0x0  }
0x3dc: {  	s28 =	sadd.s32 $0xA0, s6;
	[sflag:s1] =	ssyncadd.s32 $0xFFFFEC00  }
0x3dd: {  	[tilespmem:s24], [sflag:$0x1] =	stream.indirect.gather [hbm4b:s16+s23], $0x40, s28, s23, $0xb8;
	[tilespmem:$0x1B140] =	vst v63  }
.Ltmp10:
0x3de: {  	_ = 	snop;
	(pc) =	sbr.rel @p1 .LBB2_22-.Ltmp10, $4  }
0x3df: {  	s6 =	sadd.s32 $0x4E70, s6  }
0x3e0: {  	[spmem:s20] =	stream.indirect.scatter.add.f32 [tilespmem:s26], [sflag:$0x3], $0x40, s6, s23, $0xb8;
	[tilespmem:$0x1B140] =	vst v63  }
0x3e1: {  	_ =	swait.ge [sflag:s22], $0x1400  }
0x3e2: {  	[sflag:s22] =	ssyncset.done $0x0  }
0x3e3: {  	[sflag:s22] =	ssyncadd.s32 $0xFFFFEC00  }
0x3e4: {  	_ =	swait.ge [sflag:s25], $0x1400  }
0x3e5: {  	[sflag:s25] =	ssyncset.done $0x0  }
0x3e6: {  	s2 =	simm.s32 $0x4DD0;
	[sflag:s25] =	ssyncadd.s32 $0xFFFFEC00  }
0x3e7: {  	[tilespmem:s26], [sflag:$0x2] =	stream.indirect.gather [hbm4b:s16+s23], $0x40, s2, s23, $0xb8;
	[tilespmem:$0x1B140] =	vst v63  }
0x3e8: {  	s28 =	simm.s32 $0x9BA0  }
0x3e9: {  	[spmem:s20] =	stream.indirect.scatter.add.f32 [tilespmem:s24], [sflag:$0x3], $0x40, s28, s23, $0xb8;
	[tilespmem:$0x1B140] =	vst v63  }
0x3ea: {  	_ =	swait.ge [sflag:s22], $0x1400  }
0x3eb: {  	[sflag:s22] =	ssyncset.done $0x0  }
0x3ec: {  	[sflag:s22] =	ssyncadd.s32 $0xFFFFEC00  }
0x3ed: {  	_ =	swait.ge [sflag:s1], $0x1400  }
0x3ee: {  	[sflag:s1] =	ssyncset.done $0x0  }
0x3ef: {  	s6 =	simm.s32 $0x9BF0;
	[sflag:s1] =	ssyncadd.s32 $0xFFFFEC00  }
0x3f0: {  	[spmem:s20] =	stream.indirect.scatter.add.f32 [tilespmem:s26], [sflag:$0x3], $0x40, s6, s23, $0xb8;
	[tilespmem:$0x1B140] =	vst v63  }
0x3f1: {  	_ =	swait.ge [sflag:s22], $0x1400  }
0x3f2: {  	[sflag:s22] =	ssyncset.done $0x0  }
0x3f3: {  	[sflag:s22] =	ssyncadd.s32 $0xFFFFEC00  }
0x3f4: {  	[bflag:$0x0] =	sbarrier.arrive $0xFFFF  }
0x3f5: {  	s28 =	rddreg [dreg:$0x10]  }
0x3f6: {  	[hbm:s28], [sflag:s8] =	dma.local [spmem:s4], $0x1400  }
0x3f7: {  	_ =	swait.ge [sflag:s22], $0x1400  }
0x3f8: {  	[sflag:s22] =	ssyncset.done $0x0  }
0x3f9: {  	[sflag:s22] =	ssyncadd.s32 $0xFFFFEC00  }
0x3fa: {  	[spmem:s19] =	stream.linear.scatter [tilespmem:s18], [sflag:$0x3], $0x2000, $0x38;
	[tilespmem:$0x1B140] =	vst v63  }
0x3fb: {  	_ =	swait.ge [sflag:s22], $0x2000  }
0x3fc: {  	[sflag:s22] =	ssyncset.done $0x0  }
0x3fd: {  	[sflag:s22] =	ssyncadd.s32 $0xFFFFE000  }
0x3fe: {  	[spmem:s30] =	stream.linear.scatter [tilespmem:s18], [sflag:$0x3], $0x2000, $0x38;
	[tilespmem:$0x1B140] =	vst v63  }
0x3ff: {  	_ =	swait.ge [sflag:s22], $0x2000  }
0x400: {  	[sflag:s22] =	ssyncset.done $0x0  }
0x401: {  	[sflag:s22] =	ssyncadd.s32 $0xFFFFE000  }
0x402: {  	[spmem:s31] =	stream.linear.scatter [tilespmem:s18], [sflag:$0x3], $0x2000, $0x38;
	[tilespmem:$0x1B140] =	vst v63  }
0x403: {  	_ =	swait.ge [sflag:s22], $0x2000  }
0x404: {  	[sflag:s22] =	ssyncset.done $0x0  }
0x405: {  	s31 =	rddreg [dreg:$0x17];
	[sflag:s22] =	ssyncadd.s32 $0xFFFFE000  }
0x406: {  	[spmem:s31] =	stream.linear.scatter [tilespmem:s18], [sflag:$0x3], $0x2000, $0x38;
	[tilespmem:$0x1B140] =	vst v63  }
0x407: {  	_ =	swait.ge [sflag:s22], $0x2000  }
0x408: {  	[sflag:s22] =	ssyncset.done $0x0  }
0x409: {  	s6 =	rddreg [dreg:$0x18];
	[sflag:s22] =	ssyncadd.s32 $0xFFFFE000  }
0x40a: {  	[spmem:s6] =	stream.linear.scatter [tilespmem:s18], [sflag:$0x3], $0x2000, $0x38;
	[tilespmem:$0x1B140] =	vst v63  }
0x40b: {  	_ =	swait.ge [sflag:s22], $0x2000  }
0x40c: {  	[sflag:s22] =	ssyncset.done $0x0  }
0x40d: {  	[sflag:s22] =	ssyncadd.s32 $0xFFFFE000  }
0x40e: {  	s28 =	simm.s32 $0x0;
	[bflag:$0x0] =	sbarrier.arrive $0xFFFF  }
0x40f: {  	[tilespmem:s24], [sflag:$0x1] =	stream.indirect.gather [hbm4b:s17+s23], $0x40, s28, s23, $0xb8;
	[tilespmem:$0x1B140] =	vst v63  }
0x410: {  	_ =	swait.ge [sflag:s25], $0x1400  }
0x411: {  	[sflag:s25] =	ssyncset.done $0x0  }
0x412: {  	s31 =	simm.s32 $0x50;
	[sflag:s25] =	ssyncadd.s32 $0xFFFFEC00  }
0x413: {  	[tilespmem:s26], [sflag:$0x2] =	stream.indirect.gather [hbm4b:s17+s23], $0x40, s31, s23, $0xb8;
	[tilespmem:$0x1B140] =	vst v63  }
0x414: {  	s6 =	simm.s32 $0x4E20  }
0x415: {  	[spmem:s20] =	stream.indirect.scatter.add.f32 [tilespmem:s24], [sflag:$0x3], $0x40, s6, s23, $0xb8;
	[tilespmem:$0x1B140] =	vst v63  }
0x416: {  	_ =	swait.ge [sflag:s22], $0x1400  }
0x417: {  	[sflag:s22] =	ssyncset.done $0x0  }
0x418: {  	[sflag:s22] =	ssyncadd.s32 $0xFFFFEC00  }
0x419: {  	_ =	swait.ge [sflag:s1], $0x1400  }
0x41a: {  	[sflag:s1] =	ssyncset.done $0x0  }
0x41b: {  	s28 =	simm.s32 $0xA0;
	[sflag:s1] =	ssyncadd.s32 $0xFFFFEC00  }
0x41c: {  	[tilespmem:s24], [sflag:$0x1] =	stream.indirect.gather [hbm4b:s17+s23], $0x40, s28, s23, $0xb8;
	[tilespmem:$0x1B140] =	vst v63  }
0x41d: {  	s31 =	simm.s32 $0x4E70  }
0x41e: {  	[spmem:s20] =	stream.indirect.scatter.add.f32 [tilespmem:s26], [sflag:$0x3], $0x40, s31, s23, $0xb8;
	[tilespmem:$0x1B140] =	vst v63  }
0x41f: {  	_ =	swait.ge [sflag:s22], $0x1400  }
0x420: {  	s2 =	simm.s32 $0x280;
	[sflag:s22] =	ssyncset.done $0x0  }
.LBB2_24:
0x421: {  	p1 =	sne.s32 s2, $0x13380  }
0x422: {  	[sflag:s22] =	ssyncadd.s32 $0xFFFFEC00;
	s6 =	smov.u32 s2;
	s2 =	sadd.s32 $0x280, s2  }
0x423: {  	_ = 	snop  }
0x424: {  	_ =	swait.ge [sflag:s25], $0x1400  }
0x425: {  	s6 =	sshra.s32 s6, $0x2;
	[sflag:s25] =	ssyncset.done $0x0  }
0x426: {  	s28 =	sadd.s32 $0x50, s6;
	[sflag:s25] =	ssyncadd.s32 $0xFFFFEC00  }
0x427: {  	[tilespmem:s26], [sflag:$0x2] =	stream.indirect.gather [hbm4b:s17+s23], $0x40, s28, s23, $0xb8;
	[tilespmem:$0x1B140] =	vst v63  }
0x428: {  	s28 =	sadd.s32 $0x4E20, s6  }
0x429: {  	[spmem:s20] =	stream.indirect.scatter.add.f32 [tilespmem:s24], [sflag:$0x3], $0x40, s28, s23, $0xb8;
	[tilespmem:$0x1B140] =	vst v63  }
0x42a: {  	_ =	swait.ge [sflag:s22], $0x1400  }
0x42b: {  	[sflag:s22] =	ssyncset.done $0x0  }
0x42c: {  	[sflag:s22] =	ssyncadd.s32 $0xFFFFEC00  }
0x42d: {  	_ =	swait.ge [sflag:s1], $0x1400  }
0x42e: {  	[sflag:s1] =	ssyncset.done $0x0  }
0x42f: {  	s28 =	sadd.s32 $0xA0, s6;
	[sflag:s1] =	ssyncadd.s32 $0xFFFFEC00  }
0x430: {  	[tilespmem:s24], [sflag:$0x1] =	stream.indirect.gather [hbm4b:s17+s23], $0x40, s28, s23, $0xb8;
	[tilespmem:$0x1B140] =	vst v63  }
.Ltmp11:
0x431: {  	_ = 	snop;
	(pc) =	sbr.rel @p1 .LBB2_24-.Ltmp11, $4  }
0x432: {  	s6 =	sadd.s32 $0x4E70, s6  }
0x433: {  	[spmem:s20] =	stream.indirect.scatter.add.f32 [tilespmem:s26], [sflag:$0x3], $0x40, s6, s23, $0xb8;
	[tilespmem:$0x1B140] =	vst v63  }
0x434: {  	_ =	swait.ge [sflag:s22], $0x1400  }
0x435: {  	[sflag:s22] =	ssyncset.done $0x0  }
0x436: {  	[sflag:s22] =	ssyncadd.s32 $0xFFFFEC00  }
0x437: {  	_ =	swait.ge [sflag:s25], $0x1400  }
0x438: {  	[sflag:s25] =	ssyncset.done $0x0  }
0x439: {  	s2 =	simm.s32 $0x4DD0;
	[sflag:s25] =	ssyncadd.s32 $0xFFFFEC00  }
0x43a: {  	[tilespmem:s26], [sflag:$0x2] =	stream.indirect.gather [hbm4b:s17+s23], $0x40, s2, s23, $0xb8;
	[tilespmem:$0x1B140] =	vst v63  }
0x43b: {  	s28 =	simm.s32 $0x9BA0  }
0x43c: {  	[spmem:s20] =	stream.indirect.scatter.add.f32 [tilespmem:s24], [sflag:$0x3], $0x40, s28, s23, $0xb8;
	[tilespmem:$0x1B140] =	vst v63  }
0x43d: {  	_ =	swait.ge [sflag:s22], $0x1400  }
0x43e: {  	[sflag:s22] =	ssyncset.done $0x0  }
0x43f: {  	[sflag:s22] =	ssyncadd.s32 $0xFFFFEC00  }
0x440: {  	_ =	swait.ge [sflag:s1], $0x1400  }
0x441: {  	[sflag:s1] =	ssyncset.done $0x0  }
0x442: {  	s31 =	simm.s32 $0x9BF0;
	[sflag:s1] =	ssyncadd.s32 $0xFFFFEC00  }
0x443: {  	[spmem:s20] =	stream.indirect.scatter.add.f32 [tilespmem:s26], [sflag:$0x3], $0x40, s31, s23, $0xb8;
	[tilespmem:$0x1B140] =	vst v63  }
0x444: {  	_ =	swait.ge [sflag:s22], $0x1400  }
0x445: {  	[sflag:s22] =	ssyncset.done $0x0  }
0x446: {  	[sflag:s22] =	ssyncadd.s32 $0xFFFFEC00  }
0x447: {  	[bflag:$0x0] =	sbarrier.arrive $0xFFFF  }
0x448: {  	s6 =	rddreg [dreg:$0x11]  }
0x449: {  	[hbm:s6], [sflag:s8] =	dma.local [spmem:s4], $0x1400  }
0x44a: {  	_ =	swait.ge [sflag:s22], $0x1400  }
0x44b: {  	s28 =	rddreg [dreg:$0x1d]  }
0x44c: {  	s31 =	rddreg [dreg:$0x1a];
	s4 =	sadd.s32 $0x1, s28  }
0x44d: {  	p1 =	sne.s32 s4, s31  }
.Ltmp12:
0x44e: {  	_ = 	snop;
	(pc) =	sbr.rel @p1 .LBB2_1-.Ltmp12, $3  }
0x44f: {  	_ =	sdelay $0x1  }
0x450: {  	[sflag:s22] =	ssyncset.done $0x0  }
0x451: {  	[sflag:s22] =	ssyncadd.s32 $0xFFFFEC00  }
0x452: {  	_ =	sfence.sel $0x180000  }
0x453: {  	[bflag:$0x0] =	sbarrier.arrive $0xFFFF  }
0x454: {  	_ =	strace $0x9000004A  }
0x455: {  	[bflag:$0x2] =	sbarrier.arrive $0xFFFF  }
0x456: {  	p0 =	sne.s32 s29, $0x0;
	s0 =	rddreg [dreg:$0x5]  }
0x457: {  	s0 =	sadd.s32 @!p0 $0x100000, s0  }
0x458: {  	[sflag:s0] =	ssyncadd.tile.s32 @!p0 $0x1;
	_ =	shalt  }
.Lfunc_end2:
_tile_overlayer_lowered:
.L_overlay_start_2:
0x459: {  	(tag) =	ssettag $0x2  }
0x45a: {  	s0 =	rddreg [dreg:$0x0];
	s2 =	stileid.u32  }
0x45b: {  	s1 =	rddreg [dreg:$0x1];
	p0 =	sne.s32 s2, $0x0  }
0x45c: {  	s3 =	rddreg [dreg:$0x2];
	[bflag:$0x3] =	sbarrier.arrive $0xFFFF;
	s2 =	simm.s32 @!p0 $0x1C03  }
0x45d: {  	[timem:s3], [sflag:s2] =	dma.local @!p0 [hbm:s0], s1  }
0x45e: {  	s0 =	simm.s32 @!p0 $0x3  }
0x45f: {  	_ =	swait.ge @!p0 [sflag:s0], s1  }
0x460: {  	s1 =	ssub.s32 @!p0 $0x0, s1;
	[sflag:s0] =	ssyncset.done @!p0 $0x0  }
0x461: {  	[sflag:s0] =	ssyncadd.s32 @!p0 s1  }
0x462: {  	[bflag:$0x3] =	sbarrier.arrive $0xFFFF  }
0x463: {  	_ =	shalt  }

// kernel: sparse-core-data-format-call.cloned.1.call-start
scs
called_computation_lowered:
.L_overlay_start_0:
0x0: {  	s1 =	sld [smem:$0x3FD9]  }
0x1: {  	s2 =	sld [smem:$0x3FFE];
	_ =	sdelay $0x1  }
0x2: {  	s3 =	srdreg.scid  }
0x3: {  	s0 =	sand.u32 $0x1, s3  }
0x4: {  	s17 =	sshll.u32 s0, $0xA;
	s1 =	sadd.s32 s2, s1  }
0x5: {  	s1 =	sadd.s32 s1, s17  }
0x6: {  	[smem:$0x3FB7] =	sst s1  }
0x7: {  	_ = 	snop  }
0x8: {  	(tm) =	ssettm $0x1  }
0x9: {  	s18 =	sld [smem:$0x3FFB];
	_ =	sdelay $0x3  }
0xa: {  	_ =	strace s18  }
0xb: {  	s1 =	sld [smem:$0x3FFC];
	_ =	sdelay $0x3  }
0xc: {  	_ =	strace s1  }
0xd: {  	s1 =	sld [smem:$0x3FFD];
	_ =	sdelay $0x3  }
0xe: {  	_ =	strace s1  }
0xf: {  	_ =	strace $0x8FFFFFFF  }
0x10: {  	s19 =	sld [smem:$0x3FDB];
	_ =	sdelay $0x1  }
0x11: {  	s20 =	simm.s32 $_scs_section_size  }
0x12: {  	s4 =	simm.s32 $_size__tile_overlayer_lowered;
	s5 =	simm.s32 $_tile_overlayer_lowered  }
0x13: {  	s23 =	simm.s32 $0x1BFF;
	s22 =	sshll.u32 s5, $0x1;
	s1 =	sadd.s32 s20, s19  }
0x14: {  	s6 =	simm.s32 $0x0;
	s21 =	sshll.u32 s4, $0x1;
	s4 =	sadd.s32 s22, s1  }
0x15: {  	[timem:s6], [sflag:s23] =	dma.local [hbm:s4], s21  }
0x16: {  	_ =	swait.ge [sflag:s23], s21  }
0x17: {  	s2 =	ssub.s32 $0x0, s21;
	[sflag:s23] =	ssyncset.done $0x0  }
0x18: {  	[sflag:s23] =	ssyncadd.s32 s2;
	_ =	sdelay $0x1  }
0x19: {  	s24 =	simm.s32 $0x1B8B  }
0x1a: {  	_ =	swait.ge [sflag:s24], $0x1  }
0x1b: {  	[sflag:s24] =	ssyncset.done $0x0  }
0x1c: {  	s26 =	simm.s32 $0x1B8E;
	s25 =	sld [smem:$0x3FFE];
	[sflag:s24] =	ssyncadd.s32 $0xFFFFFFFF  }
0x1d: {  	s27 =	simm.s32 $execute0_lowered;
	[smem:$0x3FD2] =	sst s26  }
0x1e: {  	s4 =	sshll.u32 s27, $0x1;
	_ =	strace $0x80000046;
	[dreg:$0x1] =	wrdreg $0xFFFFFFFF  }
0x1f: {  	s28 =	simm.s32 $_size_execute0_lowered;
	s1 =	sadd.s32 s1, s4;
	[dreg:$0x0] =	wrdreg $0x0  }
0x20: {  	s4 =	sshll.u32 s28, $0x1;
	[dreg:$0x2] =	wrdreg s1  }
0x21: {  	[dreg:$0x3] =	wrdreg s4  }
0x22: {  	[dreg:$0x4] =	wrdreg $0xC0  }
0x23: {  	_ =	task [dreg:s6], $0x5FFFF  }
0x24: {  	[dreg:$0x1] =	wrdreg $0xFFFFFFFF  }
0x25: {  	[dreg:$0x0] =	wrdreg $0x60  }
0x26: {  	[dreg:$0x2] =	wrdreg s25  }
0x27: {  	[dreg:$0x3] =	wrdreg $0x9  }
0x28: {  	_ =	task.clear_ibuf [dreg:s6], $0x4FFFF;
	_ =	strace $0x90000046  }
0x29: {  	s29 =	simm.s32 $0x9;
	_ =	strace $0x80000048  }
0x2a: {  	_ =	swait.ge [sflag:s29], $0x1  }
0x2b: {  	[sflag:s29] =	ssyncadd.s32 $0xFFFFFFFF  }
0x2c: {  	_ =	strace $0x90000048  }
0x2d: {  	_ =	sfence  }
0x2e: {  	s30 =	sld [smem:$0x0];
	_ =	sdelay $0x2  }
0x2f: {  	s31 =	sshll.u32 s3, $0xD;
	s3 =	sshrl.u32 s3, $0x2  }
0x30: {  	s2 =	sand.u32 $0x4000, s31;
	s1 =	sadd.s32 s3, s30  }
0x31: {  	s0 =	sor.u32 s2, s0;
	s1 =	sshll.u32 s1, $0x11  }
0x32: {  	s0 =	sor.u32 s1, s0  }
0x33: {  	s0 =	sadd.s32 $0x8F2B, s0  }
0x34: {  	[sflag:s0] =	ssyncadd.remote.s32 $0x1  }
0x35: {  	_ =	sfence.sel $0xFFFF  }
0x36: {  	[dreg:$0x0] =	wrdreg $0xFFFFFFFF;
	(pc) =	sbr.abs _section_cstart, $3  }
0x37: {  	[dreg:$0x1] =	wrdreg $0xFFFFFFFF  }
0x38: {  	_ =	task.clear_ibuf [dreg:s6], $0x2FFFF;
	_ =	strace $0x9FFFFFFF  }
0x39: {  	(tm) =	ssettm $0x7FFFFFFF  }
tec
execute0_lowered:
.L_overlay_start_1:
0x0: {  	(tag) =	ssettag $0x1  }
0x1: {  	s0 =	stileid.u32;
	s1 =	srdreg.scid  }
0x2: {  	s7 =	rddreg [dreg:$0x0];
	_ =	strace $0x80000047;
	s8 =	simm.s32 $0x2  }
0x3: {  	s20 =	simm.s32 $0x0;
	s2 =	sshll.u32 s0, $0x6;
	s1 =	sshll.u32 s1, $0xA  }
0x4: {  	p0 =	por $0x0, $0x0;
	s9 =	simm.s32 $0x80;
	s1 =	sor.u32 s2, s1  }
0x5: {  	s19 =	simm.s32 $0x0;
	s2 =	sand.u32 $0x1, s0;
	s3 =	sand.u32 $0x780, s1  }
0x6: {  	s21 =	simm.s32 $0x0;
	s31 =	ssub.s32 $0x2, s2;
	s4 =	ssub.s32 $0x2700, s3  }
0x7: {  	s5 =	sshrl.u32 s31, $0x1;
	s1 =	sand.u32 $0x1, s31;
	s4 =	sshrl.u32 s4, $0xB  }
0x8: {  	s22 =	simm.s32 $0x0;
	s5 =	sadd.s32 s1, s5;
	s4 =	sadd.s32 $0x1, s4  }
0x9: {  	s10 =	simm.s32 $0x0;
	s11 =	simm.s32 $0x0;
	s6 =	smul.u32 s4, s5  }
.Ltmp0:
0xa: {  	s12 =	simm.s32 $0x0;
	s13 =	simm.s32 $0x0;
	(pc) =	sbr.rel .LBB1_1-.Ltmp0, $4  }
0xb: {  	s15 =	simm.s32 $0x0;
	s17 =	simm.s32 $0x0;
	s18 =	simm.s32 $0x0  }
0xc: {  	s16 =	smov.u32 s2;
	s5 =	simm.s32 $0x1;
	s6 =	smul.u32 $0xC, s6  }
0xd: {  	s14 =	smov.u32 s3;
	s4 =	sadd.s32 $0x2800, s7;
	[sflag:s5] =	ssyncpa.u1 $0x0  }
0xe: {  	s7 =	sadd.s32 $0x1DC800, s7;
	[sflag:s8] =	ssyncpa.u1 $0x0;
	s8 =	sor.u32 $0x1, s6  }
.LBB1_4:
0xf: {  	s28 =	sshll.u32 s10, $0x7;
	s29 =	sshll.u32 s11, $0x3;
	p1 =	sgt.s32 s13, $0xB  }
0x10: {  	s31 =	sshra.s32 s13, $0x1F;
	s30 =	sand.u32 $0xFFFFFC00, s28;
	s29 =	sand.u32 $0xFFFFFC00, s29  }
0x11: {  	s27 =	sshra.s32 s27, $0x2;
	s29 =	sadd.s32 s29, s30;
	s30 =	smov.u32 s13  }
0x12: {  	s28 =	sand.u32 $0x380, s28;
	s31 =	sand.u32 s31, s13;
	s30 =	simm.s32 @!p1 $0xB  }
0x13: {  	s26 =	sadd.s32 s27, s26;
	s28 =	sor.u32 s28, s29;
	s1 =	ssub.s32 s30, s31  }
0x14: {  	s27 =	sshrl.u32 s28, $0x7;
	s31 =	sshra.s32 s12, $0x1F;
	s30 =	sadd.s32 $0xFFFFFFF5, s1  }
0x15: {  	s28 =	ssub.s32 $0xC, s1;
	s29 =	sand.u32 s31, s12;
	p1 =	sgt.s32 s30, $0x0  }
0x16: {  	s30 =	smov.u32 s12;
	s28 =	simm.s32 @p1 $0x0;
	p1 =	sgt.s32 s12, $0x1  }
0x17: {  	s31 =	smov.u32 s11;
	s29 =	sxor.u32 $0xFFFFFFFF, s29;
	s30 =	simm.s32 @!p1 $0x1  }
0x18: {  	s1 =	sshra.s32 s11, $0x1F;
	p1 =	sgt.s32 s11, $0x40;
	s29 =	sadd.s32 s29, s30  }
0x19: {  	s31 =	simm.s32 @!p1 $0x40;
	s30 =	sand.u32 s1, s11;
	s1 =	smulhi.u32 $0x1A36E2F, s27  }
0x1a: {  	p1 =	sgt.s32 s29, $0x0;
	s29 =	ssub.s32 $0x1, s29;
	s30 =	ssub.s32 s31, s30  }
0x1b: {  	v5 =	vld [tilespmem:s24+$0xFFFFFFD0];
	[tilespmem:s25+$0x1040 ss:$0x41] =	vst.msk $0xffff, v4;
	s29 =	simm.s32 @p1 $0x0;
	p1 =	sgt.s32 s10, $0x2690;
	s31 =	sadd.s32 $0xFFFFFFC0, s30  }
0x1c: {  	v58 =	vld [tilespmem:s24+$0xFFFFFFE0];
	[tilespmem:s25+$0x1450 ss:$0x41] =	vst.msk $0xffff, v3;
	s1 =	sshrl.u32 s1, $0x6;
	s28 =	smul.u32 s29, s28;
	s29 =	smov.u32 s10  }
0x1d: {  	v59 =	vld [tilespmem:s24+$0xFFFFFFF0];
	[tilespmem:s25+$0x1860 ss:$0x41] =	vst.msk $0xffff, v2;
	s30 =	ssub.s32 $0x80, s30;
	s29 =	simm.s32 @!p1 $0x2690;
	p1 =	sgt.s32 s31, $0x3F  }
0x1e: {  	[tilespmem:s25+$0x0 ss:$0x41] =	vst.msk $0xffff, v1;
	v60 =	vld [tilespmem:s24+$0x0];
	s1 =	smul.u32 $0x2710, s1;
	s31 =	sshra.s32 s10, $0x1F;
	s30 =	simm.s32 @p1 $0x0  }
0x1f: {  	v61 =	vld [tilespmem:s24+$0x10];
	[tilespmem:s26+$0x1C70 ss:$0x41] =	vst.msk $0xffff, v0;
	s31 =	sand.u32 s31, s10;
	s28 =	smul.u32 s30, s28  }
0x20: {  	v62 =	vld [tilespmem:s24+$0x20];
	[tilespmem:s26+$0x410 ss:$0x41] =	vst.msk $0xffff, v5;
	s25 =	ssub.s32 s29, s31;
	s30 =	smul.u32 $0x4E200, s13  }
0x21: {  	v63 =	vld [tilespmem:s24+$0xFFFFFFC0];
	[tilespmem:s26+$0x820 ss:$0x41] =	vst.msk $0xffff, v58;
	s1 =	ssub.s32 s27, s1;
	s31 =	smul.u32 $0x27100, s12;
	s29 =	sadd.s32 $0xFFFFD970, s25  }
0x22: {  	[tilespmem:s26+$0xC30 ss:$0x41] =	vst.msk $0xffff, v59;
	s24 =	ssub.s32 $0x2710, s25;
	p1 =	sgt.s32 s29, $0x7F;
	s29 =	sshrl.u32 s11, $0x3  }
0x23: {  	[tilespmem:s26+$0x1040 ss:$0x41] =	vst.msk $0xffff, v60;
	s25 =	sadd.s32 s7, s30;
	s30 =	sand.u32 $0x7, s11;
	s24 =	simm.s32 @p1 $0x0  }
0x24: {  	[tilespmem:s26+$0x1450 ss:$0x41] =	vst.msk $0xffff, v61;
	s25 =	sadd.s32 s31, s25;
	s24 =	smul.u32 s24, s28;
	s28 =	sand.u32 $0xF, s29  }
0x25: {  	[tilespmem:s26+$0x1860 ss:$0x41] =	vst.msk $0xffff, v62;
	s1 =	sshll.u32 s1, $0x4;
	s27 =	sshll.u32 s30, $0x12;
	s25 =	sadd.s32 s28, s25  }
0x26: {  	[tilespmem:s26+$0x0 ss:$0x41] =	vst.msk $0xffff, v63;
	s31 =	sor.u32 $0x40, s27;
	s24 =	sand.u32 $0x3FFFFFFF, s24;
	s1 =	sadd.s32 s1, s25  }
0x27: {  	[hbm4b:s1+s31] =	stream.strided.scatter [tilespmem:s23], [sflag:$0x2], s24, s9, s31, $0x18;
	[tilespmem:$0x8100] =	vst v63  }
.LBB1_5:
0x28: {  	p1 =	slt.u32 s18, $0x2  }
0x29: {  	s1 =	smov.u32 s22;
	p2 =	sgt.s32 @!p1 s22, $0xB  }
0x2a: {  	s24 =	smov.u32 s15;
	s23 =	sshra.s32 @!p1 s22, $0x1F;
	p2 =	por !p2, p1  }
0x2b: {  	p3 =	sgt.s32 @!p1 s21, $0x1;
	s22 =	sand.u32 @!p1 s23, s22;
	s1 =	simm.s32 @p2 $0xB  }
0x2c: {  	p3 =	por !p3, p1;
	s23 =	smov.u32 s21;
	s1 =	ssub.s32 @!p1 s1, s22  }
0x2d: {  	s23 =	simm.s32 @p3 $0x1;
	p3 =	sgt.s32 @!p1 s19, $0x40;
	s22 =	sadd.s32 @!p1 $0xFFFFFFF5, s1  }
0x2e: {  	p3 =	por !p3, p1;
	p2 =	sgt.s32 @!p1 s22, $0x0;
	s22 =	sshra.s32 @!p1 s21, $0x1F  }
0x2f: {  	s1 =	ssub.s32 @!p1 $0xC, s1;
	s21 =	sand.u32 @!p1 s22, s21;
	p2 =	por !p2, p1  }
0x30: {  	s21 =	sxor.u32 @!p1 $0xFFFFFFFF, s21;
	s1 =	simm.s32 @!p2 $0x0;
	p2 =	sgt.s32 @!p1 s20, $0x2690  }
0x31: {  	s22 =	sshra.s32 @!p1 s20, $0x1F;
	s21 =	sadd.s32 @!p1 s21, s23;
	p2 =	por !p2, p1  }
0x32: {  	s23 =	smov.u32 s20;
	s20 =	sand.u32 @!p1 s22, s20;
	s22 =	smov.u32 s19  }
0x33: {  	s23 =	simm.s32 @p2 $0x2690;
	s22 =	simm.s32 @p3 $0x40;
	p2 =	sgt.s32 @!p1 s21, $0x0  }
0x34: {  	s21 =	ssub.s32 @!p1 $0x1, s21;
	s20 =	ssub.s32 @!p1 s23, s20;
	s23 =	sshra.s32 @!p1 s19, $0x1F  }
0x35: {  	p2 =	por !p2, p1;
	s19 =	sand.u32 @!p1 s23, s19;
	s23 =	sadd.s32 @!p1 $0xFFFFD970, s20  }
0x36: {  	s21 =	simm.s32 @!p2 $0x0;
	p2 =	sgt.s32 @!p1 s23, $0x7F;
	s19 =	ssub.s32 @!p1 s22, s19  }
0x37: {  	s20 =	ssub.s32 @!p1 $0x2710, s20;
	p2 =	por !p2, p1;
	s22 =	sadd.s32 @!p1 $0xFFFFFFC0, s19  }
0x38: {  	s1 =	smul.u32 @!p1 s21, s1;
	s20 =	simm.s32 @!p2 $0x0;
	p2 =	sgt.s32 @!p1 s22, $0x3F  }
0x39: {  	s23 =	sadd.s32 $0x800, s14;
	s19 =	ssub.s32 @!p1 $0x80, s19;
	p2 =	por !p2, p1  }
0x3a: {  	s21 =	sadd.s32 $0x40, s15;
	s19 =	simm.s32 @!p2 $0x0;
	p2 =	sgt.s32 s23, $0x270F  }
0x3b: {  	s25 =	smov.u32 s16;
	s1 =	smul.u32 @!p1 s19, s1;
	s24 =	smov.u32 @p2 s21  }
0x3c: {  	s23 =	smov.u32 @p2 s3;
	s19 =	sadd.s32 $0x2, s16;
	p2 =	sgt.s32 s24, $0x3F  }
0x3d: {  	p0 =	por !p0, !p0;
	s25 =	smov.u32 @p2 s19  }
0x3e: {  	s24 =	simm.s32 @p2 $0x0;
	s19 =	simm.s32 $0x1;
	p2 =	sgt.s32 s25, $0x1  }
0x3f: {  	s26 =	simm.s32 @!p1 $0x2;
	s22 =	smov.u32 s13;
	s19 =	simm.s32 @!p2 $0x0  }
0x40: {  	s13 =	smov.u32 s17;
	s21 =	smov.u32 s12;
	s27 =	sadd.s32 s19, s17  }
0x41: {  	s1 =	smul.u32 @!p1 s20, s1;
	s25 =	smov.u32 @p2 s2;
	p2 =	sgt.s32 s27, $0xB  }
0x42: {  	s12 =	smov.u32 s16;
	s27 =	simm.s32 @p2 $0x0;
	p2 =	sne.s32 s18, s8  }
.Ltmp1:
0x43: {  	s20 =	smov.u32 s10;
	s1 =	sand.u32 @!p1 $0x3FFFFFFF, s1;
	(pc) =	sbr.rel @!p2 .LBB1_6-.Ltmp1, $4  }
0x44: {  	s10 =	smov.u32 s14;
	s14 =	smov.u32 s23;
	_ =	swait.ge @!p1 [sflag:s26], s1  }
0x45: {  	s1 =	ssub.s32 @!p1 $0x0, s1;
	s19 =	smov.u32 s11;
	s11 =	smov.u32 s15  }
0x46: {  	s15 =	smov.u32 s24;
	s16 =	smov.u32 s25;
	[sflag:s26] =	ssyncset.done @!p1 $0x0  }
0x47: {  	s18 =	sadd.s32 $0x1, s18;
	[sflag:s26] =	ssyncadd.s32 @!p1 s1;
	s17 =	smov.u32 s27  }
.LBB1_1:
0x48: {  	p1 =	sge.u32 s18, s6  }
0x49: {  	s23 =	sshrl.u32 @!p1 s15, $0x3  }
0x4a: {  	s24 =	sshll.u32 @!p1 s14, $0x3;
	s23 =	smul.u32 @!p1 $0x13C00, s23  }
0x4b: {  	s25 =	sshll.u32 @!p1 s15, $0x7;
	s24 =	sand.u32 @!p1 $0xFFFFFC00, s24  }
0x4c: {  	s23 =	sadd.s32 @!p1 s23, s24;
	s24 =	sand.u32 @!p1 $0x380, s25  }
0x4d: {  	s25 =	sand.u32 @!p1 $0x7F, s14;
	s23 =	sor.u32 @!p1 s24, s23  }
0x4e: {  	s24 =	sor.u32 @!p1 s25, s23  }
0x4f: {  	s25 =	smulhi.u32 @!p1 $0xCF6474A9, s24  }
0x50: {  	s23 =	smulhi.u32 @!p1 $0xCF6474A9, s23  }
0x51: {  	s31 =	sadd.s32 $0xFFFFFFFF, s18;
	s27 =	smul.u32 @!p1 $0x27800, s17;
	s25 =	sshrl.u32 @!p1 s25, $0xD  }
0x52: {  	s26 =	sxor.u32 @!p1 $0xFFFFFFFF, s18;
	s23 =	sshrl.u32 @!p1 s23, $0xD;
	s25 =	smul.u32 @!p1 $0x2780, s25  }
0x53: {  	s28 =	smul.u32 @!p1 $0x13C00, s16;
	s26 =	sshll.u32 @!p1 s26, $0xD;
	s23 =	sand.u32 @!p1 $0x3F, s23  }
0x54: {  	s23 =	smul.u32 @!p1 $0x4F0, s23;
	s24 =	ssub.s32 @!p1 s24, s25;
	s25 =	sadd.s32 @!p1 s4, s27  }
0x55: {  	s26 =	sand.u32 @!p1 $0x2000, s26;
	s25 =	sadd.s32 @!p1 s28, s25;
	s27 =	sand.u32 @!p1 $0x7, s24  }
0x56: {  	s24 =	sshrl.u32 @!p1 s24, $0x3;
	s23 =	sadd.s32 @!p1 s23, s25;
	s25 =	sshll.u32 @!p1 s27, $0x12  }
0x57: {  	s23 =	sadd.s32 @!p1 s24, s23;
	s24 =	sor.u32 @!p1 $0x400, s25;
	s25 =	simm.s32 @!p1 $0x13C00  }
0x58: {  	[tilespmem:s26], [sflag:$0x1] =	stream.strided.gather @!p1 [hbm4b:s23+s24], $0x2000, s25, s24, $0x38;
	[tilespmem:$0x8100] =	vst v63  }
0x59: {  	p1 =	sge.u32 s31, s6  }
.Ltmp2:
0x5a: {  	_ = 	snop;
	(pc) =	sbr.rel @p1 .LBB1_5-.Ltmp2, $1  }
0x5b: {  	_ =	sdelay $0x3  }
0x5c: {  	s23 =	simm.s32 $0x1  }
0x5d: {  	_ =	swait.ge [sflag:s5], $0x2000;
	s23 =	simm.s32 @!p0 $0x0  }
0x5e: {  	[sflag:s5] =	ssyncset.done $0x0;
	s24 =	sshll.u32 s23, $0xD  }
0x5f: {  	[sflag:s5] =	ssyncadd.s32 $0xFFFFE000;
	s24 =	sor.u32 $0x40, s24  }
0x60: {  	s23 =	smul.u32 $0x8200, s23;
	v0 =	vld [tilespmem:s24+$0x30]  }
0x61: {  	v1 =	vld [tilespmem:s24+$0xFFFFFFD0]  }
0x62: {  	s23 =	sshrl.u32 s23, $0x2;
	v5 =	vld [tilespmem:s24+$0xFFFFFFE0]  }
0x63: {  	v6 =	vld [tilespmem:s24+$0xFFFFFFF0];
	s26 =	sor.u32 $0x4000, s23  }
0x64: {  	s31 =	sand.u32 $0x1, s18;
	v4 =	vld [tilespmem:s24+$0x0];
	s25 =	sadd.s32 $0x0, s26  }
0x65: {  	v3 =	vld [tilespmem:s24+$0x10];
	s23 =	smul.u32 $0x8200, s31;
	[tilespmem:s25+$0x1C70 ss:$0x41] =	vst.msk $0xffff, v0  }
0x66: {  	v2 =	vld [tilespmem:s24+$0x20];
	[tilespmem:s25+$0x410 ss:$0x41] =	vst.msk $0xffff, v1  }
0x67: {  	s23 =	sshrl.u32 s23, $0x2;
	v1 =	vld [tilespmem:s24+$0xFFFFFFC0];
	[tilespmem:s25+$0x820 ss:$0x41] =	vst.msk $0xffff, v5;
	s24 =	sadd.s32 $0x80, s24  }
0x68: {  	s27 =	simm.s32 $0x4;
	s28 =	simm.s32 $0x8;
	s23 =	sor.u32 $0x4000, s23;
	[tilespmem:s25+$0xC30 ss:$0x41] =	vst.msk $0xffff, v6;
	v0 =	vld [tilespmem:s24+$0x30]  }
.LBB1_3:
0x69: {  	p1 =	sne.s32 s28, $0xFC;
	v5 =	vld [tilespmem:s24+$0xFFFFFFD0];
	[tilespmem:s25+$0x1040 ss:$0x41] =	vst.msk $0xffff, v4  }
0x6a: {  	v6 =	vld [tilespmem:s24+$0xFFFFFFE0];
	[tilespmem:s25+$0x1450 ss:$0x41] =	vst.msk $0xffff, v3  }
0x6b: {  	s29 =	sshra.s32 s27, $0x2;
	s27 =	smov.u32 s28;
	v7 =	vld [tilespmem:s24+$0xFFFFFFF0];
	[tilespmem:s25+$0x1860 ss:$0x41] =	vst.msk $0xffff, v2  }
.Ltmp3:
0x6c: {  	v4 =	vld [tilespmem:s24+$0x0];
	[tilespmem:s25+$0x0 ss:$0x41] =	vst.msk $0xffff, v1;
	s25 =	sadd.s32 s29, s26;
	(pc) =	sbr.rel @p1 .LBB1_3-.Ltmp3, $4  }
0x6d: {  	v3 =	vld [tilespmem:s24+$0x10];
	[tilespmem:s25+$0x1C70 ss:$0x41] =	vst.msk $0xffff, v0  }
0x6e: {  	[tilespmem:s25+$0x410 ss:$0x41] =	vst.msk $0xffff, v5;
	v2 =	vld [tilespmem:s24+$0x20]  }
0x6f: {  	v1 =	vld [tilespmem:s24+$0xFFFFFFC0];
	[tilespmem:s25+$0x820 ss:$0x41] =	vst.msk $0xffff, v6;
	s24 =	sadd.s32 $0x80, s24  }
0x70: {  	s28 =	sadd.s32 $0x4, s28;
	v0 =	vld [tilespmem:s24+$0x30];
	[tilespmem:s25+$0xC30 ss:$0x41] =	vst.msk $0xffff, v7  }
.Ltmp4:
0x71: {  	_ = 	snop;
	(pc) =	sbr.rel .LBB1_4-.Ltmp4, $1  }
0x72: {  	_ =	sdelay $0x3  }
.LBB1_6:
0x73: {  	_ =	sfence.sel $0x180000  }
0x74: {  	s1 =	simm.s32 $0x1;
	[bflag:$0x0] =	sbarrier.arrive $0xFFFF  }
0x75: {  	s31 =	simm.s32 $0x2;
	[sflag:s1] =	ssyncpa.u1 $0x1  }
0x76: {  	[sflag:s31] =	ssyncpa.u1 $0x1  }
0x77: {  	_ =	strace $0x90000047  }
0x78: {  	[bflag:$0x2] =	sbarrier.arrive $0xFFFF  }
0x79: {  	p0 =	sne.s32 s0, $0x0;
	s0 =	rddreg [dreg:$0x1]  }
0x7a: {  	s0 =	sadd.s32 @!p0 $0x100000, s0  }
0x7b: {  	[sflag:s0] =	ssyncadd.tile.s32 @!p0 $0x1;
	_ =	shalt  }
.Lfunc_end1:
_tile_overlayer_lowered:
.L_overlay_start_2:
0x7c: {  	(tag) =	ssettag $0x2  }
0x7d: {  	s0 =	rddreg [dreg:$0x0];
	s2 =	stileid.u32  }
0x7e: {  	s1 =	rddreg [dreg:$0x1];
	p0 =	sne.s32 s2, $0x0  }
0x7f: {  	s3 =	rddreg [dreg:$0x2];
	[bflag:$0x3] =	sbarrier.arrive $0xFFFF;
	s2 =	simm.s32 @!p0 $0x1C01  }
0x80: {  	[timem:s3], [sflag:s2] =	dma.local @!p0 [hbm:s0], s1  }
0x81: {  	s0 =	simm.s32 @!p0 $0x1  }
0x82: {  	_ =	swait.ge @!p0 [sflag:s0], s1  }
0x83: {  	s1 =	ssub.s32 @!p0 $0x0, s1;
	[sflag:s0] =	ssyncset.done @!p0 $0x0  }
0x84: {  	[sflag:s0] =	ssyncadd.s32 @!p0 s1  }
0x85: {  	[bflag:$0x3] =	sbarrier.arrive $0xFFFF  }
0x86: {  	_ =	shalt  }

</sc_bundles>
